<compile_context>
chip_gen: v7x
topology: tpu7x:2x2x1
jax: 0.10.2.dev20260603
libtpu: 0.0.44.dev20260713+nightly
codegen_flags: <defaults>
</compile_context>

<pallas_src>
import functools

import jax
import jax.numpy as jnp
from jax import lax
from jax.experimental import pallas as pl
from jax.experimental.pallas import tpu as pltpu
from jax.experimental.pallas import tpu_sc as plsc

N_NODES = 10000
N_EDGES = 320000
D = 128

NC = 2
NS = 16
NW = NC * NS
C = 80
NCHUNKS = N_EDGES // C
K_PER_W = NCHUNKS // NW
NP = 10112
ROWS_PER_TILE = NP // NS


def _sc_body(x_hbm, src_hbm, dst_hbm, attr_hbm, z128_hbm, z16_hbm,
             ld_hbm, psum_hbm, pcnt_hbm,
             idx_s, idx_d, wbuf, ones_v, bufs, bufd, sums_sh, cnts_sh, sem):
    cid = lax.axis_index("c")
    sid = lax.axis_index("s")
    wid = sid * NC + cid

    def _init_ones(i, carry):
        ones_v[i, :] = jnp.ones((16,), jnp.float32)
        return carry
    lax.fori_loop(0, C, _init_ones, 0)

    row0 = sid * ROWS_PER_TILE
    pltpu.sync_copy(z128_hbm, sums_sh.at[pl.ds(row0, ROWS_PER_TILE)])
    pltpu.sync_copy(z16_hbm, cnts_sh.at[pl.ds(row0, ROWS_PER_TILE)])
    plsc.subcore_barrier()

    def _chunk(k, carry):
        c = wid + NW * k
        base = c * C
        pltpu.sync_copy(src_hbm.at[pl.ds(base, C)], idx_s)
        pltpu.sync_copy(dst_hbm.at[pl.ds(base, C)], idx_d)
        pltpu.sync_copy(attr_hbm.at[pl.ds(base, C)], wbuf)
        pltpu.async_copy(x_hbm.at[idx_s], bufs, sem).wait()
        pltpu.async_copy(x_hbm.at[idx_d], bufd, sem).wait()

        def _grp(g, rc):
            inv16 = 1.0 / wbuf[pl.ds(g * 16, 16)]
            for r16 in range(16):
                r = g * 16 + r16
                inv = inv16[r16]
                for j in range(D // 16):
                    sl = pl.ds(j * 16, 16)
                    bufd[r, sl] = (bufd[r, sl] - bufs[r, sl]) * inv
            return rc
        lax.fori_loop(0, C // 16, _grp, 0)

        pltpu.sync_copy(bufd, ld_hbm.at[pl.ds(base, C)])
        pltpu.sync_copy(bufd, sums_sh.at[idx_d], add=True)
        pltpu.sync_copy(ones_v, cnts_sh.at[idx_d], add=True)
        return carry
    lax.fori_loop(0, K_PER_W, _chunk, 0)

    plsc.subcore_barrier()
    pltpu.sync_copy(sums_sh.at[pl.ds(row0, ROWS_PER_TILE)],
                    psum_hbm.at[cid, pl.ds(row0, ROWS_PER_TILE)])
    pltpu.sync_copy(cnts_sh.at[pl.ds(row0, ROWS_PER_TILE)],
                    pcnt_hbm.at[cid, pl.ds(row0, ROWS_PER_TILE)])


_sc_kernel = functools.partial(
    pl.kernel,
    compiler_params=pltpu.CompilerParams(use_tc_tiling_on_sc=False),
    out_type=(
        jax.ShapeDtypeStruct((N_EDGES, D), jnp.float32),
        jax.ShapeDtypeStruct((NC, NP, D), jnp.float32),
        jax.ShapeDtypeStruct((NC, NP, 16), jnp.float32),
    ),
    mesh=plsc.VectorSubcoreMesh(core_axis_name="c", subcore_axis_name="s"),
    scratch_types=[
        pltpu.VMEM((C,), jnp.int32),
        pltpu.VMEM((C,), jnp.int32),
        pltpu.VMEM((C,), jnp.float32),
        pltpu.VMEM((C, 16), jnp.float32),
        pltpu.VMEM((C, D), jnp.float32),
        pltpu.VMEM((C, D), jnp.float32),
        pltpu.VMEM_SHARED((NP, D), jnp.float32),
        pltpu.VMEM_SHARED((NP, 16), jnp.float32),
        pltpu.SemaphoreType.DMA,
    ],
)(_sc_body)


def _combine_body(ps_ref, pc_ref, out_ref):
    s = ps_ref[0] + ps_ref[1]
    c = pc_ref[0, :, 0:1] + pc_ref[1, :, 0:1]
    out_ref[...] = s / jnp.maximum(c, 1.0)


_NB = 1000


def _combine(psum, pcnt):
    return pl.pallas_call(
        _combine_body,
        grid=(N_NODES // _NB,),
        in_specs=[
            pl.BlockSpec((NC, _NB, D), lambda i: (0, i, 0)),
            pl.BlockSpec((NC, _NB, 16), lambda i: (0, i, 0)),
        ],
        out_specs=pl.BlockSpec((_NB, D), lambda i: (i, 0)),
        out_shape=jax.ShapeDtypeStruct((N_NODES, D), jnp.float32),
    )(psum, pcnt)


def kernel(x, edge_index, edge_attr):
    src = edge_index[0]
    dst = edge_index[1]
    attr = edge_attr.reshape(N_EDGES)
    z128 = jnp.zeros((ROWS_PER_TILE, D), jnp.float32)
    z16 = jnp.zeros((ROWS_PER_TILE, 16), jnp.float32)
    ld, psum, pcnt = _sc_kernel(x, src, dst, attr, z128, z16)
    node = _combine(psum, pcnt)
    return node, ld

# --- scband reference (transcript-rebuilt; emitter-appended) ---
"""Pipeline reference for scband-spatial-derivative-operator-27857157882280 (READ-ONLY COPY).

The authoritative reference and input builder live on the scoring server;
editing this copy changes nothing except your own understanding.
"""

import jax, jax.numpy as jnp
import numpy as np

N_NODES = 10000
N_EDGES = 320000
D_FEAT = 128


def setup_inputs(seed: int = 0) -> dict:
    key = jax.random.key(seed)
    k1, k2, k3 = jax.random.split(key, 3)
    x = jax.random.normal(k1, (N_NODES, D_FEAT), dtype=jnp.float32)
    edge_index = jax.random.randint(k2, (2, N_EDGES), 0, N_NODES, dtype=jnp.int32)
    # edge lengths: strictly positive to avoid division blow-up (offset by 0.1)
    edge_attr = jax.random.uniform(k3, (N_EDGES, 1), dtype=jnp.float32, minval=0.1, maxval=1.1)
    return {"x": x, "edge_index": edge_index, "edge_attr": edge_attr}


def reference(x, edge_index, edge_attr):
    # MetaLayer edge model: EdgeSpatialDerivative
    # src = x[edge_index[0]], dest = x[edge_index[1]]
    src = jnp.take(x, edge_index[0], axis=0)
    dest = jnp.take(x, edge_index[1], axis=0)
    local_derivative = (dest - src) / edge_attr  # [E, D]
    # MetaLayer node model: NodeSpatialDerivative -> scatter_mean over dst nodes
    seg = edge_index[1]
    n = x.shape[0]
    sums = jax.ops.segment_sum(local_derivative, seg, num_segments=n)
    counts = jax.ops.segment_sum(jnp.ones((local_derivative.shape[0],), dtype=x.dtype), seg, num_segments=n)
    node_derivative = sums / jnp.clip(counts, 1.0)[:, None]  # scatter_mean semantics (0 for empty segments)
    # MetaLayer returns (x_out, edge_attr_out, u); u is None -> return the two tensors
    return node_derivative, local_derivative

if __name__ == "__main__":
    import jax
    _d = setup_inputs()
    print(jax.jit(kernel)(*tuple(_d.values())))

</pallas_src>

<mosaic_0001>
#map = affine_map<(d0, d1) -> (0, 0)>
#map1 = affine_map<(d0, d1) -> (0)>
#map2 = affine_map<(d0, d1) -> (0, 0, 0)>
module attributes {stable_mosaic.version = 14 : i64} {
  func.func @_sc_body(%arg0: i32, %arg1: i32, %arg2: memref<10000x128xf32, #tpu.memory_space<hbm>>, %arg3: memref<320000xi32, #tpu.memory_space<hbm>>, %arg4: memref<320000xi32, #tpu.memory_space<hbm>>, %arg5: memref<320000xf32, #tpu.memory_space<hbm>>, %arg6: memref<632x128xf32, #tpu.memory_space<hbm>>, %arg7: memref<632x16xf32, #tpu.memory_space<hbm>>, %arg8: memref<320000x128xf32, #tpu.memory_space<hbm>>, %arg9: memref<2x10112x128xf32, #tpu.memory_space<hbm>>, %arg10: memref<2x10112x16xf32, #tpu.memory_space<hbm>>, %arg11: memref<80xi32, #tpu.memory_space<vmem>>, %arg12: memref<80xi32, #tpu.memory_space<vmem>>, %arg13: memref<80xf32, #tpu.memory_space<vmem>>, %arg14: memref<80x16xf32, #tpu.memory_space<vmem>>, %arg15: memref<80x128xf32, #tpu.memory_space<vmem>>, %arg16: memref<80x128xf32, #tpu.memory_space<vmem>>, %arg17: memref<10112x128xf32, #tpu.memory_space<vmem_shared>>, %arg18: memref<10112x16xf32, #tpu.memory_space<vmem_shared>>, %arg19: memref<!tpu.dma_semaphore, #tpu.memory_space<semaphore_mem>>) attributes {dimension_semantics = [#tpu.dimension_semantics<core_parallel>, #tpu.dimension_semantics<subcore_parallel>], iteration_bounds = array<i64: 2, 16>, scalar_prefetch = 0 : i64, scratch_operands = 9 : i64, tpu.core_type = #tpu.core_type<sc_vector_subcore>, window_params = [{transform_indices = #map}, {transform_indices = #map1}, {transform_indices = #map1}, {transform_indices = #map1}, {transform_indices = #map}, {transform_indices = #map}, {transform_indices = #map}, {transform_indices = #map2}, {transform_indices = #map2}]} {
    %mul3A = arith.constant 2 : i32
    %mul3A_0 = arith.muli %arg1, %mul3A : i32
    %add3A = arith.addi %mul3A_0, %arg0 : i32
    %scan3A = arith.constant 0 : i32
    %scan3A_1 = arith.constant 0 : i32
    %scan3A_2 = arith.constant 80 : i32
    %scan3A_3 = arith.addi %scan3A_1, %scan3A_2 : i32
    %scan3A_4 = arith.constant 1 : i32
    scf.for %scan3A_15 = %scan3A_1 to %scan3A_3 step %scan3A_4  : i32 {
      %broadcast_in_dim3A = arith.constant 1.000000e+00 : f32
      %broadcast_in_dim3A_16 = vector.broadcast %broadcast_in_dim3A : f32 to vector<16xf32>
      %swap3A = arith.index_cast %scan3A_15 : i32 to index
      %swap3A_17 = arith.constant 0 : index
      %swap3A_18 = tpu.vector_load %arg14[%swap3A, %swap3A_17] {strides = array<i32>} : memref<80x16xf32, #tpu.memory_space<vmem>>, vector<1x16xf32>,
      %swap3A_19 = vector.shape_cast %swap3A_18 : vector<1x16xf32> to vector<16xf32>
      %swap3A_20 = vector.shape_cast %broadcast_in_dim3A_16 : vector<16xf32> to vector<1x16xf32>
      tpu.vector_store %arg14[%swap3A, %swap3A_17], %swap3A_20 {strides = array<i32>} : memref<80x16xf32, #tpu.memory_space<vmem>>, vector<1x16xf32>,
    }
    %scan3A_5 = arith.constant 80 : i32
    %mul3A_6 = arith.constant 632 : i32
    %mul3A_7 = arith.muli %arg1, %mul3A_6 : i32
    "tpu.region"() ({
      %run_scoped3A = tpu.sem_alloc : memref<!tpu.dma_semaphore, #tpu.memory_space<semaphore_mem>>
      %dma_start3A = arith.constant 0 : i32
      %dma_start3A_15 = tpu.memref_slice %arg17[%mul3A_7, %dma_start3A] : memref<10112x128xf32, #tpu.memory_space<vmem_shared>> -> memref<632x128xf32, #tpu.memory_space<vmem_shared>>
      tpu.enqueue_dma source(%arg6 : memref<632x128xf32, #tpu.memory_space<hbm>>) target(%dma_start3A_15 : memref<632x128xf32, #tpu.memory_space<vmem_shared>>) target_semaphore(%run_scoped3A : memref<!tpu.dma_semaphore, #tpu.memory_space<semaphore_mem>>)
      %dma_wait3A = arith.constant 0 : i32
      %dma_wait3A_16 = tpu.memref_slice %arg17[%mul3A_7, %dma_wait3A] : memref<10112x128xf32, #tpu.memory_space<vmem_shared>> -> memref<632x128xf32, #tpu.memory_space<vmem_shared>>
      tpu.wait_dma2 semaphore(%run_scoped3A : memref<!tpu.dma_semaphore, #tpu.memory_space<semaphore_mem>>) src(%arg6 : memref<632x128xf32, #tpu.memory_space<hbm>>) dst(%dma_wait3A_16 : memref<632x128xf32, #tpu.memory_space<vmem_shared>>)
      tpu.yield
    }) : () -> ()
    "tpu.region"() ({
      %run_scoped3A = tpu.sem_alloc : memref<!tpu.dma_semaphore, #tpu.memory_space<semaphore_mem>>
      %dma_start3A = arith.constant 0 : i32
      %dma_start3A_15 = tpu.memref_slice %arg18[%mul3A_7, %dma_start3A] : memref<10112x16xf32, #tpu.memory_space<vmem_shared>> -> memref<632x16xf32, #tpu.memory_space<vmem_shared>>
      tpu.enqueue_dma source(%arg7 : memref<632x16xf32, #tpu.memory_space<hbm>>) target(%dma_start3A_15 : memref<632x16xf32, #tpu.memory_space<vmem_shared>>) target_semaphore(%run_scoped3A : memref<!tpu.dma_semaphore, #tpu.memory_space<semaphore_mem>>)
      %dma_wait3A = arith.constant 0 : i32
      %dma_wait3A_16 = tpu.memref_slice %arg18[%mul3A_7, %dma_wait3A] : memref<10112x16xf32, #tpu.memory_space<vmem_shared>> -> memref<632x16xf32, #tpu.memory_space<vmem_shared>>
      tpu.wait_dma2 semaphore(%run_scoped3A : memref<!tpu.dma_semaphore, #tpu.memory_space<semaphore_mem>>) src(%arg7 : memref<632x16xf32, #tpu.memory_space<hbm>>) dst(%dma_wait3A_16 : memref<632x16xf32, #tpu.memory_space<vmem_shared>>)
      tpu.yield
    }) : () -> ()
    %barrier3A = arith.constant 0 : index
    tpu.barrier barrier_id(%barrier3A)
    %scan3A_8 = arith.constant 0 : i32
    %scan3A_9 = arith.constant 0 : i32
    %scan3A_10 = arith.constant 125 : i32
    %scan3A_11 = arith.addi %scan3A_9, %scan3A_10 : i32
    %scan3A_12 = arith.constant 1 : i32
    scf.for %scan3A_15 = %scan3A_9 to %scan3A_11 step %scan3A_12  : i32 {
      %mul3A_16 = arith.constant 32 : i32
      %mul3A_17 = arith.muli %mul3A_16, %scan3A_15 : i32
      %add3A_18 = arith.addi %add3A, %mul3A_17 : i32
      %mul3A_19 = arith.constant 80 : i32
      %mul3A_20 = arith.muli %add3A_18, %mul3A_19 : i32
      "tpu.region"() ({
        %run_scoped3A = tpu.sem_alloc : memref<!tpu.dma_semaphore, #tpu.memory_space<semaphore_mem>>
        %dma_start3A_37 = tpu.memref_slice %arg3[%mul3A_20] : memref<320000xi32, #tpu.memory_space<hbm>> -> memref<80xi32, #tpu.memory_space<hbm>>
        %dma_start3A_38 = tpu.memref_slice %arg3[%mul3A_20] : memref<320000xi32, #tpu.memory_space<hbm>> -> memref<80xi32, #tpu.memory_space<hbm>>
        tpu.enqueue_dma source(%dma_start3A_38 : memref<80xi32, #tpu.memory_space<hbm>>) target(%arg11 : memref<80xi32, #tpu.memory_space<vmem>>) target_semaphore(%run_scoped3A : memref<!tpu.dma_semaphore, #tpu.memory_space<semaphore_mem>>)
        %dma_wait3A_39 = tpu.memref_slice %arg3[%mul3A_20] : memref<320000xi32, #tpu.memory_space<hbm>> -> memref<80xi32, #tpu.memory_space<hbm>>
        %dma_wait3A_40 = tpu.memref_slice %arg3[%mul3A_20] : memref<320000xi32, #tpu.memory_space<hbm>> -> memref<80xi32, #tpu.memory_space<hbm>>
        tpu.wait_dma2 semaphore(%run_scoped3A : memref<!tpu.dma_semaphore, #tpu.memory_space<semaphore_mem>>) src(%dma_wait3A_40 : memref<80xi32, #tpu.memory_space<hbm>>) dst(%arg11 : memref<80xi32, #tpu.memory_space<vmem>>)
        tpu.yield
      }) : () -> ()
      "tpu.region"() ({
        %run_scoped3A = tpu.sem_alloc : memref<!tpu.dma_semaphore, #tpu.memory_space<semaphore_mem>>
        %dma_start3A_37 = tpu.memref_slice %arg4[%mul3A_20] : memref<320000xi32, #tpu.memory_space<hbm>> -> memref<80xi32, #tpu.memory_space<hbm>>
        %dma_start3A_38 = tpu.memref_slice %arg4[%mul3A_20] : memref<320000xi32, #tpu.memory_space<hbm>> -> memref<80xi32, #tpu.memory_space<hbm>>
        tpu.enqueue_dma source(%dma_start3A_38 : memref<80xi32, #tpu.memory_space<hbm>>) target(%arg12 : memref<80xi32, #tpu.memory_space<vmem>>) target_semaphore(%run_scoped3A : memref<!tpu.dma_semaphore, #tpu.memory_space<semaphore_mem>>)
        %dma_wait3A_39 = tpu.memref_slice %arg4[%mul3A_20] : memref<320000xi32, #tpu.memory_space<hbm>> -> memref<80xi32, #tpu.memory_space<hbm>>
        %dma_wait3A_40 = tpu.memref_slice %arg4[%mul3A_20] : memref<320000xi32, #tpu.memory_space<hbm>> -> memref<80xi32, #tpu.memory_space<hbm>>
        tpu.wait_dma2 semaphore(%run_scoped3A : memref<!tpu.dma_semaphore, #tpu.memory_space<semaphore_mem>>) src(%dma_wait3A_40 : memref<80xi32, #tpu.memory_space<hbm>>) dst(%arg12 : memref<80xi32, #tpu.memory_space<vmem>>)
        tpu.yield
      }) : () -> ()
      "tpu.region"() ({
        %run_scoped3A = tpu.sem_alloc : memref<!tpu.dma_semaphore, #tpu.memory_space<semaphore_mem>>
        %dma_start3A_37 = tpu.memref_slice %arg5[%mul3A_20] : memref<320000xf32, #tpu.memory_space<hbm>> -> memref<80xf32, #tpu.memory_space<hbm>>
        %dma_start3A_38 = tpu.memref_slice %arg5[%mul3A_20] : memref<320000xf32, #tpu.memory_space<hbm>> -> memref<80xf32, #tpu.memory_space<hbm>>
        tpu.enqueue_dma source(%dma_start3A_38 : memref<80xf32, #tpu.memory_space<hbm>>) target(%arg13 : memref<80xf32, #tpu.memory_space<vmem>>) target_semaphore(%run_scoped3A : memref<!tpu.dma_semaphore, #tpu.memory_space<semaphore_mem>>)
        %dma_wait3A_39 = tpu.memref_slice %arg5[%mul3A_20] : memref<320000xf32, #tpu.memory_space<hbm>> -> memref<80xf32, #tpu.memory_space<hbm>>
        %dma_wait3A_40 = tpu.memref_slice %arg5[%mul3A_20] : memref<320000xf32, #tpu.memory_space<hbm>> -> memref<80xf32, #tpu.memory_space<hbm>>
        tpu.wait_dma2 semaphore(%run_scoped3A : memref<!tpu.dma_semaphore, #tpu.memory_space<semaphore_mem>>) src(%dma_wait3A_40 : memref<80xf32, #tpu.memory_space<hbm>>) dst(%arg13 : memref<80xf32, #tpu.memory_space<vmem>>)
        tpu.yield
      }) : () -> ()
      %dma_start3A = arith.constant 0 : i32
      %dma_start3A_21 = arith.constant 0 : i32
      %dma_start3A_22 = tpu.memref_slice %arg2[%dma_start3A, %dma_start3A_21] : memref<10000x128xf32, #tpu.memory_space<hbm>> -> memref<10000x128xf32, #tpu.memory_space<hbm>>
      tpu.enqueue_indirect_dma source(%dma_start3A_22 : memref<10000x128xf32, #tpu.memory_space<hbm>>) target(%arg15 : memref<80x128xf32, #tpu.memory_space<vmem>>) offsets(%arg11 : memref<80xi32, #tpu.memory_space<vmem>>) semaphore(%arg19 : memref<!tpu.dma_semaphore, #tpu.memory_space<semaphore_mem>>)
      %dma_wait3A = arith.constant 0 : i32
      %dma_wait3A_23 = arith.constant 0 : i32
      %dma_wait3A_24 = tpu.memref_slice %arg2[%dma_wait3A, %dma_wait3A_23] : memref<10000x128xf32, #tpu.memory_space<hbm>> -> memref<10000x128xf32, #tpu.memory_space<hbm>>
      tpu.wait_indirect_dma semaphore(%arg19 : memref<!tpu.dma_semaphore, #tpu.memory_space<semaphore_mem>>) src(%dma_wait3A_24 : memref<10000x128xf32, #tpu.memory_space<hbm>>) dst(%arg15 : memref<80x128xf32, #tpu.memory_space<vmem>>)
      %dma_start3A_25 = arith.constant 0 : i32
      %dma_start3A_26 = arith.constant 0 : i32
      %dma_start3A_27 = tpu.memref_slice %arg2[%dma_start3A_25, %dma_start3A_26] : memref<10000x128xf32, #tpu.memory_space<hbm>> -> memref<10000x128xf32, #tpu.memory_space<hbm>>
      tpu.enqueue_indirect_dma source(%dma_start3A_27 : memref<10000x128xf32, #tpu.memory_space<hbm>>) target(%arg16 : memref<80x128xf32, #tpu.memory_space<vmem>>) offsets(%arg12 : memref<80xi32, #tpu.memory_space<vmem>>) semaphore(%arg19 : memref<!tpu.dma_semaphore, #tpu.memory_space<semaphore_mem>>)
      %dma_wait3A_28 = arith.constant 0 : i32
      %dma_wait3A_29 = arith.constant 0 : i32
      %dma_wait3A_30 = tpu.memref_slice %arg2[%dma_wait3A_28, %dma_wait3A_29] : memref<10000x128xf32, #tpu.memory_space<hbm>> -> memref<10000x128xf32, #tpu.memory_space<hbm>>
      tpu.wait_indirect_dma semaphore(%arg19 : memref<!tpu.dma_semaphore, #tpu.memory_space<semaphore_mem>>) src(%dma_wait3A_30 : memref<10000x128xf32, #tpu.memory_space<hbm>>) dst(%arg16 : memref<80x128xf32, #tpu.memory_space<vmem>>)
      %scan3A_31 = arith.constant 0 : i32
      %scan3A_32 = arith.constant 0 : i32
      %scan3A_33 = arith.constant 5 : i32
      %scan3A_34 = arith.addi %scan3A_32, %scan3A_33 : i32
      %scan3A_35 = arith.constant 1 : i32
      scf.for %scan3A_37 = %scan3A_32 to %scan3A_34 step %scan3A_35  : i32 {
        %mul3A_38 = arith.constant 16 : i32
        %mul3A_39 = arith.muli %scan3A_37, %mul3A_38 : i32
        %get3A = arith.index_cast %mul3A_39 : i32 to index
        %get3A_40 = tpu.vector_load %arg13[%get3A] {strides = array<i32>} : memref<80xf32, #tpu.memory_space<vmem>>, vector<16xf32>,
        %get3A_41 = vector.shape_cast %get3A_40 : vector<16xf32> to vector<16xf32>
        %div3A = arith.constant 1.000000e+00 : f32
        %div3A_42 = vector.broadcast %div3A : f32 to vector<16xf32>
        %div3A_43 = arith.divf %div3A_42, %get3A_41 : vector<16xf32>
        %mul3A_44 = arith.constant 16 : i32
        %mul3A_45 = arith.muli %scan3A_37, %mul3A_44 : i32
        %add3A_46 = arith.constant 0 : i32
        %add3A_47 = arith.addi %mul3A_45, %add3A_46 : i32
        %slice3A = vector.extract_strided_slice %div3A_43 {offsets = [0], sizes = [1], strides = [1]} : vector<16xf32> to vector<1xf32>
        %squeeze3A = vector.extract %slice3A[0] : f32 from vector<1xf32>
        %get3A_48 = arith.index_cast %add3A_47 : i32 to index
        %get3A_49 = arith.constant 0 : index
        %get3A_50 = tpu.vector_load %arg16[%get3A_48, %get3A_49] {strides = array<i32>} : memref<80x128xf32, #tpu.memory_space<vmem>>, vector<1x16xf32>,
        %get3A_51 = vector.shape_cast %get3A_50 : vector<1x16xf32> to vector<16xf32>
        %get3A_52 = arith.index_cast %add3A_47 : i32 to index
        %get3A_53 = arith.constant 0 : index
        %get3A_54 = tpu.vector_load %arg15[%get3A_52, %get3A_53] {strides = array<i32>} : memref<80x128xf32, #tpu.memory_space<vmem>>, vector<1x16xf32>,
        %get3A_55 = vector.shape_cast %get3A_54 : vector<1x16xf32> to vector<16xf32>
        %sub3A = arith.subf %get3A_51, %get3A_55 : vector<16xf32>
        %mul3A_56 = vector.broadcast %squeeze3A : f32 to vector<16xf32>
        %mul3A_57 = arith.mulf %sub3A, %mul3A_56 : vector<16xf32>
        %swap3A = arith.index_cast %add3A_47 : i32 to index
        %swap3A_58 = arith.constant 0 : index
        %swap3A_59 = tpu.vector_load %arg16[%swap3A, %swap3A_58] {strides = array<i32>} : memref<80x128xf32, #tpu.memory_space<vmem>>, vector<1x16xf32>,
        %swap3A_60 = vector.shape_cast %swap3A_59 : vector<1x16xf32> to vector<16xf32>
        %swap3A_61 = vector.shape_cast %mul3A_57 : vector<16xf32> to vector<1x16xf32>
        tpu.vector_store %arg16[%swap3A, %swap3A_58], %swap3A_61 {strides = array<i32>} : memref<80x128xf32, #tpu.memory_space<vmem>>, vector<1x16xf32>,
        %get3A_62 = arith.index_cast %add3A_47 : i32 to index
        %get3A_63 = arith.constant 16 : index
        %get3A_64 = tpu.vector_load %arg16[%get3A_62, %get3A_63] {strides = array<i32>} : memref<80x128xf32, #tpu.memory_space<vmem>>, vector<1x16xf32>,
        %get3A_65 = vector.shape_cast %get3A_64 : vector<1x16xf32> to vector<16xf32>
        %get3A_66 = arith.index_cast %add3A_47 : i32 to index
        %get3A_67 = arith.constant 16 : index
        %get3A_68 = tpu.vector_load %arg15[%get3A_66, %get3A_67] {strides = array<i32>} : memref<80x128xf32, #tpu.memory_space<vmem>>, vector<1x16xf32>,
        %get3A_69 = vector.shape_cast %get3A_68 : vector<1x16xf32> to vector<16xf32>
        %sub3A_70 = arith.subf %get3A_65, %get3A_69 : vector<16xf32>
        %mul3A_71 = vector.broadcast %squeeze3A : f32 to vector<16xf32>
        %mul3A_72 = arith.mulf %sub3A_70, %mul3A_71 : vector<16xf32>
        %swap3A_73 = arith.index_cast %add3A_47 : i32 to index
        %swap3A_74 = arith.constant 16 : index
        %swap3A_75 = tpu.vector_load %arg16[%swap3A_73, %swap3A_74] {strides = array<i32>} : memref<80x128xf32, #tpu.memory_space<vmem>>, vector<1x16xf32>,
        %swap3A_76 = vector.shape_cast %swap3A_75 : vector<1x16xf32> to vector<16xf32>
        %swap3A_77 = vector.shape_cast %mul3A_72 : vector<16xf32> to vector<1x16xf32>
        tpu.vector_store %arg16[%swap3A_73, %swap3A_74], %swap3A_77 {strides = array<i32>} : memref<80x128xf32, #tpu.memory_space<vmem>>, vector<1x16xf32>,
        %get3A_78 = arith.index_cast %add3A_47 : i32 to index
        %get3A_79 = arith.constant 32 : index
        %get3A_80 = tpu.vector_load %arg16[%get3A_78, %get3A_79] {strides = array<i32>} : memref<80x128xf32, #tpu.memory_space<vmem>>, vector<1x16xf32>,
        %get3A_81 = vector.shape_cast %get3A_80 : vector<1x16xf32> to vector<16xf32>
        %get3A_82 = arith.index_cast %add3A_47 : i32 to index
        %get3A_83 = arith.constant 32 : index
        %get3A_84 = tpu.vector_load %arg15[%get3A_82, %get3A_83] {strides = array<i32>} : memref<80x128xf32, #tpu.memory_space<vmem>>, vector<1x16xf32>,
        %get3A_85 = vector.shape_cast %get3A_84 : vector<1x16xf32> to vector<16xf32>
        %sub3A_86 = arith.subf %get3A_81, %get3A_85 : vector<16xf32>
        %mul3A_87 = vector.broadcast %squeeze3A : f32 to vector<16xf32>
        %mul3A_88 = arith.mulf %sub3A_86, %mul3A_87 : vector<16xf32>
        %swap3A_89 = arith.index_cast %add3A_47 : i32 to index
        %swap3A_90 = arith.constant 32 : index
        %swap3A_91 = tpu.vector_load %arg16[%swap3A_89, %swap3A_90] {strides = array<i32>} : memref<80x128xf32, #tpu.memory_space<vmem>>, vector<1x16xf32>,
        %swap3A_92 = vector.shape_cast %swap3A_91 : vector<1x16xf32> to vector<16xf32>
        %swap3A_93 = vector.shape_cast %mul3A_88 : vector<16xf32> to vector<1x16xf32>
        tpu.vector_store %arg16[%swap3A_89, %swap3A_90], %swap3A_93 {strides = array<i32>} : memref<80x128xf32, #tpu.memory_space<vmem>>, vector<1x16xf32>,
        %get3A_94 = arith.index_cast %add3A_47 : i32 to index
        %get3A_95 = arith.constant 48 : index
        %get3A_96 = tpu.vector_load %arg16[%get3A_94, %get3A_95] {strides = array<i32>} : memref<80x128xf32, #tpu.memory_space<vmem>>, vector<1x16xf32>,
        %get3A_97 = vector.shape_cast %get3A_96 : vector<1x16xf32> to vector<16xf32>
        %get3A_98 = arith.index_cast %add3A_47 : i32 to index
        %get3A_99 = arith.constant 48 : index
        %get3A_100 = tpu.vector_load %arg15[%get3A_98, %get3A_99] {strides = array<i32>} : memref<80x128xf32, #tpu.memory_space<vmem>>, vector<1x16xf32>,
        %get3A_101 = vector.shape_cast %get3A_100 : vector<1x16xf32> to vector<16xf32>
        %sub3A_102 = arith.subf %get3A_97, %get3A_101 : vector<16xf32>
        %mul3A_103 = vector.broadcast %squeeze3A : f32 to vector<16xf32>
        %mul3A_104 = arith.mulf %sub3A_102, %mul3A_103 : vector<16xf32>
        %swap3A_105 = arith.index_cast %add3A_47 : i32 to index
        %swap3A_106 = arith.constant 48 : index
        %swap3A_107 = tpu.vector_load %arg16[%swap3A_105, %swap3A_106] {strides = array<i32>} : memref<80x128xf32, #tpu.memory_space<vmem>>, vector<1x16xf32>,
        %swap3A_108 = vector.shape_cast %swap3A_107 : vector<1x16xf32> to vector<16xf32>
        %swap3A_109 = vector.shape_cast %mul3A_104 : vector<16xf32> to vector<1x16xf32>
        tpu.vector_store %arg16[%swap3A_105, %swap3A_106], %swap3A_109 {strides = array<i32>} : memref<80x128xf32, #tpu.memory_space<vmem>>, vector<1x16xf32>,
        %get3A_110 = arith.index_cast %add3A_47 : i32 to index
        %get3A_111 = arith.constant 64 : index
        %get3A_112 = tpu.vector_load %arg16[%get3A_110, %get3A_111] {strides = array<i32>} : memref<80x128xf32, #tpu.memory_space<vmem>>, vector<1x16xf32>,
        %get3A_113 = vector.shape_cast %get3A_112 : vector<1x16xf32> to vector<16xf32>
        %get3A_114 = arith.index_cast %add3A_47 : i32 to index
        %get3A_115 = arith.constant 64 : index
        %get3A_116 = tpu.vector_load %arg15[%get3A_114, %get3A_115] {strides = array<i32>} : memref<80x128xf32, #tpu.memory_space<vmem>>, vector<1x16xf32>,
        %get3A_117 = vector.shape_cast %get3A_116 : vector<1x16xf32> to vector<16xf32>
        %sub3A_118 = arith.subf %get3A_113, %get3A_117 : vector<16xf32>
        %mul3A_119 = vector.broadcast %squeeze3A : f32 to vector<16xf32>
        %mul3A_120 = arith.mulf %sub3A_118, %mul3A_119 : vector<16xf32>
        %swap3A_121 = arith.index_cast %add3A_47 : i32 to index
        %swap3A_122 = arith.constant 64 : index
        %swap3A_123 = tpu.vector_load %arg16[%swap3A_121, %swap3A_122] {strides = array<i32>} : memref<80x128xf32, #tpu.memory_space<vmem>>, vector<1x16xf32>,
        %swap3A_124 = vector.shape_cast %swap3A_123 : vector<1x16xf32> to vector<16xf32>
        %swap3A_125 = vector.shape_cast %mul3A_120 : vector<16xf32> to vector<1x16xf32>
        tpu.vector_store %arg16[%swap3A_121, %swap3A_122], %swap3A_125 {strides = array<i32>} : memref<80x128xf32, #tpu.memory_space<vmem>>, vector<1x16xf32>,
        %get3A_126 = arith.index_cast %add3A_47 : i32 to index
        %get3A_127 = arith.constant 80 : index
        %get3A_128 = tpu.vector_load %arg16[%get3A_126, %get3A_127] {strides = array<i32>} : memref<80x128xf32, #tpu.memory_space<vmem>>, vector<1x16xf32>,
        %get3A_129 = vector.shape_cast %get3A_128 : vector<1x16xf32> to vector<16xf32>
        %get3A_130 = arith.index_cast %add3A_47 : i32 to index
        %get3A_131 = arith.constant 80 : index
        %get3A_132 = tpu.vector_load %arg15[%get3A_130, %get3A_131] {strides = array<i32>} : memref<80x128xf32, #tpu.memory_space<vmem>>, vector<1x16xf32>,
        %get3A_133 = vector.shape_cast %get3A_132 : vector<1x16xf32> to vector<16xf32>
        %sub3A_134 = arith.subf %get3A_129, %get3A_133 : vector<16xf32>
        %mul3A_135 = vector.broadcast %squeeze3A : f32 to vector<16xf32>
        %mul3A_136 = arith.mulf %sub3A_134, %mul3A_135 : vector<16xf32>
        %swap3A_137 = arith.index_cast %add3A_47 : i32 to index
        %swap3A_138 = arith.constant 80 : index
        %swap3A_139 = tpu.vector_load %arg16[%swap3A_137, %swap3A_138] {strides = array<i32>} : memref<80x128xf32, #tpu.memory_space<vmem>>, vector<1x16xf32>,
        %swap3A_140 = vector.shape_cast %swap3A_139 : vector<1x16xf32> to vector<16xf32>
        %swap3A_141 = vector.shape_cast %mul3A_136 : vector<16xf32> to vector<1x16xf32>
        tpu.vector_store %arg16[%swap3A_137, %swap3A_138], %swap3A_141 {strides = array<i32>} : memref<80x128xf32, #tpu.memory_space<vmem>>, vector<1x16xf32>,
        %get3A_142 = arith.index_cast %add3A_47 : i32 to index
        %get3A_143 = arith.constant 96 : index
        %get3A_144 = tpu.vector_load %arg16[%get3A_142, %get3A_143] {strides = array<i32>} : memref<80x128xf32, #tpu.memory_space<vmem>>, vector<1x16xf32>,
        %get3A_145 = vector.shape_cast %get3A_144 : vector<1x16xf32> to vector<16xf32>
        %get3A_146 = arith.index_cast %add3A_47 : i32 to index
        %get3A_147 = arith.constant 96 : index
        %get3A_148 = tpu.vector_load %arg15[%get3A_146, %get3A_147] {strides = array<i32>} : memref<80x128xf32, #tpu.memory_space<vmem>>, vector<1x16xf32>,
        %get3A_149 = vector.shape_cast %get3A_148 : vector<1x16xf32> to vector<16xf32>
        %sub3A_150 = arith.subf %get3A_145, %get3A_149 : vector<16xf32>
        %mul3A_151 = vector.broadcast %squeeze3A : f32 to vector<16xf32>
        %mul3A_152 = arith.mulf %sub3A_150, %mul3A_151 : vector<16xf32>
        %swap3A_153 = arith.index_cast %add3A_47 : i32 to index
        %swap3A_154 = arith.constant 96 : index
        %swap3A_155 = tpu.vector_load %arg16[%swap3A_153, %swap3A_154] {strides = array<i32>} : memref<80x128xf32, #tpu.memory_space<vmem>>, vector<1x16xf32>,
        %swap3A_156 = vector.shape_cast %swap3A_155 : vector<1x16xf32> to vector<16xf32>
        %swap3A_157 = vector.shape_cast %mul3A_152 : vector<16xf32> to vector<1x16xf32>
        tpu.vector_store %arg16[%swap3A_153, %swap3A_154], %swap3A_157 {strides = array<i32>} : memref<80x128xf32, #tpu.memory_space<vmem>>, vector<1x16xf32>,
        %get3A_158 = arith.index_cast %add3A_47 : i32 to index
        %get3A_159 = arith.constant 112 : index
        %get3A_160 = tpu.vector_load %arg16[%get3A_158, %get3A_159] {strides = array<i32>} : memref<80x128xf32, #tpu.memory_space<vmem>>, vector<1x16xf32>,
        %get3A_161 = vector.shape_cast %get3A_160 : vector<1x16xf32> to vector<16xf32>
        %get3A_162 = arith.index_cast %add3A_47 : i32 to index
        %get3A_163 = arith.constant 112 : index
        %get3A_164 = tpu.vector_load %arg15[%get3A_162, %get3A_163] {strides = array<i32>} : memref<80x128xf32, #tpu.memory_space<vmem>>, vector<1x16xf32>,
        %get3A_165 = vector.shape_cast %get3A_164 : vector<1x16xf32> to vector<16xf32>
        %sub3A_166 = arith.subf %get3A_161, %get3A_165 : vector<16xf32>
        %mul3A_167 = vector.broadcast %squeeze3A : f32 to vector<16xf32>
        %mul3A_168 = arith.mulf %sub3A_166, %mul3A_167 : vector<16xf32>
        %swap3A_169 = arith.index_cast %add3A_47 : i32 to index
        %swap3A_170 = arith.constant 112 : index
        %swap3A_171 = tpu.vector_load %arg16[%swap3A_169, %swap3A_170] {strides = array<i32>} : memref<80x128xf32, #tpu.memory_space<vmem>>, vector<1x16xf32>,
        %swap3A_172 = vector.shape_cast %swap3A_171 : vector<1x16xf32> to vector<16xf32>
        %swap3A_173 = vector.shape_cast %mul3A_168 : vector<16xf32> to vector<1x16xf32>
        tpu.vector_store %arg16[%swap3A_169, %swap3A_170], %swap3A_173 {strides = array<i32>} : memref<80x128xf32, #tpu.memory_space<vmem>>, vector<1x16xf32>,
        %mul3A_174 = arith.constant 16 : i32
        %mul3A_175 = arith.muli %scan3A_37, %mul3A_174 : i32
        %add3A_176 = arith.constant 1 : i32
        %add3A_177 = arith.addi %mul3A_175, %add3A_176 : i32
        %slice3A_178 = vector.extract_strided_slice %div3A_43 {offsets = [1], sizes = [1], strides = [1]} : vector<16xf32> to vector<1xf32>
        %squeeze3A_179 = vector.extract %slice3A_178[0] : f32 from vector<1xf32>
        %get3A_180 = arith.index_cast %add3A_177 : i32 to index
        %get3A_181 = arith.constant 0 : index
        %get3A_182 = tpu.vector_load %arg16[%get3A_180, %get3A_181] {strides = array<i32>} : memref<80x128xf32, #tpu.memory_space<vmem>>, vector<1x16xf32>,
        %get3A_183 = vector.shape_cast %get3A_182 : vector<1x16xf32> to vector<16xf32>
        %get3A_184 = arith.index_cast %add3A_177 : i32 to index
        %get3A_185 = arith.constant 0 : index
        %get3A_186 = tpu.vector_load %arg15[%get3A_184, %get3A_185] {strides = array<i32>} : memref<80x128xf32, #tpu.memory_space<vmem>>, vector<1x16xf32>,
        %get3A_187 = vector.shape_cast %get3A_186 : vector<1x16xf32> to vector<16xf32>
        %sub3A_188 = arith.subf %get3A_183, %get3A_187 : vector<16xf32>
        %mul3A_189 = vector.broadcast %squeeze3A_179 : f32 to vector<16xf32>
        %mul3A_190 = arith.mulf %sub3A_188, %mul3A_189 : vector<16xf32>
        %swap3A_191 = arith.index_cast %add3A_177 : i32 to index
        %swap3A_192 = arith.constant 0 : index
        %swap3A_193 = tpu.vector_load %arg16[%swap3A_191, %swap3A_192] {strides = array<i32>} : memref<80x128xf32, #tpu.memory_space<vmem>>, vector<1x16xf32>,
        %swap3A_194 = vector.shape_cast %swap3A_193 : vector<1x16xf32> to vector<16xf32>
        %swap3A_195 = vector.shape_cast %mul3A_190 : vector<16xf32> to vector<1x16xf32>
        tpu.vector_store %arg16[%swap3A_191, %swap3A_192], %swap3A_195 {strides = array<i32>} : memref<80x128xf32, #tpu.memory_space<vmem>>, vector<1x16xf32>,
        %get3A_196 = arith.index_cast %add3A_177 : i32 to index
        %get3A_197 = arith.constant 16 : index
        %get3A_198 = tpu.vector_load %arg16[%get3A_196, %get3A_197] {strides = array<i32>} : memref<80x128xf32, #tpu.memory_space<vmem>>, vector<1x16xf32>,
        %get3A_199 = vector.shape_cast %get3A_198 : vector<1x16xf32> to vector<16xf32>
        %get3A_200 = arith.index_cast %add3A_177 : i32 to index
        %get3A_201 = arith.constant 16 : index
        %get3A_202 = tpu.vector_load %arg15[%get3A_200, %get3A_201] {strides = array<i32>} : memref<80x128xf32, #tpu.memory_space<vmem>>, vector<1x16xf32>,
        %get3A_203 = vector.shape_cast %get3A_202 : vector<1x16xf32> to vector<16xf32>
        %sub3A_204 = arith.subf %get3A_199, %get3A_203 : vector<16xf32>
        %mul3A_205 = vector.broadcast %squeeze3A_179 : f32 to vector<16xf32>
        %mul3A_206 = arith.mulf %sub3A_204, %mul3A_205 : vector<16xf32>
        %swap3A_207 = arith.index_cast %add3A_177 : i32 to index
        %swap3A_208 = arith.constant 16 : index
        %swap3A_209 = tpu.vector_load %arg16[%swap3A_207, %swap3A_208] {strides = array<i32>} : memref<80x128xf32, #tpu.memory_space<vmem>>, vector<1x16xf32>,
        %swap3A_210 = vector.shape_cast %swap3A_209 : vector<1x16xf32> to vector<16xf32>
        %swap3A_211 = vector.shape_cast %mul3A_206 : vector<16xf32> to vector<1x16xf32>
        tpu.vector_store %arg16[%swap3A_207, %swap3A_208], %swap3A_211 {strides = array<i32>} : memref<80x128xf32, #tpu.memory_space<vmem>>, vector<1x16xf32>,
        %get3A_212 = arith.index_cast %add3A_177 : i32 to index
        %get3A_213 = arith.constant 32 : index
        %get3A_214 = tpu.vector_load %arg16[%get3A_212, %get3A_213] {strides = array<i32>} : memref<80x128xf32, #tpu.memory_space<vmem>>, vector<1x16xf32>,
        %get3A_215 = vector.shape_cast %get3A_214 : vector<1x16xf32> to vector<16xf32>
        %get3A_216 = arith.index_cast %add3A_177 : i32 to index
        %get3A_217 = arith.constant 32 : index
        %get3A_218 = tpu.vector_load %arg15[%get3A_216, %get3A_217] {strides = array<i32>} : memref<80x128xf32, #tpu.memory_space<vmem>>, vector<1x16xf32>,
        %get3A_219 = vector.shape_cast %get3A_218 : vector<1x16xf32> to vector<16xf32>
        %sub3A_220 = arith.subf %get3A_215, %get3A_219 : vector<16xf32>
        %mul3A_221 = vector.broadcast %squeeze3A_179 : f32 to vector<16xf32>
        %mul3A_222 = arith.mulf %sub3A_220, %mul3A_221 : vector<16xf32>
        %swap3A_223 = arith.index_cast %add3A_177 : i32 to index
        %swap3A_224 = arith.constant 32 : index
        %swap3A_225 = tpu.vector_load %arg16[%swap3A_223, %swap3A_224] {strides = array<i32>} : memref<80x128xf32, #tpu.memory_space<vmem>>, vector<1x16xf32>,
        %swap3A_226 = vector.shape_cast %swap3A_225 : vector<1x16xf32> to vector<16xf32>
        %swap3A_227 = vector.shape_cast %mul3A_222 : vector<16xf32> to vector<1x16xf32>
        tpu.vector_store %arg16[%swap3A_223, %swap3A_224], %swap3A_227 {strides = array<i32>} : memref<80x128xf32, #tpu.memory_space<vmem>>, vector<1x16xf32>,
        %get3A_228 = arith.index_cast %add3A_177 : i32 to index
        %get3A_229 = arith.constant 48 : index
        %get3A_230 = tpu.vector_load %arg16[%get3A_228, %get3A_229] {strides = array<i32>} : memref<80x128xf32, #tpu.memory_space<vmem>>, vector<1x16xf32>,
        %get3A_231 = vector.shape_cast %get3A_230 : vector<1x16xf32> to vector<16xf32>
        %get3A_232 = arith.index_cast %add3A_177 : i32 to index
        %get3A_233 = arith.constant 48 : index
        %get3A_234 = tpu.vector_load %arg15[%get3A_232, %get3A_233] {strides = array<i32>} : memref<80x128xf32, #tpu.memory_space<vmem>>, vector<1x16xf32>,
        %get3A_235 = vector.shape_cast %get3A_234 : vector<1x16xf32> to vector<16xf32>
        %sub3A_236 = arith.subf %get3A_231, %get3A_235 : vector<16xf32>
        %mul3A_237 = vector.broadcast %squeeze3A_179 : f32 to vector<16xf32>
        %mul3A_238 = arith.mulf %sub3A_236, %mul3A_237 : vector<16xf32>
        %swap3A_239 = arith.index_cast %add3A_177 : i32 to index
        %swap3A_240 = arith.constant 48 : index
        %swap3A_241 = tpu.vector_load %arg16[%swap3A_239, %swap3A_240] {strides = array<i32>} : memref<80x128xf32, #tpu.memory_space<vmem>>, vector<1x16xf32>,
        %swap3A_242 = vector.shape_cast %swap3A_241 : vector<1x16xf32> to vector<16xf32>
        %swap3A_243 = vector.shape_cast %mul3A_238 : vector<16xf32> to vector<1x16xf32>
        tpu.vector_store %arg16[%swap3A_239, %swap3A_240], %swap3A_243 {strides = array<i32>} : memref<80x128xf32, #tpu.memory_space<vmem>>, vector<1x16xf32>,
        %get3A_244 = arith.index_cast %add3A_177 : i32 to index
        %get3A_245 = arith.constant 64 : index
        %get3A_246 = tpu.vector_load %arg16[%get3A_244, %get3A_245] {strides = array<i32>} : memref<80x128xf32, #tpu.memory_space<vmem>>, vector<1x16xf32>,
        %get3A_247 = vector.shape_cast %get3A_246 : vector<1x16xf32> to vector<16xf32>
        %get3A_248 = arith.index_cast %add3A_177 : i32 to index
        %get3A_249 = arith.constant 64 : index
        %get3A_250 = tpu.vector_load %arg15[%get3A_248, %get3A_249] {strides = array<i32>} : memref<80x128xf32, #tpu.memory_space<vmem>>, vector<1x16xf32>,
        %get3A_251 = vector.shape_cast %get3A_250 : vector<1x16xf32> to vector<16xf32>
        %sub3A_252 = arith.subf %get3A_247, %get3A_251 : vector<16xf32>
        %mul3A_253 = vector.broadcast %squeeze3A_179 : f32 to vector<16xf32>
        %mul3A_254 = arith.mulf %sub3A_252, %mul3A_253 : vector<16xf32>
        %swap3A_255 = arith.index_cast %add3A_177 : i32 to index
        %swap3A_256 = arith.constant 64 : index
        %swap3A_257 = tpu.vector_load %arg16[%swap3A_255, %swap3A_256] {strides = array<i32>} : memref<80x128xf32, #tpu.memory_space<vmem>>, vector<1x16xf32>,
        %swap3A_258 = vector.shape_cast %swap3A_257 : vector<1x16xf32> to vector<16xf32>
        %swap3A_259 = vector.shape_cast %mul3A_254 : vector<16xf32> to vector<1x16xf32>
        tpu.vector_store %arg16[%swap3A_255, %swap3A_256], %swap3A_259 {strides = array<i32>} : memref<80x128xf32, #tpu.memory_space<vmem>>, vector<1x16xf32>,
        %get3A_260 = arith.index_cast %add3A_177 : i32 to index
        %get3A_261 = arith.constant 80 : index
        %get3A_262 = tpu.vector_load %arg16[%get3A_260, %get3A_261] {strides = array<i32>} : memref<80x128xf32, #tpu.memory_space<vmem>>, vector<1x16xf32>,
        %get3A_263 = vector.shape_cast %get3A_262 : vector<1x16xf32> to vector<16xf32>
        %get3A_264 = arith.index_cast %add3A_177 : i32 to index
        %get3A_265 = arith.constant 80 : index
        %get3A_266 = tpu.vector_load %arg15[%get3A_264, %get3A_265] {strides = array<i32>} : memref<80x128xf32, #tpu.memory_space<vmem>>, vector<1x16xf32>,
        %get3A_267 = vector.shape_cast %get3A_266 : vector<1x16xf32> to vector<16xf32>
        %sub3A_268 = arith.subf %get3A_263, %get3A_267 : vector<16xf32>
        %mul3A_269 = vector.broadcast %squeeze3A_179 : f32 to vector<16xf32>
        %mul3A_270 = arith.mulf %sub3A_268, %mul3A_269 : vector<16xf32>
        %swap3A_271 = arith.index_cast %add3A_177 : i32 to index
        %swap3A_272 = arith.constant 80 : index
        %swap3A_273 = tpu.vector_load %arg16[%swap3A_271, %swap3A_272] {strides = array<i32>} : memref<80x128xf32, #tpu.memory_space<vmem>>, vector<1x16xf32>,
        %swap3A_274 = vector.shape_cast %swap3A_273 : vector<1x16xf32> to vector<16xf32>
        %swap3A_275 = vector.shape_cast %mul3A_270 : vector<16xf32> to vector<1x16xf32>
        tpu.vector_store %arg16[%swap3A_271, %swap3A_272], %swap3A_275 {strides = array<i32>} : memref<80x128xf32, #tpu.memory_space<vmem>>, vector<1x16xf32>,
        %get3A_276 = arith.index_cast %add3A_177 : i32 to index
        %get3A_277 = arith.constant 96 : index
        %get3A_278 = tpu.vector_load %arg16[%get3A_276, %get3A_277] {strides = array<i32>} : memref<80x128xf32, #tpu.memory_space<vmem>>, vector<1x16xf32>,
        %get3A_279 = vector.shape_cast %get3A_278 : vector<1x16xf32> to vector<16xf32>
        %get3A_280 = arith.index_cast %add3A_177 : i32 to index
        %get3A_281 = arith.constant 96 : index
        %get3A_282 = tpu.vector_load %arg15[%get3A_280, %get3A_281] {strides = array<i32>} : memref<80x128xf32, #tpu.memory_space<vmem>>, vector<1x16xf32>,
        %get3A_283 = vector.shape_cast %get3A_282 : vector<1x16xf32> to vector<16xf32>
        %sub3A_284 = arith.subf %get3A_279, %get3A_283 : vector<16xf32>
        %mul3A_285 = vector.broadcast %squeeze3A_179 : f32 to vector<16xf32>
        %mul3A_286 = arith.mulf %sub3A_284, %mul3A_285 : vector<16xf32>
        %swap3A_287 = arith.index_cast %add3A_177 : i32 to index
        %swap3A_288 = arith.constant 96 : index
        %swap3A_289 = tpu.vector_load %arg16[%swap3A_287, %swap3A_288] {strides = array<i32>} : memref<80x128xf32, #tpu.memory_space<vmem>>, vector<1x16xf32>,
        %swap3A_290 = vector.shape_cast %swap3A_289 : vector<1x16xf32> to vector<16xf32>
        %swap3A_291 = vector.shape_cast %mul3A_286 : vector<16xf32> to vector<1x16xf32>
        tpu.vector_store %arg16[%swap3A_287, %swap3A_288], %swap3A_291 {strides = array<i32>} : memref<80x128xf32, #tpu.memory_space<vmem>>, vector<1x16xf32>,
        %get3A_292 = arith.index_cast %add3A_177 : i32 to index
        %get3A_293 = arith.constant 112 : index
        %get3A_294 = tpu.vector_load %arg16[%get3A_292, %get3A_293] {strides = array<i32>} : memref<80x128xf32, #tpu.memory_space<vmem>>, vector<1x16xf32>,
        %get3A_295 = vector.shape_cast %get3A_294 : vector<1x16xf32> to vector<16xf32>
        %get3A_296 = arith.index_cast %add3A_177 : i32 to index
        %get3A_297 = arith.constant 112 : index
        %get3A_298 = tpu.vector_load %arg15[%get3A_296, %get3A_297] {strides = array<i32>} : memref<80x128xf32, #tpu.memory_space<vmem>>, vector<1x16xf32>,
        %get3A_299 = vector.shape_cast %get3A_298 : vector<1x16xf32> to vector<16xf32>
        %sub3A_300 = arith.subf %get3A_295, %get3A_299 : vector<16xf32>
        %mul3A_301 = vector.broadcast %squeeze3A_179 : f32 to vector<16xf32>
        %mul3A_302 = arith.mulf %sub3A_300, %mul3A_301 : vector<16xf32>
        %swap3A_303 = arith.index_cast %add3A_177 : i32 to index
        %swap3A_304 = arith.constant 112 : index
        %swap3A_305 = tpu.vector_load %arg16[%swap3A_303, %swap3A_304] {strides = array<i32>} : memref<80x128xf32, #tpu.memory_space<vmem>>, vector<1x16xf32>,
        %swap3A_306 = vector.shape_cast %swap3A_305 : vector<1x16xf32> to vector<16xf32>
        %swap3A_307 = vector.shape_cast %mul3A_302 : vector<16xf32> to vector<1x16xf32>
        tpu.vector_store %arg16[%swap3A_303, %swap3A_304], %swap3A_307 {strides = array<i32>} : memref<80x128xf32, #tpu.memory_space<vmem>>, vector<1x16xf32>,
        %mul3A_308 = arith.constant 16 : i32
        %mul3A_309 = arith.muli %scan3A_37, %mul3A_308 : i32
        %add3A_310 = arith.constant 2 : i32
        %add3A_311 = arith.addi %mul3A_309, %add3A_310 : i32
        %slice3A_312 = vector.extract_strided_slice %div3A_43 {offsets = [2], sizes = [1], strides = [1]} : vector<16xf32> to vector<1xf32>
        %squeeze3A_313 = vector.extract %slice3A_312[0] : f32 from vector<1xf32>
        %get3A_314 = arith.index_cast %add3A_311 : i32 to index
        %get3A_315 = arith.constant 0 : index
        %get3A_316 = tpu.vector_load %arg16[%get3A_314, %get3A_315] {strides = array<i32>} : memref<80x128xf32, #tpu.memory_space<vmem>>, vector<1x16xf32>,
        %get3A_317 = vector.shape_cast %get3A_316 : vector<1x16xf32> to vector<16xf32>
        %get3A_318 = arith.index_cast %add3A_311 : i32 to index
        %get3A_319 = arith.constant 0 : index
        %get3A_320 = tpu.vector_load %arg15[%get3A_318, %get3A_319] {strides = array<i32>} : memref<80x128xf32, #tpu.memory_space<vmem>>, vector<1x16xf32>,
        %get3A_321 = vector.shape_cast %get3A_320 : vector<1x16xf32> to vector<16xf32>
        %sub3A_322 = arith.subf %get3A_317, %get3A_321 : vector<16xf32>
        %mul3A_323 = vector.broadcast %squeeze3A_313 : f32 to vector<16xf32>
        %mul3A_324 = arith.mulf %sub3A_322, %mul3A_323 : vector<16xf32>
        %swap3A_325 = arith.index_cast %add3A_311 : i32 to index
        %swap3A_326 = arith.constant 0 : index
        %swap3A_327 = tpu.vector_load %arg16[%swap3A_325, %swap3A_326] {strides = array<i32>} : memref<80x128xf32, #tpu.memory_space<vmem>>, vector<1x16xf32>,
        %swap3A_328 = vector.shape_cast %swap3A_327 : vector<1x16xf32> to vector<16xf32>
        %swap3A_329 = vector.shape_cast %mul3A_324 : vector<16xf32> to vector<1x16xf32>
        tpu.vector_store %arg16[%swap3A_325, %swap3A_326], %swap3A_329 {strides = array<i32>} : memref<80x128xf32, #tpu.memory_space<vmem>>, vector<1x16xf32>,
        %get3A_330 = arith.index_cast %add3A_311 : i32 to index
        %get3A_331 = arith.constant 16 : index
        %get3A_332 = tpu.vector_load %arg16[%get3A_330, %get3A_331] {strides = array<i32>} : memref<80x128xf32, #tpu.memory_space<vmem>>, vector<1x16xf32>,
        %get3A_333 = vector.shape_cast %get3A_332 : vector<1x16xf32> to vector<16xf32>
        %get3A_334 = arith.index_cast %add3A_311 : i32 to index
        %get3A_335 = arith.constant 16 : index
        %get3A_336 = tpu.vector_load %arg15[%get3A_334, %get3A_335] {strides = array<i32>} : memref<80x128xf32, #tpu.memory_space<vmem>>, vector<1x16xf32>,
        %get3A_337 = vector.shape_cast %get3A_336 : vector<1x16xf32> to vector<16xf32>
        %sub3A_338 = arith.subf %get3A_333, %get3A_337 : vector<16xf32>
        %mul3A_339 = vector.broadcast %squeeze3A_313 : f32 to vector<16xf32>
        %mul3A_340 = arith.mulf %sub3A_338, %mul3A_339 : vector<16xf32>
        %swap3A_341 = arith.index_cast %add3A_311 : i32 to index
        %swap3A_342 = arith.constant 16 : index
        %swap3A_343 = tpu.vector_load %arg16[%swap3A_341, %swap3A_342] {strides = array<i32>} : memref<80x128xf32, #tpu.memory_space<vmem>>, vector<1x16xf32>,
        %swap3A_344 = vector.shape_cast %swap3A_343 : vector<1x16xf32> to vector<16xf32>
        %swap3A_345 = vector.shape_cast %mul3A_340 : vector<16xf32> to vector<1x16xf32>
        tpu.vector_store %arg16[%swap3A_341, %swap3A_342], %swap3A_345 {strides = array<i32>} : memref<80x128xf32, #tpu.memory_space<vmem>>, vector<1x16xf32>,
        %get3A_346 = arith.index_cast %add3A_311 : i32 to index
        %get3A_347 = arith.constant 32 : index
        %get3A_348 = tpu.vector_load %arg16[%get3A_346, %get3A_347] {strides = array<i32>} : memref<80x128xf32, #tpu.memory_space<vmem>>, vector<1x16xf32>,
        %get3A_349 = vector.shape_cast %get3A_348 : vector<1x16xf32> to vector<16xf32>
        %get3A_350 = arith.index_cast %add3A_311 : i32 to index
        %get3A_351 = arith.constant 32 : index
        %get3A_352 = tpu.vector_load %arg15[%get3A_350, %get3A_351] {strides = array<i32>} : memref<80x128xf32, #tpu.memory_space<vmem>>, vector<1x16xf32>,
        %get3A_353 = vector.shape_cast %get3A_352 : vector<1x16xf32> to vector<16xf32>
        %sub3A_354 = arith.subf %get3A_349, %get3A_353 : vector<16xf32>
        %mul3A_355 = vector.broadcast %squeeze3A_313 : f32 to vector<16xf32>
        %mul3A_356 = arith.mulf %sub3A_354, %mul3A_355 : vector<16xf32>
        %swap3A_357 = arith.index_cast %add3A_311 : i32 to index
        %swap3A_358 = arith.constant 32 : index
        %swap3A_359 = tpu.vector_load %arg16[%swap3A_357, %swap3A_358] {strides = array<i32>} : memref<80x128xf32, #tpu.memory_space<vmem>>, vector<1x16xf32>,
        %swap3A_360 = vector.shape_cast %swap3A_359 : vector<1x16xf32> to vector<16xf32>
        %swap3A_361 = vector.shape_cast %mul3A_356 : vector<16xf32> to vector<1x16xf32>
        tpu.vector_store %arg16[%swap3A_357, %swap3A_358], %swap3A_361 {strides = array<i32>} : memref<80x128xf32, #tpu.memory_space<vmem>>, vector<1x16xf32>,
        %get3A_362 = arith.index_cast %add3A_311 : i32 to index
        %get3A_363 = arith.constant 48 : index
        %get3A_364 = tpu.vector_load %arg16[%get3A_362, %get3A_363] {strides = array<i32>} : memref<80x128xf32, #tpu.memory_space<vmem>>, vector<1x16xf32>,
        %get3A_365 = vector.shape_cast %get3A_364 : vector<1x16xf32> to vector<16xf32>
        %get3A_366 = arith.index_cast %add3A_311 : i32 to index
        %get3A_367 = arith.constant 48 : index
        %get3A_368 = tpu.vector_load %arg15[%get3A_366, %get3A_367] {strides = array<i32>} : memref<80x128xf32, #tpu.memory_space<vmem>>, vector<1x16xf32>,
        %get3A_369 = vector.shape_cast %get3A_368 : vector<1x16xf32> to vector<16xf32>
        %sub3A_370 = arith.subf %get3A_365, %get3A_369 : vector<16xf32>
        %mul3A_371 = vector.broadcast %squeeze3A_313 : f32 to vector<16xf32>
        %mul3A_372 = arith.mulf %sub3A_370, %mul3A_371 : vector<16xf32>
        %swap3A_373 = arith.index_cast %add3A_311 : i32 to index
        %swap3A_374 = arith.constant 48 : index
        %swap3A_375 = tpu.vector_load %arg16[%swap3A_373, %swap3A_374] {strides = array<i32>} : memref<80x128xf32, #tpu.memory_space<vmem>>, vector<1x16xf32>,
        %swap3A_376 = vector.shape_cast %swap3A_375 : vector<1x16xf32> to vector<16xf32>
        %swap3A_377 = vector.shape_cast %mul3A_372 : vector<16xf32> to vector<1x16xf32>
        tpu.vector_store %arg16[%swap3A_373, %swap3A_374], %swap3A_377 {strides = array<i32>} : memref<80x128xf32, #tpu.memory_space<vmem>>, vector<1x16xf32>,
        %get3A_378 = arith.index_cast %add3A_311 : i32 to index
        %get3A_379 = arith.constant 64 : index
        %get3A_380 = tpu.vector_load %arg16[%get3A_378, %get3A_379] {strides = array<i32>} : memref<80x128xf32, #tpu.memory_space<vmem>>, vector<1x16xf32>,
        %get3A_381 = vector.shape_cast %get3A_380 : vector<1x16xf32> to vector<16xf32>
        %get3A_382 = arith.index_cast %add3A_311 : i32 to index
        %get3A_383 = arith.constant 64 : index
        %get3A_384 = tpu.vector_load %arg15[%get3A_382, %get3A_383] {strides = array<i32>} : memref<80x128xf32, #tpu.memory_space<vmem>>, vector<1x16xf32>,
        %get3A_385 = vector.shape_cast %get3A_384 : vector<1x16xf32> to vector<16xf32>
        %sub3A_386 = arith.subf %get3A_381, %get3A_385 : vector<16xf32>
        %mul3A_387 = vector.broadcast %squeeze3A_313 : f32 to vector<16xf32>
        %mul3A_388 = arith.mulf %sub3A_386, %mul3A_387 : vector<16xf32>
        %swap3A_389 = arith.index_cast %add3A_311 : i32 to index
        %swap3A_390 = arith.constant 64 : index
        %swap3A_391 = tpu.vector_load %arg16[%swap3A_389, %swap3A_390] {strides = array<i32>} : memref<80x128xf32, #tpu.memory_space<vmem>>, vector<1x16xf32>,
        %swap3A_392 = vector.shape_cast %swap3A_391 : vector<1x16xf32> to vector<16xf32>
        %swap3A_393 = vector.shape_cast %mul3A_388 : vector<16xf32> to vector<1x16xf32>
        tpu.vector_store %arg16[%swap3A_389, %swap3A_390], %swap3A_393 {strides = array<i32>} : memref<80x128xf32, #tpu.memory_space<vmem>>, vector<1x16xf32>,
        %get3A_394 = arith.index_cast %add3A_311 : i32 to index
        %get3A_395 = arith.constant 80 : index
        %get3A_396 = tpu.vector_load %arg16[%get3A_394, %get3A_395] {strides = array<i32>} : memref<80x128xf32, #tpu.memory_space<vmem>>, vector<1x16xf32>,
        %get3A_397 = vector.shape_cast %get3A_396 : vector<1x16xf32> to vector<16xf32>
        %get3A_398 = arith.index_cast %add3A_311 : i32 to index
        %get3A_399 = arith.constant 80 : index
        %get3A_400 = tpu.vector_load %arg15[%get3A_398, %get3A_399] {strides = array<i32>} : memref<80x128xf32, #tpu.memory_space<vmem>>, vector<1x16xf32>,
        %get3A_401 = vector.shape_cast %get3A_400 : vector<1x16xf32> to vector<16xf32>
        %sub3A_402 = arith.subf %get3A_397, %get3A_401 : vector<16xf32>
        %mul3A_403 = vector.broadcast %squeeze3A_313 : f32 to vector<16xf32>
        %mul3A_404 = arith.mulf %sub3A_402, %mul3A_403 : vector<16xf32>
        %swap3A_405 = arith.index_cast %add3A_311 : i32 to index
        %swap3A_406 = arith.constant 80 : index
        %swap3A_407 = tpu.vector_load %arg16[%swap3A_405, %swap3A_406] {strides = array<i32>} : memref<80x128xf32, #tpu.memory_space<vmem>>, vector<1x16xf32>,
        %swap3A_408 = vector.shape_cast %swap3A_407 : vector<1x16xf32> to vector<16xf32>
        %swap3A_409 = vector.shape_cast %mul3A_404 : vector<16xf32> to vector<1x16xf32>
        tpu.vector_store %arg16[%swap3A_405, %swap3A_406], %swap3A_409 {strides = array<i32>} : memref<80x128xf32, #tpu.memory_space<vmem>>, vector<1x16xf32>,
        %get3A_410 = arith.index_cast %add3A_311 : i32 to index
        %get3A_411 = arith.constant 96 : index
        %get3A_412 = tpu.vector_load %arg16[%get3A_410, %get3A_411] {strides = array<i32>} : memref<80x128xf32, #tpu.memory_space<vmem>>, vector<1x16xf32>,
        %get3A_413 = vector.shape_cast %get3A_412 : vector<1x16xf32> to vector<16xf32>
        %get3A_414 = arith.index_cast %add3A_311 : i32 to index
        %get3A_415 = arith.constant 96 : index
        %get3A_416 = tpu.vector_load %arg15[%get3A_414, %get3A_415] {strides = array<i32>} : memref<80x128xf32, #tpu.memory_space<vmem>>, vector<1x16xf32>,
        %get3A_417 = vector.shape_cast %get3A_416 : vector<1x16xf32> to vector<16xf32>
        %sub3A_418 = arith.subf %get3A_413, %get3A_417 : vector<16xf32>
        %mul3A_419 = vector.broadcast %squeeze3A_313 : f32 to vector<16xf32>
        %mul3A_420 = arith.mulf %sub3A_418, %mul3A_419 : vector<16xf32>
        %swap3A_421 = arith.index_cast %add3A_311 : i32 to index
        %swap3A_422 = arith.constant 96 : index
        %swap3A_423 = tpu.vector_load %arg16[%swap3A_421, %swap3A_422] {strides = array<i32>} : memref<80x128xf32, #tpu.memory_space<vmem>>, vector<1x16xf32>,
        %swap3A_424 = vector.shape_cast %swap3A_423 : vector<1x16xf32> to vector<16xf32>
        %swap3A_425 = vector.shape_cast %mul3A_420 : vector<16xf32> to vector<1x16xf32>
        tpu.vector_store %arg16[%swap3A_421, %swap3A_422], %swap3A_425 {strides = array<i32>} : memref<80x128xf32, #tpu.memory_space<vmem>>, vector<1x16xf32>,
        %get3A_426 = arith.index_cast %add3A_311 : i32 to index
        %get3A_427 = arith.constant 112 : index
        %get3A_428 = tpu.vector_load %arg16[%get3A_426, %get3A_427] {strides = array<i32>} : memref<80x128xf32, #tpu.memory_space<vmem>>, vector<1x16xf32>,
        %get3A_429 = vector.shape_cast %get3A_428 : vector<1x16xf32> to vector<16xf32>
        %get3A_430 = arith.index_cast %add3A_311 : i32 to index
        %get3A_431 = arith.constant 112 : index
        %get3A_432 = tpu.vector_load %arg15[%get3A_430, %get3A_431] {strides = array<i32>} : memref<80x128xf32, #tpu.memory_space<vmem>>, vector<1x16xf32>,
        %get3A_433 = vector.shape_cast %get3A_432 : vector<1x16xf32> to vector<16xf32>
        %sub3A_434 = arith.subf %get3A_429, %get3A_433 : vector<16xf32>
        %mul3A_435 = vector.broadcast %squeeze3A_313 : f32 to vector<16xf32>
        %mul3A_436 = arith.mulf %sub3A_434, %mul3A_435 : vector<16xf32>
        %swap3A_437 = arith.index_cast %add3A_311 : i32 to index
        %swap3A_438 = arith.constant 112 : index
        %swap3A_439 = tpu.vector_load %arg16[%swap3A_437, %swap3A_438] {strides = array<i32>} : memref<80x128xf32, #tpu.memory_space<vmem>>, vector<1x16xf32>,
        %swap3A_440 = vector.shape_cast %swap3A_439 : vector<1x16xf32> to vector<16xf32>
        %swap3A_441 = vector.shape_cast %mul3A_436 : vector<16xf32> to vector<1x16xf32>
        tpu.vector_store %arg16[%swap3A_437, %swap3A_438], %swap3A_441 {strides = array<i32>} : memref<80x128xf32, #tpu.memory_space<vmem>>, vector<1x16xf32>,
        %mul3A_442 = arith.constant 16 : i32
        %mul3A_443 = arith.muli %scan3A_37, %mul3A_442 : i32
        %add3A_444 = arith.constant 3 : i32
        %add3A_445 = arith.addi %mul3A_443, %add3A_444 : i32
        %slice3A_446 = vector.extract_strided_slice %div3A_43 {offsets = [3], sizes = [1], strides = [1]} : vector<16xf32> to vector<1xf32>
        %squeeze3A_447 = vector.extract %slice3A_446[0] : f32 from vector<1xf32>
        %get3A_448 = arith.index_cast %add3A_445 : i32 to index
        %get3A_449 = arith.constant 0 : index
        %get3A_450 = tpu.vector_load %arg16[%get3A_448, %get3A_449] {strides = array<i32>} : memref<80x128xf32, #tpu.memory_space<vmem>>, vector<1x16xf32>,
        %get3A_451 = vector.shape_cast %get3A_450 : vector<1x16xf32> to vector<16xf32>
        %get3A_452 = arith.index_cast %add3A_445 : i32 to index
        %get3A_453 = arith.constant 0 : index
        %get3A_454 = tpu.vector_load %arg15[%get3A_452, %get3A_453] {strides = array<i32>} : memref<80x128xf32, #tpu.memory_space<vmem>>, vector<1x16xf32>,
        %get3A_455 = vector.shape_cast %get3A_454 : vector<1x16xf32> to vector<16xf32>
        %sub3A_456 = arith.subf %get3A_451, %get3A_455 : vector<16xf32>
        %mul3A_457 = vector.broadcast %squeeze3A_447 : f32 to vector<16xf32>
        %mul3A_458 = arith.mulf %sub3A_456, %mul3A_457 : vector<16xf32>
        %swap3A_459 = arith.index_cast %add3A_445 : i32 to index
        %swap3A_460 = arith.constant 0 : index
        %swap3A_461 = tpu.vector_load %arg16[%swap3A_459, %swap3A_460] {strides = array<i32>} : memref<80x128xf32, #tpu.memory_space<vmem>>, vector<1x16xf32>,
        %swap3A_462 = vector.shape_cast %swap3A_461 : vector<1x16xf32> to vector<16xf32>
        %swap3A_463 = vector.shape_cast %mul3A_458 : vector<16xf32> to vector<1x16xf32>
        tpu.vector_store %arg16[%swap3A_459, %swap3A_460], %swap3A_463 {strides = array<i32>} : memref<80x128xf32, #tpu.memory_space<vmem>>, vector<1x16xf32>,
        %get3A_464 = arith.index_cast %add3A_445 : i32 to index
        %get3A_465 = arith.constant 16 : index
        %get3A_466 = tpu.vector_load %arg16[%get3A_464, %get3A_465] {strides = array<i32>} : memref<80x128xf32, #tpu.memory_space<vmem>>, vector<1x16xf32>,
        %get3A_467 = vector.shape_cast %get3A_466 : vector<1x16xf32> to vector<16xf32>
        %get3A_468 = arith.index_cast %add3A_445 : i32 to index
        %get3A_469 = arith.constant 16 : index
        %get3A_470 = tpu.vector_load %arg15[%get3A_468, %get3A_469] {strides = array<i32>} : memref<80x128xf32, #tpu.memory_space<vmem>>, vector<1x16xf32>,
        %get3A_471 = vector.shape_cast %get3A_470 : vector<1x16xf32> to vector<16xf32>
        %sub3A_472 = arith.subf %get3A_467, %get3A_471 : vector<16xf32>
        %mul3A_473 = vector.broadcast %squeeze3A_447 : f32 to vector<16xf32>
        %mul3A_474 = arith.mulf %sub3A_472, %mul3A_473 : vector<16xf32>
        %swap3A_475 = arith.index_cast %add3A_445 : i32 to index
        %swap3A_476 = arith.constant 16 : index
        %swap3A_477 = tpu.vector_load %arg16[%swap3A_475, %swap3A_476] {strides = array<i32>} : memref<80x128xf32, #tpu.memory_space<vmem>>, vector<1x16xf32>,
        %swap3A_478 = vector.shape_cast %swap3A_477 : vector<1x16xf32> to vector<16xf32>
        %swap3A_479 = vector.shape_cast %mul3A_474 : vector<16xf32> to vector<1x16xf32>
        tpu.vector_store %arg16[%swap3A_475, %swap3A_476], %swap3A_479 {strides = array<i32>} : memref<80x128xf32, #tpu.memory_space<vmem>>, vector<1x16xf32>,
        %get3A_480 = arith.index_cast %add3A_445 : i32 to index
        %get3A_481 = arith.constant 32 : index
        %get3A_482 = tpu.vector_load %arg16[%get3A_480, %get3A_481] {strides = array<i32>} : memref<80x128xf32, #tpu.memory_space<vmem>>, vector<1x16xf32>,
        %get3A_483 = vector.shape_cast %get3A_482 : vector<1x16xf32> to vector<16xf32>
        %get3A_484 = arith.index_cast %add3A_445 : i32 to index
        %get3A_485 = arith.constant 32 : index
        %get3A_486 = tpu.vector_load %arg15[%get3A_484, %get3A_485] {strides = array<i32>} : memref<80x128xf32, #tpu.memory_space<vmem>>, vector<1x16xf32>,
        %get3A_487 = vector.shape_cast %get3A_486 : vector<1x16xf32> to vector<16xf32>
        %sub3A_488 = arith.subf %get3A_483, %get3A_487 : vector<16xf32>
        %mul3A_489 = vector.broadcast %squeeze3A_447 : f32 to vector<16xf32>
        %mul3A_490 = arith.mulf %sub3A_488, %mul3A_489 : vector<16xf32>
        %swap3A_491 = arith.index_cast %add3A_445 : i32 to index
        %swap3A_492 = arith.constant 32 : index
        %swap3A_493 = tpu.vector_load %arg16[%swap3A_491, %swap3A_492] {strides = array<i32>} : memref<80x128xf32, #tpu.memory_space<vmem>>, vector<1x16xf32>,
        %swap3A_494 = vector.shape_cast %swap3A_493 : vector<1x16xf32> to vector<16xf32>
        %swap3A_495 = vector.shape_cast %mul3A_490 : vector<16xf32> to vector<1x16xf32>
        tpu.vector_store %arg16[%swap3A_491, %swap3A_492], %swap3A_495 {strides = array<i32>} : memref<80x128xf32, #tpu.memory_space<vmem>>, vector<1x16xf32>,
        %get3A_496 = arith.index_cast %add3A_445 : i32 to index
        %get3A_497 = arith.constant 48 : index
        %get3A_498 = tpu.vector_load %arg16[%get3A_496, %get3A_497] {strides = array<i32>} : memref<80x128xf32, #tpu.memory_space<vmem>>, vector<1x16xf32>,
        %get3A_499 = vector.shape_cast %get3A_498 : vector<1x16xf32> to vector<16xf32>
        %get3A_500 = arith.index_cast %add3A_445 : i32 to index
        %get3A_501 = arith.constant 48 : index
        %get3A_502 = tpu.vector_load %arg15[%get3A_500, %get3A_501] {strides = array<i32>} : memref<80x128xf32, #tpu.memory_space<vmem>>, vector<1x16xf32>,
        %get3A_503 = vector.shape_cast %get3A_502 : vector<1x16xf32> to vector<16xf32>
        %sub3A_504 = arith.subf %get3A_499, %get3A_503 : vector<16xf32>
        %mul3A_505 = vector.broadcast %squeeze3A_447 : f32 to vector<16xf32>
        %mul3A_506 = arith.mulf %sub3A_504, %mul3A_505 : vector<16xf32>
        %swap3A_507 = arith.index_cast %add3A_445 : i32 to index
        %swap3A_508 = arith.constant 48 : index
        %swap3A_509 = tpu.vector_load %arg16[%swap3A_507, %swap3A_508] {strides = array<i32>} : memref<80x128xf32, #tpu.memory_space<vmem>>, vector<1x16xf32>,
        %swap3A_510 = vector.shape_cast %swap3A_509 : vector<1x16xf32> to vector<16xf32>
        %swap3A_511 = vector.shape_cast %mul3A_506 : vector<16xf32> to vector<1x16xf32>
        tpu.vector_store %arg16[%swap3A_507, %swap3A_508], %swap3A_511 {strides = array<i32>} : memref<80x128xf32, #tpu.memory_space<vmem>>, vector<1x16xf32>,
        %get3A_512 = arith.index_cast %add3A_445 : i32 to index
        %get3A_513 = arith.constant 64 : index
        %get3A_514 = tpu.vector_load %arg16[%get3A_512, %get3A_513] {strides = array<i32>} : memref<80x128xf32, #tpu.memory_space<vmem>>, vector<1x16xf32>,
        %get3A_515 = vector.shape_cast %get3A_514 : vector<1x16xf32> to vector<16xf32>
        %get3A_516 = arith.index_cast %add3A_445 : i32 to index
        %get3A_517 = arith.constant 64 : index
        %get3A_518 = tpu.vector_load %arg15[%get3A_516, %get3A_517] {strides = array<i32>} : memref<80x128xf32, #tpu.memory_space<vmem>>, vector<1x16xf32>,
        %get3A_519 = vector.shape_cast %get3A_518 : vector<1x16xf32> to vector<16xf32>
        %sub3A_520 = arith.subf %get3A_515, %get3A_519 : vector<16xf32>
        %mul3A_521 = vector.broadcast %squeeze3A_447 : f32 to vector<16xf32>
        %mul3A_522 = arith.mulf %sub3A_520, %mul3A_521 : vector<16xf32>
        %swap3A_523 = arith.index_cast %add3A_445 : i32 to index
        %swap3A_524 = arith.constant 64 : index
        %swap3A_525 = tpu.vector_load %arg16[%swap3A_523, %swap3A_524] {strides = array<i32>} : memref<80x128xf32, #tpu.memory_space<vmem>>, vector<1x16xf32>,
        %swap3A_526 = vector.shape_cast %swap3A_525 : vector<1x16xf32> to vector<16xf32>
        %swap3A_527 = vector.shape_cast %mul3A_522 : vector<16xf32> to vector<1x16xf32>
        tpu.vector_store %arg16[%swap3A_523, %swap3A_524], %swap3A_527 {strides = array<i32>} : memref<80x128xf32, #tpu.memory_space<vmem>>, vector<1x16xf32>,
        %get3A_528 = arith.index_cast %add3A_445 : i32 to index
        %get3A_529 = arith.constant 80 : index
        %get3A_530 = tpu.vector_load %arg16[%get3A_528, %get3A_529] {strides = array<i32>} : memref<80x128xf32, #tpu.memory_space<vmem>>, vector<1x16xf32>,
        %get3A_531 = vector.shape_cast %get3A_530 : vector<1x16xf32> to vector<16xf32>
        %get3A_532 = arith.index_cast %add3A_445 : i32 to index
        %get3A_533 = arith.constant 80 : index
        %get3A_534 = tpu.vector_load %arg15[%get3A_532, %get3A_533] {strides = array<i32>} : memref<80x128xf32, #tpu.memory_space<vmem>>, vector<1x16xf32>,
        %get3A_535 = vector.shape_cast %get3A_534 : vector<1x16xf32> to vector<16xf32>
        %sub3A_536 = arith.subf %get3A_531, %get3A_535 : vector<16xf32>
        %mul3A_537 = vector.broadcast %squeeze3A_447 : f32 to vector<16xf32>
        %mul3A_538 = arith.mulf %sub3A_536, %mul3A_537 : vector<16xf32>
        %swap3A_539 = arith.index_cast %add3A_445 : i32 to index
        %swap3A_540 = arith.constant 80 : index
        %swap3A_541 = tpu.vector_load %arg16[%swap3A_539, %swap3A_540] {strides = array<i32>} : memref<80x128xf32, #tpu.memory_space<vmem>>, vector<1x16xf32>,
        %swap3A_542 = vector.shape_cast %swap3A_541 : vector<1x16xf32> to vector<16xf32>
        %swap3A_543 = vector.shape_cast %mul3A_538 : vector<16xf32> to vector<1x16xf32>
        tpu.vector_store %arg16[%swap3A_539, %swap3A_540], %swap3A_543 {strides = array<i32>} : memref<80x128xf32, #tpu.memory_space<vmem>>, vector<1x16xf32>,
        %get3A_544 = arith.index_cast %add3A_445 : i32 to index
        %get3A_545 = arith.constant 96 : index
        %get3A_546 = tpu.vector_load %arg16[%get3A_544, %get3A_545] {strides = array<i32>} : memref<80x128xf32, #tpu.memory_space<vmem>>, vector<1x16xf32>,
        %get3A_547 = vector.shape_cast %get3A_546 : vector<1x16xf32> to vector<16xf32>
        %get3A_548 = arith.index_cast %add3A_445 : i32 to index
        %get3A_549 = arith.constant 96 : index
        %get3A_550 = tpu.vector_load %arg15[%get3A_548, %get3A_549] {strides = array<i32>} : memref<80x128xf32, #tpu.memory_space<vmem>>, vector<1x16xf32>,
        %get3A_551 = vector.shape_cast %get3A_550 : vector<1x16xf32> to vector<16xf32>
        %sub3A_552 = arith.subf %get3A_547, %get3A_551 : vector<16xf32>
        %mul3A_553 = vector.broadcast %squeeze3A_447 : f32 to vector<16xf32>
        %mul3A_554 = arith.mulf %sub3A_552, %mul3A_553 : vector<16xf32>
        %swap3A_555 = arith.index_cast %add3A_445 : i32 to index
        %swap3A_556 = arith.constant 96 : index
        %swap3A_557 = tpu.vector_load %arg16[%swap3A_555, %swap3A_556] {strides = array<i32>} : memref<80x128xf32, #tpu.memory_space<vmem>>, vector<1x16xf32>,
        %swap3A_558 = vector.shape_cast %swap3A_557 : vector<1x16xf32> to vector<16xf32>
        %swap3A_559 = vector.shape_cast %mul3A_554 : vector<16xf32> to vector<1x16xf32>
        tpu.vector_store %arg16[%swap3A_555, %swap3A_556], %swap3A_559 {strides = array<i32>} : memref<80x128xf32, #tpu.memory_space<vmem>>, vector<1x16xf32>,
        %get3A_560 = arith.index_cast %add3A_445 : i32 to index
        %get3A_561 = arith.constant 112 : index
        %get3A_562 = tpu.vector_load %arg16[%get3A_560, %get3A_561] {strides = array<i32>} : memref<80x128xf32, #tpu.memory_space<vmem>>, vector<1x16xf32>,
        %get3A_563 = vector.shape_cast %get3A_562 : vector<1x16xf32> to vector<16xf32>
        %get3A_564 = arith.index_cast %add3A_445 : i32 to index
        %get3A_565 = arith.constant 112 : index
        %get3A_566 = tpu.vector_load %arg15[%get3A_564, %get3A_565] {strides = array<i32>} : memref<80x128xf32, #tpu.memory_space<vmem>>, vector<1x16xf32>,
        %get3A_567 = vector.shape_cast %get3A_566 : vector<1x16xf32> to vector<16xf32>
        %sub3A_568 = arith.subf %get3A_563, %get3A_567 : vector<16xf32>
        %mul3A_569 = vector.broadcast %squeeze3A_447 : f32 to vector<16xf32>
        %mul3A_570 = arith.mulf %sub3A_568, %mul3A_569 : vector<16xf32>
        %swap3A_571 = arith.index_cast %add3A_445 : i32 to index
        %swap3A_572 = arith.constant 112 : index
        %swap3A_573 = tpu.vector_load %arg16[%swap3A_571, %swap3A_572] {strides = array<i32>} : memref<80x128xf32, #tpu.memory_space<vmem>>, vector<1x16xf32>,
        %swap3A_574 = vector.shape_cast %swap3A_573 : vector<1x16xf32> to vector<16xf32>
        %swap3A_575 = vector.shape_cast %mul3A_570 : vector<16xf32> to vector<1x16xf32>
        tpu.vector_store %arg16[%swap3A_571, %swap3A_572], %swap3A_575 {strides = array<i32>} : memref<80x128xf32, #tpu.memory_space<vmem>>, vector<1x16xf32>,
        %mul3A_576 = arith.constant 16 : i32
        %mul3A_577 = arith.muli %scan3A_37, %mul3A_576 : i32
        %add3A_578 = arith.constant 4 : i32
        %add3A_579 = arith.addi %mul3A_577, %add3A_578 : i32
        %slice3A_580 = vector.extract_strided_slice %div3A_43 {offsets = [4], sizes = [1], strides = [1]} : vector<16xf32> to vector<1xf32>
        %squeeze3A_581 = vector.extract %slice3A_580[0] : f32 from vector<1xf32>
        %get3A_582 = arith.index_cast %add3A_579 : i32 to index
        %get3A_583 = arith.constant 0 : index
        %get3A_584 = tpu.vector_load %arg16[%get3A_582, %get3A_583] {strides = array<i32>} : memref<80x128xf32, #tpu.memory_space<vmem>>, vector<1x16xf32>,
        %get3A_585 = vector.shape_cast %get3A_584 : vector<1x16xf32> to vector<16xf32>
        %get3A_586 = arith.index_cast %add3A_579 : i32 to index
        %get3A_587 = arith.constant 0 : index
        %get3A_588 = tpu.vector_load %arg15[%get3A_586, %get3A_587] {strides = array<i32>} : memref<80x128xf32, #tpu.memory_space<vmem>>, vector<1x16xf32>,
        %get3A_589 = vector.shape_cast %get3A_588 : vector<1x16xf32> to vector<16xf32>
        %sub3A_590 = arith.subf %get3A_585, %get3A_589 : vector<16xf32>
        %mul3A_591 = vector.broadcast %squeeze3A_581 : f32 to vector<16xf32>
        %mul3A_592 = arith.mulf %sub3A_590, %mul3A_591 : vector<16xf32>
        %swap3A_593 = arith.index_cast %add3A_579 : i32 to index
        %swap3A_594 = arith.constant 0 : index
        %swap3A_595 = tpu.vector_load %arg16[%swap3A_593, %swap3A_594] {strides = array<i32>} : memref<80x128xf32, #tpu.memory_space<vmem>>, vector<1x16xf32>,
        %swap3A_596 = vector.shape_cast %swap3A_595 : vector<1x16xf32> to vector<16xf32>
        %swap3A_597 = vector.shape_cast %mul3A_592 : vector<16xf32> to vector<1x16xf32>
        tpu.vector_store %arg16[%swap3A_593, %swap3A_594], %swap3A_597 {strides = array<i32>} : memref<80x128xf32, #tpu.memory_space<vmem>>, vector<1x16xf32>,
        %get3A_598 = arith.index_cast %add3A_579 : i32 to index
        %get3A_599 = arith.constant 16 : index
        %get3A_600 = tpu.vector_load %arg16[%get3A_598, %get3A_599] {strides = array<i32>} : memref<80x128xf32, #tpu.memory_space<vmem>>, vector<1x16xf32>,
        %get3A_601 = vector.shape_cast %get3A_600 : vector<1x16xf32> to vector<16xf32>
        %get3A_602 = arith.index_cast %add3A_579 : i32 to index
        %get3A_603 = arith.constant 16 : index
        %get3A_604 = tpu.vector_load %arg15[%get3A_602, %get3A_603] {strides = array<i32>} : memref<80x128xf32, #tpu.memory_space<vmem>>, vector<1x16xf32>,
        %get3A_605 = vector.shape_cast %get3A_604 : vector<1x16xf32> to vector<16xf32>
        %sub3A_606 = arith.subf %get3A_601, %get3A_605 : vector<16xf32>
        %mul3A_607 = vector.broadcast %squeeze3A_581 : f32 to vector<16xf32>
        %mul3A_608 = arith.mulf %sub3A_606, %mul3A_607 : vector<16xf32>
        %swap3A_609 = arith.index_cast %add3A_579 : i32 to index
        %swap3A_610 = arith.constant 16 : index
        %swap3A_611 = tpu.vector_load %arg16[%swap3A_609, %swap3A_610] {strides = array<i32>} : memref<80x128xf32, #tpu.memory_space<vmem>>, vector<1x16xf32>,
        %swap3A_612 = vector.shape_cast %swap3A_611 : vector<1x16xf32> to vector<16xf32>
        %swap3A_613 = vector.shape_cast %mul3A_608 : vector<16xf32> to vector<1x16xf32>
        tpu.vector_store %arg16[%swap3A_609, %swap3A_610], %swap3A_613 {strides = array<i32>} : memref<80x128xf32, #tpu.memory_space<vmem>>, vector<1x16xf32>,
        %get3A_614 = arith.index_cast %add3A_579 : i32 to index
        %get3A_615 = arith.constant 32 : index
        %get3A_616 = tpu.vector_load %arg16[%get3A_614, %get3A_615] {strides = array<i32>} : memref<80x128xf32, #tpu.memory_space<vmem>>, vector<1x16xf32>,
        %get3A_617 = vector.shape_cast %get3A_616 : vector<1x16xf32> to vector<16xf32>
        %get3A_618 = arith.index_cast %add3A_579 : i32 to index
        %get3A_619 = arith.constant 32 : index
        %get3A_620 = tpu.vector_load %arg15[%get3A_618, %get3A_619] {strides = array<i32>} : memref<80x128xf32, #tpu.memory_space<vmem>>, vector<1x16xf32>,
        %get3A_621 = vector.shape_cast %get3A_620 : vector<1x16xf32> to vector<16xf32>
        %sub3A_622 = arith.subf %get3A_617, %get3A_621 : vector<16xf32>
        %mul3A_623 = vector.broadcast %squeeze3A_581 : f32 to vector<16xf32>
        %mul3A_624 = arith.mulf %sub3A_622, %mul3A_623 : vector<16xf32>
        %swap3A_625 = arith.index_cast %add3A_579 : i32 to index
        %swap3A_626 = arith.constant 32 : index
        %swap3A_627 = tpu.vector_load %arg16[%swap3A_625, %swap3A_626] {strides = array<i32>} : memref<80x128xf32, #tpu.memory_space<vmem>>, vector<1x16xf32>,
        %swap3A_628 = vector.shape_cast %swap3A_627 : vector<1x16xf32> to vector<16xf32>
        %swap3A_629 = vector.shape_cast %mul3A_624 : vector<16xf32> to vector<1x16xf32>
        tpu.vector_store %arg16[%swap3A_625, %swap3A_626], %swap3A_629 {strides = array<i32>} : memref<80x128xf32, #tpu.memory_space<vmem>>, vector<1x16xf32>,
        %get3A_630 = arith.index_cast %add3A_579 : i32 to index
        %get3A_631 = arith.constant 48 : index
        %get3A_632 = tpu.vector_load %arg16[%get3A_630, %get3A_631] {strides = array<i32>} : memref<80x128xf32, #tpu.memory_space<vmem>>, vector<1x16xf32>,
        %get3A_633 = vector.shape_cast %get3A_632 : vector<1x16xf32> to vector<16xf32>
        %get3A_634 = arith.index_cast %add3A_579 : i32 to index
        %get3A_635 = arith.constant 48 : index
        %get3A_636 = tpu.vector_load %arg15[%get3A_634, %get3A_635] {strides = array<i32>} : memref<80x128xf32, #tpu.memory_space<vmem>>, vector<1x16xf32>,
        %get3A_637 = vector.shape_cast %get3A_636 : vector<1x16xf32> to vector<16xf32>
        %sub3A_638 = arith.subf %get3A_633, %get3A_637 : vector<16xf32>
        %mul3A_639 = vector.broadcast %squeeze3A_581 : f32 to vector<16xf32>
        %mul3A_640 = arith.mulf %sub3A_638, %mul3A_639 : vector<16xf32>
        %swap3A_641 = arith.index_cast %add3A_579 : i32 to index
        %swap3A_642 = arith.constant 48 : index
        %swap3A_643 = tpu.vector_load %arg16[%swap3A_641, %swap3A_642] {strides = array<i32>} : memref<80x128xf32, #tpu.memory_space<vmem>>, vector<1x16xf32>,
        %swap3A_644 = vector.shape_cast %swap3A_643 : vector<1x16xf32> to vector<16xf32>
        %swap3A_645 = vector.shape_cast %mul3A_640 : vector<16xf32> to vector<1x16xf32>
        tpu.vector_store %arg16[%swap3A_641, %swap3A_642], %swap3A_645 {strides = array<i32>} : memref<80x128xf32, #tpu.memory_space<vmem>>, vector<1x16xf32>,
        %get3A_646 = arith.index_cast %add3A_579 : i32 to index
        %get3A_647 = arith.constant 64 : index
        %get3A_648 = tpu.vector_load %arg16[%get3A_646, %get3A_647] {strides = array<i32>} : memref<80x128xf32, #tpu.memory_space<vmem>>, vector<1x16xf32>,
        %get3A_649 = vector.shape_cast %get3A_648 : vector<1x16xf32> to vector<16xf32>
        %get3A_650 = arith.index_cast %add3A_579 : i32 to index
        %get3A_651 = arith.constant 64 : index
        %get3A_652 = tpu.vector_load %arg15[%get3A_650, %get3A_651] {strides = array<i32>} : memref<80x128xf32, #tpu.memory_space<vmem>>, vector<1x16xf32>,
        %get3A_653 = vector.shape_cast %get3A_652 : vector<1x16xf32> to vector<16xf32>
        %sub3A_654 = arith.subf %get3A_649, %get3A_653 : vector<16xf32>
        %mul3A_655 = vector.broadcast %squeeze3A_581 : f32 to vector<16xf32>
        %mul3A_656 = arith.mulf %sub3A_654, %mul3A_655 : vector<16xf32>
        %swap3A_657 = arith.index_cast %add3A_579 : i32 to index
        %swap3A_658 = arith.constant 64 : index
        %swap3A_659 = tpu.vector_load %arg16[%swap3A_657, %swap3A_658] {strides = array<i32>} : memref<80x128xf32, #tpu.memory_space<vmem>>, vector<1x16xf32>,
        %swap3A_660 = vector.shape_cast %swap3A_659 : vector<1x16xf32> to vector<16xf32>
        %swap3A_661 = vector.shape_cast %mul3A_656 : vector<16xf32> to vector<1x16xf32>
        tpu.vector_store %arg16[%swap3A_657, %swap3A_658], %swap3A_661 {strides = array<i32>} : memref<80x128xf32, #tpu.memory_space<vmem>>, vector<1x16xf32>,
        %get3A_662 = arith.index_cast %add3A_579 : i32 to index
        %get3A_663 = arith.constant 80 : index
        %get3A_664 = tpu.vector_load %arg16[%get3A_662, %get3A_663] {strides = array<i32>} : memref<80x128xf32, #tpu.memory_space<vmem>>, vector<1x16xf32>,
        %get3A_665 = vector.shape_cast %get3A_664 : vector<1x16xf32> to vector<16xf32>
        %get3A_666 = arith.index_cast %add3A_579 : i32 to index
        %get3A_667 = arith.constant 80 : index
        %get3A_668 = tpu.vector_load %arg15[%get3A_666, %get3A_667] {strides = array<i32>} : memref<80x128xf32, #tpu.memory_space<vmem>>, vector<1x16xf32>,
        %get3A_669 = vector.shape_cast %get3A_668 : vector<1x16xf32> to vector<16xf32>
        %sub3A_670 = arith.subf %get3A_665, %get3A_669 : vector<16xf32>
        %mul3A_671 = vector.broadcast %squeeze3A_581 : f32 to vector<16xf32>
        %mul3A_672 = arith.mulf %sub3A_670, %mul3A_671 : vector<16xf32>
        %swap3A_673 = arith.index_cast %add3A_579 : i32 to index
        %swap3A_674 = arith.constant 80 : index
        %swap3A_675 = tpu.vector_load %arg16[%swap3A_673, %swap3A_674] {strides = array<i32>} : memref<80x128xf32, #tpu.memory_space<vmem>>, vector<1x16xf32>,
        %swap3A_676 = vector.shape_cast %swap3A_675 : vector<1x16xf32> to vector<16xf32>
        %swap3A_677 = vector.shape_cast %mul3A_672 : vector<16xf32> to vector<1x16xf32>
        tpu.vector_store %arg16[%swap3A_673, %swap3A_674], %swap3A_677 {strides = array<i32>} : memref<80x128xf32, #tpu.memory_space<vmem>>, vector<1x16xf32>,
        %get3A_678 = arith.index_cast %add3A_579 : i32 to index
        %get3A_679 = arith.constant 96 : index
        %get3A_680 = tpu.vector_load %arg16[%get3A_678, %get3A_679] {strides = array<i32>} : memref<80x128xf32, #tpu.memory_space<vmem>>, vector<1x16xf32>,
        %get3A_681 = vector.shape_cast %get3A_680 : vector<1x16xf32> to vector<16xf32>
        %get3A_682 = arith.index_cast %add3A_579 : i32 to index
        %get3A_683 = arith.constant 96 : index
        %get3A_684 = tpu.vector_load %arg15[%get3A_682, %get3A_683] {strides = array<i32>} : memref<80x128xf32, #tpu.memory_space<vmem>>, vector<1x16xf32>,
        %get3A_685 = vector.shape_cast %get3A_684 : vector<1x16xf32> to vector<16xf32>
        %sub3A_686 = arith.subf %get3A_681, %get3A_685 : vector<16xf32>
        %mul3A_687 = vector.broadcast %squeeze3A_581 : f32 to vector<16xf32>
        %mul3A_688 = arith.mulf %sub3A_686, %mul3A_687 : vector<16xf32>
        %swap3A_689 = arith.index_cast %add3A_579 : i32 to index
        %swap3A_690 = arith.constant 96 : index
        %swap3A_691 = tpu.vector_load %arg16[%swap3A_689, %swap3A_690] {strides = array<i32>} : memref<80x128xf32, #tpu.memory_space<vmem>>, vector<1x16xf32>,
        %swap3A_692 = vector.shape_cast %swap3A_691 : vector<1x16xf32> to vector<16xf32>
        %swap3A_693 = vector.shape_cast %mul3A_688 : vector<16xf32> to vector<1x16xf32>
        tpu.vector_store %arg16[%swap3A_689, %swap3A_690], %swap3A_693 {strides = array<i32>} : memref<80x128xf32, #tpu.memory_space<vmem>>, vector<1x16xf32>,
        %get3A_694 = arith.index_cast %add3A_579 : i32 to index
        %get3A_695 = arith.constant 112 : index
        %get3A_696 = tpu.vector_load %arg16[%get3A_694, %get3A_695] {strides = array<i32>} : memref<80x128xf32, #tpu.memory_space<vmem>>, vector<1x16xf32>,
        %get3A_697 = vector.shape_cast %get3A_696 : vector<1x16xf32> to vector<16xf32>
        %get3A_698 = arith.index_cast %add3A_579 : i32 to index
        %get3A_699 = arith.constant 112 : index
        %get3A_700 = tpu.vector_load %arg15[%get3A_698, %get3A_699] {strides = array<i32>} : memref<80x128xf32, #tpu.memory_space<vmem>>, vector<1x16xf32>,
        %get3A_701 = vector.shape_cast %get3A_700 : vector<1x16xf32> to vector<16xf32>
        %sub3A_702 = arith.subf %get3A_697, %get3A_701 : vector<16xf32>
        %mul3A_703 = vector.broadcast %squeeze3A_581 : f32 to vector<16xf32>
        %mul3A_704 = arith.mulf %sub3A_702, %mul3A_703 : vector<16xf32>
        %swap3A_705 = arith.index_cast %add3A_579 : i32 to index
        %swap3A_706 = arith.constant 112 : index
        %swap3A_707 = tpu.vector_load %arg16[%swap3A_705, %swap3A_706] {strides = array<i32>} : memref<80x128xf32, #tpu.memory_space<vmem>>, vector<1x16xf32>,
        %swap3A_708 = vector.shape_cast %swap3A_707 : vector<1x16xf32> to vector<16xf32>
        %swap3A_709 = vector.shape_cast %mul3A_704 : vector<16xf32> to vector<1x16xf32>
        tpu.vector_store %arg16[%swap3A_705, %swap3A_706], %swap3A_709 {strides = array<i32>} : memref<80x128xf32, #tpu.memory_space<vmem>>, vector<1x16xf32>,
        %mul3A_710 = arith.constant 16 : i32
        %mul3A_711 = arith.muli %scan3A_37, %mul3A_710 : i32
        %add3A_712 = arith.constant 5 : i32
        %add3A_713 = arith.addi %mul3A_711, %add3A_712 : i32
        %slice3A_714 = vector.extract_strided_slice %div3A_43 {offsets = [5], sizes = [1], strides = [1]} : vector<16xf32> to vector<1xf32>
        %squeeze3A_715 = vector.extract %slice3A_714[0] : f32 from vector<1xf32>
        %get3A_716 = arith.index_cast %add3A_713 : i32 to index
        %get3A_717 = arith.constant 0 : index
        %get3A_718 = tpu.vector_load %arg16[%get3A_716, %get3A_717] {strides = array<i32>} : memref<80x128xf32, #tpu.memory_space<vmem>>, vector<1x16xf32>,
        %get3A_719 = vector.shape_cast %get3A_718 : vector<1x16xf32> to vector<16xf32>
        %get3A_720 = arith.index_cast %add3A_713 : i32 to index
        %get3A_721 = arith.constant 0 : index
        %get3A_722 = tpu.vector_load %arg15[%get3A_720, %get3A_721] {strides = array<i32>} : memref<80x128xf32, #tpu.memory_space<vmem>>, vector<1x16xf32>,
        %get3A_723 = vector.shape_cast %get3A_722 : vector<1x16xf32> to vector<16xf32>
        %sub3A_724 = arith.subf %get3A_719, %get3A_723 : vector<16xf32>
        %mul3A_725 = vector.broadcast %squeeze3A_715 : f32 to vector<16xf32>
        %mul3A_726 = arith.mulf %sub3A_724, %mul3A_725 : vector<16xf32>
        %swap3A_727 = arith.index_cast %add3A_713 : i32 to index
        %swap3A_728 = arith.constant 0 : index
        %swap3A_729 = tpu.vector_load %arg16[%swap3A_727, %swap3A_728] {strides = array<i32>} : memref<80x128xf32, #tpu.memory_space<vmem>>, vector<1x16xf32>,
        %swap3A_730 = vector.shape_cast %swap3A_729 : vector<1x16xf32> to vector<16xf32>
        %swap3A_731 = vector.shape_cast %mul3A_726 : vector<16xf32> to vector<1x16xf32>
        tpu.vector_store %arg16[%swap3A_727, %swap3A_728], %swap3A_731 {strides = array<i32>} : memref<80x128xf32, #tpu.memory_space<vmem>>, vector<1x16xf32>,
        %get3A_732 = arith.index_cast %add3A_713 : i32 to index
        %get3A_733 = arith.constant 16 : index
        %get3A_734 = tpu.vector_load %arg16[%get3A_732, %get3A_733] {strides = array<i32>} : memref<80x128xf32, #tpu.memory_space<vmem>>, vector<1x16xf32>,
        %get3A_735 = vector.shape_cast %get3A_734 : vector<1x16xf32> to vector<16xf32>
        %get3A_736 = arith.index_cast %add3A_713 : i32 to index
        %get3A_737 = arith.constant 16 : index
        %get3A_738 = tpu.vector_load %arg15[%get3A_736, %get3A_737] {strides = array<i32>} : memref<80x128xf32, #tpu.memory_space<vmem>>, vector<1x16xf32>,
        %get3A_739 = vector.shape_cast %get3A_738 : vector<1x16xf32> to vector<16xf32>
        %sub3A_740 = arith.subf %get3A_735, %get3A_739 : vector<16xf32>
        %mul3A_741 = vector.broadcast %squeeze3A_715 : f32 to vector<16xf32>
        %mul3A_742 = arith.mulf %sub3A_740, %mul3A_741 : vector<16xf32>
        %swap3A_743 = arith.index_cast %add3A_713 : i32 to index
        %swap3A_744 = arith.constant 16 : index
        %swap3A_745 = tpu.vector_load %arg16[%swap3A_743, %swap3A_744] {strides = array<i32>} : memref<80x128xf32, #tpu.memory_space<vmem>>, vector<1x16xf32>,
        %swap3A_746 = vector.shape_cast %swap3A_745 : vector<1x16xf32> to vector<16xf32>
        %swap3A_747 = vector.shape_cast %mul3A_742 : vector<16xf32> to vector<1x16xf32>
        tpu.vector_store %arg16[%swap3A_743, %swap3A_744], %swap3A_747 {strides = array<i32>} : memref<80x128xf32, #tpu.memory_space<vmem>>, vector<1x16xf32>,
        %get3A_748 = arith.index_cast %add3A_713 : i32 to index
        %get3A_749 = arith.constant 32 : index
        %get3A_750 = tpu.vector_load %arg16[%get3A_748, %get3A_749] {strides = array<i32>} : memref<80x128xf32, #tpu.memory_space<vmem>>, vector<1x16xf32>,
        %get3A_751 = vector.shape_cast %get3A_750 : vector<1x16xf32> to vector<16xf32>
        %get3A_752 = arith.index_cast %add3A_713 : i32 to index
        %get3A_753 = arith.constant 32 : index
        %get3A_754 = tpu.vector_load %arg15[%get3A_752, %get3A_753] {strides = array<i32>} : memref<80x128xf32, #tpu.memory_space<vmem>>, vector<1x16xf32>,
        %get3A_755 = vector.shape_cast %get3A_754 : vector<1x16xf32> to vector<16xf32>
        %sub3A_756 = arith.subf %get3A_751, %get3A_755 : vector<16xf32>
        %mul3A_757 = vector.broadcast %squeeze3A_715 : f32 to vector<16xf32>
        %mul3A_758 = arith.mulf %sub3A_756, %mul3A_757 : vector<16xf32>
        %swap3A_759 = arith.index_cast %add3A_713 : i32 to index
        %swap3A_760 = arith.constant 32 : index
        %swap3A_761 = tpu.vector_load %arg16[%swap3A_759, %swap3A_760] {strides = array<i32>} : memref<80x128xf32, #tpu.memory_space<vmem>>, vector<1x16xf32>,
        %swap3A_762 = vector.shape_cast %swap3A_761 : vector<1x16xf32> to vector<16xf32>
        %swap3A_763 = vector.shape_cast %mul3A_758 : vector<16xf32> to vector<1x16xf32>
        tpu.vector_store %arg16[%swap3A_759, %swap3A_760], %swap3A_763 {strides = array<i32>} : memref<80x128xf32, #tpu.memory_space<vmem>>, vector<1x16xf32>,
        %get3A_764 = arith.index_cast %add3A_713 : i32 to index
        %get3A_765 = arith.constant 48 : index
        %get3A_766 = tpu.vector_load %arg16[%get3A_764, %get3A_765] {strides = array<i32>} : memref<80x128xf32, #tpu.memory_space<vmem>>, vector<1x16xf32>,
        %get3A_767 = vector.shape_cast %get3A_766 : vector<1x16xf32> to vector<16xf32>
        %get3A_768 = arith.index_cast %add3A_713 : i32 to index
        %get3A_769 = arith.constant 48 : index
        %get3A_770 = tpu.vector_load %arg15[%get3A_768, %get3A_769] {strides = array<i32>} : memref<80x128xf32, #tpu.memory_space<vmem>>, vector<1x16xf32>,
        %get3A_771 = vector.shape_cast %get3A_770 : vector<1x16xf32> to vector<16xf32>
        %sub3A_772 = arith.subf %get3A_767, %get3A_771 : vector<16xf32>
        %mul3A_773 = vector.broadcast %squeeze3A_715 : f32 to vector<16xf32>
        %mul3A_774 = arith.mulf %sub3A_772, %mul3A_773 : vector<16xf32>
        %swap3A_775 = arith.index_cast %add3A_713 : i32 to index
        %swap3A_776 = arith.constant 48 : index
        %swap3A_777 = tpu.vector_load %arg16[%swap3A_775, %swap3A_776] {strides = array<i32>} : memref<80x128xf32, #tpu.memory_space<vmem>>, vector<1x16xf32>,
        %swap3A_778 = vector.shape_cast %swap3A_777 : vector<1x16xf32> to vector<16xf32>
        %swap3A_779 = vector.shape_cast %mul3A_774 : vector<16xf32> to vector<1x16xf32>
        tpu.vector_store %arg16[%swap3A_775, %swap3A_776], %swap3A_779 {strides = array<i32>} : memref<80x128xf32, #tpu.memory_space<vmem>>, vector<1x16xf32>,
        %get3A_780 = arith.index_cast %add3A_713 : i32 to index
        %get3A_781 = arith.constant 64 : index
        %get3A_782 = tpu.vector_load %arg16[%get3A_780, %get3A_781] {strides = array<i32>} : memref<80x128xf32, #tpu.memory_space<vmem>>, vector<1x16xf32>,
        %get3A_783 = vector.shape_cast %get3A_782 : vector<1x16xf32> to vector<16xf32>
        %get3A_784 = arith.index_cast %add3A_713 : i32 to index
        %get3A_785 = arith.constant 64 : index
        %get3A_786 = tpu.vector_load %arg15[%get3A_784, %get3A_785] {strides = array<i32>} : memref<80x128xf32, #tpu.memory_space<vmem>>, vector<1x16xf32>,
        %get3A_787 = vector.shape_cast %get3A_786 : vector<1x16xf32> to vector<16xf32>
        %sub3A_788 = arith.subf %get3A_783, %get3A_787 : vector<16xf32>
        %mul3A_789 = vector.broadcast %squeeze3A_715 : f32 to vector<16xf32>
        %mul3A_790 = arith.mulf %sub3A_788, %mul3A_789 : vector<16xf32>
        %swap3A_791 = arith.index_cast %add3A_713 : i32 to index
        %swap3A_792 = arith.constant 64 : index
        %swap3A_793 = tpu.vector_load %arg16[%swap3A_791, %swap3A_792] {strides = array<i32>} : memref<80x128xf32, #tpu.memory_space<vmem>>, vector<1x16xf32>,
        %swap3A_794 = vector.shape_cast %swap3A_793 : vector<1x16xf32> to vector<16xf32>
        %swap3A_795 = vector.shape_cast %mul3A_790 : vector<16xf32> to vector<1x16xf32>
        tpu.vector_store %arg16[%swap3A_791, %swap3A_792], %swap3A_795 {strides = array<i32>} : memref<80x128xf32, #tpu.memory_space<vmem>>, vector<1x16xf32>,
        %get3A_796 = arith.index_cast %add3A_713 : i32 to index
        %get3A_797 = arith.constant 80 : index
        %get3A_798 = tpu.vector_load %arg16[%get3A_796, %get3A_797] {strides = array<i32>} : memref<80x128xf32, #tpu.memory_space<vmem>>, vector<1x16xf32>,
        %get3A_799 = vector.shape_cast %get3A_798 : vector<1x16xf32> to vector<16xf32>
        %get3A_800 = arith.index_cast %add3A_713 : i32 to index
        %get3A_801 = arith.constant 80 : index
        %get3A_802 = tpu.vector_load %arg15[%get3A_800, %get3A_801] {strides = array<i32>} : memref<80x128xf32, #tpu.memory_space<vmem>>, vector<1x16xf32>,
        %get3A_803 = vector.shape_cast %get3A_802 : vector<1x16xf32> to vector<16xf32>
        %sub3A_804 = arith.subf %get3A_799, %get3A_803 : vector<16xf32>
        %mul3A_805 = vector.broadcast %squeeze3A_715 : f32 to vector<16xf32>
        %mul3A_806 = arith.mulf %sub3A_804, %mul3A_805 : vector<16xf32>
        %swap3A_807 = arith.index_cast %add3A_713 : i32 to index
        %swap3A_808 = arith.constant 80 : index
        %swap3A_809 = tpu.vector_load %arg16[%swap3A_807, %swap3A_808] {strides = array<i32>} : memref<80x128xf32, #tpu.memory_space<vmem>>, vector<1x16xf32>,
        %swap3A_810 = vector.shape_cast %swap3A_809 : vector<1x16xf32> to vector<16xf32>
        %swap3A_811 = vector.shape_cast %mul3A_806 : vector<16xf32> to vector<1x16xf32>
        tpu.vector_store %arg16[%swap3A_807, %swap3A_808], %swap3A_811 {strides = array<i32>} : memref<80x128xf32, #tpu.memory_space<vmem>>, vector<1x16xf32>,
        %get3A_812 = arith.index_cast %add3A_713 : i32 to index
        %get3A_813 = arith.constant 96 : index
        %get3A_814 = tpu.vector_load %arg16[%get3A_812, %get3A_813] {strides = array<i32>} : memref<80x128xf32, #tpu.memory_space<vmem>>, vector<1x16xf32>,
        %get3A_815 = vector.shape_cast %get3A_814 : vector<1x16xf32> to vector<16xf32>
        %get3A_816 = arith.index_cast %add3A_713 : i32 to index
        %get3A_817 = arith.constant 96 : index
        %get3A_818 = tpu.vector_load %arg15[%get3A_816, %get3A_817] {strides = array<i32>} : memref<80x128xf32, #tpu.memory_space<vmem>>, vector<1x16xf32>,
        %get3A_819 = vector.shape_cast %get3A_818 : vector<1x16xf32> to vector<16xf32>
        %sub3A_820 = arith.subf %get3A_815, %get3A_819 : vector<16xf32>
        %mul3A_821 = vector.broadcast %squeeze3A_715 : f32 to vector<16xf32>
        %mul3A_822 = arith.mulf %sub3A_820, %mul3A_821 : vector<16xf32>
        %swap3A_823 = arith.index_cast %add3A_713 : i32 to index
        %swap3A_824 = arith.constant 96 : index
        %swap3A_825 = tpu.vector_load %arg16[%swap3A_823, %swap3A_824] {strides = array<i32>} : memref<80x128xf32, #tpu.memory_space<vmem>>, vector<1x16xf32>,
        %swap3A_826 = vector.shape_cast %swap3A_825 : vector<1x16xf32> to vector<16xf32>
        %swap3A_827 = vector.shape_cast %mul3A_822 : vector<16xf32> to vector<1x16xf32>
        tpu.vector_store %arg16[%swap3A_823, %swap3A_824], %swap3A_827 {strides = array<i32>} : memref<80x128xf32, #tpu.memory_space<vmem>>, vector<1x16xf32>,
        %get3A_828 = arith.index_cast %add3A_713 : i32 to index
        %get3A_829 = arith.constant 112 : index
        %get3A_830 = tpu.vector_load %arg16[%get3A_828, %get3A_829] {strides = array<i32>} : memref<80x128xf32, #tpu.memory_space<vmem>>, vector<1x16xf32>,
        %get3A_831 = vector.shape_cast %get3A_830 : vector<1x16xf32> to vector<16xf32>
        %get3A_832 = arith.index_cast %add3A_713 : i32 to index
        %get3A_833 = arith.constant 112 : index
        %get3A_834 = tpu.vector_load %arg15[%get3A_832, %get3A_833] {strides = array<i32>} : memref<80x128xf32, #tpu.memory_space<vmem>>, vector<1x16xf32>,
        %get3A_835 = vector.shape_cast %get3A_834 : vector<1x16xf32> to vector<16xf32>
        %sub3A_836 = arith.subf %get3A_831, %get3A_835 : vector<16xf32>
        %mul3A_837 = vector.broadcast %squeeze3A_715 : f32 to vector<16xf32>
        %mul3A_838 = arith.mulf %sub3A_836, %mul3A_837 : vector<16xf32>
        %swap3A_839 = arith.index_cast %add3A_713 : i32 to index
        %swap3A_840 = arith.constant 112 : index
        %swap3A_841 = tpu.vector_load %arg16[%swap3A_839, %swap3A_840] {strides = array<i32>} : memref<80x128xf32, #tpu.memory_space<vmem>>, vector<1x16xf32>,
        %swap3A_842 = vector.shape_cast %swap3A_841 : vector<1x16xf32> to vector<16xf32>
        %swap3A_843 = vector.shape_cast %mul3A_838 : vector<16xf32> to vector<1x16xf32>
        tpu.vector_store %arg16[%swap3A_839, %swap3A_840], %swap3A_843 {strides = array<i32>} : memref<80x128xf32, #tpu.memory_space<vmem>>, vector<1x16xf32>,
        %mul3A_844 = arith.constant 16 : i32
        %mul3A_845 = arith.muli %scan3A_37, %mul3A_844 : i32
        %add3A_846 = arith.constant 6 : i32
        %add3A_847 = arith.addi %mul3A_845, %add3A_846 : i32
        %slice3A_848 = vector.extract_strided_slice %div3A_43 {offsets = [6], sizes = [1], strides = [1]} : vector<16xf32> to vector<1xf32>
        %squeeze3A_849 = vector.extract %slice3A_848[0] : f32 from vector<1xf32>
        %get3A_850 = arith.index_cast %add3A_847 : i32 to index
        %get3A_851 = arith.constant 0 : index
        %get3A_852 = tpu.vector_load %arg16[%get3A_850, %get3A_851] {strides = array<i32>} : memref<80x128xf32, #tpu.memory_space<vmem>>, vector<1x16xf32>,
        %get3A_853 = vector.shape_cast %get3A_852 : vector<1x16xf32> to vector<16xf32>
        %get3A_854 = arith.index_cast %add3A_847 : i32 to index
        %get3A_855 = arith.constant 0 : index
        %get3A_856 = tpu.vector_load %arg15[%get3A_854, %get3A_855] {strides = array<i32>} : memref<80x128xf32, #tpu.memory_space<vmem>>, vector<1x16xf32>,
        %get3A_857 = vector.shape_cast %get3A_856 : vector<1x16xf32> to vector<16xf32>
        %sub3A_858 = arith.subf %get3A_853, %get3A_857 : vector<16xf32>
        %mul3A_859 = vector.broadcast %squeeze3A_849 : f32 to vector<16xf32>
        %mul3A_860 = arith.mulf %sub3A_858, %mul3A_859 : vector<16xf32>
        %swap3A_861 = arith.index_cast %add3A_847 : i32 to index
        %swap3A_862 = arith.constant 0 : index
        %swap3A_863 = tpu.vector_load %arg16[%swap3A_861, %swap3A_862] {strides = array<i32>} : memref<80x128xf32, #tpu.memory_space<vmem>>, vector<1x16xf32>,
        %swap3A_864 = vector.shape_cast %swap3A_863 : vector<1x16xf32> to vector<16xf32>
        %swap3A_865 = vector.shape_cast %mul3A_860 : vector<16xf32> to vector<1x16xf32>
        tpu.vector_store %arg16[%swap3A_861, %swap3A_862], %swap3A_865 {strides = array<i32>} : memref<80x128xf32, #tpu.memory_space<vmem>>, vector<1x16xf32>,
        %get3A_866 = arith.index_cast %add3A_847 : i32 to index
        %get3A_867 = arith.constant 16 : index
        %get3A_868 = tpu.vector_load %arg16[%get3A_866, %get3A_867] {strides = array<i32>} : memref<80x128xf32, #tpu.memory_space<vmem>>, vector<1x16xf32>,
        %get3A_869 = vector.shape_cast %get3A_868 : vector<1x16xf32> to vector<16xf32>
        %get3A_870 = arith.index_cast %add3A_847 : i32 to index
        %get3A_871 = arith.constant 16 : index
        %get3A_872 = tpu.vector_load %arg15[%get3A_870, %get3A_871] {strides = array<i32>} : memref<80x128xf32, #tpu.memory_space<vmem>>, vector<1x16xf32>,
        %get3A_873 = vector.shape_cast %get3A_872 : vector<1x16xf32> to vector<16xf32>
        %sub3A_874 = arith.subf %get3A_869, %get3A_873 : vector<16xf32>
        %mul3A_875 = vector.broadcast %squeeze3A_849 : f32 to vector<16xf32>
        %mul3A_876 = arith.mulf %sub3A_874, %mul3A_875 : vector<16xf32>
        %swap3A_877 = arith.index_cast %add3A_847 : i32 to index
        %swap3A_878 = arith.constant 16 : index
        %swap3A_879 = tpu.vector_load %arg16[%swap3A_877, %swap3A_878] {strides = array<i32>} : memref<80x128xf32, #tpu.memory_space<vmem>>, vector<1x16xf32>,
        %swap3A_880 = vector.shape_cast %swap3A_879 : vector<1x16xf32> to vector<16xf32>
        %swap3A_881 = vector.shape_cast %mul3A_876 : vector<16xf32> to vector<1x16xf32>
        tpu.vector_store %arg16[%swap3A_877, %swap3A_878], %swap3A_881 {strides = array<i32>} : memref<80x128xf32, #tpu.memory_space<vmem>>, vector<1x16xf32>,
        %get3A_882 = arith.index_cast %add3A_847 : i32 to index
        %get3A_883 = arith.constant 32 : index
        %get3A_884 = tpu.vector_load %arg16[%get3A_882, %get3A_883] {strides = array<i32>} : memref<80x128xf32, #tpu.memory_space<vmem>>, vector<1x16xf32>,
        %get3A_885 = vector.shape_cast %get3A_884 : vector<1x16xf32> to vector<16xf32>
        %get3A_886 = arith.index_cast %add3A_847 : i32 to index
        %get3A_887 = arith.constant 32 : index
        %get3A_888 = tpu.vector_load %arg15[%get3A_886, %get3A_887] {strides = array<i32>} : memref<80x128xf32, #tpu.memory_space<vmem>>, vector<1x16xf32>,
        %get3A_889 = vector.shape_cast %get3A_888 : vector<1x16xf32> to vector<16xf32>
        %sub3A_890 = arith.subf %get3A_885, %get3A_889 : vector<16xf32>
        %mul3A_891 = vector.broadcast %squeeze3A_849 : f32 to vector<16xf32>
        %mul3A_892 = arith.mulf %sub3A_890, %mul3A_891 : vector<16xf32>
        %swap3A_893 = arith.index_cast %add3A_847 : i32 to index
        %swap3A_894 = arith.constant 32 : index
        %swap3A_895 = tpu.vector_load %arg16[%swap3A_893, %swap3A_894] {strides = array<i32>} : memref<80x128xf32, #tpu.memory_space<vmem>>, vector<1x16xf32>,
        %swap3A_896 = vector.shape_cast %swap3A_895 : vector<1x16xf32> to vector<16xf32>
        %swap3A_897 = vector.shape_cast %mul3A_892 : vector<16xf32> to vector<1x16xf32>
        tpu.vector_store %arg16[%swap3A_893, %swap3A_894], %swap3A_897 {strides = array<i32>} : memref<80x128xf32, #tpu.memory_space<vmem>>, vector<1x16xf32>,
        %get3A_898 = arith.index_cast %add3A_847 : i32 to index
        %get3A_899 = arith.constant 48 : index
        %get3A_900 = tpu.vector_load %arg16[%get3A_898, %get3A_899] {strides = array<i32>} : memref<80x128xf32, #tpu.memory_space<vmem>>, vector<1x16xf32>,
        %get3A_901 = vector.shape_cast %get3A_900 : vector<1x16xf32> to vector<16xf32>
        %get3A_902 = arith.index_cast %add3A_847 : i32 to index
        %get3A_903 = arith.constant 48 : index
        %get3A_904 = tpu.vector_load %arg15[%get3A_902, %get3A_903] {strides = array<i32>} : memref<80x128xf32, #tpu.memory_space<vmem>>, vector<1x16xf32>,
        %get3A_905 = vector.shape_cast %get3A_904 : vector<1x16xf32> to vector<16xf32>
        %sub3A_906 = arith.subf %get3A_901, %get3A_905 : vector<16xf32>
        %mul3A_907 = vector.broadcast %squeeze3A_849 : f32 to vector<16xf32>
        %mul3A_908 = arith.mulf %sub3A_906, %mul3A_907 : vector<16xf32>
        %swap3A_909 = arith.index_cast %add3A_847 : i32 to index
        %swap3A_910 = arith.constant 48 : index
        %swap3A_911 = tpu.vector_load %arg16[%swap3A_909, %swap3A_910] {strides = array<i32>} : memref<80x128xf32, #tpu.memory_space<vmem>>, vector<1x16xf32>,
        %swap3A_912 = vector.shape_cast %swap3A_911 : vector<1x16xf32> to vector<16xf32>
        %swap3A_913 = vector.shape_cast %mul3A_908 : vector<16xf32> to vector<1x16xf32>
        tpu.vector_store %arg16[%swap3A_909, %swap3A_910], %swap3A_913 {strides = array<i32>} : memref<80x128xf32, #tpu.memory_space<vmem>>, vector<1x16xf32>,
        %get3A_914 = arith.index_cast %add3A_847 : i32 to index
        %get3A_915 = arith.constant 64 : index
        %get3A_916 = tpu.vector_load %arg16[%get3A_914, %get3A_915] {strides = array<i32>} : memref<80x128xf32, #tpu.memory_space<vmem>>, vector<1x16xf32>,
        %get3A_917 = vector.shape_cast %get3A_916 : vector<1x16xf32> to vector<16xf32>
        %get3A_918 = arith.index_cast %add3A_847 : i32 to index
        %get3A_919 = arith.constant 64 : index
        %get3A_920 = tpu.vector_load %arg15[%get3A_918, %get3A_919] {strides = array<i32>} : memref<80x128xf32, #tpu.memory_space<vmem>>, vector<1x16xf32>,
        %get3A_921 = vector.shape_cast %get3A_920 : vector<1x16xf32> to vector<16xf32>
        %sub3A_922 = arith.subf %get3A_917, %get3A_921 : vector<16xf32>
        %mul3A_923 = vector.broadcast %squeeze3A_849 : f32 to vector<16xf32>
        %mul3A_924 = arith.mulf %sub3A_922, %mul3A_923 : vector<16xf32>
        %swap3A_925 = arith.index_cast %add3A_847 : i32 to index
        %swap3A_926 = arith.constant 64 : index
        %swap3A_927 = tpu.vector_load %arg16[%swap3A_925, %swap3A_926] {strides = array<i32>} : memref<80x128xf32, #tpu.memory_space<vmem>>, vector<1x16xf32>,
        %swap3A_928 = vector.shape_cast %swap3A_927 : vector<1x16xf32> to vector<16xf32>
        %swap3A_929 = vector.shape_cast %mul3A_924 : vector<16xf32> to vector<1x16xf32>
        tpu.vector_store %arg16[%swap3A_925, %swap3A_926], %swap3A_929 {strides = array<i32>} : memref<80x128xf32, #tpu.memory_space<vmem>>, vector<1x16xf32>,
        %get3A_930 = arith.index_cast %add3A_847 : i32 to index
        %get3A_931 = arith.constant 80 : index
        %get3A_932 = tpu.vector_load %arg16[%get3A_930, %get3A_931] {strides = array<i32>} : memref<80x128xf32, #tpu.memory_space<vmem>>, vector<1x16xf32>,
        %get3A_933 = vector.shape_cast %get3A_932 : vector<1x16xf32> to vector<16xf32>
        %get3A_934 = arith.index_cast %add3A_847 : i32 to index
        %get3A_935 = arith.constant 80 : index
        %get3A_936 = tpu.vector_load %arg15[%get3A_934, %get3A_935] {strides = array<i32>} : memref<80x128xf32, #tpu.memory_space<vmem>>, vector<1x16xf32>,
        %get3A_937 = vector.shape_cast %get3A_936 : vector<1x16xf32> to vector<16xf32>
        %sub3A_938 = arith.subf %get3A_933, %get3A_937 : vector<16xf32>
        %mul3A_939 = vector.broadcast %squeeze3A_849 : f32 to vector<16xf32>
        %mul3A_940 = arith.mulf %sub3A_938, %mul3A_939 : vector<16xf32>
        %swap3A_941 = arith.index_cast %add3A_847 : i32 to index
        %swap3A_942 = arith.constant 80 : index
        %swap3A_943 = tpu.vector_load %arg16[%swap3A_941, %swap3A_942] {strides = array<i32>} : memref<80x128xf32, #tpu.memory_space<vmem>>, vector<1x16xf32>,
        %swap3A_944 = vector.shape_cast %swap3A_943 : vector<1x16xf32> to vector<16xf32>
        %swap3A_945 = vector.shape_cast %mul3A_940 : vector<16xf32> to vector<1x16xf32>
        tpu.vector_store %arg16[%swap3A_941, %swap3A_942], %swap3A_945 {strides = array<i32>} : memref<80x128xf32, #tpu.memory_space<vmem>>, vector<1x16xf32>,
        %get3A_946 = arith.index_cast %add3A_847 : i32 to index
        %get3A_947 = arith.constant 96 : index
        %get3A_948 = tpu.vector_load %arg16[%get3A_946, %get3A_947] {strides = array<i32>} : memref<80x128xf32, #tpu.memory_space<vmem>>, vector<1x16xf32>,
        %get3A_949 = vector.shape_cast %get3A_948 : vector<1x16xf32> to vector<16xf32>
        %get3A_950 = arith.index_cast %add3A_847 : i32 to index
        %get3A_951 = arith.constant 96 : index
        %get3A_952 = tpu.vector_load %arg15[%get3A_950, %get3A_951] {strides = array<i32>} : memref<80x128xf32, #tpu.memory_space<vmem>>, vector<1x16xf32>,
        %get3A_953 = vector.shape_cast %get3A_952 : vector<1x16xf32> to vector<16xf32>
        %sub3A_954 = arith.subf %get3A_949, %get3A_953 : vector<16xf32>
        %mul3A_955 = vector.broadcast %squeeze3A_849 : f32 to vector<16xf32>
        %mul3A_956 = arith.mulf %sub3A_954, %mul3A_955 : vector<16xf32>
        %swap3A_957 = arith.index_cast %add3A_847 : i32 to index
        %swap3A_958 = arith.constant 96 : index
        %swap3A_959 = tpu.vector_load %arg16[%swap3A_957, %swap3A_958] {strides = array<i32>} : memref<80x128xf32, #tpu.memory_space<vmem>>, vector<1x16xf32>,
        %swap3A_960 = vector.shape_cast %swap3A_959 : vector<1x16xf32> to vector<16xf32>
        %swap3A_961 = vector.shape_cast %mul3A_956 : vector<16xf32> to vector<1x16xf32>
        tpu.vector_store %arg16[%swap3A_957, %swap3A_958], %swap3A_961 {strides = array<i32>} : memref<80x128xf32, #tpu.memory_space<vmem>>, vector<1x16xf32>,
        %get3A_962 = arith.index_cast %add3A_847 : i32 to index
        %get3A_963 = arith.constant 112 : index
        %get3A_964 = tpu.vector_load %arg16[%get3A_962, %get3A_963] {strides = array<i32>} : memref<80x128xf32, #tpu.memory_space<vmem>>, vector<1x16xf32>,
        %get3A_965 = vector.shape_cast %get3A_964 : vector<1x16xf32> to vector<16xf32>
        %get3A_966 = arith.index_cast %add3A_847 : i32 to index
        %get3A_967 = arith.constant 112 : index
        %get3A_968 = tpu.vector_load %arg15[%get3A_966, %get3A_967] {strides = array<i32>} : memref<80x128xf32, #tpu.memory_space<vmem>>, vector<1x16xf32>,
        %get3A_969 = vector.shape_cast %get3A_968 : vector<1x16xf32> to vector<16xf32>
        %sub3A_970 = arith.subf %get3A_965, %get3A_969 : vector<16xf32>
        %mul3A_971 = vector.broadcast %squeeze3A_849 : f32 to vector<16xf32>
        %mul3A_972 = arith.mulf %sub3A_970, %mul3A_971 : vector<16xf32>
        %swap3A_973 = arith.index_cast %add3A_847 : i32 to index
        %swap3A_974 = arith.constant 112 : index
        %swap3A_975 = tpu.vector_load %arg16[%swap3A_973, %swap3A_974] {strides = array<i32>} : memref<80x128xf32, #tpu.memory_space<vmem>>, vector<1x16xf32>,
        %swap3A_976 = vector.shape_cast %swap3A_975 : vector<1x16xf32> to vector<16xf32>
        %swap3A_977 = vector.shape_cast %mul3A_972 : vector<16xf32> to vector<1x16xf32>
        tpu.vector_store %arg16[%swap3A_973, %swap3A_974], %swap3A_977 {strides = array<i32>} : memref<80x128xf32, #tpu.memory_space<vmem>>, vector<1x16xf32>,
        %mul3A_978 = arith.constant 16 : i32
        %mul3A_979 = arith.muli %scan3A_37, %mul3A_978 : i32
        %add3A_980 = arith.constant 7 : i32
        %add3A_981 = arith.addi %mul3A_979, %add3A_980 : i32
        %slice3A_982 = vector.extract_strided_slice %div3A_43 {offsets = [7], sizes = [1], strides = [1]} : vector<16xf32> to vector<1xf32>
        %squeeze3A_983 = vector.extract %slice3A_982[0] : f32 from vector<1xf32>
        %get3A_984 = arith.index_cast %add3A_981 : i32 to index
        %get3A_985 = arith.constant 0 : index
        %get3A_986 = tpu.vector_load %arg16[%get3A_984, %get3A_985] {strides = array<i32>} : memref<80x128xf32, #tpu.memory_space<vmem>>, vector<1x16xf32>,
        %get3A_987 = vector.shape_cast %get3A_986 : vector<1x16xf32> to vector<16xf32>
        %get3A_988 = arith.index_cast %add3A_981 : i32 to index
        %get3A_989 = arith.constant 0 : index
        %get3A_990 = tpu.vector_load %arg15[%get3A_988, %get3A_989] {strides = array<i32>} : memref<80x128xf32, #tpu.memory_space<vmem>>, vector<1x16xf32>,
        %get3A_991 = vector.shape_cast %get3A_990 : vector<1x16xf32> to vector<16xf32>
        %sub3A_992 = arith.subf %get3A_987, %get3A_991 : vector<16xf32>
        %mul3A_993 = vector.broadcast %squeeze3A_983 : f32 to vector<16xf32>
        %mul3A_994 = arith.mulf %sub3A_992, %mul3A_993 : vector<16xf32>
        %swap3A_995 = arith.index_cast %add3A_981 : i32 to index
        %swap3A_996 = arith.constant 0 : index
        %swap3A_997 = tpu.vector_load %arg16[%swap3A_995, %swap3A_996] {strides = array<i32>} : memref<80x128xf32, #tpu.memory_space<vmem>>, vector<1x16xf32>,
        %swap3A_998 = vector.shape_cast %swap3A_997 : vector<1x16xf32> to vector<16xf32>
        %swap3A_999 = vector.shape_cast %mul3A_994 : vector<16xf32> to vector<1x16xf32>
        tpu.vector_store %arg16[%swap3A_995, %swap3A_996], %swap3A_999 {strides = array<i32>} : memref<80x128xf32, #tpu.memory_space<vmem>>, vector<1x16xf32>,
        %get3A_1000 = arith.index_cast %add3A_981 : i32 to index
        %get3A_1001 = arith.constant 16 : index
        %get3A_1002 = tpu.vector_load %arg16[%get3A_1000, %get3A_1001] {strides = array<i32>} : memref<80x128xf32, #tpu.memory_space<vmem>>, vector<1x16xf32>,
        %get3A_1003 = vector.shape_cast %get3A_1002 : vector<1x16xf32> to vector<16xf32>
        %get3A_1004 = arith.index_cast %add3A_981 : i32 to index
        %get3A_1005 = arith.constant 16 : index
        %get3A_1006 = tpu.vector_load %arg15[%get3A_1004, %get3A_1005] {strides = array<i32>} : memref<80x128xf32, #tpu.memory_space<vmem>>, vector<1x16xf32>,
        %get3A_1007 = vector.shape_cast %get3A_1006 : vector<1x16xf32> to vector<16xf32>
        %sub3A_1008 = arith.subf %get3A_1003, %get3A_1007 : vector<16xf32>
        %mul3A_1009 = vector.broadcast %squeeze3A_983 : f32 to vector<16xf32>
        %mul3A_1010 = arith.mulf %sub3A_1008, %mul3A_1009 : vector<16xf32>
        %swap3A_1011 = arith.index_cast %add3A_981 : i32 to index
        %swap3A_1012 = arith.constant 16 : index
        %swap3A_1013 = tpu.vector_load %arg16[%swap3A_1011, %swap3A_1012] {strides = array<i32>} : memref<80x128xf32, #tpu.memory_space<vmem>>, vector<1x16xf32>,
        %swap3A_1014 = vector.shape_cast %swap3A_1013 : vector<1x16xf32> to vector<16xf32>
        %swap3A_1015 = vector.shape_cast %mul3A_1010 : vector<16xf32> to vector<1x16xf32>
        tpu.vector_store %arg16[%swap3A_1011, %swap3A_1012], %swap3A_1015 {strides = array<i32>} : memref<80x128xf32, #tpu.memory_space<vmem>>, vector<1x16xf32>,
        %get3A_1016 = arith.index_cast %add3A_981 : i32 to index
        %get3A_1017 = arith.constant 32 : index
        %get3A_1018 = tpu.vector_load %arg16[%get3A_1016, %get3A_1017] {strides = array<i32>} : memref<80x128xf32, #tpu.memory_space<vmem>>, vector<1x16xf32>,
        %get3A_1019 = vector.shape_cast %get3A_1018 : vector<1x16xf32> to vector<16xf32>
        %get3A_1020 = arith.index_cast %add3A_981 : i32 to index
        %get3A_1021 = arith.constant 32 : index
        %get3A_1022 = tpu.vector_load %arg15[%get3A_1020, %get3A_1021] {strides = array<i32>} : memref<80x128xf32, #tpu.memory_space<vmem>>, vector<1x16xf32>,
        %get3A_1023 = vector.shape_cast %get3A_1022 : vector<1x16xf32> to vector<16xf32>
        %sub3A_1024 = arith.subf %get3A_1019, %get3A_1023 : vector<16xf32>
        %mul3A_1025 = vector.broadcast %squeeze3A_983 : f32 to vector<16xf32>
        %mul3A_1026 = arith.mulf %sub3A_1024, %mul3A_1025 : vector<16xf32>
        %swap3A_1027 = arith.index_cast %add3A_981 : i32 to index
        %swap3A_1028 = arith.constant 32 : index
        %swap3A_1029 = tpu.vector_load %arg16[%swap3A_1027, %swap3A_1028] {strides = array<i32>} : memref<80x128xf32, #tpu.memory_space<vmem>>, vector<1x16xf32>,
        %swap3A_1030 = vector.shape_cast %swap3A_1029 : vector<1x16xf32> to vector<16xf32>
        %swap3A_1031 = vector.shape_cast %mul3A_1026 : vector<16xf32> to vector<1x16xf32>
        tpu.vector_store %arg16[%swap3A_1027, %swap3A_1028], %swap3A_1031 {strides = array<i32>} : memref<80x128xf32, #tpu.memory_space<vmem>>, vector<1x16xf32>,
        %get3A_1032 = arith.index_cast %add3A_981 : i32 to index
        %get3A_1033 = arith.constant 48 : index
        %get3A_1034 = tpu.vector_load %arg16[%get3A_1032, %get3A_1033] {strides = array<i32>} : memref<80x128xf32, #tpu.memory_space<vmem>>, vector<1x16xf32>,
        %get3A_1035 = vector.shape_cast %get3A_1034 : vector<1x16xf32> to vector<16xf32>
        %get3A_1036 = arith.index_cast %add3A_981 : i32 to index
        %get3A_1037 = arith.constant 48 : index
        %get3A_1038 = tpu.vector_load %arg15[%get3A_1036, %get3A_1037] {strides = array<i32>} : memref<80x128xf32, #tpu.memory_space<vmem>>, vector<1x16xf32>,
        %get3A_1039 = vector.shape_cast %get3A_1038 : vector<1x16xf32> to vector<16xf32>
        %sub3A_1040 = arith.subf %get3A_1035, %get3A_1039 : vector<16xf32>
        %mul3A_1041 = vector.broadcast %squeeze3A_983 : f32 to vector<16xf32>
        %mul3A_1042 = arith.mulf %sub3A_1040, %mul3A_1041 : vector<16xf32>
        %swap3A_1043 = arith.index_cast %add3A_981 : i32 to index
        %swap3A_1044 = arith.constant 48 : index
        %swap3A_1045 = tpu.vector_load %arg16[%swap3A_1043, %swap3A_1044] {strides = array<i32>} : memref<80x128xf32, #tpu.memory_space<vmem>>, vector<1x16xf32>,
        %swap3A_1046 = vector.shape_cast %swap3A_1045 : vector<1x16xf32> to vector<16xf32>
        %swap3A_1047 = vector.shape_cast %mul3A_1042 : vector<16xf32> to vector<1x16xf32>
        tpu.vector_store %arg16[%swap3A_1043, %swap3A_1044], %swap3A_1047 {strides = array<i32>} : memref<80x128xf32, #tpu.memory_space<vmem>>, vector<1x16xf32>,
        %get3A_1048 = arith.index_cast %add3A_981 : i32 to index
        %get3A_1049 = arith.constant 64 : index
        %get3A_1050 = tpu.vector_load %arg16[%get3A_1048, %get3A_1049] {strides = array<i32>} : memref<80x128xf32, #tpu.memory_space<vmem>>, vector<1x16xf32>,
        %get3A_1051 = vector.shape_cast %get3A_1050 : vector<1x16xf32> to vector<16xf32>
        %get3A_1052 = arith.index_cast %add3A_981 : i32 to index
        %get3A_1053 = arith.constant 64 : index
        %get3A_1054 = tpu.vector_load %arg15[%get3A_1052, %get3A_1053] {strides = array<i32>} : memref<80x128xf32, #tpu.memory_space<vmem>>, vector<1x16xf32>,
        %get3A_1055 = vector.shape_cast %get3A_1054 : vector<1x16xf32> to vector<16xf32>
        %sub3A_1056 = arith.subf %get3A_1051, %get3A_1055 : vector<16xf32>
        %mul3A_1057 = vector.broadcast %squeeze3A_983 : f32 to vector<16xf32>
        %mul3A_1058 = arith.mulf %sub3A_1056, %mul3A_1057 : vector<16xf32>
        %swap3A_1059 = arith.index_cast %add3A_981 : i32 to index
        %swap3A_1060 = arith.constant 64 : index
        %swap3A_1061 = tpu.vector_load %arg16[%swap3A_1059, %swap3A_1060] {strides = array<i32>} : memref<80x128xf32, #tpu.memory_space<vmem>>, vector<1x16xf32>,
        %swap3A_1062 = vector.shape_cast %swap3A_1061 : vector<1x16xf32> to vector<16xf32>
        %swap3A_1063 = vector.shape_cast %mul3A_1058 : vector<16xf32> to vector<1x16xf32>
        tpu.vector_store %arg16[%swap3A_1059, %swap3A_1060], %swap3A_1063 {strides = array<i32>} : memref<80x128xf32, #tpu.memory_space<vmem>>, vector<1x16xf32>,
        %get3A_1064 = arith.index_cast %add3A_981 : i32 to index
        %get3A_1065 = arith.constant 80 : index
        %get3A_1066 = tpu.vector_load %arg16[%get3A_1064, %get3A_1065] {strides = array<i32>} : memref<80x128xf32, #tpu.memory_space<vmem>>, vector<1x16xf32>,
        %get3A_1067 = vector.shape_cast %get3A_1066 : vector<1x16xf32> to vector<16xf32>
        %get3A_1068 = arith.index_cast %add3A_981 : i32 to index
        %get3A_1069 = arith.constant 80 : index
        %get3A_1070 = tpu.vector_load %arg15[%get3A_1068, %get3A_1069] {strides = array<i32>} : memref<80x128xf32, #tpu.memory_space<vmem>>, vector<1x16xf32>,
        %get3A_1071 = vector.shape_cast %get3A_1070 : vector<1x16xf32> to vector<16xf32>
        %sub3A_1072 = arith.subf %get3A_1067, %get3A_1071 : vector<16xf32>
        %mul3A_1073 = vector.broadcast %squeeze3A_983 : f32 to vector<16xf32>
        %mul3A_1074 = arith.mulf %sub3A_1072, %mul3A_1073 : vector<16xf32>
        %swap3A_1075 = arith.index_cast %add3A_981 : i32 to index
        %swap3A_1076 = arith.constant 80 : index
        %swap3A_1077 = tpu.vector_load %arg16[%swap3A_1075, %swap3A_1076] {strides = array<i32>} : memref<80x128xf32, #tpu.memory_space<vmem>>, vector<1x16xf32>,
        %swap3A_1078 = vector.shape_cast %swap3A_1077 : vector<1x16xf32> to vector<16xf32>
        %swap3A_1079 = vector.shape_cast %mul3A_1074 : vector<16xf32> to vector<1x16xf32>
        tpu.vector_store %arg16[%swap3A_1075, %swap3A_1076], %swap3A_1079 {strides = array<i32>} : memref<80x128xf32, #tpu.memory_space<vmem>>, vector<1x16xf32>,
        %get3A_1080 = arith.index_cast %add3A_981 : i32 to index
        %get3A_1081 = arith.constant 96 : index
        %get3A_1082 = tpu.vector_load %arg16[%get3A_1080, %get3A_1081] {strides = array<i32>} : memref<80x128xf32, #tpu.memory_space<vmem>>, vector<1x16xf32>,
        %get3A_1083 = vector.shape_cast %get3A_1082 : vector<1x16xf32> to vector<16xf32>
        %get3A_1084 = arith.index_cast %add3A_981 : i32 to index
        %get3A_1085 = arith.constant 96 : index
        %get3A_1086 = tpu.vector_load %arg15[%get3A_1084, %get3A_1085] {strides = array<i32>} : memref<80x128xf32, #tpu.memory_space<vmem>>, vector<1x16xf32>,
        %get3A_1087 = vector.shape_cast %get3A_1086 : vector<1x16xf32> to vector<16xf32>
        %sub3A_1088 = arith.subf %get3A_1083, %get3A_1087 : vector<16xf32>
        %mul3A_1089 = vector.broadcast %squeeze3A_983 : f32 to vector<16xf32>
        %mul3A_1090 = arith.mulf %sub3A_1088, %mul3A_1089 : vector<16xf32>
        %swap3A_1091 = arith.index_cast %add3A_981 : i32 to index
        %swap3A_1092 = arith.constant 96 : index
        %swap3A_1093 = tpu.vector_load %arg16[%swap3A_1091, %swap3A_1092] {strides = array<i32>} : memref<80x128xf32, #tpu.memory_space<vmem>>, vector<1x16xf32>,
        %swap3A_1094 = vector.shape_cast %swap3A_1093 : vector<1x16xf32> to vector<16xf32>
        %swap3A_1095 = vector.shape_cast %mul3A_1090 : vector<16xf32> to vector<1x16xf32>
        tpu.vector_store %arg16[%swap3A_1091, %swap3A_1092], %swap3A_1095 {strides = array<i32>} : memref<80x128xf32, #tpu.memory_space<vmem>>, vector<1x16xf32>,
        %get3A_1096 = arith.index_cast %add3A_981 : i32 to index
        %get3A_1097 = arith.constant 112 : index
        %get3A_1098 = tpu.vector_load %arg16[%get3A_1096, %get3A_1097] {strides = array<i32>} : memref<80x128xf32, #tpu.memory_space<vmem>>, vector<1x16xf32>,
        %get3A_1099 = vector.shape_cast %get3A_1098 : vector<1x16xf32> to vector<16xf32>
        %get3A_1100 = arith.index_cast %add3A_981 : i32 to index
        %get3A_1101 = arith.constant 112 : index
        %get3A_1102 = tpu.vector_load %arg15[%get3A_1100, %get3A_1101] {strides = array<i32>} : memref<80x128xf32, #tpu.memory_space<vmem>>, vector<1x16xf32>,
        %get3A_1103 = vector.shape_cast %get3A_1102 : vector<1x16xf32> to vector<16xf32>
        %sub3A_1104 = arith.subf %get3A_1099, %get3A_1103 : vector<16xf32>
        %mul3A_1105 = vector.broadcast %squeeze3A_983 : f32 to vector<16xf32>
        %mul3A_1106 = arith.mulf %sub3A_1104, %mul3A_1105 : vector<16xf32>
        %swap3A_1107 = arith.index_cast %add3A_981 : i32 to index
        %swap3A_1108 = arith.constant 112 : index
        %swap3A_1109 = tpu.vector_load %arg16[%swap3A_1107, %swap3A_1108] {strides = array<i32>} : memref<80x128xf32, #tpu.memory_space<vmem>>, vector<1x16xf32>,
        %swap3A_1110 = vector.shape_cast %swap3A_1109 : vector<1x16xf32> to vector<16xf32>
        %swap3A_1111 = vector.shape_cast %mul3A_1106 : vector<16xf32> to vector<1x16xf32>
        tpu.vector_store %arg16[%swap3A_1107, %swap3A_1108], %swap3A_1111 {strides = array<i32>} : memref<80x128xf32, #tpu.memory_space<vmem>>, vector<1x16xf32>,
        %mul3A_1112 = arith.constant 16 : i32
        %mul3A_1113 = arith.muli %scan3A_37, %mul3A_1112 : i32
        %add3A_1114 = arith.constant 8 : i32
        %add3A_1115 = arith.addi %mul3A_1113, %add3A_1114 : i32
        %slice3A_1116 = vector.extract_strided_slice %div3A_43 {offsets = [8], sizes = [1], strides = [1]} : vector<16xf32> to vector<1xf32>
        %squeeze3A_1117 = vector.extract %slice3A_1116[0] : f32 from vector<1xf32>
        %get3A_1118 = arith.index_cast %add3A_1115 : i32 to index
        %get3A_1119 = arith.constant 0 : index
        %get3A_1120 = tpu.vector_load %arg16[%get3A_1118, %get3A_1119] {strides = array<i32>} : memref<80x128xf32, #tpu.memory_space<vmem>>, vector<1x16xf32>,
        %get3A_1121 = vector.shape_cast %get3A_1120 : vector<1x16xf32> to vector<16xf32>
        %get3A_1122 = arith.index_cast %add3A_1115 : i32 to index
        %get3A_1123 = arith.constant 0 : index
        %get3A_1124 = tpu.vector_load %arg15[%get3A_1122, %get3A_1123] {strides = array<i32>} : memref<80x128xf32, #tpu.memory_space<vmem>>, vector<1x16xf32>,
        %get3A_1125 = vector.shape_cast %get3A_1124 : vector<1x16xf32> to vector<16xf32>
        %sub3A_1126 = arith.subf %get3A_1121, %get3A_1125 : vector<16xf32>
        %mul3A_1127 = vector.broadcast %squeeze3A_1117 : f32 to vector<16xf32>
        %mul3A_1128 = arith.mulf %sub3A_1126, %mul3A_1127 : vector<16xf32>
        %swap3A_1129 = arith.index_cast %add3A_1115 : i32 to index
        %swap3A_1130 = arith.constant 0 : index
        %swap3A_1131 = tpu.vector_load %arg16[%swap3A_1129, %swap3A_1130] {strides = array<i32>} : memref<80x128xf32, #tpu.memory_space<vmem>>, vector<1x16xf32>,
        %swap3A_1132 = vector.shape_cast %swap3A_1131 : vector<1x16xf32> to vector<16xf32>
        %swap3A_1133 = vector.shape_cast %mul3A_1128 : vector<16xf32> to vector<1x16xf32>
        tpu.vector_store %arg16[%swap3A_1129, %swap3A_1130], %swap3A_1133 {strides = array<i32>} : memref<80x128xf32, #tpu.memory_space<vmem>>, vector<1x16xf32>,
        %get3A_1134 = arith.index_cast %add3A_1115 : i32 to index
        %get3A_1135 = arith.constant 16 : index
        %get3A_1136 = tpu.vector_load %arg16[%get3A_1134, %get3A_1135] {strides = array<i32>} : memref<80x128xf32, #tpu.memory_space<vmem>>, vector<1x16xf32>,
        %get3A_1137 = vector.shape_cast %get3A_1136 : vector<1x16xf32> to vector<16xf32>
        %get3A_1138 = arith.index_cast %add3A_1115 : i32 to index
        %get3A_1139 = arith.constant 16 : index
        %get3A_1140 = tpu.vector_load %arg15[%get3A_1138, %get3A_1139] {strides = array<i32>} : memref<80x128xf32, #tpu.memory_space<vmem>>, vector<1x16xf32>,
        %get3A_1141 = vector.shape_cast %get3A_1140 : vector<1x16xf32> to vector<16xf32>
        %sub3A_1142 = arith.subf %get3A_1137, %get3A_1141 : vector<16xf32>
        %mul3A_1143 = vector.broadcast %squeeze3A_1117 : f32 to vector<16xf32>
        %mul3A_1144 = arith.mulf %sub3A_1142, %mul3A_1143 : vector<16xf32>
        %swap3A_1145 = arith.index_cast %add3A_1115 : i32 to index
        %swap3A_1146 = arith.constant 16 : index
        %swap3A_1147 = tpu.vector_load %arg16[%swap3A_1145, %swap3A_1146] {strides = array<i32>} : memref<80x128xf32, #tpu.memory_space<vmem>>, vector<1x16xf32>,
        %swap3A_1148 = vector.shape_cast %swap3A_1147 : vector<1x16xf32> to vector<16xf32>
        %swap3A_1149 = vector.shape_cast %mul3A_1144 : vector<16xf32> to vector<1x16xf32>
        tpu.vector_store %arg16[%swap3A_1145, %swap3A_1146], %swap3A_1149 {strides = array<i32>} : memref<80x128xf32, #tpu.memory_space<vmem>>, vector<1x16xf32>,
        %get3A_1150 = arith.index_cast %add3A_1115 : i32 to index
        %get3A_1151 = arith.constant 32 : index
        %get3A_1152 = tpu.vector_load %arg16[%get3A_1150, %get3A_1151] {strides = array<i32>} : memref<80x128xf32, #tpu.memory_space<vmem>>, vector<1x16xf32>,
        %get3A_1153 = vector.shape_cast %get3A_1152 : vector<1x16xf32> to vector<16xf32>
        %get3A_1154 = arith.index_cast %add3A_1115 : i32 to index
        %get3A_1155 = arith.constant 32 : index
        %get3A_1156 = tpu.vector_load %arg15[%get3A_1154, %get3A_1155] {strides = array<i32>} : memref<80x128xf32, #tpu.memory_space<vmem>>, vector<1x16xf32>,
        %get3A_1157 = vector.shape_cast %get3A_1156 : vector<1x16xf32> to vector<16xf32>
        %sub3A_1158 = arith.subf %get3A_1153, %get3A_1157 : vector<16xf32>
        %mul3A_1159 = vector.broadcast %squeeze3A_1117 : f32 to vector<16xf32>
        %mul3A_1160 = arith.mulf %sub3A_1158, %mul3A_1159 : vector<16xf32>
        %swap3A_1161 = arith.index_cast %add3A_1115 : i32 to index
        %swap3A_1162 = arith.constant 32 : index
        %swap3A_1163 = tpu.vector_load %arg16[%swap3A_1161, %swap3A_1162] {strides = array<i32>} : memref<80x128xf32, #tpu.memory_space<vmem>>, vector<1x16xf32>,
        %swap3A_1164 = vector.shape_cast %swap3A_1163 : vector<1x16xf32> to vector<16xf32>
        %swap3A_1165 = vector.shape_cast %mul3A_1160 : vector<16xf32> to vector<1x16xf32>
        tpu.vector_store %arg16[%swap3A_1161, %swap3A_1162], %swap3A_1165 {strides = array<i32>} : memref<80x128xf32, #tpu.memory_space<vmem>>, vector<1x16xf32>,
        %get3A_1166 = arith.index_cast %add3A_1115 : i32 to index
        %get3A_1167 = arith.constant 48 : index
        %get3A_1168 = tpu.vector_load %arg16[%get3A_1166, %get3A_1167] {strides = array<i32>} : memref<80x128xf32, #tpu.memory_space<vmem>>, vector<1x16xf32>,
        %get3A_1169 = vector.shape_cast %get3A_1168 : vector<1x16xf32> to vector<16xf32>
        %get3A_1170 = arith.index_cast %add3A_1115 : i32 to index
        %get3A_1171 = arith.constant 48 : index
        %get3A_1172 = tpu.vector_load %arg15[%get3A_1170, %get3A_1171] {strides = array<i32>} : memref<80x128xf32, #tpu.memory_space<vmem>>, vector<1x16xf32>,
        %get3A_1173 = vector.shape_cast %get3A_1172 : vector<1x16xf32> to vector<16xf32>
        %sub3A_1174 = arith.subf %get3A_1169, %get3A_1173 : vector<16xf32>
        %mul3A_1175 = vector.broadcast %squeeze3A_1117 : f32 to vector<16xf32>
        %mul3A_1176 = arith.mulf %sub3A_1174, %mul3A_1175 : vector<16xf32>
        %swap3A_1177 = arith.index_cast %add3A_1115 : i32 to index
        %swap3A_1178 = arith.constant 48 : index
        %swap3A_1179 = tpu.vector_load %arg16[%swap3A_1177, %swap3A_1178] {strides = array<i32>} : memref<80x128xf32, #tpu.memory_space<vmem>>, vector<1x16xf32>,
        %swap3A_1180 = vector.shape_cast %swap3A_1179 : vector<1x16xf32> to vector<16xf32>
        %swap3A_1181 = vector.shape_cast %mul3A_1176 : vector<16xf32> to vector<1x16xf32>
        tpu.vector_store %arg16[%swap3A_1177, %swap3A_1178], %swap3A_1181 {strides = array<i32>} : memref<80x128xf32, #tpu.memory_space<vmem>>, vector<1x16xf32>,
        %get3A_1182 = arith.index_cast %add3A_1115 : i32 to index
        %get3A_1183 = arith.constant 64 : index
        %get3A_1184 = tpu.vector_load %arg16[%get3A_1182, %get3A_1183] {strides = array<i32>} : memref<80x128xf32, #tpu.memory_space<vmem>>, vector<1x16xf32>,
        %get3A_1185 = vector.shape_cast %get3A_1184 : vector<1x16xf32> to vector<16xf32>
        %get3A_1186 = arith.index_cast %add3A_1115 : i32 to index
        %get3A_1187 = arith.constant 64 : index
        %get3A_1188 = tpu.vector_load %arg15[%get3A_1186, %get3A_1187] {strides = array<i32>} : memref<80x128xf32, #tpu.memory_space<vmem>>, vector<1x16xf32>,
        %get3A_1189 = vector.shape_cast %get3A_1188 : vector<1x16xf32> to vector<16xf32>
        %sub3A_1190 = arith.subf %get3A_1185, %get3A_1189 : vector<16xf32>
        %mul3A_1191 = vector.broadcast %squeeze3A_1117 : f32 to vector<16xf32>
        %mul3A_1192 = arith.mulf %sub3A_1190, %mul3A_1191 : vector<16xf32>
        %swap3A_1193 = arith.index_cast %add3A_1115 : i32 to index
        %swap3A_1194 = arith.constant 64 : index
        %swap3A_1195 = tpu.vector_load %arg16[%swap3A_1193, %swap3A_1194] {strides = array<i32>} : memref<80x128xf32, #tpu.memory_space<vmem>>, vector<1x16xf32>,
        %swap3A_1196 = vector.shape_cast %swap3A_1195 : vector<1x16xf32> to vector<16xf32>
        %swap3A_1197 = vector.shape_cast %mul3A_1192 : vector<16xf32> to vector<1x16xf32>
        tpu.vector_store %arg16[%swap3A_1193, %swap3A_1194], %swap3A_1197 {strides = array<i32>} : memref<80x128xf32, #tpu.memory_space<vmem>>, vector<1x16xf32>,
        %get3A_1198 = arith.index_cast %add3A_1115 : i32 to index
        %get3A_1199 = arith.constant 80 : index
        %get3A_1200 = tpu.vector_load %arg16[%get3A_1198, %get3A_1199] {strides = array<i32>} : memref<80x128xf32, #tpu.memory_space<vmem>>, vector<1x16xf32>,
        %get3A_1201 = vector.shape_cast %get3A_1200 : vector<1x16xf32> to vector<16xf32>
        %get3A_1202 = arith.index_cast %add3A_1115 : i32 to index
        %get3A_1203 = arith.constant 80 : index
        %get3A_1204 = tpu.vector_load %arg15[%get3A_1202, %get3A_1203] {strides = array<i32>} : memref<80x128xf32, #tpu.memory_space<vmem>>, vector<1x16xf32>,
        %get3A_1205 = vector.shape_cast %get3A_1204 : vector<1x16xf32> to vector<16xf32>
        %sub3A_1206 = arith.subf %get3A_1201, %get3A_1205 : vector<16xf32>
        %mul3A_1207 = vector.broadcast %squeeze3A_1117 : f32 to vector<16xf32>
        %mul3A_1208 = arith.mulf %sub3A_1206, %mul3A_1207 : vector<16xf32>
        %swap3A_1209 = arith.index_cast %add3A_1115 : i32 to index
        %swap3A_1210 = arith.constant 80 : index
        %swap3A_1211 = tpu.vector_load %arg16[%swap3A_1209, %swap3A_1210] {strides = array<i32>} : memref<80x128xf32, #tpu.memory_space<vmem>>, vector<1x16xf32>,
        %swap3A_1212 = vector.shape_cast %swap3A_1211 : vector<1x16xf32> to vector<16xf32>
        %swap3A_1213 = vector.shape_cast %mul3A_1208 : vector<16xf32> to vector<1x16xf32>
        tpu.vector_store %arg16[%swap3A_1209, %swap3A_1210], %swap3A_1213 {strides = array<i32>} : memref<80x128xf32, #tpu.memory_space<vmem>>, vector<1x16xf32>,
        %get3A_1214 = arith.index_cast %add3A_1115 : i32 to index
        %get3A_1215 = arith.constant 96 : index
        %get3A_1216 = tpu.vector_load %arg16[%get3A_1214, %get3A_1215] {strides = array<i32>} : memref<80x128xf32, #tpu.memory_space<vmem>>, vector<1x16xf32>,
        %get3A_1217 = vector.shape_cast %get3A_1216 : vector<1x16xf32> to vector<16xf32>
        %get3A_1218 = arith.index_cast %add3A_1115 : i32 to index
        %get3A_1219 = arith.constant 96 : index
        %get3A_1220 = tpu.vector_load %arg15[%get3A_1218, %get3A_1219] {strides = array<i32>} : memref<80x128xf32, #tpu.memory_space<vmem>>, vector<1x16xf32>,
        %get3A_1221 = vector.shape_cast %get3A_1220 : vector<1x16xf32> to vector<16xf32>
        %sub3A_1222 = arith.subf %get3A_1217, %get3A_1221 : vector<16xf32>
        %mul3A_1223 = vector.broadcast %squeeze3A_1117 : f32 to vector<16xf32>
        %mul3A_1224 = arith.mulf %sub3A_1222, %mul3A_1223 : vector<16xf32>
        %swap3A_1225 = arith.index_cast %add3A_1115 : i32 to index
        %swap3A_1226 = arith.constant 96 : index
        %swap3A_1227 = tpu.vector_load %arg16[%swap3A_1225, %swap3A_1226] {strides = array<i32>} : memref<80x128xf32, #tpu.memory_space<vmem>>, vector<1x16xf32>,
        %swap3A_1228 = vector.shape_cast %swap3A_1227 : vector<1x16xf32> to vector<16xf32>
        %swap3A_1229 = vector.shape_cast %mul3A_1224 : vector<16xf32> to vector<1x16xf32>
        tpu.vector_store %arg16[%swap3A_1225, %swap3A_1226], %swap3A_1229 {strides = array<i32>} : memref<80x128xf32, #tpu.memory_space<vmem>>, vector<1x16xf32>,
        %get3A_1230 = arith.index_cast %add3A_1115 : i32 to index
        %get3A_1231 = arith.constant 112 : index
        %get3A_1232 = tpu.vector_load %arg16[%get3A_1230, %get3A_1231] {strides = array<i32>} : memref<80x128xf32, #tpu.memory_space<vmem>>, vector<1x16xf32>,
        %get3A_1233 = vector.shape_cast %get3A_1232 : vector<1x16xf32> to vector<16xf32>
        %get3A_1234 = arith.index_cast %add3A_1115 : i32 to index
        %get3A_1235 = arith.constant 112 : index
        %get3A_1236 = tpu.vector_load %arg15[%get3A_1234, %get3A_1235] {strides = array<i32>} : memref<80x128xf32, #tpu.memory_space<vmem>>, vector<1x16xf32>,
        %get3A_1237 = vector.shape_cast %get3A_1236 : vector<1x16xf32> to vector<16xf32>
        %sub3A_1238 = arith.subf %get3A_1233, %get3A_1237 : vector<16xf32>
        %mul3A_1239 = vector.broadcast %squeeze3A_1117 : f32 to vector<16xf32>
        %mul3A_1240 = arith.mulf %sub3A_1238, %mul3A_1239 : vector<16xf32>
        %swap3A_1241 = arith.index_cast %add3A_1115 : i32 to index
        %swap3A_1242 = arith.constant 112 : index
        %swap3A_1243 = tpu.vector_load %arg16[%swap3A_1241, %swap3A_1242] {strides = array<i32>} : memref<80x128xf32, #tpu.memory_space<vmem>>, vector<1x16xf32>,
        %swap3A_1244 = vector.shape_cast %swap3A_1243 : vector<1x16xf32> to vector<16xf32>
        %swap3A_1245 = vector.shape_cast %mul3A_1240 : vector<16xf32> to vector<1x16xf32>
        tpu.vector_store %arg16[%swap3A_1241, %swap3A_1242], %swap3A_1245 {strides = array<i32>} : memref<80x128xf32, #tpu.memory_space<vmem>>, vector<1x16xf32>,
        %mul3A_1246 = arith.constant 16 : i32
        %mul3A_1247 = arith.muli %scan3A_37, %mul3A_1246 : i32
        %add3A_1248 = arith.constant 9 : i32
        %add3A_1249 = arith.addi %mul3A_1247, %add3A_1248 : i32
        %slice3A_1250 = vector.extract_strided_slice %div3A_43 {offsets = [9], sizes = [1], strides = [1]} : vector<16xf32> to vector<1xf32>
        %squeeze3A_1251 = vector.extract %slice3A_1250[0] : f32 from vector<1xf32>
        %get3A_1252 = arith.index_cast %add3A_1249 : i32 to index
        %get3A_1253 = arith.constant 0 : index
        %get3A_1254 = tpu.vector_load %arg16[%get3A_1252, %get3A_1253] {strides = array<i32>} : memref<80x128xf32, #tpu.memory_space<vmem>>, vector<1x16xf32>,
        %get3A_1255 = vector.shape_cast %get3A_1254 : vector<1x16xf32> to vector<16xf32>
        %get3A_1256 = arith.index_cast %add3A_1249 : i32 to index
        %get3A_1257 = arith.constant 0 : index
        %get3A_1258 = tpu.vector_load %arg15[%get3A_1256, %get3A_1257] {strides = array<i32>} : memref<80x128xf32, #tpu.memory_space<vmem>>, vector<1x16xf32>,
        %get3A_1259 = vector.shape_cast %get3A_1258 : vector<1x16xf32> to vector<16xf32>
        %sub3A_1260 = arith.subf %get3A_1255, %get3A_1259 : vector<16xf32>
        %mul3A_1261 = vector.broadcast %squeeze3A_1251 : f32 to vector<16xf32>
        %mul3A_1262 = arith.mulf %sub3A_1260, %mul3A_1261 : vector<16xf32>
        %swap3A_1263 = arith.index_cast %add3A_1249 : i32 to index
        %swap3A_1264 = arith.constant 0 : index
        %swap3A_1265 = tpu.vector_load %arg16[%swap3A_1263, %swap3A_1264] {strides = array<i32>} : memref<80x128xf32, #tpu.memory_space<vmem>>, vector<1x16xf32>,
        %swap3A_1266 = vector.shape_cast %swap3A_1265 : vector<1x16xf32> to vector<16xf32>
        %swap3A_1267 = vector.shape_cast %mul3A_1262 : vector<16xf32> to vector<1x16xf32>
        tpu.vector_store %arg16[%swap3A_1263, %swap3A_1264], %swap3A_1267 {strides = array<i32>} : memref<80x128xf32, #tpu.memory_space<vmem>>, vector<1x16xf32>,
        %get3A_1268 = arith.index_cast %add3A_1249 : i32 to index
        %get3A_1269 = arith.constant 16 : index
        %get3A_1270 = tpu.vector_load %arg16[%get3A_1268, %get3A_1269] {strides = array<i32>} : memref<80x128xf32, #tpu.memory_space<vmem>>, vector<1x16xf32>,
        %get3A_1271 = vector.shape_cast %get3A_1270 : vector<1x16xf32> to vector<16xf32>
        %get3A_1272 = arith.index_cast %add3A_1249 : i32 to index
        %get3A_1273 = arith.constant 16 : index
        %get3A_1274 = tpu.vector_load %arg15[%get3A_1272, %get3A_1273] {strides = array<i32>} : memref<80x128xf32, #tpu.memory_space<vmem>>, vector<1x16xf32>,
        %get3A_1275 = vector.shape_cast %get3A_1274 : vector<1x16xf32> to vector<16xf32>
        %sub3A_1276 = arith.subf %get3A_1271, %get3A_1275 : vector<16xf32>
        %mul3A_1277 = vector.broadcast %squeeze3A_1251 : f32 to vector<16xf32>
        %mul3A_1278 = arith.mulf %sub3A_1276, %mul3A_1277 : vector<16xf32>
        %swap3A_1279 = arith.index_cast %add3A_1249 : i32 to index
        %swap3A_1280 = arith.constant 16 : index
        %swap3A_1281 = tpu.vector_load %arg16[%swap3A_1279, %swap3A_1280] {strides = array<i32>} : memref<80x128xf32, #tpu.memory_space<vmem>>, vector<1x16xf32>,
        %swap3A_1282 = vector.shape_cast %swap3A_1281 : vector<1x16xf32> to vector<16xf32>
        %swap3A_1283 = vector.shape_cast %mul3A_1278 : vector<16xf32> to vector<1x16xf32>
        tpu.vector_store %arg16[%swap3A_1279, %swap3A_1280], %swap3A_1283 {strides = array<i32>} : memref<80x128xf32, #tpu.memory_space<vmem>>, vector<1x16xf32>,
        %get3A_1284 = arith.index_cast %add3A_1249 : i32 to index
        %get3A_1285 = arith.constant 32 : index
        %get3A_1286 = tpu.vector_load %arg16[%get3A_1284, %get3A_1285] {strides = array<i32>} : memref<80x128xf32, #tpu.memory_space<vmem>>, vector<1x16xf32>,
        %get3A_1287 = vector.shape_cast %get3A_1286 : vector<1x16xf32> to vector<16xf32>
        %get3A_1288 = arith.index_cast %add3A_1249 : i32 to index
        %get3A_1289 = arith.constant 32 : index
        %get3A_1290 = tpu.vector_load %arg15[%get3A_1288, %get3A_1289] {strides = array<i32>} : memref<80x128xf32, #tpu.memory_space<vmem>>, vector<1x16xf32>,
        %get3A_1291 = vector.shape_cast %get3A_1290 : vector<1x16xf32> to vector<16xf32>
        %sub3A_1292 = arith.subf %get3A_1287, %get3A_1291 : vector<16xf32>
        %mul3A_1293 = vector.broadcast %squeeze3A_1251 : f32 to vector<16xf32>
        %mul3A_1294 = arith.mulf %sub3A_1292, %mul3A_1293 : vector<16xf32>
        %swap3A_1295 = arith.index_cast %add3A_1249 : i32 to index
        %swap3A_1296 = arith.constant 32 : index
        %swap3A_1297 = tpu.vector_load %arg16[%swap3A_1295, %swap3A_1296] {strides = array<i32>} : memref<80x128xf32, #tpu.memory_space<vmem>>, vector<1x16xf32>,
        %swap3A_1298 = vector.shape_cast %swap3A_1297 : vector<1x16xf32> to vector<16xf32>
        %swap3A_1299 = vector.shape_cast %mul3A_1294 : vector<16xf32> to vector<1x16xf32>
        tpu.vector_store %arg16[%swap3A_1295, %swap3A_1296], %swap3A_1299 {strides = array<i32>} : memref<80x128xf32, #tpu.memory_space<vmem>>, vector<1x16xf32>,
        %get3A_1300 = arith.index_cast %add3A_1249 : i32 to index
        %get3A_1301 = arith.constant 48 : index
        %get3A_1302 = tpu.vector_load %arg16[%get3A_1300, %get3A_1301] {strides = array<i32>} : memref<80x128xf32, #tpu.memory_space<vmem>>, vector<1x16xf32>,
        %get3A_1303 = vector.shape_cast %get3A_1302 : vector<1x16xf32> to vector<16xf32>
        %get3A_1304 = arith.index_cast %add3A_1249 : i32 to index
        %get3A_1305 = arith.constant 48 : index
        %get3A_1306 = tpu.vector_load %arg15[%get3A_1304, %get3A_1305] {strides = array<i32>} : memref<80x128xf32, #tpu.memory_space<vmem>>, vector<1x16xf32>,
        %get3A_1307 = vector.shape_cast %get3A_1306 : vector<1x16xf32> to vector<16xf32>
        %sub3A_1308 = arith.subf %get3A_1303, %get3A_1307 : vector<16xf32>
        %mul3A_1309 = vector.broadcast %squeeze3A_1251 : f32 to vector<16xf32>
        %mul3A_1310 = arith.mulf %sub3A_1308, %mul3A_1309 : vector<16xf32>
        %swap3A_1311 = arith.index_cast %add3A_1249 : i32 to index
        %swap3A_1312 = arith.constant 48 : index
        %swap3A_1313 = tpu.vector_load %arg16[%swap3A_1311, %swap3A_1312] {strides = array<i32>} : memref<80x128xf32, #tpu.memory_space<vmem>>, vector<1x16xf32>,
        %swap3A_1314 = vector.shape_cast %swap3A_1313 : vector<1x16xf32> to vector<16xf32>
        %swap3A_1315 = vector.shape_cast %mul3A_1310 : vector<16xf32> to vector<1x16xf32>
        tpu.vector_store %arg16[%swap3A_1311, %swap3A_1312], %swap3A_1315 {strides = array<i32>} : memref<80x128xf32, #tpu.memory_space<vmem>>, vector<1x16xf32>,
        %get3A_1316 = arith.index_cast %add3A_1249 : i32 to index
        %get3A_1317 = arith.constant 64 : index
        %get3A_1318 = tpu.vector_load %arg16[%get3A_1316, %get3A_1317] {strides = array<i32>} : memref<80x128xf32, #tpu.memory_space<vmem>>, vector<1x16xf32>,
        %get3A_1319 = vector.shape_cast %get3A_1318 : vector<1x16xf32> to vector<16xf32>
        %get3A_1320 = arith.index_cast %add3A_1249 : i32 to index
        %get3A_1321 = arith.constant 64 : index
        %get3A_1322 = tpu.vector_load %arg15[%get3A_1320, %get3A_1321] {strides = array<i32>} : memref<80x128xf32, #tpu.memory_space<vmem>>, vector<1x16xf32>,
        %get3A_1323 = vector.shape_cast %get3A_1322 : vector<1x16xf32> to vector<16xf32>
        %sub3A_1324 = arith.subf %get3A_1319, %get3A_1323 : vector<16xf32>
        %mul3A_1325 = vector.broadcast %squeeze3A_1251 : f32 to vector<16xf32>
        %mul3A_1326 = arith.mulf %sub3A_1324, %mul3A_1325 : vector<16xf32>
        %swap3A_1327 = arith.index_cast %add3A_1249 : i32 to index
        %swap3A_1328 = arith.constant 64 : index
        %swap3A_1329 = tpu.vector_load %arg16[%swap3A_1327, %swap3A_1328] {strides = array<i32>} : memref<80x128xf32, #tpu.memory_space<vmem>>, vector<1x16xf32>,
        %swap3A_1330 = vector.shape_cast %swap3A_1329 : vector<1x16xf32> to vector<16xf32>
        %swap3A_1331 = vector.shape_cast %mul3A_1326 : vector<16xf32> to vector<1x16xf32>
        tpu.vector_store %arg16[%swap3A_1327, %swap3A_1328], %swap3A_1331 {strides = array<i32>} : memref<80x128xf32, #tpu.memory_space<vmem>>, vector<1x16xf32>,
        %get3A_1332 = arith.index_cast %add3A_1249 : i32 to index
        %get3A_1333 = arith.constant 80 : index
        %get3A_1334 = tpu.vector_load %arg16[%get3A_1332, %get3A_1333] {strides = array<i32>} : memref<80x128xf32, #tpu.memory_space<vmem>>, vector<1x16xf32>,
        %get3A_1335 = vector.shape_cast %get3A_1334 : vector<1x16xf32> to vector<16xf32>
        %get3A_1336 = arith.index_cast %add3A_1249 : i32 to index
        %get3A_1337 = arith.constant 80 : index
        %get3A_1338 = tpu.vector_load %arg15[%get3A_1336, %get3A_1337] {strides = array<i32>} : memref<80x128xf32, #tpu.memory_space<vmem>>, vector<1x16xf32>,
        %get3A_1339 = vector.shape_cast %get3A_1338 : vector<1x16xf32> to vector<16xf32>
        %sub3A_1340 = arith.subf %get3A_1335, %get3A_1339 : vector<16xf32>
        %mul3A_1341 = vector.broadcast %squeeze3A_1251 : f32 to vector<16xf32>
        %mul3A_1342 = arith.mulf %sub3A_1340, %mul3A_1341 : vector<16xf32>
        %swap3A_1343 = arith.index_cast %add3A_1249 : i32 to index
        %swap3A_1344 = arith.constant 80 : index
        %swap3A_1345 = tpu.vector_load %arg16[%swap3A_1343, %swap3A_1344] {strides = array<i32>} : memref<80x128xf32, #tpu.memory_space<vmem>>, vector<1x16xf32>,
        %swap3A_1346 = vector.shape_cast %swap3A_1345 : vector<1x16xf32> to vector<16xf32>
        %swap3A_1347 = vector.shape_cast %mul3A_1342 : vector<16xf32> to vector<1x16xf32>
        tpu.vector_store %arg16[%swap3A_1343, %swap3A_1344], %swap3A_1347 {strides = array<i32>} : memref<80x128xf32, #tpu.memory_space<vmem>>, vector<1x16xf32>,
        %get3A_1348 = arith.index_cast %add3A_1249 : i32 to index
        %get3A_1349 = arith.constant 96 : index
        %get3A_1350 = tpu.vector_load %arg16[%get3A_1348, %get3A_1349] {strides = array<i32>} : memref<80x128xf32, #tpu.memory_space<vmem>>, vector<1x16xf32>,
        %get3A_1351 = vector.shape_cast %get3A_1350 : vector<1x16xf32> to vector<16xf32>
        %get3A_1352 = arith.index_cast %add3A_1249 : i32 to index
        %get3A_1353 = arith.constant 96 : index
        %get3A_1354 = tpu.vector_load %arg15[%get3A_1352, %get3A_1353] {strides = array<i32>} : memref<80x128xf32, #tpu.memory_space<vmem>>, vector<1x16xf32>,
        %get3A_1355 = vector.shape_cast %get3A_1354 : vector<1x16xf32> to vector<16xf32>
        %sub3A_1356 = arith.subf %get3A_1351, %get3A_1355 : vector<16xf32>
        %mul3A_1357 = vector.broadcast %squeeze3A_1251 : f32 to vector<16xf32>
        %mul3A_1358 = arith.mulf %sub3A_1356, %mul3A_1357 : vector<16xf32>
        %swap3A_1359 = arith.index_cast %add3A_1249 : i32 to index
        %swap3A_1360 = arith.constant 96 : index
        %swap3A_1361 = tpu.vector_load %arg16[%swap3A_1359, %swap3A_1360] {strides = array<i32>} : memref<80x128xf32, #tpu.memory_space<vmem>>, vector<1x16xf32>,
        %swap3A_1362 = vector.shape_cast %swap3A_1361 : vector<1x16xf32> to vector<16xf32>
        %swap3A_1363 = vector.shape_cast %mul3A_1358 : vector<16xf32> to vector<1x16xf32>
        tpu.vector_store %arg16[%swap3A_1359, %swap3A_1360], %swap3A_1363 {strides = array<i32>} : memref<80x128xf32, #tpu.memory_space<vmem>>, vector<1x16xf32>,
        %get3A_1364 = arith.index_cast %add3A_1249 : i32 to index
        %get3A_1365 = arith.constant 112 : index
        %get3A_1366 = tpu.vector_load %arg16[%get3A_1364, %get3A_1365] {strides = array<i32>} : memref<80x128xf32, #tpu.memory_space<vmem>>, vector<1x16xf32>,
        %get3A_1367 = vector.shape_cast %get3A_1366 : vector<1x16xf32> to vector<16xf32>
        %get3A_1368 = arith.index_cast %add3A_1249 : i32 to index
        %get3A_1369 = arith.constant 112 : index
        %get3A_1370 = tpu.vector_load %arg15[%get3A_1368, %get3A_1369] {strides = array<i32>} : memref<80x128xf32, #tpu.memory_space<vmem>>, vector<1x16xf32>,
        %get3A_1371 = vector.shape_cast %get3A_1370 : vector<1x16xf32> to vector<16xf32>
        %sub3A_1372 = arith.subf %get3A_1367, %get3A_1371 : vector<16xf32>
        %mul3A_1373 = vector.broadcast %squeeze3A_1251 : f32 to vector<16xf32>
        %mul3A_1374 = arith.mulf %sub3A_1372, %mul3A_1373 : vector<16xf32>
        %swap3A_1375 = arith.index_cast %add3A_1249 : i32 to index
        %swap3A_1376 = arith.constant 112 : index
        %swap3A_1377 = tpu.vector_load %arg16[%swap3A_1375, %swap3A_1376] {strides = array<i32>} : memref<80x128xf32, #tpu.memory_space<vmem>>, vector<1x16xf32>,
        %swap3A_1378 = vector.shape_cast %swap3A_1377 : vector<1x16xf32> to vector<16xf32>
        %swap3A_1379 = vector.shape_cast %mul3A_1374 : vector<16xf32> to vector<1x16xf32>
        tpu.vector_store %arg16[%swap3A_1375, %swap3A_1376], %swap3A_1379 {strides = array<i32>} : memref<80x128xf32, #tpu.memory_space<vmem>>, vector<1x16xf32>,
        %mul3A_1380 = arith.constant 16 : i32
        %mul3A_1381 = arith.muli %scan3A_37, %mul3A_1380 : i32
        %add3A_1382 = arith.constant 10 : i32
        %add3A_1383 = arith.addi %mul3A_1381, %add3A_1382 : i32
        %slice3A_1384 = vector.extract_strided_slice %div3A_43 {offsets = [10], sizes = [1], strides = [1]} : vector<16xf32> to vector<1xf32>
        %squeeze3A_1385 = vector.extract %slice3A_1384[0] : f32 from vector<1xf32>
        %get3A_1386 = arith.index_cast %add3A_1383 : i32 to index
        %get3A_1387 = arith.constant 0 : index
        %get3A_1388 = tpu.vector_load %arg16[%get3A_1386, %get3A_1387] {strides = array<i32>} : memref<80x128xf32, #tpu.memory_space<vmem>>, vector<1x16xf32>,
        %get3A_1389 = vector.shape_cast %get3A_1388 : vector<1x16xf32> to vector<16xf32>
        %get3A_1390 = arith.index_cast %add3A_1383 : i32 to index
        %get3A_1391 = arith.constant 0 : index
        %get3A_1392 = tpu.vector_load %arg15[%get3A_1390, %get3A_1391] {strides = array<i32>} : memref<80x128xf32, #tpu.memory_space<vmem>>, vector<1x16xf32>,
        %get3A_1393 = vector.shape_cast %get3A_1392 : vector<1x16xf32> to vector<16xf32>
        %sub3A_1394 = arith.subf %get3A_1389, %get3A_1393 : vector<16xf32>
        %mul3A_1395 = vector.broadcast %squeeze3A_1385 : f32 to vector<16xf32>
        %mul3A_1396 = arith.mulf %sub3A_1394, %mul3A_1395 : vector<16xf32>
        %swap3A_1397 = arith.index_cast %add3A_1383 : i32 to index
        %swap3A_1398 = arith.constant 0 : index
        %swap3A_1399 = tpu.vector_load %arg16[%swap3A_1397, %swap3A_1398] {strides = array<i32>} : memref<80x128xf32, #tpu.memory_space<vmem>>, vector<1x16xf32>,
        %swap3A_1400 = vector.shape_cast %swap3A_1399 : vector<1x16xf32> to vector<16xf32>
        %swap3A_1401 = vector.shape_cast %mul3A_1396 : vector<16xf32> to vector<1x16xf32>
        tpu.vector_store %arg16[%swap3A_1397, %swap3A_1398], %swap3A_1401 {strides = array<i32>} : memref<80x128xf32, #tpu.memory_space<vmem>>, vector<1x16xf32>,
        %get3A_1402 = arith.index_cast %add3A_1383 : i32 to index
        %get3A_1403 = arith.constant 16 : index
        %get3A_1404 = tpu.vector_load %arg16[%get3A_1402, %get3A_1403] {strides = array<i32>} : memref<80x128xf32, #tpu.memory_space<vmem>>, vector<1x16xf32>,
        %get3A_1405 = vector.shape_cast %get3A_1404 : vector<1x16xf32> to vector<16xf32>
        %get3A_1406 = arith.index_cast %add3A_1383 : i32 to index
        %get3A_1407 = arith.constant 16 : index
        %get3A_1408 = tpu.vector_load %arg15[%get3A_1406, %get3A_1407] {strides = array<i32>} : memref<80x128xf32, #tpu.memory_space<vmem>>, vector<1x16xf32>,
        %get3A_1409 = vector.shape_cast %get3A_1408 : vector<1x16xf32> to vector<16xf32>
        %sub3A_1410 = arith.subf %get3A_1405, %get3A_1409 : vector<16xf32>
        %mul3A_1411 = vector.broadcast %squeeze3A_1385 : f32 to vector<16xf32>
        %mul3A_1412 = arith.mulf %sub3A_1410, %mul3A_1411 : vector<16xf32>
        %swap3A_1413 = arith.index_cast %add3A_1383 : i32 to index
        %swap3A_1414 = arith.constant 16 : index
        %swap3A_1415 = tpu.vector_load %arg16[%swap3A_1413, %swap3A_1414] {strides = array<i32>} : memref<80x128xf32, #tpu.memory_space<vmem>>, vector<1x16xf32>,
        %swap3A_1416 = vector.shape_cast %swap3A_1415 : vector<1x16xf32> to vector<16xf32>
        %swap3A_1417 = vector.shape_cast %mul3A_1412 : vector<16xf32> to vector<1x16xf32>
        tpu.vector_store %arg16[%swap3A_1413, %swap3A_1414], %swap3A_1417 {strides = array<i32>} : memref<80x128xf32, #tpu.memory_space<vmem>>, vector<1x16xf32>,
        %get3A_1418 = arith.index_cast %add3A_1383 : i32 to index
        %get3A_1419 = arith.constant 32 : index
        %get3A_1420 = tpu.vector_load %arg16[%get3A_1418, %get3A_1419] {strides = array<i32>} : memref<80x128xf32, #tpu.memory_space<vmem>>, vector<1x16xf32>,
        %get3A_1421 = vector.shape_cast %get3A_1420 : vector<1x16xf32> to vector<16xf32>
        %get3A_1422 = arith.index_cast %add3A_1383 : i32 to index
        %get3A_1423 = arith.constant 32 : index
        %get3A_1424 = tpu.vector_load %arg15[%get3A_1422, %get3A_1423] {strides = array<i32>} : memref<80x128xf32, #tpu.memory_space<vmem>>, vector<1x16xf32>,
        %get3A_1425 = vector.shape_cast %get3A_1424 : vector<1x16xf32> to vector<16xf32>
        %sub3A_1426 = arith.subf %get3A_1421, %get3A_1425 : vector<16xf32>
        %mul3A_1427 = vector.broadcast %squeeze3A_1385 : f32 to vector<16xf32>
        %mul3A_1428 = arith.mulf %sub3A_1426, %mul3A_1427 : vector<16xf32>
        %swap3A_1429 = arith.index_cast %add3A_1383 : i32 to index
        %swap3A_1430 = arith.constant 32 : index
        %swap3A_1431 = tpu.vector_load %arg16[%swap3A_1429, %swap3A_1430] {strides = array<i32>} : memref<80x128xf32, #tpu.memory_space<vmem>>, vector<1x16xf32>,
        %swap3A_1432 = vector.shape_cast %swap3A_1431 : vector<1x16xf32> to vector<16xf32>
        %swap3A_1433 = vector.shape_cast %mul3A_1428 : vector<16xf32> to vector<1x16xf32>
        tpu.vector_store %arg16[%swap3A_1429, %swap3A_1430], %swap3A_1433 {strides = array<i32>} : memref<80x128xf32, #tpu.memory_space<vmem>>, vector<1x16xf32>,
        %get3A_1434 = arith.index_cast %add3A_1383 : i32 to index
        %get3A_1435 = arith.constant 48 : index
        %get3A_1436 = tpu.vector_load %arg16[%get3A_1434, %get3A_1435] {strides = array<i32>} : memref<80x128xf32, #tpu.memory_space<vmem>>, vector<1x16xf32>,
        %get3A_1437 = vector.shape_cast %get3A_1436 : vector<1x16xf32> to vector<16xf32>
        %get3A_1438 = arith.index_cast %add3A_1383 : i32 to index
        %get3A_1439 = arith.constant 48 : index
        %get3A_1440 = tpu.vector_load %arg15[%get3A_1438, %get3A_1439] {strides = array<i32>} : memref<80x128xf32, #tpu.memory_space<vmem>>, vector<1x16xf32>,
        %get3A_1441 = vector.shape_cast %get3A_1440 : vector<1x16xf32> to vector<16xf32>
        %sub3A_1442 = arith.subf %get3A_1437, %get3A_1441 : vector<16xf32>
        %mul3A_1443 = vector.broadcast %squeeze3A_1385 : f32 to vector<16xf32>
        %mul3A_1444 = arith.mulf %sub3A_1442, %mul3A_1443 : vector<16xf32>
        %swap3A_1445 = arith.index_cast %add3A_1383 : i32 to index
        %swap3A_1446 = arith.constant 48 : index
        %swap3A_1447 = tpu.vector_load %arg16[%swap3A_1445, %swap3A_1446] {strides = array<i32>} : memref<80x128xf32, #tpu.memory_space<vmem>>, vector<1x16xf32>,
        %swap3A_1448 = vector.shape_cast %swap3A_1447 : vector<1x16xf32> to vector<16xf32>
        %swap3A_1449 = vector.shape_cast %mul3A_1444 : vector<16xf32> to vector<1x16xf32>
        tpu.vector_store %arg16[%swap3A_1445, %swap3A_1446], %swap3A_1449 {strides = array<i32>} : memref<80x128xf32, #tpu.memory_space<vmem>>, vector<1x16xf32>,
        %get3A_1450 = arith.index_cast %add3A_1383 : i32 to index
        %get3A_1451 = arith.constant 64 : index
        %get3A_1452 = tpu.vector_load %arg16[%get3A_1450, %get3A_1451] {strides = array<i32>} : memref<80x128xf32, #tpu.memory_space<vmem>>, vector<1x16xf32>,
        %get3A_1453 = vector.shape_cast %get3A_1452 : vector<1x16xf32> to vector<16xf32>
        %get3A_1454 = arith.index_cast %add3A_1383 : i32 to index
        %get3A_1455 = arith.constant 64 : index
        %get3A_1456 = tpu.vector_load %arg15[%get3A_1454, %get3A_1455] {strides = array<i32>} : memref<80x128xf32, #tpu.memory_space<vmem>>, vector<1x16xf32>,
        %get3A_1457 = vector.shape_cast %get3A_1456 : vector<1x16xf32> to vector<16xf32>
        %sub3A_1458 = arith.subf %get3A_1453, %get3A_1457 : vector<16xf32>
        %mul3A_1459 = vector.broadcast %squeeze3A_1385 : f32 to vector<16xf32>
        %mul3A_1460 = arith.mulf %sub3A_1458, %mul3A_1459 : vector<16xf32>
        %swap3A_1461 = arith.index_cast %add3A_1383 : i32 to index
        %swap3A_1462 = arith.constant 64 : index
        %swap3A_1463 = tpu.vector_load %arg16[%swap3A_1461, %swap3A_1462] {strides = array<i32>} : memref<80x128xf32, #tpu.memory_space<vmem>>, vector<1x16xf32>,
        %swap3A_1464 = vector.shape_cast %swap3A_1463 : vector<1x16xf32> to vector<16xf32>
        %swap3A_1465 = vector.shape_cast %mul3A_1460 : vector<16xf32> to vector<1x16xf32>
        tpu.vector_store %arg16[%swap3A_1461, %swap3A_1462], %swap3A_1465 {strides = array<i32>} : memref<80x128xf32, #tpu.memory_space<vmem>>, vector<1x16xf32>,
        %get3A_1466 = arith.index_cast %add3A_1383 : i32 to index
        %get3A_1467 = arith.constant 80 : index
        %get3A_1468 = tpu.vector_load %arg16[%get3A_1466, %get3A_1467] {strides = array<i32>} : memref<80x128xf32, #tpu.memory_space<vmem>>, vector<1x16xf32>,
        %get3A_1469 = vector.shape_cast %get3A_1468 : vector<1x16xf32> to vector<16xf32>
        %get3A_1470 = arith.index_cast %add3A_1383 : i32 to index
        %get3A_1471 = arith.constant 80 : index
        %get3A_1472 = tpu.vector_load %arg15[%get3A_1470, %get3A_1471] {strides = array<i32>} : memref<80x128xf32, #tpu.memory_space<vmem>>, vector<1x16xf32>,
        %get3A_1473 = vector.shape_cast %get3A_1472 : vector<1x16xf32> to vector<16xf32>
        %sub3A_1474 = arith.subf %get3A_1469, %get3A_1473 : vector<16xf32>
        %mul3A_1475 = vector.broadcast %squeeze3A_1385 : f32 to vector<16xf32>
        %mul3A_1476 = arith.mulf %sub3A_1474, %mul3A_1475 : vector<16xf32>
        %swap3A_1477 = arith.index_cast %add3A_1383 : i32 to index
        %swap3A_1478 = arith.constant 80 : index
        %swap3A_1479 = tpu.vector_load %arg16[%swap3A_1477, %swap3A_1478] {strides = array<i32>} : memref<80x128xf32, #tpu.memory_space<vmem>>, vector<1x16xf32>,
        %swap3A_1480 = vector.shape_cast %swap3A_1479 : vector<1x16xf32> to vector<16xf32>
        %swap3A_1481 = vector.shape_cast %mul3A_1476 : vector<16xf32> to vector<1x16xf32>
        tpu.vector_store %arg16[%swap3A_1477, %swap3A_1478], %swap3A_1481 {strides = array<i32>} : memref<80x128xf32, #tpu.memory_space<vmem>>, vector<1x16xf32>,
        %get3A_1482 = arith.index_cast %add3A_1383 : i32 to index
        %get3A_1483 = arith.constant 96 : index
        %get3A_1484 = tpu.vector_load %arg16[%get3A_1482, %get3A_1483] {strides = array<i32>} : memref<80x128xf32, #tpu.memory_space<vmem>>, vector<1x16xf32>,
        %get3A_1485 = vector.shape_cast %get3A_1484 : vector<1x16xf32> to vector<16xf32>
        %get3A_1486 = arith.index_cast %add3A_1383 : i32 to index
        %get3A_1487 = arith.constant 96 : index
        %get3A_1488 = tpu.vector_load %arg15[%get3A_1486, %get3A_1487] {strides = array<i32>} : memref<80x128xf32, #tpu.memory_space<vmem>>, vector<1x16xf32>,
        %get3A_1489 = vector.shape_cast %get3A_1488 : vector<1x16xf32> to vector<16xf32>
        %sub3A_1490 = arith.subf %get3A_1485, %get3A_1489 : vector<16xf32>
        %mul3A_1491 = vector.broadcast %squeeze3A_1385 : f32 to vector<16xf32>
        %mul3A_1492 = arith.mulf %sub3A_1490, %mul3A_1491 : vector<16xf32>
        %swap3A_1493 = arith.index_cast %add3A_1383 : i32 to index
        %swap3A_1494 = arith.constant 96 : index
        %swap3A_1495 = tpu.vector_load %arg16[%swap3A_1493, %swap3A_1494] {strides = array<i32>} : memref<80x128xf32, #tpu.memory_space<vmem>>, vector<1x16xf32>,
        %swap3A_1496 = vector.shape_cast %swap3A_1495 : vector<1x16xf32> to vector<16xf32>
        %swap3A_1497 = vector.shape_cast %mul3A_1492 : vector<16xf32> to vector<1x16xf32>
        tpu.vector_store %arg16[%swap3A_1493, %swap3A_1494], %swap3A_1497 {strides = array<i32>} : memref<80x128xf32, #tpu.memory_space<vmem>>, vector<1x16xf32>,
        %get3A_1498 = arith.index_cast %add3A_1383 : i32 to index
        %get3A_1499 = arith.constant 112 : index
        %get3A_1500 = tpu.vector_load %arg16[%get3A_1498, %get3A_1499] {strides = array<i32>} : memref<80x128xf32, #tpu.memory_space<vmem>>, vector<1x16xf32>,
        %get3A_1501 = vector.shape_cast %get3A_1500 : vector<1x16xf32> to vector<16xf32>
        %get3A_1502 = arith.index_cast %add3A_1383 : i32 to index
        %get3A_1503 = arith.constant 112 : index
        %get3A_1504 = tpu.vector_load %arg15[%get3A_1502, %get3A_1503] {strides = array<i32>} : memref<80x128xf32, #tpu.memory_space<vmem>>, vector<1x16xf32>,
        %get3A_1505 = vector.shape_cast %get3A_1504 : vector<1x16xf32> to vector<16xf32>
        %sub3A_1506 = arith.subf %get3A_1501, %get3A_1505 : vector<16xf32>
        %mul3A_1507 = vector.broadcast %squeeze3A_1385 : f32 to vector<16xf32>
        %mul3A_1508 = arith.mulf %sub3A_1506, %mul3A_1507 : vector<16xf32>
        %swap3A_1509 = arith.index_cast %add3A_1383 : i32 to index
        %swap3A_1510 = arith.constant 112 : index
        %swap3A_1511 = tpu.vector_load %arg16[%swap3A_1509, %swap3A_1510] {strides = array<i32>} : memref<80x128xf32, #tpu.memory_space<vmem>>, vector<1x16xf32>,
        %swap3A_1512 = vector.shape_cast %swap3A_1511 : vector<1x16xf32> to vector<16xf32>
        %swap3A_1513 = vector.shape_cast %mul3A_1508 : vector<16xf32> to vector<1x16xf32>
        tpu.vector_store %arg16[%swap3A_1509, %swap3A_1510], %swap3A_1513 {strides = array<i32>} : memref<80x128xf32, #tpu.memory_space<vmem>>, vector<1x16xf32>,
        %mul3A_1514 = arith.constant 16 : i32
        %mul3A_1515 = arith.muli %scan3A_37, %mul3A_1514 : i32
        %add3A_1516 = arith.constant 11 : i32
        %add3A_1517 = arith.addi %mul3A_1515, %add3A_1516 : i32
        %slice3A_1518 = vector.extract_strided_slice %div3A_43 {offsets = [11], sizes = [1], strides = [1]} : vector<16xf32> to vector<1xf32>
        %squeeze3A_1519 = vector.extract %slice3A_1518[0] : f32 from vector<1xf32>
        %get3A_1520 = arith.index_cast %add3A_1517 : i32 to index
        %get3A_1521 = arith.constant 0 : index
        %get3A_1522 = tpu.vector_load %arg16[%get3A_1520, %get3A_1521] {strides = array<i32>} : memref<80x128xf32, #tpu.memory_space<vmem>>, vector<1x16xf32>,
        %get3A_1523 = vector.shape_cast %get3A_1522 : vector<1x16xf32> to vector<16xf32>
        %get3A_1524 = arith.index_cast %add3A_1517 : i32 to index
        %get3A_1525 = arith.constant 0 : index
        %get3A_1526 = tpu.vector_load %arg15[%get3A_1524, %get3A_1525] {strides = array<i32>} : memref<80x128xf32, #tpu.memory_space<vmem>>, vector<1x16xf32>,
        %get3A_1527 = vector.shape_cast %get3A_1526 : vector<1x16xf32> to vector<16xf32>
        %sub3A_1528 = arith.subf %get3A_1523, %get3A_1527 : vector<16xf32>
        %mul3A_1529 = vector.broadcast %squeeze3A_1519 : f32 to vector<16xf32>
        %mul3A_1530 = arith.mulf %sub3A_1528, %mul3A_1529 : vector<16xf32>
        %swap3A_1531 = arith.index_cast %add3A_1517 : i32 to index
        %swap3A_1532 = arith.constant 0 : index
        %swap3A_1533 = tpu.vector_load %arg16[%swap3A_1531, %swap3A_1532] {strides = array<i32>} : memref<80x128xf32, #tpu.memory_space<vmem>>, vector<1x16xf32>,
        %swap3A_1534 = vector.shape_cast %swap3A_1533 : vector<1x16xf32> to vector<16xf32>
        %swap3A_1535 = vector.shape_cast %mul3A_1530 : vector<16xf32> to vector<1x16xf32>
        tpu.vector_store %arg16[%swap3A_1531, %swap3A_1532], %swap3A_1535 {strides = array<i32>} : memref<80x128xf32, #tpu.memory_space<vmem>>, vector<1x16xf32>,
        %get3A_1536 = arith.index_cast %add3A_1517 : i32 to index
        %get3A_1537 = arith.constant 16 : index
        %get3A_1538 = tpu.vector_load %arg16[%get3A_1536, %get3A_1537] {strides = array<i32>} : memref<80x128xf32, #tpu.memory_space<vmem>>, vector<1x16xf32>,
        %get3A_1539 = vector.shape_cast %get3A_1538 : vector<1x16xf32> to vector<16xf32>
        %get3A_1540 = arith.index_cast %add3A_1517 : i32 to index
        %get3A_1541 = arith.constant 16 : index
        %get3A_1542 = tpu.vector_load %arg15[%get3A_1540, %get3A_1541] {strides = array<i32>} : memref<80x128xf32, #tpu.memory_space<vmem>>, vector<1x16xf32>,
        %get3A_1543 = vector.shape_cast %get3A_1542 : vector<1x16xf32> to vector<16xf32>
        %sub3A_1544 = arith.subf %get3A_1539, %get3A_1543 : vector<16xf32>
        %mul3A_1545 = vector.broadcast %squeeze3A_1519 : f32 to vector<16xf32>
        %mul3A_1546 = arith.mulf %sub3A_1544, %mul3A_1545 : vector<16xf32>
        %swap3A_1547 = arith.index_cast %add3A_1517 : i32 to index
        %swap3A_1548 = arith.constant 16 : index
        %swap3A_1549 = tpu.vector_load %arg16[%swap3A_1547, %swap3A_1548] {strides = array<i32>} : memref<80x128xf32, #tpu.memory_space<vmem>>, vector<1x16xf32>,
        %swap3A_1550 = vector.shape_cast %swap3A_1549 : vector<1x16xf32> to vector<16xf32>
        %swap3A_1551 = vector.shape_cast %mul3A_1546 : vector<16xf32> to vector<1x16xf32>
        tpu.vector_store %arg16[%swap3A_1547, %swap3A_1548], %swap3A_1551 {strides = array<i32>} : memref<80x128xf32, #tpu.memory_space<vmem>>, vector<1x16xf32>,
        %get3A_1552 = arith.index_cast %add3A_1517 : i32 to index
        %get3A_1553 = arith.constant 32 : index
        %get3A_1554 = tpu.vector_load %arg16[%get3A_1552, %get3A_1553] {strides = array<i32>} : memref<80x128xf32, #tpu.memory_space<vmem>>, vector<1x16xf32>,
        %get3A_1555 = vector.shape_cast %get3A_1554 : vector<1x16xf32> to vector<16xf32>
        %get3A_1556 = arith.index_cast %add3A_1517 : i32 to index
        %get3A_1557 = arith.constant 32 : index
        %get3A_1558 = tpu.vector_load %arg15[%get3A_1556, %get3A_1557] {strides = array<i32>} : memref<80x128xf32, #tpu.memory_space<vmem>>, vector<1x16xf32>,
        %get3A_1559 = vector.shape_cast %get3A_1558 : vector<1x16xf32> to vector<16xf32>
        %sub3A_1560 = arith.subf %get3A_1555, %get3A_1559 : vector<16xf32>
        %mul3A_1561 = vector.broadcast %squeeze3A_1519 : f32 to vector<16xf32>
        %mul3A_1562 = arith.mulf %sub3A_1560, %mul3A_1561 : vector<16xf32>
        %swap3A_1563 = arith.index_cast %add3A_1517 : i32 to index
        %swap3A_1564 = arith.constant 32 : index
        %swap3A_1565 = tpu.vector_load %arg16[%swap3A_1563, %swap3A_1564] {strides = array<i32>} : memref<80x128xf32, #tpu.memory_space<vmem>>, vector<1x16xf32>,
        %swap3A_1566 = vector.shape_cast %swap3A_1565 : vector<1x16xf32> to vector<16xf32>
        %swap3A_1567 = vector.shape_cast %mul3A_1562 : vector<16xf32> to vector<1x16xf32>
        tpu.vector_store %arg16[%swap3A_1563, %swap3A_1564], %swap3A_1567 {strides = array<i32>} : memref<80x128xf32, #tpu.memory_space<vmem>>, vector<1x16xf32>,
        %get3A_1568 = arith.index_cast %add3A_1517 : i32 to index
        %get3A_1569 = arith.constant 48 : index
        %get3A_1570 = tpu.vector_load %arg16[%get3A_1568, %get3A_1569] {strides = array<i32>} : memref<80x128xf32, #tpu.memory_space<vmem>>, vector<1x16xf32>,
        %get3A_1571 = vector.shape_cast %get3A_1570 : vector<1x16xf32> to vector<16xf32>
        %get3A_1572 = arith.index_cast %add3A_1517 : i32 to index
        %get3A_1573 = arith.constant 48 : index
        %get3A_1574 = tpu.vector_load %arg15[%get3A_1572, %get3A_1573] {strides = array<i32>} : memref<80x128xf32, #tpu.memory_space<vmem>>, vector<1x16xf32>,
        %get3A_1575 = vector.shape_cast %get3A_1574 : vector<1x16xf32> to vector<16xf32>
        %sub3A_1576 = arith.subf %get3A_1571, %get3A_1575 : vector<16xf32>
        %mul3A_1577 = vector.broadcast %squeeze3A_1519 : f32 to vector<16xf32>
        %mul3A_1578 = arith.mulf %sub3A_1576, %mul3A_1577 : vector<16xf32>
        %swap3A_1579 = arith.index_cast %add3A_1517 : i32 to index
        %swap3A_1580 = arith.constant 48 : index
        %swap3A_1581 = tpu.vector_load %arg16[%swap3A_1579, %swap3A_1580] {strides = array<i32>} : memref<80x128xf32, #tpu.memory_space<vmem>>, vector<1x16xf32>,
        %swap3A_1582 = vector.shape_cast %swap3A_1581 : vector<1x16xf32> to vector<16xf32>
        %swap3A_1583 = vector.shape_cast %mul3A_1578 : vector<16xf32> to vector<1x16xf32>
        tpu.vector_store %arg16[%swap3A_1579, %swap3A_1580], %swap3A_1583 {strides = array<i32>} : memref<80x128xf32, #tpu.memory_space<vmem>>, vector<1x16xf32>,
        %get3A_1584 = arith.index_cast %add3A_1517 : i32 to index
        %get3A_1585 = arith.constant 64 : index
        %get3A_1586 = tpu.vector_load %arg16[%get3A_1584, %get3A_1585] {strides = array<i32>} : memref<80x128xf32, #tpu.memory_space<vmem>>, vector<1x16xf32>,
        %get3A_1587 = vector.shape_cast %get3A_1586 : vector<1x16xf32> to vector<16xf32>
        %get3A_1588 = arith.index_cast %add3A_1517 : i32 to index
        %get3A_1589 = arith.constant 64 : index
        %get3A_1590 = tpu.vector_load %arg15[%get3A_1588, %get3A_1589] {strides = array<i32>} : memref<80x128xf32, #tpu.memory_space<vmem>>, vector<1x16xf32>,
        %get3A_1591 = vector.shape_cast %get3A_1590 : vector<1x16xf32> to vector<16xf32>
        %sub3A_1592 = arith.subf %get3A_1587, %get3A_1591 : vector<16xf32>
        %mul3A_1593 = vector.broadcast %squeeze3A_1519 : f32 to vector<16xf32>
        %mul3A_1594 = arith.mulf %sub3A_1592, %mul3A_1593 : vector<16xf32>
        %swap3A_1595 = arith.index_cast %add3A_1517 : i32 to index
        %swap3A_1596 = arith.constant 64 : index
        %swap3A_1597 = tpu.vector_load %arg16[%swap3A_1595, %swap3A_1596] {strides = array<i32>} : memref<80x128xf32, #tpu.memory_space<vmem>>, vector<1x16xf32>,
        %swap3A_1598 = vector.shape_cast %swap3A_1597 : vector<1x16xf32> to vector<16xf32>
        %swap3A_1599 = vector.shape_cast %mul3A_1594 : vector<16xf32> to vector<1x16xf32>
        tpu.vector_store %arg16[%swap3A_1595, %swap3A_1596], %swap3A_1599 {strides = array<i32>} : memref<80x128xf32, #tpu.memory_space<vmem>>, vector<1x16xf32>,
        %get3A_1600 = arith.index_cast %add3A_1517 : i32 to index
        %get3A_1601 = arith.constant 80 : index
        %get3A_1602 = tpu.vector_load %arg16[%get3A_1600, %get3A_1601] {strides = array<i32>} : memref<80x128xf32, #tpu.memory_space<vmem>>, vector<1x16xf32>,
        %get3A_1603 = vector.shape_cast %get3A_1602 : vector<1x16xf32> to vector<16xf32>
        %get3A_1604 = arith.index_cast %add3A_1517 : i32 to index
        %get3A_1605 = arith.constant 80 : index
        %get3A_1606 = tpu.vector_load %arg15[%get3A_1604, %get3A_1605] {strides = array<i32>} : memref<80x128xf32, #tpu.memory_space<vmem>>, vector<1x16xf32>,
        %get3A_1607 = vector.shape_cast %get3A_1606 : vector<1x16xf32> to vector<16xf32>
        %sub3A_1608 = arith.subf %get3A_1603, %get3A_1607 : vector<16xf32>
        %mul3A_1609 = vector.broadcast %squeeze3A_1519 : f32 to vector<16xf32>
        %mul3A_1610 = arith.mulf %sub3A_1608, %mul3A_1609 : vector<16xf32>
        %swap3A_1611 = arith.index_cast %add3A_1517 : i32 to index
        %swap3A_1612 = arith.constant 80 : index
        %swap3A_1613 = tpu.vector_load %arg16[%swap3A_1611, %swap3A_1612] {strides = array<i32>} : memref<80x128xf32, #tpu.memory_space<vmem>>, vector<1x16xf32>,
        %swap3A_1614 = vector.shape_cast %swap3A_1613 : vector<1x16xf32> to vector<16xf32>
        %swap3A_1615 = vector.shape_cast %mul3A_1610 : vector<16xf32> to vector<1x16xf32>
        tpu.vector_store %arg16[%swap3A_1611, %swap3A_1612], %swap3A_1615 {strides = array<i32>} : memref<80x128xf32, #tpu.memory_space<vmem>>, vector<1x16xf32>,
        %get3A_1616 = arith.index_cast %add3A_1517 : i32 to index
        %get3A_1617 = arith.constant 96 : index
        %get3A_1618 = tpu.vector_load %arg16[%get3A_1616, %get3A_1617] {strides = array<i32>} : memref<80x128xf32, #tpu.memory_space<vmem>>, vector<1x16xf32>,
        %get3A_1619 = vector.shape_cast %get3A_1618 : vector<1x16xf32> to vector<16xf32>
        %get3A_1620 = arith.index_cast %add3A_1517 : i32 to index
        %get3A_1621 = arith.constant 96 : index
        %get3A_1622 = tpu.vector_load %arg15[%get3A_1620, %get3A_1621] {strides = array<i32>} : memref<80x128xf32, #tpu.memory_space<vmem>>, vector<1x16xf32>,
        %get3A_1623 = vector.shape_cast %get3A_1622 : vector<1x16xf32> to vector<16xf32>
        %sub3A_1624 = arith.subf %get3A_1619, %get3A_1623 : vector<16xf32>
        %mul3A_1625 = vector.broadcast %squeeze3A_1519 : f32 to vector<16xf32>
        %mul3A_1626 = arith.mulf %sub3A_1624, %mul3A_1625 : vector<16xf32>
        %swap3A_1627 = arith.index_cast %add3A_1517 : i32 to index
        %swap3A_1628 = arith.constant 96 : index
        %swap3A_1629 = tpu.vector_load %arg16[%swap3A_1627, %swap3A_1628] {strides = array<i32>} : memref<80x128xf32, #tpu.memory_space<vmem>>, vector<1x16xf32>,
        %swap3A_1630 = vector.shape_cast %swap3A_1629 : vector<1x16xf32> to vector<16xf32>
        %swap3A_1631 = vector.shape_cast %mul3A_1626 : vector<16xf32> to vector<1x16xf32>
        tpu.vector_store %arg16[%swap3A_1627, %swap3A_1628], %swap3A_1631 {strides = array<i32>} : memref<80x128xf32, #tpu.memory_space<vmem>>, vector<1x16xf32>,
        %get3A_1632 = arith.index_cast %add3A_1517 : i32 to index
        %get3A_1633 = arith.constant 112 : index
        %get3A_1634 = tpu.vector_load %arg16[%get3A_1632, %get3A_1633] {strides = array<i32>} : memref<80x128xf32, #tpu.memory_space<vmem>>, vector<1x16xf32>,
        %get3A_1635 = vector.shape_cast %get3A_1634 : vector<1x16xf32> to vector<16xf32>
        %get3A_1636 = arith.index_cast %add3A_1517 : i32 to index
        %get3A_1637 = arith.constant 112 : index
        %get3A_1638 = tpu.vector_load %arg15[%get3A_1636, %get3A_1637] {strides = array<i32>} : memref<80x128xf32, #tpu.memory_space<vmem>>, vector<1x16xf32>,
        %get3A_1639 = vector.shape_cast %get3A_1638 : vector<1x16xf32> to vector<16xf32>
        %sub3A_1640 = arith.subf %get3A_1635, %get3A_1639 : vector<16xf32>
        %mul3A_1641 = vector.broadcast %squeeze3A_1519 : f32 to vector<16xf32>
        %mul3A_1642 = arith.mulf %sub3A_1640, %mul3A_1641 : vector<16xf32>
        %swap3A_1643 = arith.index_cast %add3A_1517 : i32 to index
        %swap3A_1644 = arith.constant 112 : index
        %swap3A_1645 = tpu.vector_load %arg16[%swap3A_1643, %swap3A_1644] {strides = array<i32>} : memref<80x128xf32, #tpu.memory_space<vmem>>, vector<1x16xf32>,
        %swap3A_1646 = vector.shape_cast %swap3A_1645 : vector<1x16xf32> to vector<16xf32>
        %swap3A_1647 = vector.shape_cast %mul3A_1642 : vector<16xf32> to vector<1x16xf32>
        tpu.vector_store %arg16[%swap3A_1643, %swap3A_1644], %swap3A_1647 {strides = array<i32>} : memref<80x128xf32, #tpu.memory_space<vmem>>, vector<1x16xf32>,
        %mul3A_1648 = arith.constant 16 : i32
        %mul3A_1649 = arith.muli %scan3A_37, %mul3A_1648 : i32
        %add3A_1650 = arith.constant 12 : i32
        %add3A_1651 = arith.addi %mul3A_1649, %add3A_1650 : i32
        %slice3A_1652 = vector.extract_strided_slice %div3A_43 {offsets = [12], sizes = [1], strides = [1]} : vector<16xf32> to vector<1xf32>
        %squeeze3A_1653 = vector.extract %slice3A_1652[0] : f32 from vector<1xf32>
        %get3A_1654 = arith.index_cast %add3A_1651 : i32 to index
        %get3A_1655 = arith.constant 0 : index
        %get3A_1656 = tpu.vector_load %arg16[%get3A_1654, %get3A_1655] {strides = array<i32>} : memref<80x128xf32, #tpu.memory_space<vmem>>, vector<1x16xf32>,
        %get3A_1657 = vector.shape_cast %get3A_1656 : vector<1x16xf32> to vector<16xf32>
        %get3A_1658 = arith.index_cast %add3A_1651 : i32 to index
        %get3A_1659 = arith.constant 0 : index
        %get3A_1660 = tpu.vector_load %arg15[%get3A_1658, %get3A_1659] {strides = array<i32>} : memref<80x128xf32, #tpu.memory_space<vmem>>, vector<1x16xf32>,
        %get3A_1661 = vector.shape_cast %get3A_1660 : vector<1x16xf32> to vector<16xf32>
        %sub3A_1662 = arith.subf %get3A_1657, %get3A_1661 : vector<16xf32>
        %mul3A_1663 = vector.broadcast %squeeze3A_1653 : f32 to vector<16xf32>
        %mul3A_1664 = arith.mulf %sub3A_1662, %mul3A_1663 : vector<16xf32>
        %swap3A_1665 = arith.index_cast %add3A_1651 : i32 to index
        %swap3A_1666 = arith.constant 0 : index
        %swap3A_1667 = tpu.vector_load %arg16[%swap3A_1665, %swap3A_1666] {strides = array<i32>} : memref<80x128xf32, #tpu.memory_space<vmem>>, vector<1x16xf32>,
        %swap3A_1668 = vector.shape_cast %swap3A_1667 : vector<1x16xf32> to vector<16xf32>
        %swap3A_1669 = vector.shape_cast %mul3A_1664 : vector<16xf32> to vector<1x16xf32>
        tpu.vector_store %arg16[%swap3A_1665, %swap3A_1666], %swap3A_1669 {strides = array<i32>} : memref<80x128xf32, #tpu.memory_space<vmem>>, vector<1x16xf32>,
        %get3A_1670 = arith.index_cast %add3A_1651 : i32 to index
        %get3A_1671 = arith.constant 16 : index
        %get3A_1672 = tpu.vector_load %arg16[%get3A_1670, %get3A_1671] {strides = array<i32>} : memref<80x128xf32, #tpu.memory_space<vmem>>, vector<1x16xf32>,
        %get3A_1673 = vector.shape_cast %get3A_1672 : vector<1x16xf32> to vector<16xf32>
        %get3A_1674 = arith.index_cast %add3A_1651 : i32 to index
        %get3A_1675 = arith.constant 16 : index
        %get3A_1676 = tpu.vector_load %arg15[%get3A_1674, %get3A_1675] {strides = array<i32>} : memref<80x128xf32, #tpu.memory_space<vmem>>, vector<1x16xf32>,
        %get3A_1677 = vector.shape_cast %get3A_1676 : vector<1x16xf32> to vector<16xf32>
        %sub3A_1678 = arith.subf %get3A_1673, %get3A_1677 : vector<16xf32>
        %mul3A_1679 = vector.broadcast %squeeze3A_1653 : f32 to vector<16xf32>
        %mul3A_1680 = arith.mulf %sub3A_1678, %mul3A_1679 : vector<16xf32>
        %swap3A_1681 = arith.index_cast %add3A_1651 : i32 to index
        %swap3A_1682 = arith.constant 16 : index
        %swap3A_1683 = tpu.vector_load %arg16[%swap3A_1681, %swap3A_1682] {strides = array<i32>} : memref<80x128xf32, #tpu.memory_space<vmem>>, vector<1x16xf32>,
        %swap3A_1684 = vector.shape_cast %swap3A_1683 : vector<1x16xf32> to vector<16xf32>
        %swap3A_1685 = vector.shape_cast %mul3A_1680 : vector<16xf32> to vector<1x16xf32>
        tpu.vector_store %arg16[%swap3A_1681, %swap3A_1682], %swap3A_1685 {strides = array<i32>} : memref<80x128xf32, #tpu.memory_space<vmem>>, vector<1x16xf32>,
        %get3A_1686 = arith.index_cast %add3A_1651 : i32 to index
        %get3A_1687 = arith.constant 32 : index
        %get3A_1688 = tpu.vector_load %arg16[%get3A_1686, %get3A_1687] {strides = array<i32>} : memref<80x128xf32, #tpu.memory_space<vmem>>, vector<1x16xf32>,
        %get3A_1689 = vector.shape_cast %get3A_1688 : vector<1x16xf32> to vector<16xf32>
        %get3A_1690 = arith.index_cast %add3A_1651 : i32 to index
        %get3A_1691 = arith.constant 32 : index
        %get3A_1692 = tpu.vector_load %arg15[%get3A_1690, %get3A_1691] {strides = array<i32>} : memref<80x128xf32, #tpu.memory_space<vmem>>, vector<1x16xf32>,
        %get3A_1693 = vector.shape_cast %get3A_1692 : vector<1x16xf32> to vector<16xf32>
        %sub3A_1694 = arith.subf %get3A_1689, %get3A_1693 : vector<16xf32>
        %mul3A_1695 = vector.broadcast %squeeze3A_1653 : f32 to vector<16xf32>
        %mul3A_1696 = arith.mulf %sub3A_1694, %mul3A_1695 : vector<16xf32>
        %swap3A_1697 = arith.index_cast %add3A_1651 : i32 to index
        %swap3A_1698 = arith.constant 32 : index
        %swap3A_1699 = tpu.vector_load %arg16[%swap3A_1697, %swap3A_1698] {strides = array<i32>} : memref<80x128xf32, #tpu.memory_space<vmem>>, vector<1x16xf32>,
        %swap3A_1700 = vector.shape_cast %swap3A_1699 : vector<1x16xf32> to vector<16xf32>
        %swap3A_1701 = vector.shape_cast %mul3A_1696 : vector<16xf32> to vector<1x16xf32>
        tpu.vector_store %arg16[%swap3A_1697, %swap3A_1698], %swap3A_1701 {strides = array<i32>} : memref<80x128xf32, #tpu.memory_space<vmem>>, vector<1x16xf32>,
        %get3A_1702 = arith.index_cast %add3A_1651 : i32 to index
        %get3A_1703 = arith.constant 48 : index
        %get3A_1704 = tpu.vector_load %arg16[%get3A_1702, %get3A_1703] {strides = array<i32>} : memref<80x128xf32, #tpu.memory_space<vmem>>, vector<1x16xf32>,
        %get3A_1705 = vector.shape_cast %get3A_1704 : vector<1x16xf32> to vector<16xf32>
        %get3A_1706 = arith.index_cast %add3A_1651 : i32 to index
        %get3A_1707 = arith.constant 48 : index
        %get3A_1708 = tpu.vector_load %arg15[%get3A_1706, %get3A_1707] {strides = array<i32>} : memref<80x128xf32, #tpu.memory_space<vmem>>, vector<1x16xf32>,
        %get3A_1709 = vector.shape_cast %get3A_1708 : vector<1x16xf32> to vector<16xf32>
        %sub3A_1710 = arith.subf %get3A_1705, %get3A_1709 : vector<16xf32>
        %mul3A_1711 = vector.broadcast %squeeze3A_1653 : f32 to vector<16xf32>
        %mul3A_1712 = arith.mulf %sub3A_1710, %mul3A_1711 : vector<16xf32>
        %swap3A_1713 = arith.index_cast %add3A_1651 : i32 to index
        %swap3A_1714 = arith.constant 48 : index
        %swap3A_1715 = tpu.vector_load %arg16[%swap3A_1713, %swap3A_1714] {strides = array<i32>} : memref<80x128xf32, #tpu.memory_space<vmem>>, vector<1x16xf32>,
        %swap3A_1716 = vector.shape_cast %swap3A_1715 : vector<1x16xf32> to vector<16xf32>
        %swap3A_1717 = vector.shape_cast %mul3A_1712 : vector<16xf32> to vector<1x16xf32>
        tpu.vector_store %arg16[%swap3A_1713, %swap3A_1714], %swap3A_1717 {strides = array<i32>} : memref<80x128xf32, #tpu.memory_space<vmem>>, vector<1x16xf32>,
        %get3A_1718 = arith.index_cast %add3A_1651 : i32 to index
        %get3A_1719 = arith.constant 64 : index
        %get3A_1720 = tpu.vector_load %arg16[%get3A_1718, %get3A_1719] {strides = array<i32>} : memref<80x128xf32, #tpu.memory_space<vmem>>, vector<1x16xf32>,
        %get3A_1721 = vector.shape_cast %get3A_1720 : vector<1x16xf32> to vector<16xf32>
        %get3A_1722 = arith.index_cast %add3A_1651 : i32 to index
        %get3A_1723 = arith.constant 64 : index
        %get3A_1724 = tpu.vector_load %arg15[%get3A_1722, %get3A_1723] {strides = array<i32>} : memref<80x128xf32, #tpu.memory_space<vmem>>, vector<1x16xf32>,
        %get3A_1725 = vector.shape_cast %get3A_1724 : vector<1x16xf32> to vector<16xf32>
        %sub3A_1726 = arith.subf %get3A_1721, %get3A_1725 : vector<16xf32>
        %mul3A_1727 = vector.broadcast %squeeze3A_1653 : f32 to vector<16xf32>
        %mul3A_1728 = arith.mulf %sub3A_1726, %mul3A_1727 : vector<16xf32>
        %swap3A_1729 = arith.index_cast %add3A_1651 : i32 to index
        %swap3A_1730 = arith.constant 64 : index
        %swap3A_1731 = tpu.vector_load %arg16[%swap3A_1729, %swap3A_1730] {strides = array<i32>} : memref<80x128xf32, #tpu.memory_space<vmem>>, vector<1x16xf32>,
        %swap3A_1732 = vector.shape_cast %swap3A_1731 : vector<1x16xf32> to vector<16xf32>
        %swap3A_1733 = vector.shape_cast %mul3A_1728 : vector<16xf32> to vector<1x16xf32>
        tpu.vector_store %arg16[%swap3A_1729, %swap3A_1730], %swap3A_1733 {strides = array<i32>} : memref<80x128xf32, #tpu.memory_space<vmem>>, vector<1x16xf32>,
        %get3A_1734 = arith.index_cast %add3A_1651 : i32 to index
        %get3A_1735 = arith.constant 80 : index
        %get3A_1736 = tpu.vector_load %arg16[%get3A_1734, %get3A_1735] {strides = array<i32>} : memref<80x128xf32, #tpu.memory_space<vmem>>, vector<1x16xf32>,
        %get3A_1737 = vector.shape_cast %get3A_1736 : vector<1x16xf32> to vector<16xf32>
        %get3A_1738 = arith.index_cast %add3A_1651 : i32 to index
        %get3A_1739 = arith.constant 80 : index
        %get3A_1740 = tpu.vector_load %arg15[%get3A_1738, %get3A_1739] {strides = array<i32>} : memref<80x128xf32, #tpu.memory_space<vmem>>, vector<1x16xf32>,
        %get3A_1741 = vector.shape_cast %get3A_1740 : vector<1x16xf32> to vector<16xf32>
        %sub3A_1742 = arith.subf %get3A_1737, %get3A_1741 : vector<16xf32>
        %mul3A_1743 = vector.broadcast %squeeze3A_1653 : f32 to vector<16xf32>
        %mul3A_1744 = arith.mulf %sub3A_1742, %mul3A_1743 : vector<16xf32>
        %swap3A_1745 = arith.index_cast %add3A_1651 : i32 to index
        %swap3A_1746 = arith.constant 80 : index
        %swap3A_1747 = tpu.vector_load %arg16[%swap3A_1745, %swap3A_1746] {strides = array<i32>} : memref<80x128xf32, #tpu.memory_space<vmem>>, vector<1x16xf32>,
        %swap3A_1748 = vector.shape_cast %swap3A_1747 : vector<1x16xf32> to vector<16xf32>
        %swap3A_1749 = vector.shape_cast %mul3A_1744 : vector<16xf32> to vector<1x16xf32>
        tpu.vector_store %arg16[%swap3A_1745, %swap3A_1746], %swap3A_1749 {strides = array<i32>} : memref<80x128xf32, #tpu.memory_space<vmem>>, vector<1x16xf32>,
        %get3A_1750 = arith.index_cast %add3A_1651 : i32 to index
        %get3A_1751 = arith.constant 96 : index
        %get3A_1752 = tpu.vector_load %arg16[%get3A_1750, %get3A_1751] {strides = array<i32>} : memref<80x128xf32, #tpu.memory_space<vmem>>, vector<1x16xf32>,
        %get3A_1753 = vector.shape_cast %get3A_1752 : vector<1x16xf32> to vector<16xf32>
        %get3A_1754 = arith.index_cast %add3A_1651 : i32 to index
        %get3A_1755 = arith.constant 96 : index
        %get3A_1756 = tpu.vector_load %arg15[%get3A_1754, %get3A_1755] {strides = array<i32>} : memref<80x128xf32, #tpu.memory_space<vmem>>, vector<1x16xf32>,
        %get3A_1757 = vector.shape_cast %get3A_1756 : vector<1x16xf32> to vector<16xf32>
        %sub3A_1758 = arith.subf %get3A_1753, %get3A_1757 : vector<16xf32>
        %mul3A_1759 = vector.broadcast %squeeze3A_1653 : f32 to vector<16xf32>
        %mul3A_1760 = arith.mulf %sub3A_1758, %mul3A_1759 : vector<16xf32>
        %swap3A_1761 = arith.index_cast %add3A_1651 : i32 to index
        %swap3A_1762 = arith.constant 96 : index
        %swap3A_1763 = tpu.vector_load %arg16[%swap3A_1761, %swap3A_1762] {strides = array<i32>} : memref<80x128xf32, #tpu.memory_space<vmem>>, vector<1x16xf32>,
        %swap3A_1764 = vector.shape_cast %swap3A_1763 : vector<1x16xf32> to vector<16xf32>
        %swap3A_1765 = vector.shape_cast %mul3A_1760 : vector<16xf32> to vector<1x16xf32>
        tpu.vector_store %arg16[%swap3A_1761, %swap3A_1762], %swap3A_1765 {strides = array<i32>} : memref<80x128xf32, #tpu.memory_space<vmem>>, vector<1x16xf32>,
        %get3A_1766 = arith.index_cast %add3A_1651 : i32 to index
        %get3A_1767 = arith.constant 112 : index
        %get3A_1768 = tpu.vector_load %arg16[%get3A_1766, %get3A_1767] {strides = array<i32>} : memref<80x128xf32, #tpu.memory_space<vmem>>, vector<1x16xf32>,
        %get3A_1769 = vector.shape_cast %get3A_1768 : vector<1x16xf32> to vector<16xf32>
        %get3A_1770 = arith.index_cast %add3A_1651 : i32 to index
        %get3A_1771 = arith.constant 112 : index
        %get3A_1772 = tpu.vector_load %arg15[%get3A_1770, %get3A_1771] {strides = array<i32>} : memref<80x128xf32, #tpu.memory_space<vmem>>, vector<1x16xf32>,
        %get3A_1773 = vector.shape_cast %get3A_1772 : vector<1x16xf32> to vector<16xf32>
        %sub3A_1774 = arith.subf %get3A_1769, %get3A_1773 : vector<16xf32>
        %mul3A_1775 = vector.broadcast %squeeze3A_1653 : f32 to vector<16xf32>
        %mul3A_1776 = arith.mulf %sub3A_1774, %mul3A_1775 : vector<16xf32>
        %swap3A_1777 = arith.index_cast %add3A_1651 : i32 to index
        %swap3A_1778 = arith.constant 112 : index
        %swap3A_1779 = tpu.vector_load %arg16[%swap3A_1777, %swap3A_1778] {strides = array<i32>} : memref<80x128xf32, #tpu.memory_space<vmem>>, vector<1x16xf32>,
        %swap3A_1780 = vector.shape_cast %swap3A_1779 : vector<1x16xf32> to vector<16xf32>
        %swap3A_1781 = vector.shape_cast %mul3A_1776 : vector<16xf32> to vector<1x16xf32>
        tpu.vector_store %arg16[%swap3A_1777, %swap3A_1778], %swap3A_1781 {strides = array<i32>} : memref<80x128xf32, #tpu.memory_space<vmem>>, vector<1x16xf32>,
        %mul3A_1782 = arith.constant 16 : i32
        %mul3A_1783 = arith.muli %scan3A_37, %mul3A_1782 : i32
        %add3A_1784 = arith.constant 13 : i32
        %add3A_1785 = arith.addi %mul3A_1783, %add3A_1784 : i32
        %slice3A_1786 = vector.extract_strided_slice %div3A_43 {offsets = [13], sizes = [1], strides = [1]} : vector<16xf32> to vector<1xf32>
        %squeeze3A_1787 = vector.extract %slice3A_1786[0] : f32 from vector<1xf32>
        %get3A_1788 = arith.index_cast %add3A_1785 : i32 to index
        %get3A_1789 = arith.constant 0 : index
        %get3A_1790 = tpu.vector_load %arg16[%get3A_1788, %get3A_1789] {strides = array<i32>} : memref<80x128xf32, #tpu.memory_space<vmem>>, vector<1x16xf32>,
        %get3A_1791 = vector.shape_cast %get3A_1790 : vector<1x16xf32> to vector<16xf32>
        %get3A_1792 = arith.index_cast %add3A_1785 : i32 to index
        %get3A_1793 = arith.constant 0 : index
        %get3A_1794 = tpu.vector_load %arg15[%get3A_1792, %get3A_1793] {strides = array<i32>} : memref<80x128xf32, #tpu.memory_space<vmem>>, vector<1x16xf32>,
        %get3A_1795 = vector.shape_cast %get3A_1794 : vector<1x16xf32> to vector<16xf32>
        %sub3A_1796 = arith.subf %get3A_1791, %get3A_1795 : vector<16xf32>
        %mul3A_1797 = vector.broadcast %squeeze3A_1787 : f32 to vector<16xf32>
        %mul3A_1798 = arith.mulf %sub3A_1796, %mul3A_1797 : vector<16xf32>
        %swap3A_1799 = arith.index_cast %add3A_1785 : i32 to index
        %swap3A_1800 = arith.constant 0 : index
        %swap3A_1801 = tpu.vector_load %arg16[%swap3A_1799, %swap3A_1800] {strides = array<i32>} : memref<80x128xf32, #tpu.memory_space<vmem>>, vector<1x16xf32>,
        %swap3A_1802 = vector.shape_cast %swap3A_1801 : vector<1x16xf32> to vector<16xf32>
        %swap3A_1803 = vector.shape_cast %mul3A_1798 : vector<16xf32> to vector<1x16xf32>
        tpu.vector_store %arg16[%swap3A_1799, %swap3A_1800], %swap3A_1803 {strides = array<i32>} : memref<80x128xf32, #tpu.memory_space<vmem>>, vector<1x16xf32>,
        %get3A_1804 = arith.index_cast %add3A_1785 : i32 to index
        %get3A_1805 = arith.constant 16 : index
        %get3A_1806 = tpu.vector_load %arg16[%get3A_1804, %get3A_1805] {strides = array<i32>} : memref<80x128xf32, #tpu.memory_space<vmem>>, vector<1x16xf32>,
        %get3A_1807 = vector.shape_cast %get3A_1806 : vector<1x16xf32> to vector<16xf32>
        %get3A_1808 = arith.index_cast %add3A_1785 : i32 to index
        %get3A_1809 = arith.constant 16 : index
        %get3A_1810 = tpu.vector_load %arg15[%get3A_1808, %get3A_1809] {strides = array<i32>} : memref<80x128xf32, #tpu.memory_space<vmem>>, vector<1x16xf32>,
        %get3A_1811 = vector.shape_cast %get3A_1810 : vector<1x16xf32> to vector<16xf32>
        %sub3A_1812 = arith.subf %get3A_1807, %get3A_1811 : vector<16xf32>
        %mul3A_1813 = vector.broadcast %squeeze3A_1787 : f32 to vector<16xf32>
        %mul3A_1814 = arith.mulf %sub3A_1812, %mul3A_1813 : vector<16xf32>
        %swap3A_1815 = arith.index_cast %add3A_1785 : i32 to index
        %swap3A_1816 = arith.constant 16 : index
        %swap3A_1817 = tpu.vector_load %arg16[%swap3A_1815, %swap3A_1816] {strides = array<i32>} : memref<80x128xf32, #tpu.memory_space<vmem>>, vector<1x16xf32>,
        %swap3A_1818 = vector.shape_cast %swap3A_1817 : vector<1x16xf32> to vector<16xf32>
        %swap3A_1819 = vector.shape_cast %mul3A_1814 : vector<16xf32> to vector<1x16xf32>
        tpu.vector_store %arg16[%swap3A_1815, %swap3A_1816], %swap3A_1819 {strides = array<i32>} : memref<80x128xf32, #tpu.memory_space<vmem>>, vector<1x16xf32>,
        %get3A_1820 = arith.index_cast %add3A_1785 : i32 to index
        %get3A_1821 = arith.constant 32 : index
        %get3A_1822 = tpu.vector_load %arg16[%get3A_1820, %get3A_1821] {strides = array<i32>} : memref<80x128xf32, #tpu.memory_space<vmem>>, vector<1x16xf32>,
        %get3A_1823 = vector.shape_cast %get3A_1822 : vector<1x16xf32> to vector<16xf32>
        %get3A_1824 = arith.index_cast %add3A_1785 : i32 to index
        %get3A_1825 = arith.constant 32 : index
        %get3A_1826 = tpu.vector_load %arg15[%get3A_1824, %get3A_1825] {strides = array<i32>} : memref<80x128xf32, #tpu.memory_space<vmem>>, vector<1x16xf32>,
        %get3A_1827 = vector.shape_cast %get3A_1826 : vector<1x16xf32> to vector<16xf32>
        %sub3A_1828 = arith.subf %get3A_1823, %get3A_1827 : vector<16xf32>
        %mul3A_1829 = vector.broadcast %squeeze3A_1787 : f32 to vector<16xf32>
        %mul3A_1830 = arith.mulf %sub3A_1828, %mul3A_1829 : vector<16xf32>
        %swap3A_1831 = arith.index_cast %add3A_1785 : i32 to index
        %swap3A_1832 = arith.constant 32 : index
        %swap3A_1833 = tpu.vector_load %arg16[%swap3A_1831, %swap3A_1832] {strides = array<i32>} : memref<80x128xf32, #tpu.memory_space<vmem>>, vector<1x16xf32>,
        %swap3A_1834 = vector.shape_cast %swap3A_1833 : vector<1x16xf32> to vector<16xf32>
        %swap3A_1835 = vector.shape_cast %mul3A_1830 : vector<16xf32> to vector<1x16xf32>
        tpu.vector_store %arg16[%swap3A_1831, %swap3A_1832], %swap3A_1835 {strides = array<i32>} : memref<80x128xf32, #tpu.memory_space<vmem>>, vector<1x16xf32>,
        %get3A_1836 = arith.index_cast %add3A_1785 : i32 to index
        %get3A_1837 = arith.constant 48 : index
        %get3A_1838 = tpu.vector_load %arg16[%get3A_1836, %get3A_1837] {strides = array<i32>} : memref<80x128xf32, #tpu.memory_space<vmem>>, vector<1x16xf32>,
        %get3A_1839 = vector.shape_cast %get3A_1838 : vector<1x16xf32> to vector<16xf32>
        %get3A_1840 = arith.index_cast %add3A_1785 : i32 to index
        %get3A_1841 = arith.constant 48 : index
        %get3A_1842 = tpu.vector_load %arg15[%get3A_1840, %get3A_1841] {strides = array<i32>} : memref<80x128xf32, #tpu.memory_space<vmem>>, vector<1x16xf32>,
        %get3A_1843 = vector.shape_cast %get3A_1842 : vector<1x16xf32> to vector<16xf32>
        %sub3A_1844 = arith.subf %get3A_1839, %get3A_1843 : vector<16xf32>
        %mul3A_1845 = vector.broadcast %squeeze3A_1787 : f32 to vector<16xf32>
        %mul3A_1846 = arith.mulf %sub3A_1844, %mul3A_1845 : vector<16xf32>
        %swap3A_1847 = arith.index_cast %add3A_1785 : i32 to index
        %swap3A_1848 = arith.constant 48 : index
        %swap3A_1849 = tpu.vector_load %arg16[%swap3A_1847, %swap3A_1848] {strides = array<i32>} : memref<80x128xf32, #tpu.memory_space<vmem>>, vector<1x16xf32>,
        %swap3A_1850 = vector.shape_cast %swap3A_1849 : vector<1x16xf32> to vector<16xf32>
        %swap3A_1851 = vector.shape_cast %mul3A_1846 : vector<16xf32> to vector<1x16xf32>
        tpu.vector_store %arg16[%swap3A_1847, %swap3A_1848], %swap3A_1851 {strides = array<i32>} : memref<80x128xf32, #tpu.memory_space<vmem>>, vector<1x16xf32>,
        %get3A_1852 = arith.index_cast %add3A_1785 : i32 to index
        %get3A_1853 = arith.constant 64 : index
        %get3A_1854 = tpu.vector_load %arg16[%get3A_1852, %get3A_1853] {strides = array<i32>} : memref<80x128xf32, #tpu.memory_space<vmem>>, vector<1x16xf32>,
        %get3A_1855 = vector.shape_cast %get3A_1854 : vector<1x16xf32> to vector<16xf32>
        %get3A_1856 = arith.index_cast %add3A_1785 : i32 to index
        %get3A_1857 = arith.constant 64 : index
        %get3A_1858 = tpu.vector_load %arg15[%get3A_1856, %get3A_1857] {strides = array<i32>} : memref<80x128xf32, #tpu.memory_space<vmem>>, vector<1x16xf32>,
        %get3A_1859 = vector.shape_cast %get3A_1858 : vector<1x16xf32> to vector<16xf32>
        %sub3A_1860 = arith.subf %get3A_1855, %get3A_1859 : vector<16xf32>
        %mul3A_1861 = vector.broadcast %squeeze3A_1787 : f32 to vector<16xf32>
        %mul3A_1862 = arith.mulf %sub3A_1860, %mul3A_1861 : vector<16xf32>
        %swap3A_1863 = arith.index_cast %add3A_1785 : i32 to index
        %swap3A_1864 = arith.constant 64 : index
        %swap3A_1865 = tpu.vector_load %arg16[%swap3A_1863, %swap3A_1864] {strides = array<i32>} : memref<80x128xf32, #tpu.memory_space<vmem>>, vector<1x16xf32>,
        %swap3A_1866 = vector.shape_cast %swap3A_1865 : vector<1x16xf32> to vector<16xf32>
        %swap3A_1867 = vector.shape_cast %mul3A_1862 : vector<16xf32> to vector<1x16xf32>
        tpu.vector_store %arg16[%swap3A_1863, %swap3A_1864], %swap3A_1867 {strides = array<i32>} : memref<80x128xf32, #tpu.memory_space<vmem>>, vector<1x16xf32>,
        %get3A_1868 = arith.index_cast %add3A_1785 : i32 to index
        %get3A_1869 = arith.constant 80 : index
        %get3A_1870 = tpu.vector_load %arg16[%get3A_1868, %get3A_1869] {strides = array<i32>} : memref<80x128xf32, #tpu.memory_space<vmem>>, vector<1x16xf32>,
        %get3A_1871 = vector.shape_cast %get3A_1870 : vector<1x16xf32> to vector<16xf32>
        %get3A_1872 = arith.index_cast %add3A_1785 : i32 to index
        %get3A_1873 = arith.constant 80 : index
        %get3A_1874 = tpu.vector_load %arg15[%get3A_1872, %get3A_1873] {strides = array<i32>} : memref<80x128xf32, #tpu.memory_space<vmem>>, vector<1x16xf32>,
        %get3A_1875 = vector.shape_cast %get3A_1874 : vector<1x16xf32> to vector<16xf32>
        %sub3A_1876 = arith.subf %get3A_1871, %get3A_1875 : vector<16xf32>
        %mul3A_1877 = vector.broadcast %squeeze3A_1787 : f32 to vector<16xf32>
        %mul3A_1878 = arith.mulf %sub3A_1876, %mul3A_1877 : vector<16xf32>
        %swap3A_1879 = arith.index_cast %add3A_1785 : i32 to index
        %swap3A_1880 = arith.constant 80 : index
        %swap3A_1881 = tpu.vector_load %arg16[%swap3A_1879, %swap3A_1880] {strides = array<i32>} : memref<80x128xf32, #tpu.memory_space<vmem>>, vector<1x16xf32>,
        %swap3A_1882 = vector.shape_cast %swap3A_1881 : vector<1x16xf32> to vector<16xf32>
        %swap3A_1883 = vector.shape_cast %mul3A_1878 : vector<16xf32> to vector<1x16xf32>
        tpu.vector_store %arg16[%swap3A_1879, %swap3A_1880], %swap3A_1883 {strides = array<i32>} : memref<80x128xf32, #tpu.memory_space<vmem>>, vector<1x16xf32>,
        %get3A_1884 = arith.index_cast %add3A_1785 : i32 to index
        %get3A_1885 = arith.constant 96 : index
        %get3A_1886 = tpu.vector_load %arg16[%get3A_1884, %get3A_1885] {strides = array<i32>} : memref<80x128xf32, #tpu.memory_space<vmem>>, vector<1x16xf32>,
        %get3A_1887 = vector.shape_cast %get3A_1886 : vector<1x16xf32> to vector<16xf32>
        %get3A_1888 = arith.index_cast %add3A_1785 : i32 to index
        %get3A_1889 = arith.constant 96 : index
        %get3A_1890 = tpu.vector_load %arg15[%get3A_1888, %get3A_1889] {strides = array<i32>} : memref<80x128xf32, #tpu.memory_space<vmem>>, vector<1x16xf32>,
        %get3A_1891 = vector.shape_cast %get3A_1890 : vector<1x16xf32> to vector<16xf32>
        %sub3A_1892 = arith.subf %get3A_1887, %get3A_1891 : vector<16xf32>
        %mul3A_1893 = vector.broadcast %squeeze3A_1787 : f32 to vector<16xf32>
        %mul3A_1894 = arith.mulf %sub3A_1892, %mul3A_1893 : vector<16xf32>
        %swap3A_1895 = arith.index_cast %add3A_1785 : i32 to index
        %swap3A_1896 = arith.constant 96 : index
        %swap3A_1897 = tpu.vector_load %arg16[%swap3A_1895, %swap3A_1896] {strides = array<i32>} : memref<80x128xf32, #tpu.memory_space<vmem>>, vector<1x16xf32>,
        %swap3A_1898 = vector.shape_cast %swap3A_1897 : vector<1x16xf32> to vector<16xf32>
        %swap3A_1899 = vector.shape_cast %mul3A_1894 : vector<16xf32> to vector<1x16xf32>
        tpu.vector_store %arg16[%swap3A_1895, %swap3A_1896], %swap3A_1899 {strides = array<i32>} : memref<80x128xf32, #tpu.memory_space<vmem>>, vector<1x16xf32>,
        %get3A_1900 = arith.index_cast %add3A_1785 : i32 to index
        %get3A_1901 = arith.constant 112 : index
        %get3A_1902 = tpu.vector_load %arg16[%get3A_1900, %get3A_1901] {strides = array<i32>} : memref<80x128xf32, #tpu.memory_space<vmem>>, vector<1x16xf32>,
        %get3A_1903 = vector.shape_cast %get3A_1902 : vector<1x16xf32> to vector<16xf32>
        %get3A_1904 = arith.index_cast %add3A_1785 : i32 to index
        %get3A_1905 = arith.constant 112 : index
        %get3A_1906 = tpu.vector_load %arg15[%get3A_1904, %get3A_1905] {strides = array<i32>} : memref<80x128xf32, #tpu.memory_space<vmem>>, vector<1x16xf32>,
        %get3A_1907 = vector.shape_cast %get3A_1906 : vector<1x16xf32> to vector<16xf32>
        %sub3A_1908 = arith.subf %get3A_1903, %get3A_1907 : vector<16xf32>
        %mul3A_1909 = vector.broadcast %squeeze3A_1787 : f32 to vector<16xf32>
        %mul3A_1910 = arith.mulf %sub3A_1908, %mul3A_1909 : vector<16xf32>
        %swap3A_1911 = arith.index_cast %add3A_1785 : i32 to index
        %swap3A_1912 = arith.constant 112 : index
        %swap3A_1913 = tpu.vector_load %arg16[%swap3A_1911, %swap3A_1912] {strides = array<i32>} : memref<80x128xf32, #tpu.memory_space<vmem>>, vector<1x16xf32>,
        %swap3A_1914 = vector.shape_cast %swap3A_1913 : vector<1x16xf32> to vector<16xf32>
        %swap3A_1915 = vector.shape_cast %mul3A_1910 : vector<16xf32> to vector<1x16xf32>
        tpu.vector_store %arg16[%swap3A_1911, %swap3A_1912], %swap3A_1915 {strides = array<i32>} : memref<80x128xf32, #tpu.memory_space<vmem>>, vector<1x16xf32>,
        %mul3A_1916 = arith.constant 16 : i32
        %mul3A_1917 = arith.muli %scan3A_37, %mul3A_1916 : i32
        %add3A_1918 = arith.constant 14 : i32
        %add3A_1919 = arith.addi %mul3A_1917, %add3A_1918 : i32
        %slice3A_1920 = vector.extract_strided_slice %div3A_43 {offsets = [14], sizes = [1], strides = [1]} : vector<16xf32> to vector<1xf32>
        %squeeze3A_1921 = vector.extract %slice3A_1920[0] : f32 from vector<1xf32>
        %get3A_1922 = arith.index_cast %add3A_1919 : i32 to index
        %get3A_1923 = arith.constant 0 : index
        %get3A_1924 = tpu.vector_load %arg16[%get3A_1922, %get3A_1923] {strides = array<i32>} : memref<80x128xf32, #tpu.memory_space<vmem>>, vector<1x16xf32>,
        %get3A_1925 = vector.shape_cast %get3A_1924 : vector<1x16xf32> to vector<16xf32>
        %get3A_1926 = arith.index_cast %add3A_1919 : i32 to index
        %get3A_1927 = arith.constant 0 : index
        %get3A_1928 = tpu.vector_load %arg15[%get3A_1926, %get3A_1927] {strides = array<i32>} : memref<80x128xf32, #tpu.memory_space<vmem>>, vector<1x16xf32>,
        %get3A_1929 = vector.shape_cast %get3A_1928 : vector<1x16xf32> to vector<16xf32>
        %sub3A_1930 = arith.subf %get3A_1925, %get3A_1929 : vector<16xf32>
        %mul3A_1931 = vector.broadcast %squeeze3A_1921 : f32 to vector<16xf32>
        %mul3A_1932 = arith.mulf %sub3A_1930, %mul3A_1931 : vector<16xf32>
        %swap3A_1933 = arith.index_cast %add3A_1919 : i32 to index
        %swap3A_1934 = arith.constant 0 : index
        %swap3A_1935 = tpu.vector_load %arg16[%swap3A_1933, %swap3A_1934] {strides = array<i32>} : memref<80x128xf32, #tpu.memory_space<vmem>>, vector<1x16xf32>,
        %swap3A_1936 = vector.shape_cast %swap3A_1935 : vector<1x16xf32> to vector<16xf32>
        %swap3A_1937 = vector.shape_cast %mul3A_1932 : vector<16xf32> to vector<1x16xf32>
        tpu.vector_store %arg16[%swap3A_1933, %swap3A_1934], %swap3A_1937 {strides = array<i32>} : memref<80x128xf32, #tpu.memory_space<vmem>>, vector<1x16xf32>,
        %get3A_1938 = arith.index_cast %add3A_1919 : i32 to index
        %get3A_1939 = arith.constant 16 : index
        %get3A_1940 = tpu.vector_load %arg16[%get3A_1938, %get3A_1939] {strides = array<i32>} : memref<80x128xf32, #tpu.memory_space<vmem>>, vector<1x16xf32>,
        %get3A_1941 = vector.shape_cast %get3A_1940 : vector<1x16xf32> to vector<16xf32>
        %get3A_1942 = arith.index_cast %add3A_1919 : i32 to index
        %get3A_1943 = arith.constant 16 : index
        %get3A_1944 = tpu.vector_load %arg15[%get3A_1942, %get3A_1943] {strides = array<i32>} : memref<80x128xf32, #tpu.memory_space<vmem>>, vector<1x16xf32>,
        %get3A_1945 = vector.shape_cast %get3A_1944 : vector<1x16xf32> to vector<16xf32>
        %sub3A_1946 = arith.subf %get3A_1941, %get3A_1945 : vector<16xf32>
        %mul3A_1947 = vector.broadcast %squeeze3A_1921 : f32 to vector<16xf32>
        %mul3A_1948 = arith.mulf %sub3A_1946, %mul3A_1947 : vector<16xf32>
        %swap3A_1949 = arith.index_cast %add3A_1919 : i32 to index
        %swap3A_1950 = arith.constant 16 : index
        %swap3A_1951 = tpu.vector_load %arg16[%swap3A_1949, %swap3A_1950] {strides = array<i32>} : memref<80x128xf32, #tpu.memory_space<vmem>>, vector<1x16xf32>,
        %swap3A_1952 = vector.shape_cast %swap3A_1951 : vector<1x16xf32> to vector<16xf32>
        %swap3A_1953 = vector.shape_cast %mul3A_1948 : vector<16xf32> to vector<1x16xf32>
        tpu.vector_store %arg16[%swap3A_1949, %swap3A_1950], %swap3A_1953 {strides = array<i32>} : memref<80x128xf32, #tpu.memory_space<vmem>>, vector<1x16xf32>,
        %get3A_1954 = arith.index_cast %add3A_1919 : i32 to index
        %get3A_1955 = arith.constant 32 : index
        %get3A_1956 = tpu.vector_load %arg16[%get3A_1954, %get3A_1955] {strides = array<i32>} : memref<80x128xf32, #tpu.memory_space<vmem>>, vector<1x16xf32>,
        %get3A_1957 = vector.shape_cast %get3A_1956 : vector<1x16xf32> to vector<16xf32>
        %get3A_1958 = arith.index_cast %add3A_1919 : i32 to index
        %get3A_1959 = arith.constant 32 : index
        %get3A_1960 = tpu.vector_load %arg15[%get3A_1958, %get3A_1959] {strides = array<i32>} : memref<80x128xf32, #tpu.memory_space<vmem>>, vector<1x16xf32>,
        %get3A_1961 = vector.shape_cast %get3A_1960 : vector<1x16xf32> to vector<16xf32>
        %sub3A_1962 = arith.subf %get3A_1957, %get3A_1961 : vector<16xf32>
        %mul3A_1963 = vector.broadcast %squeeze3A_1921 : f32 to vector<16xf32>
        %mul3A_1964 = arith.mulf %sub3A_1962, %mul3A_1963 : vector<16xf32>
        %swap3A_1965 = arith.index_cast %add3A_1919 : i32 to index
        %swap3A_1966 = arith.constant 32 : index
        %swap3A_1967 = tpu.vector_load %arg16[%swap3A_1965, %swap3A_1966] {strides = array<i32>} : memref<80x128xf32, #tpu.memory_space<vmem>>, vector<1x16xf32>,
        %swap3A_1968 = vector.shape_cast %swap3A_1967 : vector<1x16xf32> to vector<16xf32>
        %swap3A_1969 = vector.shape_cast %mul3A_1964 : vector<16xf32> to vector<1x16xf32>
        tpu.vector_store %arg16[%swap3A_1965, %swap3A_1966], %swap3A_1969 {strides = array<i32>} : memref<80x128xf32, #tpu.memory_space<vmem>>, vector<1x16xf32>,
        %get3A_1970 = arith.index_cast %add3A_1919 : i32 to index
        %get3A_1971 = arith.constant 48 : index
        %get3A_1972 = tpu.vector_load %arg16[%get3A_1970, %get3A_1971] {strides = array<i32>} : memref<80x128xf32, #tpu.memory_space<vmem>>, vector<1x16xf32>,
        %get3A_1973 = vector.shape_cast %get3A_1972 : vector<1x16xf32> to vector<16xf32>
        %get3A_1974 = arith.index_cast %add3A_1919 : i32 to index
        %get3A_1975 = arith.constant 48 : index
        %get3A_1976 = tpu.vector_load %arg15[%get3A_1974, %get3A_1975] {strides = array<i32>} : memref<80x128xf32, #tpu.memory_space<vmem>>, vector<1x16xf32>,
        %get3A_1977 = vector.shape_cast %get3A_1976 : vector<1x16xf32> to vector<16xf32>
        %sub3A_1978 = arith.subf %get3A_1973, %get3A_1977 : vector<16xf32>
        %mul3A_1979 = vector.broadcast %squeeze3A_1921 : f32 to vector<16xf32>
        %mul3A_1980 = arith.mulf %sub3A_1978, %mul3A_1979 : vector<16xf32>
        %swap3A_1981 = arith.index_cast %add3A_1919 : i32 to index
        %swap3A_1982 = arith.constant 48 : index
        %swap3A_1983 = tpu.vector_load %arg16[%swap3A_1981, %swap3A_1982] {strides = array<i32>} : memref<80x128xf32, #tpu.memory_space<vmem>>, vector<1x16xf32>,
        %swap3A_1984 = vector.shape_cast %swap3A_1983 : vector<1x16xf32> to vector<16xf32>
        %swap3A_1985 = vector.shape_cast %mul3A_1980 : vector<16xf32> to vector<1x16xf32>
        tpu.vector_store %arg16[%swap3A_1981, %swap3A_1982], %swap3A_1985 {strides = array<i32>} : memref<80x128xf32, #tpu.memory_space<vmem>>, vector<1x16xf32>,
        %get3A_1986 = arith.index_cast %add3A_1919 : i32 to index
        %get3A_1987 = arith.constant 64 : index
        %get3A_1988 = tpu.vector_load %arg16[%get3A_1986, %get3A_1987] {strides = array<i32>} : memref<80x128xf32, #tpu.memory_space<vmem>>, vector<1x16xf32>,
        %get3A_1989 = vector.shape_cast %get3A_1988 : vector<1x16xf32> to vector<16xf32>
        %get3A_1990 = arith.index_cast %add3A_1919 : i32 to index
        %get3A_1991 = arith.constant 64 : index
        %get3A_1992 = tpu.vector_load %arg15[%get3A_1990, %get3A_1991] {strides = array<i32>} : memref<80x128xf32, #tpu.memory_space<vmem>>, vector<1x16xf32>,
        %get3A_1993 = vector.shape_cast %get3A_1992 : vector<1x16xf32> to vector<16xf32>
        %sub3A_1994 = arith.subf %get3A_1989, %get3A_1993 : vector<16xf32>
        %mul3A_1995 = vector.broadcast %squeeze3A_1921 : f32 to vector<16xf32>
        %mul3A_1996 = arith.mulf %sub3A_1994, %mul3A_1995 : vector<16xf32>
        %swap3A_1997 = arith.index_cast %add3A_1919 : i32 to index
        %swap3A_1998 = arith.constant 64 : index
        %swap3A_1999 = tpu.vector_load %arg16[%swap3A_1997, %swap3A_1998] {strides = array<i32>} : memref<80x128xf32, #tpu.memory_space<vmem>>, vector<1x16xf32>,
        %swap3A_2000 = vector.shape_cast %swap3A_1999 : vector<1x16xf32> to vector<16xf32>
        %swap3A_2001 = vector.shape_cast %mul3A_1996 : vector<16xf32> to vector<1x16xf32>
        tpu.vector_store %arg16[%swap3A_1997, %swap3A_1998], %swap3A_2001 {strides = array<i32>} : memref<80x128xf32, #tpu.memory_space<vmem>>, vector<1x16xf32>,
        %get3A_2002 = arith.index_cast %add3A_1919 : i32 to index
        %get3A_2003 = arith.constant 80 : index
        %get3A_2004 = tpu.vector_load %arg16[%get3A_2002, %get3A_2003] {strides = array<i32>} : memref<80x128xf32, #tpu.memory_space<vmem>>, vector<1x16xf32>,
        %get3A_2005 = vector.shape_cast %get3A_2004 : vector<1x16xf32> to vector<16xf32>
        %get3A_2006 = arith.index_cast %add3A_1919 : i32 to index
        %get3A_2007 = arith.constant 80 : index
        %get3A_2008 = tpu.vector_load %arg15[%get3A_2006, %get3A_2007] {strides = array<i32>} : memref<80x128xf32, #tpu.memory_space<vmem>>, vector<1x16xf32>,
        %get3A_2009 = vector.shape_cast %get3A_2008 : vector<1x16xf32> to vector<16xf32>
        %sub3A_2010 = arith.subf %get3A_2005, %get3A_2009 : vector<16xf32>
        %mul3A_2011 = vector.broadcast %squeeze3A_1921 : f32 to vector<16xf32>
        %mul3A_2012 = arith.mulf %sub3A_2010, %mul3A_2011 : vector<16xf32>
        %swap3A_2013 = arith.index_cast %add3A_1919 : i32 to index
        %swap3A_2014 = arith.constant 80 : index
        %swap3A_2015 = tpu.vector_load %arg16[%swap3A_2013, %swap3A_2014] {strides = array<i32>} : memref<80x128xf32, #tpu.memory_space<vmem>>, vector<1x16xf32>,
        %swap3A_2016 = vector.shape_cast %swap3A_2015 : vector<1x16xf32> to vector<16xf32>
        %swap3A_2017 = vector.shape_cast %mul3A_2012 : vector<16xf32> to vector<1x16xf32>
        tpu.vector_store %arg16[%swap3A_2013, %swap3A_2014], %swap3A_2017 {strides = array<i32>} : memref<80x128xf32, #tpu.memory_space<vmem>>, vector<1x16xf32>,
        %get3A_2018 = arith.index_cast %add3A_1919 : i32 to index
        %get3A_2019 = arith.constant 96 : index
        %get3A_2020 = tpu.vector_load %arg16[%get3A_2018, %get3A_2019] {strides = array<i32>} : memref<80x128xf32, #tpu.memory_space<vmem>>, vector<1x16xf32>,
        %get3A_2021 = vector.shape_cast %get3A_2020 : vector<1x16xf32> to vector<16xf32>
        %get3A_2022 = arith.index_cast %add3A_1919 : i32 to index
        %get3A_2023 = arith.constant 96 : index
        %get3A_2024 = tpu.vector_load %arg15[%get3A_2022, %get3A_2023] {strides = array<i32>} : memref<80x128xf32, #tpu.memory_space<vmem>>, vector<1x16xf32>,
        %get3A_2025 = vector.shape_cast %get3A_2024 : vector<1x16xf32> to vector<16xf32>
        %sub3A_2026 = arith.subf %get3A_2021, %get3A_2025 : vector<16xf32>
        %mul3A_2027 = vector.broadcast %squeeze3A_1921 : f32 to vector<16xf32>
        %mul3A_2028 = arith.mulf %sub3A_2026, %mul3A_2027 : vector<16xf32>
        %swap3A_2029 = arith.index_cast %add3A_1919 : i32 to index
        %swap3A_2030 = arith.constant 96 : index
        %swap3A_2031 = tpu.vector_load %arg16[%swap3A_2029, %swap3A_2030] {strides = array<i32>} : memref<80x128xf32, #tpu.memory_space<vmem>>, vector<1x16xf32>,
        %swap3A_2032 = vector.shape_cast %swap3A_2031 : vector<1x16xf32> to vector<16xf32>
        %swap3A_2033 = vector.shape_cast %mul3A_2028 : vector<16xf32> to vector<1x16xf32>
        tpu.vector_store %arg16[%swap3A_2029, %swap3A_2030], %swap3A_2033 {strides = array<i32>} : memref<80x128xf32, #tpu.memory_space<vmem>>, vector<1x16xf32>,
        %get3A_2034 = arith.index_cast %add3A_1919 : i32 to index
        %get3A_2035 = arith.constant 112 : index
        %get3A_2036 = tpu.vector_load %arg16[%get3A_2034, %get3A_2035] {strides = array<i32>} : memref<80x128xf32, #tpu.memory_space<vmem>>, vector<1x16xf32>,
        %get3A_2037 = vector.shape_cast %get3A_2036 : vector<1x16xf32> to vector<16xf32>
        %get3A_2038 = arith.index_cast %add3A_1919 : i32 to index
        %get3A_2039 = arith.constant 112 : index
        %get3A_2040 = tpu.vector_load %arg15[%get3A_2038, %get3A_2039] {strides = array<i32>} : memref<80x128xf32, #tpu.memory_space<vmem>>, vector<1x16xf32>,
        %get3A_2041 = vector.shape_cast %get3A_2040 : vector<1x16xf32> to vector<16xf32>
        %sub3A_2042 = arith.subf %get3A_2037, %get3A_2041 : vector<16xf32>
        %mul3A_2043 = vector.broadcast %squeeze3A_1921 : f32 to vector<16xf32>
        %mul3A_2044 = arith.mulf %sub3A_2042, %mul3A_2043 : vector<16xf32>
        %swap3A_2045 = arith.index_cast %add3A_1919 : i32 to index
        %swap3A_2046 = arith.constant 112 : index
        %swap3A_2047 = tpu.vector_load %arg16[%swap3A_2045, %swap3A_2046] {strides = array<i32>} : memref<80x128xf32, #tpu.memory_space<vmem>>, vector<1x16xf32>,
        %swap3A_2048 = vector.shape_cast %swap3A_2047 : vector<1x16xf32> to vector<16xf32>
        %swap3A_2049 = vector.shape_cast %mul3A_2044 : vector<16xf32> to vector<1x16xf32>
        tpu.vector_store %arg16[%swap3A_2045, %swap3A_2046], %swap3A_2049 {strides = array<i32>} : memref<80x128xf32, #tpu.memory_space<vmem>>, vector<1x16xf32>,
        %mul3A_2050 = arith.constant 16 : i32
        %mul3A_2051 = arith.muli %scan3A_37, %mul3A_2050 : i32
        %add3A_2052 = arith.constant 15 : i32
        %add3A_2053 = arith.addi %mul3A_2051, %add3A_2052 : i32
        %slice3A_2054 = vector.extract_strided_slice %div3A_43 {offsets = [15], sizes = [1], strides = [1]} : vector<16xf32> to vector<1xf32>
        %squeeze3A_2055 = vector.extract %slice3A_2054[0] : f32 from vector<1xf32>
        %get3A_2056 = arith.index_cast %add3A_2053 : i32 to index
        %get3A_2057 = arith.constant 0 : index
        %get3A_2058 = tpu.vector_load %arg16[%get3A_2056, %get3A_2057] {strides = array<i32>} : memref<80x128xf32, #tpu.memory_space<vmem>>, vector<1x16xf32>,
        %get3A_2059 = vector.shape_cast %get3A_2058 : vector<1x16xf32> to vector<16xf32>
        %get3A_2060 = arith.index_cast %add3A_2053 : i32 to index
        %get3A_2061 = arith.constant 0 : index
        %get3A_2062 = tpu.vector_load %arg15[%get3A_2060, %get3A_2061] {strides = array<i32>} : memref<80x128xf32, #tpu.memory_space<vmem>>, vector<1x16xf32>,
        %get3A_2063 = vector.shape_cast %get3A_2062 : vector<1x16xf32> to vector<16xf32>
        %sub3A_2064 = arith.subf %get3A_2059, %get3A_2063 : vector<16xf32>
        %mul3A_2065 = vector.broadcast %squeeze3A_2055 : f32 to vector<16xf32>
        %mul3A_2066 = arith.mulf %sub3A_2064, %mul3A_2065 : vector<16xf32>
        %swap3A_2067 = arith.index_cast %add3A_2053 : i32 to index
        %swap3A_2068 = arith.constant 0 : index
        %swap3A_2069 = tpu.vector_load %arg16[%swap3A_2067, %swap3A_2068] {strides = array<i32>} : memref<80x128xf32, #tpu.memory_space<vmem>>, vector<1x16xf32>,
        %swap3A_2070 = vector.shape_cast %swap3A_2069 : vector<1x16xf32> to vector<16xf32>
        %swap3A_2071 = vector.shape_cast %mul3A_2066 : vector<16xf32> to vector<1x16xf32>
        tpu.vector_store %arg16[%swap3A_2067, %swap3A_2068], %swap3A_2071 {strides = array<i32>} : memref<80x128xf32, #tpu.memory_space<vmem>>, vector<1x16xf32>,
        %get3A_2072 = arith.index_cast %add3A_2053 : i32 to index
        %get3A_2073 = arith.constant 16 : index
        %get3A_2074 = tpu.vector_load %arg16[%get3A_2072, %get3A_2073] {strides = array<i32>} : memref<80x128xf32, #tpu.memory_space<vmem>>, vector<1x16xf32>,
        %get3A_2075 = vector.shape_cast %get3A_2074 : vector<1x16xf32> to vector<16xf32>
        %get3A_2076 = arith.index_cast %add3A_2053 : i32 to index
        %get3A_2077 = arith.constant 16 : index
        %get3A_2078 = tpu.vector_load %arg15[%get3A_2076, %get3A_2077] {strides = array<i32>} : memref<80x128xf32, #tpu.memory_space<vmem>>, vector<1x16xf32>,
        %get3A_2079 = vector.shape_cast %get3A_2078 : vector<1x16xf32> to vector<16xf32>
        %sub3A_2080 = arith.subf %get3A_2075, %get3A_2079 : vector<16xf32>
        %mul3A_2081 = vector.broadcast %squeeze3A_2055 : f32 to vector<16xf32>
        %mul3A_2082 = arith.mulf %sub3A_2080, %mul3A_2081 : vector<16xf32>
        %swap3A_2083 = arith.index_cast %add3A_2053 : i32 to index
        %swap3A_2084 = arith.constant 16 : index
        %swap3A_2085 = tpu.vector_load %arg16[%swap3A_2083, %swap3A_2084] {strides = array<i32>} : memref<80x128xf32, #tpu.memory_space<vmem>>, vector<1x16xf32>,
        %swap3A_2086 = vector.shape_cast %swap3A_2085 : vector<1x16xf32> to vector<16xf32>
        %swap3A_2087 = vector.shape_cast %mul3A_2082 : vector<16xf32> to vector<1x16xf32>
        tpu.vector_store %arg16[%swap3A_2083, %swap3A_2084], %swap3A_2087 {strides = array<i32>} : memref<80x128xf32, #tpu.memory_space<vmem>>, vector<1x16xf32>,
        %get3A_2088 = arith.index_cast %add3A_2053 : i32 to index
        %get3A_2089 = arith.constant 32 : index
        %get3A_2090 = tpu.vector_load %arg16[%get3A_2088, %get3A_2089] {strides = array<i32>} : memref<80x128xf32, #tpu.memory_space<vmem>>, vector<1x16xf32>,
        %get3A_2091 = vector.shape_cast %get3A_2090 : vector<1x16xf32> to vector<16xf32>
        %get3A_2092 = arith.index_cast %add3A_2053 : i32 to index
        %get3A_2093 = arith.constant 32 : index
        %get3A_2094 = tpu.vector_load %arg15[%get3A_2092, %get3A_2093] {strides = array<i32>} : memref<80x128xf32, #tpu.memory_space<vmem>>, vector<1x16xf32>,
        %get3A_2095 = vector.shape_cast %get3A_2094 : vector<1x16xf32> to vector<16xf32>
        %sub3A_2096 = arith.subf %get3A_2091, %get3A_2095 : vector<16xf32>
        %mul3A_2097 = vector.broadcast %squeeze3A_2055 : f32 to vector<16xf32>
        %mul3A_2098 = arith.mulf %sub3A_2096, %mul3A_2097 : vector<16xf32>
        %swap3A_2099 = arith.index_cast %add3A_2053 : i32 to index
        %swap3A_2100 = arith.constant 32 : index
        %swap3A_2101 = tpu.vector_load %arg16[%swap3A_2099, %swap3A_2100] {strides = array<i32>} : memref<80x128xf32, #tpu.memory_space<vmem>>, vector<1x16xf32>,
        %swap3A_2102 = vector.shape_cast %swap3A_2101 : vector<1x16xf32> to vector<16xf32>
        %swap3A_2103 = vector.shape_cast %mul3A_2098 : vector<16xf32> to vector<1x16xf32>
        tpu.vector_store %arg16[%swap3A_2099, %swap3A_2100], %swap3A_2103 {strides = array<i32>} : memref<80x128xf32, #tpu.memory_space<vmem>>, vector<1x16xf32>,
        %get3A_2104 = arith.index_cast %add3A_2053 : i32 to index
        %get3A_2105 = arith.constant 48 : index
        %get3A_2106 = tpu.vector_load %arg16[%get3A_2104, %get3A_2105] {strides = array<i32>} : memref<80x128xf32, #tpu.memory_space<vmem>>, vector<1x16xf32>,
        %get3A_2107 = vector.shape_cast %get3A_2106 : vector<1x16xf32> to vector<16xf32>
        %get3A_2108 = arith.index_cast %add3A_2053 : i32 to index
        %get3A_2109 = arith.constant 48 : index
        %get3A_2110 = tpu.vector_load %arg15[%get3A_2108, %get3A_2109] {strides = array<i32>} : memref<80x128xf32, #tpu.memory_space<vmem>>, vector<1x16xf32>,
        %get3A_2111 = vector.shape_cast %get3A_2110 : vector<1x16xf32> to vector<16xf32>
        %sub3A_2112 = arith.subf %get3A_2107, %get3A_2111 : vector<16xf32>
        %mul3A_2113 = vector.broadcast %squeeze3A_2055 : f32 to vector<16xf32>
        %mul3A_2114 = arith.mulf %sub3A_2112, %mul3A_2113 : vector<16xf32>
        %swap3A_2115 = arith.index_cast %add3A_2053 : i32 to index
        %swap3A_2116 = arith.constant 48 : index
        %swap3A_2117 = tpu.vector_load %arg16[%swap3A_2115, %swap3A_2116] {strides = array<i32>} : memref<80x128xf32, #tpu.memory_space<vmem>>, vector<1x16xf32>,
        %swap3A_2118 = vector.shape_cast %swap3A_2117 : vector<1x16xf32> to vector<16xf32>
        %swap3A_2119 = vector.shape_cast %mul3A_2114 : vector<16xf32> to vector<1x16xf32>
        tpu.vector_store %arg16[%swap3A_2115, %swap3A_2116], %swap3A_2119 {strides = array<i32>} : memref<80x128xf32, #tpu.memory_space<vmem>>, vector<1x16xf32>,
        %get3A_2120 = arith.index_cast %add3A_2053 : i32 to index
        %get3A_2121 = arith.constant 64 : index
        %get3A_2122 = tpu.vector_load %arg16[%get3A_2120, %get3A_2121] {strides = array<i32>} : memref<80x128xf32, #tpu.memory_space<vmem>>, vector<1x16xf32>,
        %get3A_2123 = vector.shape_cast %get3A_2122 : vector<1x16xf32> to vector<16xf32>
        %get3A_2124 = arith.index_cast %add3A_2053 : i32 to index
        %get3A_2125 = arith.constant 64 : index
        %get3A_2126 = tpu.vector_load %arg15[%get3A_2124, %get3A_2125] {strides = array<i32>} : memref<80x128xf32, #tpu.memory_space<vmem>>, vector<1x16xf32>,
        %get3A_2127 = vector.shape_cast %get3A_2126 : vector<1x16xf32> to vector<16xf32>
        %sub3A_2128 = arith.subf %get3A_2123, %get3A_2127 : vector<16xf32>
        %mul3A_2129 = vector.broadcast %squeeze3A_2055 : f32 to vector<16xf32>
        %mul3A_2130 = arith.mulf %sub3A_2128, %mul3A_2129 : vector<16xf32>
        %swap3A_2131 = arith.index_cast %add3A_2053 : i32 to index
        %swap3A_2132 = arith.constant 64 : index
        %swap3A_2133 = tpu.vector_load %arg16[%swap3A_2131, %swap3A_2132] {strides = array<i32>} : memref<80x128xf32, #tpu.memory_space<vmem>>, vector<1x16xf32>,
        %swap3A_2134 = vector.shape_cast %swap3A_2133 : vector<1x16xf32> to vector<16xf32>
        %swap3A_2135 = vector.shape_cast %mul3A_2130 : vector<16xf32> to vector<1x16xf32>
        tpu.vector_store %arg16[%swap3A_2131, %swap3A_2132], %swap3A_2135 {strides = array<i32>} : memref<80x128xf32, #tpu.memory_space<vmem>>, vector<1x16xf32>,
        %get3A_2136 = arith.index_cast %add3A_2053 : i32 to index
        %get3A_2137 = arith.constant 80 : index
        %get3A_2138 = tpu.vector_load %arg16[%get3A_2136, %get3A_2137] {strides = array<i32>} : memref<80x128xf32, #tpu.memory_space<vmem>>, vector<1x16xf32>,
        %get3A_2139 = vector.shape_cast %get3A_2138 : vector<1x16xf32> to vector<16xf32>
        %get3A_2140 = arith.index_cast %add3A_2053 : i32 to index
        %get3A_2141 = arith.constant 80 : index
        %get3A_2142 = tpu.vector_load %arg15[%get3A_2140, %get3A_2141] {strides = array<i32>} : memref<80x128xf32, #tpu.memory_space<vmem>>, vector<1x16xf32>,
        %get3A_2143 = vector.shape_cast %get3A_2142 : vector<1x16xf32> to vector<16xf32>
        %sub3A_2144 = arith.subf %get3A_2139, %get3A_2143 : vector<16xf32>
        %mul3A_2145 = vector.broadcast %squeeze3A_2055 : f32 to vector<16xf32>
        %mul3A_2146 = arith.mulf %sub3A_2144, %mul3A_2145 : vector<16xf32>
        %swap3A_2147 = arith.index_cast %add3A_2053 : i32 to index
        %swap3A_2148 = arith.constant 80 : index
        %swap3A_2149 = tpu.vector_load %arg16[%swap3A_2147, %swap3A_2148] {strides = array<i32>} : memref<80x128xf32, #tpu.memory_space<vmem>>, vector<1x16xf32>,
        %swap3A_2150 = vector.shape_cast %swap3A_2149 : vector<1x16xf32> to vector<16xf32>
        %swap3A_2151 = vector.shape_cast %mul3A_2146 : vector<16xf32> to vector<1x16xf32>
        tpu.vector_store %arg16[%swap3A_2147, %swap3A_2148], %swap3A_2151 {strides = array<i32>} : memref<80x128xf32, #tpu.memory_space<vmem>>, vector<1x16xf32>,
        %get3A_2152 = arith.index_cast %add3A_2053 : i32 to index
        %get3A_2153 = arith.constant 96 : index
        %get3A_2154 = tpu.vector_load %arg16[%get3A_2152, %get3A_2153] {strides = array<i32>} : memref<80x128xf32, #tpu.memory_space<vmem>>, vector<1x16xf32>,
        %get3A_2155 = vector.shape_cast %get3A_2154 : vector<1x16xf32> to vector<16xf32>
        %get3A_2156 = arith.index_cast %add3A_2053 : i32 to index
        %get3A_2157 = arith.constant 96 : index
        %get3A_2158 = tpu.vector_load %arg15[%get3A_2156, %get3A_2157] {strides = array<i32>} : memref<80x128xf32, #tpu.memory_space<vmem>>, vector<1x16xf32>,
        %get3A_2159 = vector.shape_cast %get3A_2158 : vector<1x16xf32> to vector<16xf32>
        %sub3A_2160 = arith.subf %get3A_2155, %get3A_2159 : vector<16xf32>
        %mul3A_2161 = vector.broadcast %squeeze3A_2055 : f32 to vector<16xf32>
        %mul3A_2162 = arith.mulf %sub3A_2160, %mul3A_2161 : vector<16xf32>
        %swap3A_2163 = arith.index_cast %add3A_2053 : i32 to index
        %swap3A_2164 = arith.constant 96 : index
        %swap3A_2165 = tpu.vector_load %arg16[%swap3A_2163, %swap3A_2164] {strides = array<i32>} : memref<80x128xf32, #tpu.memory_space<vmem>>, vector<1x16xf32>,
        %swap3A_2166 = vector.shape_cast %swap3A_2165 : vector<1x16xf32> to vector<16xf32>
        %swap3A_2167 = vector.shape_cast %mul3A_2162 : vector<16xf32> to vector<1x16xf32>
        tpu.vector_store %arg16[%swap3A_2163, %swap3A_2164], %swap3A_2167 {strides = array<i32>} : memref<80x128xf32, #tpu.memory_space<vmem>>, vector<1x16xf32>,
        %get3A_2168 = arith.index_cast %add3A_2053 : i32 to index
        %get3A_2169 = arith.constant 112 : index
        %get3A_2170 = tpu.vector_load %arg16[%get3A_2168, %get3A_2169] {strides = array<i32>} : memref<80x128xf32, #tpu.memory_space<vmem>>, vector<1x16xf32>,
        %get3A_2171 = vector.shape_cast %get3A_2170 : vector<1x16xf32> to vector<16xf32>
        %get3A_2172 = arith.index_cast %add3A_2053 : i32 to index
        %get3A_2173 = arith.constant 112 : index
        %get3A_2174 = tpu.vector_load %arg15[%get3A_2172, %get3A_2173] {strides = array<i32>} : memref<80x128xf32, #tpu.memory_space<vmem>>, vector<1x16xf32>,
        %get3A_2175 = vector.shape_cast %get3A_2174 : vector<1x16xf32> to vector<16xf32>
        %sub3A_2176 = arith.subf %get3A_2171, %get3A_2175 : vector<16xf32>
        %mul3A_2177 = vector.broadcast %squeeze3A_2055 : f32 to vector<16xf32>
        %mul3A_2178 = arith.mulf %sub3A_2176, %mul3A_2177 : vector<16xf32>
        %swap3A_2179 = arith.index_cast %add3A_2053 : i32 to index
        %swap3A_2180 = arith.constant 112 : index
        %swap3A_2181 = tpu.vector_load %arg16[%swap3A_2179, %swap3A_2180] {strides = array<i32>} : memref<80x128xf32, #tpu.memory_space<vmem>>, vector<1x16xf32>,
        %swap3A_2182 = vector.shape_cast %swap3A_2181 : vector<1x16xf32> to vector<16xf32>
        %swap3A_2183 = vector.shape_cast %mul3A_2178 : vector<16xf32> to vector<1x16xf32>
        tpu.vector_store %arg16[%swap3A_2179, %swap3A_2180], %swap3A_2183 {strides = array<i32>} : memref<80x128xf32, #tpu.memory_space<vmem>>, vector<1x16xf32>,
      }
      %scan3A_36 = arith.constant 5 : i32
      "tpu.region"() ({
        %run_scoped3A = tpu.sem_alloc : memref<!tpu.dma_semaphore, #tpu.memory_space<semaphore_mem>>
        %dma_start3A_37 = arith.constant 0 : i32
        %dma_start3A_38 = tpu.memref_slice %arg8[%mul3A_20, %dma_start3A_37] : memref<320000x128xf32, #tpu.memory_space<hbm>> -> memref<80x128xf32, #tpu.memory_space<hbm>>
        %dma_start3A_39 = arith.constant 0 : i32
        %dma_start3A_40 = tpu.memref_slice %arg8[%mul3A_20, %dma_start3A_39] : memref<320000x128xf32, #tpu.memory_space<hbm>> -> memref<80x128xf32, #tpu.memory_space<hbm>>
        tpu.enqueue_dma source(%arg16 : memref<80x128xf32, #tpu.memory_space<vmem>>) target(%dma_start3A_40 : memref<80x128xf32, #tpu.memory_space<hbm>>) target_semaphore(%run_scoped3A : memref<!tpu.dma_semaphore, #tpu.memory_space<semaphore_mem>>)
        %dma_wait3A_41 = arith.constant 0 : i32
        %dma_wait3A_42 = tpu.memref_slice %arg8[%mul3A_20, %dma_wait3A_41] : memref<320000x128xf32, #tpu.memory_space<hbm>> -> memref<80x128xf32, #tpu.memory_space<hbm>>
        %dma_wait3A_43 = arith.constant 0 : i32
        %dma_wait3A_44 = tpu.memref_slice %arg8[%mul3A_20, %dma_wait3A_43] : memref<320000x128xf32, #tpu.memory_space<hbm>> -> memref<80x128xf32, #tpu.memory_space<hbm>>
        tpu.wait_dma2 semaphore(%run_scoped3A : memref<!tpu.dma_semaphore, #tpu.memory_space<semaphore_mem>>) src(%arg16 : memref<80x128xf32, #tpu.memory_space<vmem>>) dst(%dma_wait3A_44 : memref<80x128xf32, #tpu.memory_space<hbm>>)
        tpu.yield
      }) : () -> ()
      "tpu.region"() ({
        %run_scoped3A = tpu.sem_alloc : memref<!tpu.dma_semaphore, #tpu.memory_space<semaphore_mem>>
        %dma_start3A_37 = arith.constant 0 : i32
        %dma_start3A_38 = arith.constant 0 : i32
        %dma_start3A_39 = tpu.memref_slice %arg17[%dma_start3A_37, %dma_start3A_38] : memref<10112x128xf32, #tpu.memory_space<vmem_shared>> -> memref<10112x128xf32, #tpu.memory_space<vmem_shared>>
        tpu.enqueue_indirect_dma source(%arg16 : memref<80x128xf32, #tpu.memory_space<vmem>>) target(%dma_start3A_39 : memref<10112x128xf32, #tpu.memory_space<vmem_shared>>) offsets(%arg12 : memref<80xi32, #tpu.memory_space<vmem>>) semaphore(%run_scoped3A : memref<!tpu.dma_semaphore, #tpu.memory_space<semaphore_mem>>) {add = true}
        %dma_wait3A_40 = arith.constant 0 : i32
        %dma_wait3A_41 = arith.constant 0 : i32
        %dma_wait3A_42 = tpu.memref_slice %arg17[%dma_wait3A_40, %dma_wait3A_41] : memref<10112x128xf32, #tpu.memory_space<vmem_shared>> -> memref<10112x128xf32, #tpu.memory_space<vmem_shared>>
        tpu.wait_indirect_dma semaphore(%run_scoped3A : memref<!tpu.dma_semaphore, #tpu.memory_space<semaphore_mem>>) src(%arg16 : memref<80x128xf32, #tpu.memory_space<vmem>>) dst(%dma_wait3A_42 : memref<10112x128xf32, #tpu.memory_space<vmem_shared>>)
        tpu.yield
      }) : () -> ()
      "tpu.region"() ({
        %run_scoped3A = tpu.sem_alloc : memref<!tpu.dma_semaphore, #tpu.memory_space<semaphore_mem>>
        %dma_start3A_37 = arith.constant 0 : i32
        %dma_start3A_38 = arith.constant 0 : i32
        %dma_start3A_39 = tpu.memref_slice %arg18[%dma_start3A_37, %dma_start3A_38] : memref<10112x16xf32, #tpu.memory_space<vmem_shared>> -> memref<10112x16xf32, #tpu.memory_space<vmem_shared>>
        tpu.enqueue_indirect_dma source(%arg14 : memref<80x16xf32, #tpu.memory_space<vmem>>) target(%dma_start3A_39 : memref<10112x16xf32, #tpu.memory_space<vmem_shared>>) offsets(%arg12 : memref<80xi32, #tpu.memory_space<vmem>>) semaphore(%run_scoped3A : memref<!tpu.dma_semaphore, #tpu.memory_space<semaphore_mem>>) {add = true}
        %dma_wait3A_40 = arith.constant 0 : i32
        %dma_wait3A_41 = arith.constant 0 : i32
        %dma_wait3A_42 = tpu.memref_slice %arg18[%dma_wait3A_40, %dma_wait3A_41] : memref<10112x16xf32, #tpu.memory_space<vmem_shared>> -> memref<10112x16xf32, #tpu.memory_space<vmem_shared>>
        tpu.wait_indirect_dma semaphore(%run_scoped3A : memref<!tpu.dma_semaphore, #tpu.memory_space<semaphore_mem>>) src(%arg14 : memref<80x16xf32, #tpu.memory_space<vmem>>) dst(%dma_wait3A_42 : memref<10112x16xf32, #tpu.memory_space<vmem_shared>>)
        tpu.yield
      }) : () -> ()
    }
    %scan3A_13 = arith.constant 125 : i32
    %barrier3A_14 = arith.constant 0 : index
    tpu.barrier barrier_id(%barrier3A_14)
    "tpu.region"() ({
      %run_scoped3A = tpu.sem_alloc : memref<!tpu.dma_semaphore, #tpu.memory_space<semaphore_mem>>
      %dma_start3A = arith.constant 0 : i32
      %dma_start3A_15 = tpu.memref_slice %arg9[%arg0, %mul3A_7, %dma_start3A] : memref<2x10112x128xf32, #tpu.memory_space<hbm>> -> memref<1x632x128xf32, #tpu.memory_space<hbm>>
      %dma_start3A_16 = tpu.memref_squeeze %dma_start3A_15 : memref<1x632x128xf32, #tpu.memory_space<hbm>> -> memref<632x128xf32, #tpu.memory_space<hbm>>
      %dma_start3A_17 = arith.constant 0 : i32
      %dma_start3A_18 = tpu.memref_slice %arg17[%mul3A_7, %dma_start3A_17] : memref<10112x128xf32, #tpu.memory_space<vmem_shared>> -> memref<632x128xf32, #tpu.memory_space<vmem_shared>>
      tpu.enqueue_dma source(%dma_start3A_18 : memref<632x128xf32, #tpu.memory_space<vmem_shared>>) target(%dma_start3A_16 : memref<632x128xf32, #tpu.memory_space<hbm>>) target_semaphore(%run_scoped3A : memref<!tpu.dma_semaphore, #tpu.memory_space<semaphore_mem>>)
      %dma_wait3A = arith.constant 0 : i32
      %dma_wait3A_19 = tpu.memref_slice %arg9[%arg0, %mul3A_7, %dma_wait3A] : memref<2x10112x128xf32, #tpu.memory_space<hbm>> -> memref<1x632x128xf32, #tpu.memory_space<hbm>>
      %dma_wait3A_20 = tpu.memref_squeeze %dma_wait3A_19 : memref<1x632x128xf32, #tpu.memory_space<hbm>> -> memref<632x128xf32, #tpu.memory_space<hbm>>
      %dma_wait3A_21 = arith.constant 0 : i32
      %dma_wait3A_22 = tpu.memref_slice %arg17[%mul3A_7, %dma_wait3A_21] : memref<10112x128xf32, #tpu.memory_space<vmem_shared>> -> memref<632x128xf32, #tpu.memory_space<vmem_shared>>
      tpu.wait_dma2 semaphore(%run_scoped3A : memref<!tpu.dma_semaphore, #tpu.memory_space<semaphore_mem>>) src(%dma_wait3A_22 : memref<632x128xf32, #tpu.memory_space<vmem_shared>>) dst(%dma_wait3A_20 : memref<632x128xf32, #tpu.memory_space<hbm>>)
      tpu.yield
    }) : () -> ()
    "tpu.region"() ({
      %run_scoped3A = tpu.sem_alloc : memref<!tpu.dma_semaphore, #tpu.memory_space<semaphore_mem>>
      %dma_start3A = arith.constant 0 : i32
      %dma_start3A_15 = tpu.memref_slice %arg10[%arg0, %mul3A_7, %dma_start3A] : memref<2x10112x16xf32, #tpu.memory_space<hbm>> -> memref<1x632x16xf32, #tpu.memory_space<hbm>>
      %dma_start3A_16 = tpu.memref_squeeze %dma_start3A_15 : memref<1x632x16xf32, #tpu.memory_space<hbm>> -> memref<632x16xf32, #tpu.memory_space<hbm>>
      %dma_start3A_17 = arith.constant 0 : i32
      %dma_start3A_18 = tpu.memref_slice %arg18[%mul3A_7, %dma_start3A_17] : memref<10112x16xf32, #tpu.memory_space<vmem_shared>> -> memref<632x16xf32, #tpu.memory_space<vmem_shared>>
      tpu.enqueue_dma source(%dma_start3A_18 : memref<632x16xf32, #tpu.memory_space<vmem_shared>>) target(%dma_start3A_16 : memref<632x16xf32, #tpu.memory_space<hbm>>) target_semaphore(%run_scoped3A : memref<!tpu.dma_semaphore, #tpu.memory_space<semaphore_mem>>)
      %dma_wait3A = arith.constant 0 : i32
      %dma_wait3A_19 = tpu.memref_slice %arg10[%arg0, %mul3A_7, %dma_wait3A] : memref<2x10112x16xf32, #tpu.memory_space<hbm>> -> memref<1x632x16xf32, #tpu.memory_space<hbm>>
      %dma_wait3A_20 = tpu.memref_squeeze %dma_wait3A_19 : memref<1x632x16xf32, #tpu.memory_space<hbm>> -> memref<632x16xf32, #tpu.memory_space<hbm>>
      %dma_wait3A_21 = arith.constant 0 : i32
      %dma_wait3A_22 = tpu.memref_slice %arg18[%mul3A_7, %dma_wait3A_21] : memref<10112x16xf32, #tpu.memory_space<vmem_shared>> -> memref<632x16xf32, #tpu.memory_space<vmem_shared>>
      tpu.wait_dma2 semaphore(%run_scoped3A : memref<!tpu.dma_semaphore, #tpu.memory_space<semaphore_mem>>) src(%dma_wait3A_22 : memref<632x16xf32, #tpu.memory_space<vmem_shared>>) dst(%dma_wait3A_20 : memref<632x16xf32, #tpu.memory_space<hbm>>)
      tpu.yield
    }) : () -> ()
    return
  }
}

module attributes {stable_mosaic.version = 14 : i64} {
  func.func @_combine_body(%arg0: i32, %arg1: memref<2x1000x128xf32, #tpu.memory_space<vmem>>, %arg2: memref<2x1000x16xf32, #tpu.memory_space<vmem>>, %arg3: memref<1000x128xf32, #tpu.memory_space<vmem>>) attributes {dimension_semantics = [#tpu.dimension_semantics<arbitrary>], iteration_bounds = array<i64: 10>, scalar_prefetch = 0 : i64, scratch_operands = 0 : i64, tpu.core_type = #tpu.core_type<tc>, window_params = [{transform_indices = @transform_0, window_bounds = array<i64: 2, 1000, 128>}, {transform_indices = @transform_1, window_bounds = array<i64: 2, 1000, 16>}, {transform_indices = @transform_2, window_bounds = array<i64: 1000, 128>}]} {
    %get3A = arith.constant 0 : index
    %get3A_0 = arith.constant 0 : index
    %get3A_1 = arith.constant 0 : index
    %get3A_2 = vector.load %arg1[%get3A, %get3A_0, %get3A_1] : memref<2x1000x128xf32, #tpu.memory_space<vmem>>, vector<1x1000x128xf32>
    %get3A_3 = vector.shape_cast %get3A_2 : vector<1x1000x128xf32> to vector<1000x128xf32>
    %get3A_4 = arith.constant 1 : index
    %get3A_5 = arith.constant 0 : index
    %get3A_6 = arith.constant 0 : index
    %get3A_7 = vector.load %arg1[%get3A_4, %get3A_5, %get3A_6] : memref<2x1000x128xf32, #tpu.memory_space<vmem>>, vector<1x1000x128xf32>
    %get3A_8 = vector.shape_cast %get3A_7 : vector<1x1000x128xf32> to vector<1000x128xf32>
    %add3A = arith.addf %get3A_3, %get3A_8 : vector<1000x128xf32>
    %get3A_9 = arith.constant 0 : index
    %get3A_10 = arith.constant 0 : index
    %get3A_11 = arith.constant 0 : index
    %get3A_12 = vector.load %arg2[%get3A_9, %get3A_10, %get3A_11] : memref<2x1000x16xf32, #tpu.memory_space<vmem>>, vector<1x1000x1xf32>
    %get3A_13 = vector.shape_cast %get3A_12 : vector<1x1000x1xf32> to vector<1000x1xf32>
    %get3A_14 = arith.constant 1 : index
    %get3A_15 = arith.constant 0 : index
    %get3A_16 = arith.constant 0 : index
    %get3A_17 = vector.load %arg2[%get3A_14, %get3A_15, %get3A_16] : memref<2x1000x16xf32, #tpu.memory_space<vmem>>, vector<1x1000x1xf32>
    %get3A_18 = vector.shape_cast %get3A_17 : vector<1x1000x1xf32> to vector<1000x1xf32>
    %add3A_19 = arith.addf %get3A_13, %get3A_18 : vector<1000x1xf32>
    %max3A = arith.constant 1.000000e+00 : f32
    %max3A_20 = vector.broadcast %max3A : f32 to vector<1000x1xf32>
    %max3A_21 = arith.maximumf %add3A_19, %max3A_20 : vector<1000x1xf32>
    %div3A = vector.broadcast %max3A_21 : vector<1000x1xf32> to vector<1000x128xf32>
    %div3A_22 = arith.divf %add3A, %div3A : vector<1000x128xf32>
    %swap3A = arith.constant 0 : index
    %swap3A_23 = arith.constant 0 : index
    %swap3A_24 = vector.load %arg3[%swap3A, %swap3A_23] : memref<1000x128xf32, #tpu.memory_space<vmem>>, vector<1000x128xf32>
    tpu.vector_store %arg3[%swap3A, %swap3A_23], %div3A_22 {strides = array<i32>} : memref<1000x128xf32, #tpu.memory_space<vmem>>, vector<1000x128xf32>,
    return
  }
  func.func @transform_0(%arg0: i32) -> (i32, i32, i32) {
    %c0_i32 = arith.constant 0 : i32
    %c0_i32_0 = arith.constant 0 : i32
    %c0_i32_1 = arith.constant 0 : i32
    return %c0_i32, %arg0, %c0_i32_0 : i32, i32, i32
  }
  func.func @transform_1(%arg0: i32) -> (i32, i32, i32) {
    %c0_i32 = arith.constant 0 : i32
    %c0_i32_0 = arith.constant 0 : i32
    %c0_i32_1 = arith.constant 0 : i32
    return %c0_i32, %arg0, %c0_i32_0 : i32, i32, i32
  }
  func.func @transform_2(%arg0: i32) -> (i32, i32) {
    %c0_i32 = arith.constant 0 : i32
    %c0_i32_0 = arith.constant 0 : i32
    return %arg0, %c0_i32 : i32, i32
  }
}

</mosaic_0001>

<sc_bundles>
// kernel: kernel.4.cloned.1.call-start
scs
__scs_entry_jumppad:
0x0: {  	(pc) =	sbr.rel $0x88, $3  }
0x1: {  	(tag) =	ssettag $0x0;
	lr =	simm.s32 $0x1  }
0x2: {  	[smem:$0x3F9E] =	sst lr;
	_ =	strace $0xD0000000  }
0x3: {  	_ = 	snop  }
0x4: {  	_ = 	snop  }
0x5: {  	_ = 	snop  }
0x6: {  	_ = 	snop  }
0x7: {  	_ = 	snop  }
__scs_overlays_trampoline_lowered:
0x8: {  	[smem:$0x3FAD] =	sst s0  }
0x9: {  	[smem:$0x3FAE] =	sst s1  }
0xa: {  	[smem:$0x3FAF] =	sst s2  }
0xb: {  	[smem:$0x3FB0] =	sst s3  }
0xc: {  	[smem:$0x3FB1] =	sst s4  }
0xd: {  	[smem:$0x3FB2] =	sst s5  }
0xe: {  	[smem:$0x3FB3] =	sst s6  }
0xf: {  	[smem:$0x3FB4] =	sst s7  }
0x10: {  	[smem:$0x3FB5] =	sst s8  }
0x11: {  	[smem:$0x3FB6] =	sst s9;
	s0 =	simm.s32 @!p0 $0x0  }
0x12: {  	s1 =	sld [smem:$0x3F9C];
	s0 =	simm.s32 @p0 $0x1  }
0x13: {  	[smem:$0x3FB7] =	sst s0;
	s0 =	simm.s32 @!p1 $0x0  }
0x14: {  	s2 =	sld [smem:$0x3F9B];
	s0 =	simm.s32 @p1 $0x1  }
0x15: {  	[smem:$0x3FB8] =	sst s0;
	s0 =	simm.s32 @!p2 $0x0  }
0x16: {  	s3 =	sld [smem:$0x3FDB];
	s0 =	simm.s32 @p2 $0x1  }
0x17: {  	s4 =	simm.s32 $0x1BF5;
	[smem:$0x3FBA] =	sst s0  }
0x18: {  	s0 =	sld [smem:$0x3F9D];
	_ =	swait.ge [sflag:s4], $0x0  }
0x19: {  	s7 =	sld [smem:$0x3F9E]  }
0x1a: {  	s8 =	sadd.s32 $0xFFFFE003, lr  }
0x1b: {  	s9 =	sadd.s32 $0xFFFFFEF7, lr;
	s5 =	simm.s32 $0xFFFFFFFF;
	p2 =	slt.u32 s8, $0xFFFFF086  }
0x1c: {  	p1 =	slt.u32 s9, $0xF7A;
	s5 =	simm.s32 @!p2 $0x0  }
0x1d: {  	s5 =	simm.s32 @p1 $0x1;
	p0 =	seq.s32 s7, s2  }
0x1e: {  	s7 =	smul.u32 @!p0 $0xF7A, s2;
	p2 =	seq.s32 @!p0 s5, $0x0  }
0x1f: {  	s9 =	smul.u32 $0xF7A, s1;
	s8 =	simm.s32 @!p0 $0x1BF5;
	p2 =	por !p2, p0  }
0x20: {  	[sflag:s8] =	ssyncset.s32 @!p0 $0xFFFFF086;
	s6 =	sadd.s32 @!p0 s3, s7;
	s7 =	simm.s32 @!p0 $0x108  }
0x21: {  	s3 =	sadd.s32 s3, s9;
	s6 =	sadd.s32 @!p0 $0x88, s6;
	s7 =	simm.s32 @p2 $0x1082  }
0x22: {  	[simem:s7], [sflag:s8] =	dma.local @!p0 [hbm:s6], $0xF7A  }
0x23: {  	s9 =	sor.u32 $0xD0000000, s2;
	s6 =	simm.s32 $0x108;
	_ =	swait.ge @!p0 [sflag:s8], $0x0  }
0x24: {  	s3 =	sadd.s32 $0x88, s3;
	s6 =	simm.s32 @!p1 $0x1082;
	[sflag:s4] =	ssyncset.s32 $0xFFFFF086  }
0x25: {  	[simem:s6], [sflag:s4] =	dma.local [hbm:s3], $0xF7A  }
0x26: {  	[smem:$0x3F9E] =	sst s1;
	(tag) =	ssettag s2;
	_ =	strace s9  }
0x27: {  	s1 =	sld [smem:$0x3FAE]  }
0x28: {  	s2 =	sld [smem:$0x3FAF]  }
0x29: {  	s4 =	sld [smem:$0x3FB1]  }
0x2a: {  	p0 =	seq.s32 s5, $0x0;
	s5 =	sld [smem:$0x3FB2]  }
0x2b: {  	s6 =	sld [smem:$0x3FB3]  }
0x2c: {  	s7 =	sld [smem:$0x3FB4]  }
0x2d: {  	s3 =	simm.s32 $0x108;
	s8 =	sld [smem:$0x3FB5]  }
0x2e: {  	s3 =	simm.s32 @!p0 $0x1082;
	s9 =	sld [smem:$0x3FB6]  }
0x2f: {  	lr =	sadd.s32 s0, s3;
	s0 =	sld [smem:$0x3FAD]  }
0x30: {  	s3 =	sld [smem:$0x3FB0]  }
0x31: {  	[smem:$0x3FB9] =	sst s10  }
0x32: {  	s10 =	sld [smem:$0x3FB7];
	_ =	sdelay $0x3  }
0x33: {  	p0 =	seq.s32 s10, $0x1;
	s10 =	sld [smem:$0x3FB9];
	_ =	sdelay $0x3  }
0x34: {  	[smem:$0x3FB9] =	sst s10  }
0x35: {  	s10 =	sld [smem:$0x3FB8];
	_ =	sdelay $0x3  }
0x36: {  	p1 =	seq.s32 s10, $0x1;
	s10 =	sld [smem:$0x3FB9];
	_ =	sdelay $0x3  }
0x37: {  	[smem:$0x3FB9] =	sst s10  }
0x38: {  	s10 =	sld [smem:$0x3FBA]  }
0x39: {  	_ = 	snop;
	(pc) =	sbr.ind lr, $3  }
0x3a: {  	_ = 	snop  }
0x3b: {  	_ = 	snop  }
0x3c: {  	p2 =	seq.s32 s10, $0x1;
	s10 =	sld [smem:$0x3FB9]  }
0x3d: {  	_ =	shalt  }
0x3e: {  	_ =	shalt  }
0x3f: {  	_ =	shalt  }
0x40: {  	_ =	shalt  }
0x41: {  	_ =	shalt  }
0x42: {  	_ =	shalt  }
0x43: {  	_ =	shalt  }
0x44: {  	_ =	shalt  }
0x45: {  	_ =	shalt  }
0x46: {  	_ =	shalt  }
0x47: {  	_ =	shalt  }
0x48: {  	_ =	shalt  }
0x49: {  	_ =	shalt  }
0x4a: {  	_ =	shalt  }
0x4b: {  	_ =	shalt  }
0x4c: {  	_ =	shalt  }
0x4d: {  	_ =	shalt  }
0x4e: {  	_ =	shalt  }
0x4f: {  	_ =	shalt  }
0x50: {  	_ =	shalt  }
0x51: {  	_ =	shalt  }
0x52: {  	_ =	shalt  }
0x53: {  	_ =	shalt  }
0x54: {  	_ =	shalt  }
0x55: {  	_ =	shalt  }
0x56: {  	_ =	shalt  }
0x57: {  	_ =	shalt  }
0x58: {  	_ =	shalt  }
0x59: {  	_ =	shalt  }
0x5a: {  	_ =	shalt  }
0x5b: {  	_ =	shalt  }
0x5c: {  	_ =	shalt  }
0x5d: {  	_ =	shalt  }
0x5e: {  	_ =	shalt  }
0x5f: {  	_ =	shalt  }
0x60: {  	_ =	shalt  }
0x61: {  	_ =	shalt  }
0x62: {  	_ =	shalt  }
0x63: {  	_ =	shalt  }
0x64: {  	_ =	shalt  }
0x65: {  	_ =	shalt  }
0x66: {  	_ =	shalt  }
0x67: {  	_ =	shalt  }
0x68: {  	_ =	shalt  }
0x69: {  	_ =	shalt  }
0x6a: {  	_ =	shalt  }
0x6b: {  	_ =	shalt  }
0x6c: {  	_ =	shalt  }
0x6d: {  	_ =	shalt  }
0x6e: {  	_ =	shalt  }
0x6f: {  	_ =	shalt  }
0x70: {  	_ =	shalt  }
0x71: {  	_ =	shalt  }
0x72: {  	_ =	shalt  }
0x73: {  	_ =	shalt  }
0x74: {  	_ =	shalt  }
0x75: {  	_ =	shalt  }
0x76: {  	_ =	shalt  }
0x77: {  	_ =	shalt  }
0x78: {  	_ =	shalt  }
0x79: {  	_ =	shalt  }
0x7a: {  	_ =	shalt  }
0x7b: {  	_ =	shalt  }
0x7c: {  	_ =	shalt  }
0x7d: {  	_ =	shalt  }
0x7e: {  	_ =	shalt  }
0x7f: {  	_ =	shalt  }
0x80: {  	_ =	shalt  }
0x81: {  	_ =	shalt  }
0x82: {  	_ =	shalt  }
0x83: {  	_ =	shalt  }
0x84: {  	_ =	shalt  }
0x85: {  	_ =	shalt  }
0x86: {  	_ =	shalt  }
0x87: {  	_ =	shalt  }
.Lfunc_end0:
.L_simem_size_0:
called_computation_lowered:
.L_overlay_start_0:
0x88: {  	s2 =	sld [smem:$0x3FD9]  }
0x89: {  	s3 =	sld [smem:$0x3FFE];
	_ =	sdelay $0x1  }
0x8a: {  	s1 =	srdreg.scid  }
0x8b: {  	s0 =	sand.u32 $0x1, s1  }
0x8c: {  	s14 =	sshll.u32 s0, $0xA;
	s2 =	sadd.s32 s3, s2  }
0x8d: {  	s2 =	sadd.s32 s2, s14  }
0x8e: {  	[smem:$0x3FC5] =	sst s2  }
0x8f: {  	_ = 	snop  }
0x90: {  	s2 =	sld [smem:$0x3FD0];
	_ =	sdelay $0x2  }
0x91: {  	s4 =	simm.s32 $0xA;
	s5 =	simm.s32 $0x10;
	s15 =	sld [smem:$0x3FC9]  }
0x92: {  	[smem:s5], [sflag:s4] =	dma.local [hbm:s2], $0x1  }
0x93: {  	_ =	swait.eq [sflag:s4], $0x1  }
0x94: {  	[sflag:s4] =	ssyncset.done $0x0  }
0x95: {  	s16 =	sld [smem:$0x10];
	[sflag:s4] =	ssyncadd.s32 $0xFFFFFFFF  }
0x96: {  	s17 =	sld [smem:$0x11];
	(tm) =	ssettm $0x1  }
0x97: {  	s18 =	sld [smem:$0x3FFB];
	_ =	sdelay $0x3  }
0x98: {  	_ =	strace s18  }
0x99: {  	s5 =	sld [smem:$0x3FFC];
	_ =	sdelay $0x3  }
0x9a: {  	_ =	strace s5  }
0x9b: {  	s5 =	sld [smem:$0x3FFD];
	_ =	sdelay $0x3  }
0x9c: {  	_ =	strace s5  }
0x9d: {  	_ =	strace $0x8FFFFFFF  }
0x9e: {  	s19 =	sld [smem:$0x3FDB];
	_ =	sdelay $0x1  }
0x9f: {  	s6 =	simm.s32 $_scs_section_size  }
0xa0: {  	s7 =	simm.s32 $_size__tile_overlayer_lowered;
	s8 =	simm.s32 $_tile_overlayer_lowered  }
0xa1: {  	s22 =	simm.s32 $0x1BFF;
	s21 =	sshll.u32 s8, $0x1;
	s5 =	sadd.s32 s6, s19  }
0xa2: {  	s9 =	simm.s32 $0x0;
	s20 =	sshll.u32 s7, $0x1;
	s7 =	sadd.s32 s21, s5  }
0xa3: {  	[timem:s9], [sflag:s22] =	dma.local [hbm:s7], s20  }
0xa4: {  	_ =	swait.ge [sflag:s22], s20  }
0xa5: {  	s6 =	ssub.s32 $0x0, s20;
	[sflag:s22] =	ssyncset.done $0x0  }
0xa6: {  	[sflag:s22] =	ssyncadd.s32 s6;
	_ =	sdelay $0x1  }
0xa7: {  	s23 =	simm.s32 $0x1B8B  }
0xa8: {  	_ =	swait.ge [sflag:s23], $0x1  }
0xa9: {  	[sflag:s23] =	ssyncset.done $0x0  }
0xaa: {  	s25 =	simm.s32 $0x1B8E;
	s24 =	sld [smem:$0x3FFE];
	[sflag:s23] =	ssyncadd.s32 $0xFFFFFFFF  }
0xab: {  	s26 =	simm.s32 $execute0_lowered;
	[smem:$0x3FD2] =	sst s25  }
0xac: {  	s7 =	sshll.u32 s26, $0x1;
	_ =	strace $0x80000046;
	[dreg:$0x1] =	wrdreg $0xFFFFFFFF  }
0xad: {  	s28 =	simm.s32 $_size_execute0_lowered;
	s5 =	sadd.s32 s5, s7;
	[dreg:$0x0] =	wrdreg $0x0  }
0xae: {  	s7 =	sshll.u32 s28, $0x1;
	[dreg:$0x2] =	wrdreg s5  }
0xaf: {  	[dreg:$0x3] =	wrdreg s7  }
0xb0: {  	[dreg:$0x4] =	wrdreg $0xC0  }
0xb1: {  	_ =	task [dreg:s9], $0x5FFFF  }
0xb2: {  	[dreg:$0x1] =	wrdreg $0xFFFFFFFF  }
0xb3: {  	[dreg:$0x0] =	wrdreg $0x60  }
0xb4: {  	[dreg:$0x2] =	wrdreg s15  }
0xb5: {  	[dreg:$0x3] =	wrdreg s24  }
0xb6: {  	[dreg:$0x4] =	wrdreg s17  }
0xb7: {  	[dreg:$0x5] =	wrdreg s16  }
0xb8: {  	[dreg:$0x6] =	wrdreg $0x55F00  }
0xb9: {  	[dreg:$0x7] =	wrdreg $0x191F00  }
0xba: {  	[dreg:$0x8] =	wrdreg $0x9  }
0xbb: {  	_ =	task.clear_ibuf [dreg:s9], $0x9FFFF;
	_ =	strace $0x90000046  }
0xbc: {  	s29 =	simm.s32 $0x9;
	_ =	strace $0x80000048  }
0xbd: {  	_ =	swait.ge [sflag:s29], $0x1  }
0xbe: {  	[sflag:s29] =	ssyncadd.s32 $0xFFFFFFFF  }
0xbf: {  	_ =	strace $0x90000048  }
0xc0: {  	_ =	sfence  }
0xc1: {  	s30 =	sld [smem:$0x0];
	_ =	sdelay $0x2  }
0xc2: {  	s31 =	sshll.u32 s1, $0xD;
	s1 =	sshrl.u32 s1, $0x2  }
0xc3: {  	s3 =	sand.u32 $0x4000, s31;
	s1 =	sadd.s32 s1, s30  }
0xc4: {  	s0 =	sor.u32 s3, s0;
	s1 =	sshll.u32 s1, $0x11  }
0xc5: {  	s0 =	sor.u32 s1, s0  }
0xc6: {  	s0 =	sadd.s32 $0x8F2B, s0  }
0xc7: {  	[sflag:s0] =	ssyncadd.remote.s32 $0x1  }
0xc8: {  	_ =	sfence.sel $0xFFFF  }
0xc9: {  	[dreg:$0x0] =	wrdreg $0xFFFFFFFF;
	(pc) =	sbr.abs _section_cstart, $3  }
0xca: {  	[dreg:$0x1] =	wrdreg $0xFFFFFFFF  }
0xcb: {  	_ =	task.clear_ibuf [dreg:s9], $0x2FFFF;
	_ =	strace $0x9FFFFFFF  }
0xcc: {  	(tm) =	ssettm $0x7FFFFFFF  }
0xcd: {  	_ =	shalt  }
tec
execute0_lowered:
.L_overlay_start_1:
0x0: {  	(tag) =	ssettag $0x1  }
0x1: {  	s1 =	rddreg [dreg:$0x0]  }
0x2: {  	s2 =	rddreg [dreg:$0x1]  }
0x3: {  	s3 =	rddreg [dreg:$0x2]  }
0x4: {  	s0 =	rddreg [dreg:$0x3]  }
0x5: {  	s5 =	rddreg [dreg:$0x4]  }
0x6: {  	s6 =	rddreg [dreg:$0x5]  }
0x7: {  	s4 =	srdreg.scid;
	s18 =	stileid.u32;
	s7 =	simm.s32 $0x0  }
0x8: {  	s19 =	simm.s32 $0x2;
	s21 =	simm.s32 $0x50;
	s22 =	simm.s32 $0xA0  }
0x9: {  	s23 =	simm.s32 $0x5F0;
	s24 =	simm.s32 $0x1;
	s25 =	simm.s32 $0x2DF0  }
0xa: {  	s28 =	simm.s32 $0x0;
	s29 =	simm.s32 $0x0;
	s8 =	sand.u32 $0x1, s4  }
0xb: {  	s26 =	smul.u32 $0x13C00, s18;
	[smem:$0x7FF] =	sst s7;
	s9 =	sadd.s32 $0x9E00, s2  }
0xc: {  	s10 =	sadd.s32 $0x13C00, s2;
	s12 =	sadd.s32 $0x1E000, s2;
	s15 =	smul.u32 $0x2780, s18  }
0xd: {  	s30 =	sshll.u32 s18, $0x6;
	s11 =	smul.u32 $0x13C000, s8;
	_ =	strace $0x80000047  }
0xe: {  	[dreg:$0x7] =	wrdreg s12;
	s12 =	sadd.s32 $0x1DA00, s2;
	s13 =	ssub.s32 $0x2, s8  }
0xf: {  	s16 =	smul.u32 $0x27800, s8;
	s14 =	sshrl.u32 s13, $0x1;
	s4 =	sadd.s32 s26, s5  }
0x10: {  	s20 =	sadd.s32 s15, s6;
	s11 =	sadd.s32 s26, s11;
	s17 =	ssub.s32 s13, s14  }
0x11: {  	s13 =	sshll.u32 s18, $0x1;
	s14 =	sor.u32 $0x1C02, s30;
	s16 =	sadd.s32 s15, s16  }
0x12: {  	s18 =	sshrl.u32 s4, $0x3;
	s20 =	sshrl.u32 s20, $0x3;
	s11 =	sshrl.u32 s11, $0x3  }
0x13: {  	s26 =	simm.s32 $0xF0;
	s31 =	sshrl.u32 s16, $0x3;
	s11 =	sadd.s32 s11, s2  }
0x14: {  	v0 =	vimm.f32 $1.000000000e+00;
	s17 =	smax.u32 s17, $0x1;
	s16 =	sadd.s32 s0, s31;
	s15 =	sadd.s32 $0x20800, s11  }
.LBB2_1:
0x15: {  	s0 =	simm.s32 $0x40;
	s4 =	simm.s32 $0x0  }
.LBB2_2:
0x16: {  	p0 =	sne.s32 s0, $0x13C0;
	[tilespmem:s4+$0xF0] =	vst v0;
	s4 =	smov.u32 s0;
	s0 =	sadd.s32 $0x40, s0  }
.Ltmp0:
0x17: {  	(pc) =	sbr.rel @p0 .LBB2_2-.Ltmp0, $2  }
0x18: {  	_ =	sdelay $0x2  }
0x19: {  	s4 =	sshra.s32 s4, $0x2  }
0x1a: {  	[tilespmem:s4+$0xF0] =	vst v0;
	s0 =	rddreg [dreg:$0x7]  }
0x1b: {  	[spmem:s18], [sflag:s14] =	dma.local [hbm:s0], $0x2780  }
0x1c: {  	_ =	swait.ge [sflag:s19], $0x2780  }
0x1d: {  	[sflag:s19] =	ssyncset.done $0x0  }
0x1e: {  	[sflag:s19] =	ssyncadd.s32 $0xFFFFD880  }
0x1f: {  	[spmem:s20], [sflag:s14] =	dma.local [hbm:s12], $0x4F0  }
0x20: {  	_ =	swait.ge [sflag:s19], $0x4F0  }
0x21: {  	[sflag:s19] =	ssyncset.done $0x0  }
0x22: {  	[sflag:s19] =	ssyncadd.s32 $0xFFFFFB10  }
0x23: {  	s30 =	simm.s32 $0x0;
	[bflag:$0x0] =	sbarrier.arrive $0xFFFF  }
.LBB2_4:
0x24: {  	s0 =	sshll.u32 s30, $0x5  }
0x25: {  	s0 =	sor.u32 s0, s13  }
0x26: {  	s31 =	sor.u32 s8, s0  }
0x27: {  	s0 =	smul.u32 $0xA, s31;
	_ =	sdelay $0x1  }
0x28: {  	s4 =	sadd.s32 s9, s0  }
0x29: {  	[tilespmem:s29], [sflag:$0x2] =	stream.linear.gather [hbm4b:s4+s29], $0x50, $0x38;
	[tilespmem:$0x1B970] =	vst v63  }
0x2a: {  	_ =	swait.ge [sflag:s19], $0x50  }
0x2b: {  	[sflag:s19] =	ssyncset.done $0x0  }
0x2c: {  	s11 =	sadd.s32 s2, s0;
	[sflag:s19] =	ssyncadd.s32 $0xFFFFFFB0  }
0x2d: {  	[tilespmem:s21], [sflag:$0x2] =	stream.linear.gather [hbm4b:s11+s29], $0x50, $0x38;
	[tilespmem:$0x1B970] =	vst v63  }
0x2e: {  	_ =	swait.ge [sflag:s19], $0x50  }
0x2f: {  	[sflag:s19] =	ssyncset.done $0x0  }
0x30: {  	s0 =	sadd.s32 s10, s0;
	[sflag:s19] =	ssyncadd.s32 $0xFFFFFFB0  }
0x31: {  	[tilespmem:s22], [sflag:$0x2] =	stream.linear.gather [hbm4b:s0+s29], $0x50, $0x38;
	[tilespmem:$0x1B970] =	vst v63  }
0x32: {  	_ =	swait.ge [sflag:s19], $0x50  }
0x33: {  	[sflag:s19] =	ssyncset.done $0x0  }
0x34: {  	[sflag:s19] =	ssyncadd.s32 $0xFFFFFFB0  }
0x35: {  	[tilespmem:s23], [sflag:$0x1] =	stream.indirect.gather [hbm4b:s1+s21], $0x80, s29, s21, $0xb8;
	[tilespmem:$0x1B970] =	vst v63  }
0x36: {  	_ =	swait.ge [sflag:s24], $0x2800  }
0x37: {  	[sflag:s24] =	ssyncset.done $0x0  }
0x38: {  	[sflag:s24] =	ssyncadd.s32 $0xFFFFD800  }
0x39: {  	[tilespmem:s25], [sflag:$0x1] =	stream.indirect.gather [hbm4b:s1+s21], $0x80, s21, s21, $0xb8;
	[tilespmem:$0x1B970] =	vst v63  }
0x3a: {  	_ =	swait.ge [sflag:s24], $0x2800  }
0x3b: {  	[sflag:s24] =	ssyncset.done $0x0  }
0x3c: {  	s0 =	simm.s32 $0x0;
	[sflag:s24] =	ssyncadd.s32 $0xFFFFD800  }
0x3d: {  	v0 =	vld [tilespmem:s0+$0x600];
	_ =	sdelay $0x4  }
0x3e: {  	[tilespmem:$0x1F940] =	vst v0;
	v0 =	vld [tilespmem:s0+$0x610];
	_ =	sdelay $0x4  }
0x3f: {  	[tilespmem:$0x1F950] =	vst v0;
	v0 =	vld [tilespmem:s0+$0x620];
	_ =	sdelay $0x4  }
0x40: {  	[tilespmem:$0x1F960] =	vst v0;
	v0 =	vld [tilespmem:s0+$0x630];
	_ =	sdelay $0x4  }
0x41: {  	[tilespmem:$0x1F970] =	vst v0;
	v0 =	vld [tilespmem:s0+$0x640];
	_ =	sdelay $0x4  }
0x42: {  	[tilespmem:$0x1F980] =	vst v0;
	v0 =	vld [tilespmem:s0+$0x650];
	_ =	sdelay $0x4  }
0x43: {  	[tilespmem:$0x1F990] =	vst v0;
	v0 =	vld [tilespmem:s0+$0x660];
	_ =	sdelay $0x4  }
0x44: {  	[tilespmem:$0x1F9A0] =	vst v0;
	v0 =	vld [tilespmem:s0+$0x670];
	_ =	sdelay $0x4  }
0x45: {  	[tilespmem:$0x1F9B0] =	vst v0;
	v0 =	vld [tilespmem:s0+$0x680];
	_ =	sdelay $0x4  }
0x46: {  	[tilespmem:$0x1F9C0] =	vst v0;
	v0 =	vld [tilespmem:s0+$0x690];
	_ =	sdelay $0x4  }
0x47: {  	[tilespmem:$0x1F9D0] =	vst v0;
	v0 =	vld [tilespmem:s0+$0x6A0];
	_ =	sdelay $0x4  }
0x48: {  	[tilespmem:$0x1F9E0] =	vst v0;
	v0 =	vld [tilespmem:s0+$0x6B0];
	_ =	sdelay $0x4  }
0x49: {  	[tilespmem:$0x1F9F0] =	vst v0;
	v0 =	vld [tilespmem:s0+$0x6C0];
	_ =	sdelay $0x4  }
0x4a: {  	[tilespmem:$0x1FA00] =	vst v0;
	v0 =	vld [tilespmem:s0+$0x6D0];
	_ =	sdelay $0x4  }
0x4b: {  	[tilespmem:$0x1FA10] =	vst v0;
	v0 =	vld [tilespmem:s0+$0x6E0];
	_ =	sdelay $0x4  }
0x4c: {  	[tilespmem:$0x1FA20] =	vst v0;
	v0 =	vld [tilespmem:s0+$0x6F0];
	_ =	sdelay $0x4  }
0x4d: {  	[tilespmem:$0x1FA30] =	vst v0;
	v0 =	vld [tilespmem:s0+$0x700];
	_ =	sdelay $0x4  }
0x4e: {  	[tilespmem:$0x1FA40] =	vst v0;
	v0 =	vld [tilespmem:s0+$0x710];
	_ =	sdelay $0x4  }
0x4f: {  	[tilespmem:$0x1FA50] =	vst v0;
	v0 =	vld [tilespmem:s0+$0x720];
	_ =	sdelay $0x4  }
0x50: {  	[tilespmem:$0x1FA60] =	vst v0;
	v0 =	vld [tilespmem:s0+$0x730];
	_ =	sdelay $0x4  }
0x51: {  	[tilespmem:$0x1FA70] =	vst v0;
	v0 =	vld [tilespmem:s0+$0x740];
	_ =	sdelay $0x4  }
0x52: {  	[tilespmem:$0x1FA80] =	vst v0;
	v0 =	vld [tilespmem:s0+$0x750];
	_ =	sdelay $0x4  }
0x53: {  	[tilespmem:$0x1FA90] =	vst v0;
	v0 =	vld [tilespmem:s0+$0x760];
	_ =	sdelay $0x4  }
0x54: {  	[tilespmem:$0x1FAA0] =	vst v0;
	v0 =	vld [tilespmem:s0+$0x770];
	_ =	sdelay $0x4  }
0x55: {  	[tilespmem:$0x1FAB0] =	vst v0;
	v0 =	vld [tilespmem:s0+$0x780];
	_ =	sdelay $0x4  }
0x56: {  	[tilespmem:$0x1FAC0] =	vst v0;
	v0 =	vld [tilespmem:s0+$0x790];
	_ =	sdelay $0x4  }
0x57: {  	[tilespmem:$0x1FAD0] =	vst v0;
	v0 =	vld [tilespmem:s0+$0x7A0];
	_ =	sdelay $0x4  }
0x58: {  	[tilespmem:$0x1FAE0] =	vst v0;
	v0 =	vld [tilespmem:s0+$0x7B0];
	_ =	sdelay $0x4  }
0x59: {  	[tilespmem:$0x1FAF0] =	vst v0;
	v0 =	vld [tilespmem:s0+$0x7C0];
	_ =	sdelay $0x4  }
0x5a: {  	[tilespmem:$0x1FB00] =	vst v0;
	v0 =	vld [tilespmem:s0+$0x7D0];
	_ =	sdelay $0x4  }
0x5b: {  	[tilespmem:$0x1FB10] =	vst v0;
	v0 =	vld [tilespmem:s0+$0x7E0];
	_ =	sdelay $0x4  }
0x5c: {  	[tilespmem:$0x1FB20] =	vst v0;
	v0 =	vld [tilespmem:s0+$0x840];
	_ =	sdelay $0x4  }
0x5d: {  	[tilespmem:$0x1FB30] =	vst v0;
	v0 =	vld [tilespmem:s0+$0x860];
	_ =	sdelay $0x4  }
0x5e: {  	[tilespmem:$0x1FB40] =	vst v0;
	v0 =	vld [tilespmem:s0+$0x880];
	_ =	sdelay $0x4  }
0x5f: {  	[tilespmem:$0x1FB50] =	vst v0;
	v0 =	vld [tilespmem:s0+$0x8A0];
	_ =	sdelay $0x4  }
0x60: {  	[tilespmem:$0x1FB60] =	vst v0;
	v0 =	vld [tilespmem:s0+$0x8B0];
	_ =	sdelay $0x4  }
0x61: {  	[tilespmem:$0x1FB70] =	vst v0;
	v0 =	vld [tilespmem:s0+$0x8C0];
	_ =	sdelay $0x4  }
0x62: {  	[tilespmem:$0x1FB80] =	vst v0;
	v0 =	vld [tilespmem:s0+$0x8D0];
	_ =	sdelay $0x4  }
0x63: {  	[tilespmem:$0x1FB90] =	vst v0;
	v0 =	vld [tilespmem:s0+$0x8E0];
	_ =	sdelay $0x4  }
0x64: {  	[tilespmem:$0x1FBA0] =	vst v0;
	v0 =	vld [tilespmem:s0+$0x8F0];
	_ =	sdelay $0x4  }
0x65: {  	[tilespmem:$0x1FBB0] =	vst v0;
	v0 =	vld [tilespmem:s0+$0x900];
	_ =	sdelay $0x4  }
0x66: {  	[tilespmem:$0x1FBC0] =	vst v0;
	v0 =	vld [tilespmem:s0+$0x910];
	_ =	sdelay $0x4  }
0x67: {  	[tilespmem:$0x1FBD0] =	vst v0;
	v0 =	vld [tilespmem:s0+$0x920];
	_ =	sdelay $0x4  }
0x68: {  	[tilespmem:$0x1FBE0] =	vst v0;
	v0 =	vld [tilespmem:s0+$0x930];
	_ =	sdelay $0x4  }
0x69: {  	[tilespmem:$0x1FBF0] =	vst v0;
	v0 =	vld [tilespmem:s0+$0x940];
	_ =	sdelay $0x4  }
0x6a: {  	[tilespmem:$0x1FC00] =	vst v0;
	v0 =	vld [tilespmem:s0+$0x950];
	_ =	sdelay $0x4  }
0x6b: {  	[tilespmem:$0x1FC10] =	vst v0;
	v0 =	vld [tilespmem:s0+$0x960];
	_ =	sdelay $0x4  }
0x6c: {  	[tilespmem:$0x1FC20] =	vst v0;
	v0 =	vld [tilespmem:s0+$0x970];
	_ =	sdelay $0x4  }
0x6d: {  	[tilespmem:$0x1FC30] =	vst v0;
	v0 =	vld [tilespmem:s0+$0x980];
	_ =	sdelay $0x4  }
0x6e: {  	[tilespmem:$0x1FC40] =	vst v0;
	v0 =	vld [tilespmem:s0+$0x990];
	_ =	sdelay $0x4  }
0x6f: {  	[tilespmem:$0x1FC50] =	vst v0;
	v0 =	vld [tilespmem:s0+$0x9A0];
	_ =	sdelay $0x4  }
0x70: {  	[tilespmem:$0x1FC60] =	vst v0;
	v0 =	vld [tilespmem:s0+$0x9B0];
	_ =	sdelay $0x4  }
0x71: {  	[tilespmem:$0x1FC70] =	vst v0;
	v0 =	vld [tilespmem:s0+$0x9C0];
	_ =	sdelay $0x4  }
0x72: {  	[tilespmem:$0x1FC80] =	vst v0;
	v0 =	vld [tilespmem:s0+$0x9D0];
	_ =	sdelay $0x4  }
0x73: {  	[tilespmem:$0x1FC90] =	vst v0;
	v0 =	vld [tilespmem:s0+$0x9E0];
	_ =	sdelay $0x4  }
0x74: {  	[tilespmem:$0x1FCA0] =	vst v0;
	v0 =	vld [tilespmem:s0+$0x9F0];
	_ =	sdelay $0x4  }
0x75: {  	[tilespmem:$0x1FCB0] =	vst v0;
	v0 =	vld [tilespmem:s0+$0xA00];
	_ =	sdelay $0x4  }
0x76: {  	[tilespmem:$0x1FCC0] =	vst v0;
	v0 =	vld [tilespmem:s0+$0xA10];
	_ =	sdelay $0x4  }
0x77: {  	[tilespmem:$0x1FCD0] =	vst v0;
	v0 =	vld [tilespmem:s0+$0xA20];
	_ =	sdelay $0x4  }
0x78: {  	[tilespmem:$0x1FCE0] =	vst v0;
	v0 =	vld [tilespmem:s0+$0xA30];
	_ =	sdelay $0x4  }
0x79: {  	[tilespmem:$0x1FCF0] =	vst v0;
	v0 =	vld [tilespmem:s0+$0xA50];
	_ =	sdelay $0x4  }
0x7a: {  	[tilespmem:$0x1FD00] =	vst v0;
	v0 =	vld [tilespmem:s0+$0xA70];
	_ =	sdelay $0x4  }
0x7b: {  	[tilespmem:$0x1FD10] =	vst v0;
	v0 =	vld [tilespmem:s0+$0xA90];
	_ =	sdelay $0x4  }
0x7c: {  	[tilespmem:$0x1FD20] =	vst v0;
	v0 =	vld [tilespmem:s0+$0xAB0];
	_ =	sdelay $0x4  }
0x7d: {  	[tilespmem:$0x1FD30] =	vst v0;
	v0 =	vld [tilespmem:s0+$0xAD0];
	_ =	sdelay $0x4  }
0x7e: {  	[tilespmem:$0x1FD40] =	vst v0;
	v0 =	vld [tilespmem:s0+$0xAF0];
	_ =	sdelay $0x4  }
0x7f: {  	[tilespmem:$0x1FD50] =	vst v0;
	v0 =	vld [tilespmem:s0+$0xB00];
	_ =	sdelay $0x4  }
0x80: {  	[tilespmem:$0x1FFC0] =	vst v0;
	v0 =	vld [tilespmem:s0+$0xB10];
	_ =	sdelay $0x4  }
0x81: {  	[tilespmem:$0x1FD60] =	vst v0;
	v0 =	vld [tilespmem:s0+$0xB20];
	_ =	sdelay $0x4  }
0x82: {  	[tilespmem:$0x1FFD0] =	vst v0;
	v0 =	vld [tilespmem:s0+$0xB30];
	_ =	sdelay $0x4  }
0x83: {  	[tilespmem:$0x1FD70] =	vst v0;
	v0 =	vld [tilespmem:s0+$0xB40];
	_ =	sdelay $0x4  }
0x84: {  	[tilespmem:$0x1FF80] =	vst v0;
	v0 =	vld [tilespmem:s0+$0xB50];
	_ =	sdelay $0x4  }
0x85: {  	[tilespmem:$0x1FD80] =	vst v0;
	v0 =	vld [tilespmem:s0+$0xB60];
	_ =	sdelay $0x4  }
0x86: {  	[tilespmem:$0x1FFA0] =	vst v0;
	v0 =	vld [tilespmem:s0+$0xB70];
	_ =	sdelay $0x4  }
0x87: {  	[tilespmem:$0x1FD90] =	vst v0;
	v0 =	vld [tilespmem:s0+$0xB90];
	_ =	sdelay $0x4  }
0x88: {  	[tilespmem:$0x1FDA0] =	vst v0;
	v0 =	vld [tilespmem:s0+$0xBA0];
	_ =	sdelay $0x4  }
0x89: {  	[tilespmem:$0x1FF70] =	vst v0;
	v0 =	vld [tilespmem:s0+$0xBB0];
	_ =	sdelay $0x4  }
0x8a: {  	[tilespmem:$0x1FDB0] =	vst v0;
	v0 =	vld [tilespmem:s0+$0xBD0];
	_ =	sdelay $0x4  }
0x8b: {  	[tilespmem:$0x1FDC0] =	vst v0;
	v0 =	vld [tilespmem:s0+$0xBE0];
	_ =	sdelay $0x4  }
0x8c: {  	[tilespmem:$0x1FF50] =	vst v0;
	v0 =	vld [tilespmem:s0+$0xBF0];
	_ =	sdelay $0x4  }
0x8d: {  	[tilespmem:$0x1FDD0] =	vst v0;
	v0 =	vld [tilespmem:s0+$0xC00];
	_ =	sdelay $0x4  }
0x8e: {  	[tilespmem:$0x1FDE0] =	vst v0;
	v0 =	vld [tilespmem:s0+$0xC10];
	_ =	sdelay $0x4  }
0x8f: {  	[tilespmem:$0x1FDF0] =	vst v0;
	v0 =	vld [tilespmem:s0+$0xC20];
	_ =	sdelay $0x4  }
0x90: {  	[tilespmem:$0x1FE00] =	vst v0;
	v0 =	vld [tilespmem:s0+$0xC30];
	_ =	sdelay $0x4  }
0x91: {  	[tilespmem:$0x1FE10] =	vst v0;
	v0 =	vld [tilespmem:s0+$0xC50];
	_ =	sdelay $0x4  }
0x92: {  	[tilespmem:$0x1FE20] =	vst v0;
	v0 =	vld [tilespmem:s0+$0xC70];
	_ =	sdelay $0x4  }
0x93: {  	[tilespmem:$0x1FE30] =	vst v0;
	v0 =	vld [tilespmem:s0+$0xC90];
	_ =	sdelay $0x4  }
0x94: {  	[tilespmem:$0x1FE40] =	vst v0;
	v0 =	vld [tilespmem:s0+$0xCB0];
	_ =	sdelay $0x4  }
0x95: {  	[tilespmem:$0x1FE50] =	vst v0;
	v0 =	vld [tilespmem:s0+$0xCD0];
	_ =	sdelay $0x4  }
0x96: {  	[tilespmem:$0x1FE60] =	vst v0;
	v0 =	vld [tilespmem:s0+$0xCF0]  }
0x97: {  	v50 =	vld [tilespmem:s0+$0x5F0]  }
0x98: {  	v52 =	vld [tilespmem:s0+$0x7F0]  }
0x99: {  	v54 =	vld [tilespmem:s0+$0x800]  }
0x9a: {  	v51 =	vld [tilespmem:s0+$0x810]  }
0x9b: {  	[tilespmem:$0x1FE70] =	vst v0;
	v0 =	vld [tilespmem:s0+$0xD10]  }
0x9c: {  	v58 =	vld [tilespmem:s0+$0x820]  }
0x9d: {  	v53 =	vld [tilespmem:s0+$0x830]  }
0x9e: {  	v56 =	vld [tilespmem:s0+$0x850]  }
0x9f: {  	v57 =	vld [tilespmem:s0+$0x870]  }
0xa0: {  	[tilespmem:$0x1FE80] =	vst v0;
	v0 =	vld [tilespmem:s0+$0xD30]  }
0xa1: {  	v59 =	vld [tilespmem:s0+$0x890]  }
0xa2: {  	v62 =	vld [tilespmem:s0+$0xA40]  }
0xa3: {  	v60 =	vld [tilespmem:s0+$0xA60]  }
0xa4: {  	v32 =	vld [tilespmem:s0+$0xA80]  }
0xa5: {  	[tilespmem:$0x1FE90] =	vst v0;
	v0 =	vld [tilespmem:s0+$0xD50]  }
0xa6: {  	v34 =	vld [tilespmem:s0+$0xAA0]  }
0xa7: {  	v35 =	vld [tilespmem:s0+$0xAC0]  }
0xa8: {  	v36 =	vld [tilespmem:s0+$0xAE0]  }
0xa9: {  	v49 =	vld [tilespmem:s0+$0xB80]  }
0xaa: {  	[tilespmem:$0x1FEA0] =	vst v0;
	v0 =	vld [tilespmem:s0+$0xD70]  }
0xab: {  	v47 =	vld [tilespmem:s0+$0xBC0]  }
0xac: {  	v44 =	vld [tilespmem:s0+$0xC40]  }
0xad: {  	v48 =	vld [tilespmem:s0+$0xC60]  }
0xae: {  	v41 =	vld [tilespmem:s0+$0xC80]  }
0xaf: {  	[tilespmem:$0x1FEB0] =	vst v0;
	v0 =	vld [tilespmem:s0+$0xD90]  }
0xb0: {  	v45 =	vld [tilespmem:s0+$0xCA0]  }
0xb1: {  	v39 =	vld [tilespmem:s0+$0xCC0]  }
0xb2: {  	v42 =	vld [tilespmem:s0+$0xCE0]  }
0xb3: {  	v37 =	vld [tilespmem:s0+$0xD00]  }
0xb4: {  	[tilespmem:$0x1FEC0] =	vst v0;
	v0 =	vld [tilespmem:s0+$0xDB0]  }
0xb5: {  	v40 =	vld [tilespmem:s0+$0xD20]  }
0xb6: {  	v38 =	vld [tilespmem:s0+$0xD40]  }
0xb7: {  	v33 =	vld [tilespmem:s0+$0xD60]  }
0xb8: {  	v11 =	vld [tilespmem:s0+$0xD80]  }
0xb9: {  	[tilespmem:$0x1FED0] =	vst v0;
	v0 =	vld [tilespmem:s0+$0xDD0]  }
0xba: {  	v43 =	vld [tilespmem:s0+$0xDA0]  }
0xbb: {  	v10 =	vld [tilespmem:s0+$0xDC0]  }
0xbc: {  	v63 =	vld [tilespmem:s0+$0x35A0]  }
0xbd: {  	v14 =	vld [tilespmem:s0+$0x3560]  }
0xbe: {  	[tilespmem:$0x1FEE0] =	vst v0;
	v0 =	vld [tilespmem:s0+$0x3580]  }
0xbf: {  	v12 =	vld [tilespmem:s0+$0x3540]  }
0xc0: {  	v16 =	vld [tilespmem:s0+$0x3520]  }
0xc1: {  	v13 =	vld [tilespmem:s0+$0x3500]  }
0xc2: {  	v18 =	vld [tilespmem:s0+$0x34E0]  }
0xc3: {  	v15 =	vld [tilespmem:s0+$0x34C0];
	v0 =	vsub.f32 v0, v11  }
0xc4: {  	v20 =	vld [tilespmem:s0+$0x34A0]  }
0xc5: {  	v17 =	vld [tilespmem:s0+$0x3480];
	[tilespmem:$0x1FF10] =	vst v0;
	v0 =	vsub.f32 v63, v43  }
0xc6: {  	v22 =	vld [tilespmem:s0+$0x3460]  }
0xc7: {  	v19 =	vld [tilespmem:s0+$0x3440];
	[tilespmem:$0x1FF20] =	vst v0;
	v0 =	vsub.f32 v12, v38  }
0xc8: {  	v24 =	vld [tilespmem:s0+$0x33E0]  }
0xc9: {  	v21 =	vld [tilespmem:s0+$0x33C0];
	[tilespmem:$0x1FF30] =	vst v0;
	v0 =	vsub.f32 v14, v33  }
0xca: {  	v23 =	vld [tilespmem:s0+$0x3380]  }
0xcb: {  	v38 =	vsub.f32 v13, v37;
	[tilespmem:$0x1FF40] =	vst v0;
	v0 =	vld [tilespmem:$0x1FF50]  }
0xcc: {  	v46 =	vld [tilespmem:s0+$0xDE0];
	v37 =	vsub.f32 v16, v40;
	v40 =	vsub.f32 v15, v39  }
0xcd: {  	v55 =	vld [tilespmem:s0+$0x35E0];
	v39 =	vsub.f32 v18, v42;
	v42 =	vsub.f32 v17, v41  }
0xce: {  	v61 =	vld [tilespmem:s0+$0x35C0];
	v41 =	vsub.f32 v20, v45;
	v45 =	vsub.f32 v19, v44  }
0xcf: {  	v26 =	vld [tilespmem:s0+$0x33A0];
	v44 =	vsub.f32 v22, v48;
	v48 =	vsub.f32 v21, v47  }
0xd0: {  	v28 =	vld [tilespmem:s0+$0x3360];
	v47 =	vsub.f32 v24, v0;
	v0 =	vsub.f32 v23, v49  }
0xd1: {  	v25 =	vld [tilespmem:s0+$0x3340]  }
0xd2: {  	[tilespmem:$0x1FF60] =	vst v0;
	v0 =	vld [tilespmem:$0x1FF70]  }
0xd3: {  	v30 =	vld [tilespmem:s0+$0x3320]  }
0xd4: {  	v27 =	vld [tilespmem:s0+$0x3300]  }
0xd5: {  	v1 =	vld [tilespmem:s0+$0x32E0]  }
0xd6: {  	v29 =	vld [tilespmem:s0+$0x32C0]  }
0xd7: {  	v49 =	vsub.f32 v26, v0;
	v0 =	vld [tilespmem:$0x1FF80]  }
0xd8: {  	v31 =	vld [tilespmem:s0+$0x3280]  }
0xd9: {  	v2 =	vld [tilespmem:s0+$0x3240]  }
0xda: {  	v3 =	vld [tilespmem:s0+$0x31E0]  }
0xdb: {  	v4 =	vld [tilespmem:s0+$0x31C0]  }
0xdc: {  	v5 =	vld [tilespmem:s0+$0x31A0];
	v0 =	vsub.f32 v25, v0  }
0xdd: {  	v6 =	vld [tilespmem:s0+$0x3180]  }
0xde: {  	[tilespmem:$0x1FF90] =	vst v0;
	v0 =	vld [tilespmem:$0x1FFA0]  }
0xdf: {  	[tilespmem:$0x1FFE0] =	vst v1;
	v1 =	vld [tilespmem:s0+$0x32A0];
	v10 =	vsub.f32 v61, v10  }
0xe0: {  	v7 =	vld [tilespmem:s0+$0x3160]  }
0xe1: {  	v8 =	vld [tilespmem:s0+$0x3140];
	[tilespmem:$0x1FEF0] =	vst v10;
	v10 =	vsub.f32 v55, v46  }
0xe2: {  	v9 =	vld [tilespmem:s0+$0x3120]  }
0xe3: {  	[tilespmem:$0x1FF00] =	vst v10;
	v10 =	vld [tilespmem:s0+$0x3100];
	v0 =	vsub.f32 v28, v0  }
0xe4: {  	[tilespmem:$0x1FFF0] =	vst v1;
	v1 =	vld [tilespmem:s0+$0x3260]  }
0xe5: {  	[tilespmem:$0x1FFB0] =	vst v0;
	v0 =	vld [tilespmem:$0x1FFC0]  }
0xe6: {  	v11 =	vld [tilespmem:s0+$0x30E0]  }
0xe7: {  	v12 =	vld [tilespmem:s0+$0x30C0]  }
0xe8: {  	v13 =	vld [tilespmem:s0+$0x30A0]  }
0xe9: {  	v15 =	vld [tilespmem:s0+$0x3060]  }
0xea: {  	v46 =	vsub.f32 v27, v0;
	v0 =	vld [tilespmem:$0x1FFD0]  }
0xeb: {  	v16 =	vld [tilespmem:s0+$0x3040]  }
0xec: {  	v18 =	vld [tilespmem:s0+$0x2FE0]  }
0xed: {  	v19 =	vld [tilespmem:s0+$0x2FC0]  }
0xee: {  	v17 =	vld [tilespmem:$0x1FFF0]  }
0xef: {  	v43 =	vsub.f32 v30, v0;
	v0 =	vld [tilespmem:$0x1FFE0]  }
0xf0: {  	v20 =	vld [tilespmem:s0+$0x2FA0]  }
0xf1: {  	v21 =	vld [tilespmem:s0+$0x2F80]  }
0xf2: {  	v22 =	vld [tilespmem:s0+$0x2F60]  }
0xf3: {  	v14 =	vld [tilespmem:s0+$0x3080];
	v33 =	vsub.f32 v17, v34;
	v24 =	vsub.f32 v29, v35  }
0xf4: {  	s4 =	simm.s32 $0x1;
	s11 =	simm.s32 $0x0;
	v17 =	vld [tilespmem:s0+$0x2F40];
	v28 =	vsub.f32 v0, v36;
	v0 =	vsub.f32 v31, v32  }
.LBB2_5:
0xf5: {  	v23 =	vld [tilespmem:s0+$0x2F20]  }
0xf6: {  	v25 =	vld [tilespmem:$0x1FC80]  }
0xf7: {  	v26 =	vld [tilespmem:$0x1FC40]  }
0xf8: {  	v27 =	vld [tilespmem:$0x1FC00]  }
0xf9: {  	v29 =	vld [tilespmem:$0x1FBC0]  }
0xfa: {  	v30 =	vld [tilespmem:$0x1FB80]  }
0xfb: {  	v31 =	vld [tilespmem:$0x1FB50]  }
0xfc: {  	v32 =	vld [tilespmem:$0x1FB00]  }
0xfd: {  	v61 =	vld [tilespmem:$0x1FAA0]  }
0xfe: {  	v63 =	vld [tilespmem:s0+$0x2DF0]  }
0xff: {  	v35 =	vld [tilespmem:s0+$0x2E10]  }
0x100: {  	v34 =	vld [tilespmem:$0x1F9C0]  }
0x101: {  	v36 =	vld [tilespmem:$0x1F9A0]  }
0x102: {  	[tilespmem:$0x1F830] =	vst v44;
	v44 =	vld [tilespmem:$0x1FB20]  }
0x103: {  	[tilespmem:$0x1F850] =	vst v41;
	v41 =	vld [tilespmem:s0+$0x2E20]  }
0x104: {  	[tilespmem:$0x1F820] =	vst v45;
	v45 =	vld [tilespmem:$0x1FAC0]  }
0x105: {  	[tilespmem:$0x1F870] =	vst v39;
	v39 =	vld [tilespmem:s0+$0x2E00]  }
0x106: {  	s11 =	sand.u32 $0x3FFFFFF0, s11;
	v14 =	vsub.f32 v14, v31;
	v31 =	vld [tilespmem:$0x1FB60]  }
0x107: {  	v62 =	vsub.f32 v2, v62;
	v2 =	vsub.f32 v1, v60;
	v1 =	vld [tilespmem:s11+$0xA0]  }
0x108: {  	v60 =	vld [tilespmem:$0x1FA80]  }
0x109: {  	v4 =	vsub.f32 v4, v25;
	v25 =	vld [tilespmem:$0x1FCA0]  }
0x10a: {  	v6 =	vsub.f32 v6, v26;
	v26 =	vld [tilespmem:$0x1FC60]  }
0x10b: {  	v13 =	vsub.f32 v13, v31;
	v31 =	vld [tilespmem:$0x1FB30]  }
0x10c: {  	(erf) = vrcp.f32 v1;
	v1 =	vld [tilespmem:s0+$0x2E60]  }
0x10d: {  	v8 =	vsub.f32 v8, v27;
	v27 =	vld [tilespmem:$0x1FC20]  }
0x10e: {  	v12 =	vsub.f32 v12, v30;
	v30 =	vld [tilespmem:$0x1FBA0]  }
0x10f: {  	v19 =	vsub.f32 v19, v32;
	v32 =	vld [tilespmem:s0+$0x2E30]  }
0x110: {  	v16 =	vsub.f32 v16, v31;
	v31 =	vld [tilespmem:$0x1FB40]  }
0x111: {  	v36 =	vsub.f32 v1, v36;
	v1 =	vld [tilespmem:$0x1F940]  }
0x112: {  	v22 =	vsub.f32 v22, v61;
	v61 =	vld [tilespmem:$0x1F950]  }
0x113: {  	v17 =	vsub.f32 v17, v60;
	v60 =	vld [tilespmem:$0x1F980]  }
0x114: {  	v11 =	vsub.f32 v11, v30;
	v30 =	vld [tilespmem:s0+$0x2E80]  }
0x115: {  	v15 =	vsub.f32 v15, v31;
	v31 =	vld [tilespmem:s0+$0x2E40]  }
0x116: {  	[tilespmem:$0x1F880] =	vst v38;
	v38 =	vsub.f32 v39, v1;
	v1 =	vld [tilespmem:$0x1F960]  }
0x117: {  	[tilespmem:$0x1F890] =	vst v37;
	v37 =	vsub.f32 v63, v50;
	v63 =	vld [tilespmem:$0x1F970]  }
0x118: {  	v18 =	vsub.f32 v18, v44;
	v44 =	vld [tilespmem:$0x1FA00]  }
0x119: {  	v30 =	vsub.f32 v30, v34;
	v34 =	vld [tilespmem:s0+$0x2E50]  }
0x11a: {  	v31 =	vsub.f32 v31, v60;
	v60 =	vld [tilespmem:$0x1F990]  }
0x11b: {  	v7 =	vsub.f32 v7, v27;
	v27 =	vld [tilespmem:s0+$0x2EC0];
	v39 =	vsub.f32 v41, v1;
	v1 =	vpop (erf)  }
0x11c: {  	[tilespmem:$0x1F860] =	vst v40;
	v40 =	vld [tilespmem:$0x1FA40];
	v21 =	vsub.f32 v21, v45;
	v3 =	vsub.f32 v3, v25;
	v41 =	vbroadcast v1, $0x0  }
0x11d: {  	v45 =	vld [tilespmem:$0x1FA20];
	v5 =	vsub.f32 v5, v26;
	v35 =	vsub.f32 v35, v61  }
0x11e: {  	v25 =	vld [tilespmem:s0+$0x2F00];
	v32 =	vsub.f32 v32, v63;
	v37 =	vmul.f32 v37, v41;
	v38 =	vmul.f32 v38, v41  }
0x11f: {  	v26 =	vld [tilespmem:s0+$0x2EE0];
	v35 =	vmul.f32 v35, v41;
	v39 =	vmul.f32 v39, v41;
	v34 =	vsub.f32 v34, v60  }
0x120: {  	v27 =	vsub.f32 v27, v44;
	v44 =	vld [tilespmem:s0+$0x2E90];
	v32 =	vmul.f32 v32, v41;
	v31 =	vmul.f32 v31, v41  }
0x121: {  	v36 =	vmul.f32 v36, v41;
	v34 =	vmul.f32 v34, v41;
	v41 =	vld [tilespmem:$0x1F9D0]  }
0x122: {  	[tilespmem:$0x1F840] =	vst v42;
	v42 =	vld [tilespmem:$0x1FA60]  }
0x123: {  	v25 =	vsub.f32 v25, v40;
	v40 =	vld [tilespmem:s0+$0x2E70]  }
0x124: {  	v60 =	vld [tilespmem:$0x1F9B0]  }
0x125: {  	v26 =	vsub.f32 v26, v45;
	v45 =	vld [tilespmem:s0+$0x2EB0]  }
0x126: {  	[tilespmem:s0+$0x2E00] =	vst v38;
	v38 =	vsub.f32 v44, v41;
	v44 =	vld [tilespmem:$0x1F9F0];
	_ =	sdelay $0x1  }
0x127: {  	v55 =	vld [tilespmem:$0x1FAE0];
	v10 =	vsub.f32 v10, v29  }
0x128: {  	v29 =	vld [tilespmem:$0x1FBE0];
	v23 =	vsub.f32 v23, v42;
	v42 =	vbroadcast v1, $0x1;
	[tilespmem:s0+$0x2DF0] =	vst v37;
	v37 =	vsub.f32 v40, v60  }
0x129: {  	v63 =	vmov v49;
	v49 =	vld [tilespmem:s0+$0x2ED0]  }
0x12a: {  	[tilespmem:s0+$0x2E10] =	vst v35;
	v35 =	vmul.f32 v37, v42;
	v37 =	vsub.f32 v45, v44;
	v45 =	vld [tilespmem:$0x1FA10];
	_ =	sdelay $0x1  }
0x12b: {  	v20 =	vsub.f32 v20, v55;
	v55 =	vld [tilespmem:$0x1F9E0]  }
0x12c: {  	v50 =	vld [tilespmem:s0+$0x2EF0]  }
0x12d: {  	v9 =	vsub.f32 v9, v29;
	v29 =	vld [tilespmem:s0+$0x2EA0]  }
0x12e: {  	[tilespmem:s0+$0x2E20] =	vst v39;
	v39 =	vsub.f32 v49, v45;
	v49 =	vld [tilespmem:$0x1FA30];
	_ =	sdelay $0x3  }
0x12f: {  	v60 =	vld [tilespmem:s0+$0x2F10]  }
0x130: {  	v29 =	vsub.f32 v29, v55;
	[tilespmem:s0+$0x2E30] =	vst v32;
	v32 =	vmul.f32 v37, v42;
	v37 =	vsub.f32 v50, v49;
	v50 =	vld [tilespmem:$0x1FA50];
	_ =	sdelay $0x1  }
0x131: {  	v30 =	vmul.f32 v30, v42;
	v29 =	vmul.f32 v29, v42;
	v41 =	vld [tilespmem:s0+$0x2F30]  }
0x132: {  	v27 =	vmul.f32 v27, v42;
	v26 =	vmul.f32 v26, v42;
	v44 =	vld [tilespmem:s0+$0x2F50]  }
0x133: {  	[tilespmem:s0+$0x2E40] =	vst v31;
	v38 =	vmul.f32 v38, v42;
	v31 =	vmul.f32 v39, v42;
	v42 =	vld [tilespmem:$0x1FA90]  }
0x134: {  	v39 =	vsub.f32 v60, v50;
	v60 =	vld [tilespmem:$0x1FA70]  }
0x135: {  	v61 =	vmov v47;
	v47 =	vbroadcast v1, $0x2;
	v40 =	vld [tilespmem:s0+$0x2FB0]  }
0x136: {  	v45 =	vld [tilespmem:s0+$0x2F70]  }
0x137: {  	v25 =	vmul.f32 v25, v47;
	v49 =	vld [tilespmem:s0+$0x2F90]  }
0x138: {  	v23 =	vmul.f32 v23, v47;
	[tilespmem:s0+$0x2E50] =	vst v34;
	v34 =	vmul.f32 v37, v47;
	v50 =	vld [tilespmem:$0x1FAF0]  }
0x139: {  	[tilespmem:s0+$0x2E60] =	vst v36;
	v36 =	vmul.f32 v39, v47;
	v39 =	vsub.f32 v44, v42;
	v42 =	vld [tilespmem:s0+$0x3020];
	v37 =	vsub.f32 v41, v60  }
0x13a: {  	v17 =	vmul.f32 v17, v47;
	v22 =	vmul.f32 v22, v47;
	[tilespmem:s0+$0x2E80] =	vst v30;
	v44 =	vld [tilespmem:$0x1FAB0]  }
0x13b: {  	[tilespmem:s0+$0x2E70] =	vst v35;
	v30 =	vmul.f32 v39, v47;
	v35 =	vmul.f32 v37, v47;
	v47 =	vld [tilespmem:$0x1FAD0]  }
0x13c: {  	v41 =	vld [tilespmem:s0+$0x2FD0]  }
0x13d: {  	[tilespmem:s0+$0x2E90] =	vst v38;
	v38 =	vsub.f32 v40, v50;
	v50 =	vld [tilespmem:$0x1FB10]  }
0x13e: {  	v55 =	vmov v48;
	v48 =	vbroadcast v1, $0x3  }
0x13f: {  	v60 =	vld [tilespmem:s0+$0x3010]  }
0x140: {  	v21 =	vmul.f32 v21, v48;
	v37 =	vsub.f32 v45, v44;
	v44 =	vld [tilespmem:s0+$0x3000];
	v39 =	vsub.f32 v49, v47  }
0x141: {  	v20 =	vmul.f32 v20, v48;
	[tilespmem:s0+$0x2EB0] =	vst v32;
	v32 =	vmul.f32 v38, v48;
	v49 =	vld [tilespmem:s0+$0x2FF0]  }
0x142: {  	[tilespmem:s0+$0x2EA0] =	vst v29;
	v38 =	vsub.f32 v42, v58;
	v42 =	vld [tilespmem:s0+$0x3050];
	v29 =	vmul.f32 v39, v48;
	v39 =	vsub.f32 v41, v50  }
0x143: {  	v19 =	vmul.f32 v19, v48;
	v18 =	vmul.f32 v18, v48;
	v41 =	vld [tilespmem:s0+$0x3030]  }
0x144: {  	[tilespmem:s0+$0x2EC0] =	vst v27;
	v37 =	vmul.f32 v37, v48;
	v27 =	vmul.f32 v39, v48;
	v48 =	vld [tilespmem:s0+$0x3090]  }
0x145: {  	[tilespmem:s0+$0x2EE0] =	vst v26;
	v45 =	vbroadcast v1, $0x4;
	v26 =	vsub.f32 v60, v51;
	v60 =	vld [tilespmem:s0+$0x30B0];
	v47 =	vbroadcast v1, $0x5  }
0x146: {  	[tilespmem:s0+$0x2ED0] =	vst v31;
	v58 =	vsub.f32 v44, v54;
	v44 =	vld [tilespmem:s0+$0x3070];
	v31 =	vsub.f32 v49, v52  }
0x147: {  	v54 =	vmul.f32 v38, v45;
	v38 =	vmul.f32 v13, v47;
	v13 =	vld [tilespmem:$0x1FB90]  }
0x148: {  	v52 =	vmul.f32 v58, v45;
	v51 =	vmul.f32 v31, v45;
	v31 =	vsub.f32 v41, v53;
	v41 =	vld [tilespmem:s0+$0x30D0]  }
0x149: {  	[tilespmem:s0+$0x2F00] =	vst v25;
	v58 =	vmul.f32 v15, v45;
	v15 =	vsub.f32 v48, v59;
	v59 =	vmul.f32 v14, v47;
	v14 =	vld [tilespmem:$0x1FB70]  }
0x14a: {  	[tilespmem:s0+$0x2F20] =	vst v23;
	v25 =	vsub.f32 v42, v56;
	v53 =	vmul.f32 v26, v45;
	v26 =	vld [tilespmem:s0+$0x30F0]  }
0x14b: {  	[tilespmem:s0+$0x2F40] =	vst v17;
	v56 =	vmul.f32 v16, v45;
	v16 =	vsub.f32 v44, v57;
	v48 =	vmul.f32 v12, v47;
	v12 =	vld [tilespmem:$0x1FBB0]  }
0x14c: {  	v23 =	vld [tilespmem:s0+$0x3130];
	[tilespmem:s0+$0x2EF0] =	vst v34  }
0x14d: {  	[tilespmem:s0+$0x2F30] =	vst v35;
	v35 =	vmul.f32 v16, v47;
	v16 =	vld [tilespmem:s0+$0x3150]  }
0x14e: {  	[tilespmem:s0+$0x2F10] =	vst v36;
	v36 =	vmul.f32 v31, v45;
	v31 =	vld [tilespmem:s0+$0x3110];
	v14 =	vsub.f32 v60, v14  }
0x14f: {  	[tilespmem:s0+$0x2F50] =	vst v30;
	v13 =	vsub.f32 v41, v13;
	v60 =	vmul.f32 v15, v47;
	v15 =	vld [tilespmem:s0+$0x3170]  }
0x150: {  	v49 =	vbroadcast v1, $0x6;
	v17 =	vld [tilespmem:s0+$0x3190];
	v39 =	vmul.f32 v14, v47;
	v14 =	vsub.f32 v26, v12  }
0x151: {  	[tilespmem:s0+$0x2F60] =	vst v22;
	v44 =	vmul.f32 v13, v47;
	v22 =	vld [tilespmem:s0+$0x31B0]  }
0x152: {  	v13 =	vmul.f32 v14, v49;
	v14 =	vmul.f32 v10, v49;
	v10 =	vld [tilespmem:$0x1FBF0]  }
0x153: {  	v41 =	vmul.f32 v8, v49;
	v8 =	vld [tilespmem:$0x1FC30]  }
0x154: {  	v57 =	vmul.f32 v25, v45;
	v45 =	vmul.f32 v9, v49;
	v9 =	vld [tilespmem:$0x1FC10]  }
0x155: {  	v50 =	vbroadcast v1, $0x7;
	v34 =	vmul.f32 v7, v49;
	v7 =	vld [tilespmem:$0x1FC50]  }
0x156: {  	v12 =	vmul.f32 v11, v47;
	v11 =	vld [tilespmem:$0x1FBD0]  }
0x157: {  	v30 =	vmul.f32 v6, v50;
	v6 =	vld [tilespmem:$0x1FC70];
	v10 =	vsub.f32 v23, v10  }
0x158: {  	v8 =	vsub.f32 v15, v8;
	v15 =	vmul.f32 v3, v50;
	v3 =	vld [tilespmem:$0x1FCC0]  }
0x159: {  	v42 =	vmul.f32 v10, v49;
	v10 =	vld [tilespmem:s0+$0x3200]  }
0x15a: {  	[tilespmem:s0+$0x2F80] =	vst v21;
	v21 =	vmul.f32 v4, v50;
	v4 =	vld [tilespmem:$0x1FCE0];
	v9 =	vsub.f32 v16, v9  }
0x15b: {  	v26 =	vmul.f32 v5, v50;
	v5 =	vld [tilespmem:$0x1FC90];
	v11 =	vsub.f32 v31, v11  }
0x15c: {  	v40 =	vmul.f32 v9, v49;
	v9 =	vld [tilespmem:s0+$0x31F0]  }
0x15d: {  	v47 =	vmul.f32 v11, v49;
	v11 =	vld [tilespmem:s0+$0x3220]  }
0x15e: {  	v3 =	vsub.f32 v10, v3;
	v10 =	vld [tilespmem:$0x1FCB0]  }
0x15f: {  	v16 =	vld [tilespmem:$0x1FCD0]  }
0x160: {  	v31 =	vmul.f32 v8, v50;
	v8 =	vld [tilespmem:s0+$0x3210]  }
0x161: {  	v23 =	vld [tilespmem:s0+$0x31D0]  }
0x162: {  	v6 =	vsub.f32 v22, v6  }
0x163: {  	[tilespmem:s0+$0x2FC0] =	vst v19;
	v19 =	vld [tilespmem:s0+$0x3290];
	v4 =	vsub.f32 v11, v4;
	v9 =	vsub.f32 v9, v10;
	v10 =	vbroadcast v1, $0x8  }
0x164: {  	v7 =	vsub.f32 v17, v7;
	v25 =	vmul.f32 v6, v50;
	v6 =	vld [tilespmem:s0+$0x3250]  }
0x165: {  	v8 =	vsub.f32 v8, v16;
	v11 =	vbroadcast v1, $0x9;
	v16 =	vmul.f32 v4, v10;
	v4 =	vld [tilespmem:$0x1FD00]  }
0x166: {  	[tilespmem:s0+$0x3000] =	vst v52;
	v52 =	vld [tilespmem:s0+$0x32B0];
	v5 =	vsub.f32 v23, v5  }
0x167: {  	[tilespmem:s0+$0x2F90] =	vst v29;
	v29 =	vmul.f32 v7, v50;
	v7 =	vld [tilespmem:s0+$0x3230];
	v0 =	vmul.f32 v0, v11  }
0x168: {  	[tilespmem:s0+$0x2FA0] =	vst v20;
	v20 =	vmul.f32 v5, v50;
	v5 =	vld [tilespmem:s0+$0x3270]  }
0x169: {  	[tilespmem:$0x1F8A0] =	vst v0;
	v0 =	vld [tilespmem:$0x1FD30]  }
0x16a: {  	v23 =	vmul.f32 v8, v10;
	v8 =	vld [tilespmem:$0x1FD10];
	v4 =	vsub.f32 v6, v4  }
0x16b: {  	[tilespmem:s0+$0x2FD0] =	vst v27;
	v27 =	vmul.f32 v3, v10;
	v3 =	vld [tilespmem:$0x1FCF0]  }
0x16c: {  	[tilespmem:s0+$0x2FE0] =	vst v18;
	v18 =	vmul.f32 v4, v10;
	v4 =	vld [tilespmem:$0x1FD20];
	_ =	sdelay $0x2  }
0x16d: {  	v5 =	vsub.f32 v5, v8  }
0x16e: {  	v3 =	vsub.f32 v7, v3;
	v7 =	vld [tilespmem:s0+$0x32D0]  }
0x16f: {  	v4 =	vsub.f32 v19, v4;
	v19 =	vmul.f32 v5, v11;
	v5 =	vsub.f32 v52, v0;
	v0 =	vld [tilespmem:$0x1FD40];
	_ =	sdelay $0x3  }
0x170: {  	v6 =	vld [tilespmem:s0+$0x32F0]  }
0x171: {  	v7 =	vsub.f32 v7, v0;
	v0 =	vld [tilespmem:$0x1FD50];
	_ =	sdelay $0x3  }
0x172: {  	v8 =	vld [tilespmem:s0+$0x3310]  }
0x173: {  	[tilespmem:s0+$0x3050] =	vst v57;
	v57 =	vsub.f32 v6, v0;
	v0 =	vld [tilespmem:$0x1FD60];
	_ =	sdelay $0x3  }
0x174: {  	v22 =	vmul.f32 v9, v10;
	v9 =	vld [tilespmem:s0+$0x3330]  }
0x175: {  	v8 =	vsub.f32 v8, v0;
	v0 =	vld [tilespmem:$0x1FD70];
	_ =	sdelay $0x2  }
0x176: {  	v2 =	vmul.f32 v2, v10  }
0x177: {  	v17 =	vmul.f32 v3, v10;
	v3 =	vmul.f32 v62, v10;
	v10 =	vld [tilespmem:s0+$0x3350]  }
0x178: {  	v9 =	vsub.f32 v9, v0;
	v0 =	vld [tilespmem:$0x1FD80];
	_ =	sdelay $0x4  }
0x179: {  	v10 =	vsub.f32 v10, v0;
	v0 =	vld [tilespmem:$0x1FF90];
	_ =	sdelay $0x2  }
0x17a: {  	v49 =	vbroadcast v1, $0xA  }
0x17b: {  	v62 =	vld [tilespmem:s0+$0x3370]  }
0x17c: {  	[tilespmem:s0+$0x30B0] =	vst v39;
	v39 =	vmul.f32 v9, v49;
	v9 =	vmul.f32 v0, v49;
	v0 =	vld [tilespmem:$0x1FD90];
	_ =	sdelay $0x2  }
0x17d: {  	[tilespmem:s0+$0x2FB0] =	vst v32;
	v32 =	vmul.f32 v4, v11;
	v4 =	vmul.f32 v33, v11  }
0x17e: {  	[tilespmem:s0+$0x3070] =	vst v35;
	v35 =	vmul.f32 v5, v11;
	v5 =	vmul.f32 v24, v11  }
0x17f: {  	[tilespmem:s0+$0x3030] =	vst v36;
	v36 =	vmul.f32 v7, v11;
	v6 =	vmul.f32 v28, v11;
	v11 =	vsub.f32 v62, v0;
	v0 =	vld [tilespmem:$0x1FFB0];
	_ =	sdelay $0x3  }
0x180: {  	[tilespmem:s0+$0x3060] =	vst v58;
	v58 =	vld [tilespmem:s0+$0x3390]  }
0x181: {  	v33 =	vmul.f32 v10, v49;
	v10 =	vmul.f32 v0, v49;
	v0 =	vld [tilespmem:$0x1FDA0];
	_ =	sdelay $0x4  }
0x182: {  	[tilespmem:s0+$0x3040] =	vst v56;
	v56 =	vsub.f32 v58, v0;
	v0 =	vld [tilespmem:$0x1FF60];
	_ =	sdelay $0x2  }
0x183: {  	v50 =	vbroadcast v1, $0xB  }
0x184: {  	[tilespmem:s0+$0x3080] =	vst v59;
	v59 =	vld [tilespmem:s0+$0x33B0]  }
0x185: {  	v28 =	vmul.f32 v11, v50;
	v11 =	vmul.f32 v0, v50;
	v0 =	vld [tilespmem:$0x1FDB0];
	_ =	sdelay $0x3  }
0x186: {  	v7 =	vmul.f32 v46, v49;
	v46 =	vld [tilespmem:s0+$0x33D0]  }
0x187: {  	v58 =	vsub.f32 v59, v0;
	v0 =	vld [tilespmem:$0x1FDC0];
	_ =	sdelay $0x3  }
0x188: {  	[tilespmem:s0+$0x3090] =	vst v60;
	v60 =	vld [tilespmem:s0+$0x3420]  }
0x189: {  	v46 =	vsub.f32 v46, v0;
	v0 =	vld [tilespmem:$0x1FE00];
	_ =	sdelay $0x3  }
0x18a: {  	v62 =	vld [tilespmem:s0+$0x3400]  }
0x18b: {  	[tilespmem:s0+$0x3010] =	vst v53;
	v53 =	vsub.f32 v60, v0;
	v0 =	vld [tilespmem:$0x1FDE0];
	_ =	sdelay $0x3  }
0x18c: {  	[tilespmem:s0+$0x2F70] =	vst v37;
	v37 =	vmul.f32 v57, v49;
	v57 =	vld [tilespmem:s0+$0x33F0]  }
0x18d: {  	[tilespmem:s0+$0x30D0] =	vst v44;
	v44 =	vmul.f32 v46, v50;
	v46 =	vsub.f32 v62, v0;
	v0 =	vld [tilespmem:$0x1FDD0]  }
0x18e: {  	[tilespmem:s0+$0x3020] =	vst v54  }
0x18f: {  	[tilespmem:s0+$0x30C0] =	vst v48  }
0x190: {  	[tilespmem:s0+$0x3180] =	vst v30;
	v30 =	vld [tilespmem:$0x1F850]  }
0x191: {  	[tilespmem:s0+$0x30E0] =	vst v12;
	v59 =	vld [tilespmem:s0+$0x3410]  }
0x192: {  	v48 =	vbroadcast v1, $0xC;
	[tilespmem:s0+$0x30F0] =	vst v13;
	v12 =	vmul.f32 v63, v50;
	v54 =	vsub.f32 v57, v0;
	v0 =	vld [tilespmem:$0x1FDF0]  }
0x193: {  	[tilespmem:s0+$0x3100] =	vst v14;
	v13 =	vmul.f32 v55, v50;
	v55 =	vld [tilespmem:s0+$0x3450];
	v14 =	vmul.f32 v61, v50  }
0x194: {  	[tilespmem:s0+$0x30A0] =	vst v38;
	v52 =	vld [tilespmem:s0+$0x3430];
	v38 =	vmul.f32 v8, v49;
	v8 =	vmul.f32 v43, v49  }
0x195: {  	v24 =	vmul.f32 v56, v50;
	v43 =	vmul.f32 v58, v50;
	v50 =	vld [tilespmem:s0+$0x3470]  }
0x196: {  	[tilespmem:s0+$0x3110] =	vst v47;
	v47 =	vmul.f32 v54, v48;
	v54 =	vld [tilespmem:$0x1FE10]  }
0x197: {  	v49 =	vsub.f32 v59, v0;
	v59 =	vld [tilespmem:$0x1FE30]  }
0x198: {  	v56 =	vld [tilespmem:$0x1FE20]  }
0x199: {  	[tilespmem:s0+$0x2FF0] =	vst v51;
	v51 =	vld [tilespmem:s0+$0x3490]  }
0x19a: {  	[tilespmem:s0+$0x3140] =	vst v41;
	v61 =	vbroadcast v1, $0xD;
	v57 =	vld [tilespmem:$0x1F820]  }
0x19b: {  	[tilespmem:s0+$0x3130] =	vst v42;
	v42 =	vsub.f32 v52, v54;
	v52 =	vld [tilespmem:s0+$0x34D0]  }
0x19c: {  	[tilespmem:s0+$0x3150] =	vst v40;
	v40 =	vsub.f32 v50, v59;
	v50 =	vmul.f32 v30, v61;
	v30 =	vld [tilespmem:$0x1FE60]  }
0x19d: {  	[tilespmem:s0+$0x3190] =	vst v29;
	v29 =	vld [tilespmem:$0x1F860];
	v41 =	vsub.f32 v55, v56  }
0x19e: {  	[tilespmem:s0+$0x3120] =	vst v45;
	v60 =	vld [tilespmem:$0x1F830]  }
0x19f: {  	[tilespmem:s0+$0x3160] =	vst v34;
	v63 =	vld [tilespmem:$0x1FE40];
	v56 =	vmul.f32 v41, v48;
	v45 =	vmul.f32 v53, v48  }
0x1a0: {  	[tilespmem:s0+$0x31A0] =	vst v26;
	v62 =	vbroadcast v1, $0xE;
	v0 =	vbroadcast v1, $0xF  }
0x1a1: {  	[tilespmem:s0+$0x3170] =	vst v31;
	v1 =	vmul.f32 v46, v48;
	v46 =	vmul.f32 v57, v48;
	v30 =	vsub.f32 v52, v30  }
0x1a2: {  	s11 =	sshll.u32 s4, $0xB;
	v31 =	vld [tilespmem:$0x1F840];
	[tilespmem:s0+$0x31B0] =	vst v25;
	v54 =	vmul.f32 v49, v48;
	v55 =	vmul.f32 v42, v48  }
0x1a3: {  	v48 =	vmul.f32 v60, v48;
	v60 =	vmul.f32 v30, v61;
	v30 =	vld [tilespmem:s11+$0x5F0]  }
0x1a4: {  	v34 =	vsub.f32 v51, v63;
	v51 =	vmul.f32 v29, v61;
	v29 =	vld [tilespmem:$0x1FE70]  }
0x1a5: {  	v58 =	vld [tilespmem:s0+$0x34B0]  }
0x1a6: {  	v53 =	vld [tilespmem:s0+$0x34F0]  }
0x1a7: {  	v49 =	vmul.f32 v31, v61;
	v31 =	vld [tilespmem:$0x1FE50];
	[tilespmem:s0+$0x31C0] =	vst v21  }
0x1a8: {  	[tilespmem:$0x1F8B0] =	vst v30;
	v30 =	vld [tilespmem:s11+$0x600];
	_ =	sdelay $0x1  }
0x1a9: {  	v26 =	vld [tilespmem:$0x1F870]  }
0x1aa: {  	v21 =	vld [tilespmem:$0x1F890]  }
0x1ab: {  	v29 =	vsub.f32 v53, v29;
	v31 =	vsub.f32 v58, v31;
	v58 =	vmul.f32 v34, v61;
	v34 =	vld [tilespmem:s0+$0x3570]  }
0x1ac: {  	[tilespmem:$0x1F940] =	vst v30;
	v30 =	vld [tilespmem:$0x1FEB0]  }
0x1ad: {  	v25 =	vmul.f32 v29, v62;
	v29 =	vld [tilespmem:$0x1F880]  }
0x1ae: {  	v57 =	vmul.f32 v40, v61;
	v40 =	vld [tilespmem:s0+$0x3550];
	v59 =	vmul.f32 v31, v61  }
0x1af: {  	v52 =	vmul.f32 v26, v61;
	v61 =	vmul.f32 v21, v62;
	v21 =	vld [tilespmem:$0x1FEA0]  }
0x1b0: {  	[tilespmem:s0+$0x31D0] =	vst v20  }
0x1b1: {  	v34 =	vsub.f32 v34, v30;
	v30 =	vld [tilespmem:s11+$0x610];
	_ =	sdelay $0x1  }
0x1b2: {  	v41 =	vld [tilespmem:s0+$0x3530]  }
0x1b3: {  	v53 =	vmul.f32 v29, v62;
	v29 =	vld [tilespmem:$0x1FE90];
	v21 =	vsub.f32 v40, v21  }
0x1b4: {  	v42 =	vld [tilespmem:s0+$0x3510];
	[tilespmem:s0+$0x31E0] =	vst v15  }
0x1b5: {  	[tilespmem:$0x1F950] =	vst v30;
	v30 =	vmul.f32 v21, v62;
	v21 =	vld [tilespmem:s11+$0x620]  }
0x1b6: {  	v26 =	vld [tilespmem:$0x1FE80];
	_ =	sdelay $0x1  }
0x1b7: {  	v20 =	vld [tilespmem:$0x1FF30]  }
0x1b8: {  	v15 =	vld [tilespmem:$0x1FF40]  }
0x1b9: {  	[tilespmem:$0x1F960] =	vst v21;
	v21 =	vld [tilespmem:$0x1FF10]  }
0x1ba: {  	v29 =	vsub.f32 v41, v29;
	v26 =	vsub.f32 v42, v26  }
0x1bb: {  	v31 =	vld [tilespmem:s0+$0x3590]  }
0x1bc: {  	v29 =	vmul.f32 v29, v62;
	v42 =	vld [tilespmem:s0+$0x35B0];
	v26 =	vmul.f32 v26, v62  }
0x1bd: {  	v20 =	vmul.f32 v20, v62;
	v62 =	vmul.f32 v15, v62;
	v15 =	vld [tilespmem:$0x1FEC0]  }
0x1be: {  	v40 =	vmul.f32 v21, v0;
	v21 =	vld [tilespmem:$0x1FED0];
	_ =	sdelay $0x3  }
0x1bf: {  	[tilespmem:s0+$0x31F0] =	vst v22;
	v15 =	vsub.f32 v31, v15  }
0x1c0: {  	v22 =	vsub.f32 v42, v21;
	v21 =	vld [tilespmem:s11+$0x630]  }
0x1c1: {  	[tilespmem:s0+$0x3200] =	vst v27;
	v27 =	vmul.f32 v15, v0;
	v15 =	vld [tilespmem:$0x1FF20];
	_ =	sdelay $0x3  }
0x1c2: {  	v41 =	vld [tilespmem:s0+$0x35D0]  }
0x1c3: {  	[tilespmem:$0x1F970] =	vst v21;
	v21 =	vmul.f32 v15, v0;
	v15 =	vld [tilespmem:$0x1FEE0];
	_ =	sdelay $0x4  }
0x1c4: {  	v15 =	vsub.f32 v41, v15;
	v41 =	vld [tilespmem:s11+$0x640]  }
0x1c5: {  	[tilespmem:s0+$0x3210] =	vst v23;
	v23 =	vmul.f32 v22, v0;
	v22 =	vld [tilespmem:$0x1FEF0]  }
0x1c6: {  	v42 =	vld [tilespmem:s11+$0x650]  }
0x1c7: {  	[tilespmem:s0+$0x3220] =	vst v16;
	v16 =	vmul.f32 v15, v0;
	v15 =	vld [tilespmem:$0x1FF00];
	_ =	sdelay $0x3  }
0x1c8: {  	v31 =	vmul.f32 v34, v0  }
0x1c9: {  	v22 =	vmul.f32 v22, v0;
	v15 =	vmul.f32 v15, v0;
	v0 =	vld [tilespmem:s11+$0x660];
	_ =	sdelay $0x3  }
0x1ca: {  	[tilespmem:s0+$0x3230] =	vst v17  }
0x1cb: {  	[tilespmem:$0x1F9A0] =	vst v0;
	v0 =	vld [tilespmem:s11+$0x670];
	_ =	sdelay $0x3  }
0x1cc: {  	[tilespmem:s0+$0x3240] =	vst v3  }
0x1cd: {  	[tilespmem:$0x1F9B0] =	vst v0;
	v0 =	vld [tilespmem:s11+$0x680];
	_ =	sdelay $0x3  }
0x1ce: {  	[tilespmem:s0+$0x3250] =	vst v18  }
0x1cf: {  	[tilespmem:$0x1F9C0] =	vst v0;
	v0 =	vld [tilespmem:s11+$0x690];
	_ =	sdelay $0x3  }
0x1d0: {  	[tilespmem:s0+$0x3260] =	vst v2  }
0x1d1: {  	[tilespmem:$0x1F9D0] =	vst v0;
	v0 =	vld [tilespmem:s11+$0x6A0];
	_ =	sdelay $0x3  }
0x1d2: {  	[tilespmem:s0+$0x3270] =	vst v19  }
0x1d3: {  	[tilespmem:$0x1F9E0] =	vst v0;
	v0 =	vld [tilespmem:s11+$0x6B0];
	_ =	sdelay $0x4  }
0x1d4: {  	[tilespmem:$0x1F9F0] =	vst v0;
	v0 =	vld [tilespmem:$0x1F8A0];
	_ =	sdelay $0x4  }
0x1d5: {  	[tilespmem:s0+$0x3280] =	vst v0  }
0x1d6: {  	v0 =	vld [tilespmem:s11+$0x6C0];
	_ =	sdelay $0x3  }
0x1d7: {  	[tilespmem:s0+$0x3290] =	vst v32  }
0x1d8: {  	[tilespmem:$0x1FA00] =	vst v0;
	v0 =	vld [tilespmem:s11+$0x6D0];
	_ =	sdelay $0x3  }
0x1d9: {  	[tilespmem:s0+$0x32A0] =	vst v4  }
0x1da: {  	[tilespmem:$0x1FA10] =	vst v0;
	v0 =	vld [tilespmem:s11+$0x6E0];
	_ =	sdelay $0x3  }
0x1db: {  	[tilespmem:s0+$0x32B0] =	vst v35  }
0x1dc: {  	[tilespmem:$0x1FA20] =	vst v0;
	v0 =	vld [tilespmem:s11+$0x6F0];
	_ =	sdelay $0x3  }
0x1dd: {  	[tilespmem:s0+$0x32C0] =	vst v5  }
0x1de: {  	[tilespmem:$0x1FA30] =	vst v0;
	v0 =	vld [tilespmem:s11+$0x700];
	_ =	sdelay $0x3  }
0x1df: {  	[tilespmem:s0+$0x32D0] =	vst v36  }
0x1e0: {  	[tilespmem:$0x1FA40] =	vst v0;
	v0 =	vld [tilespmem:s11+$0x710];
	_ =	sdelay $0x3  }
0x1e1: {  	[tilespmem:s0+$0x32E0] =	vst v6  }
0x1e2: {  	[tilespmem:$0x1FA50] =	vst v0;
	v0 =	vld [tilespmem:s11+$0x720];
	_ =	sdelay $0x3  }
0x1e3: {  	[tilespmem:s0+$0x32F0] =	vst v37  }
0x1e4: {  	[tilespmem:$0x1FA60] =	vst v0;
	v0 =	vld [tilespmem:s11+$0x730];
	_ =	sdelay $0x3  }
0x1e5: {  	[tilespmem:s0+$0x3300] =	vst v7  }
0x1e6: {  	[tilespmem:$0x1FA70] =	vst v0;
	v0 =	vld [tilespmem:s11+$0x740];
	_ =	sdelay $0x3  }
0x1e7: {  	[tilespmem:s0+$0x3310] =	vst v38  }
0x1e8: {  	[tilespmem:$0x1FA80] =	vst v0;
	v0 =	vld [tilespmem:s11+$0x750];
	_ =	sdelay $0x3  }
0x1e9: {  	[tilespmem:s0+$0x3320] =	vst v8  }
0x1ea: {  	[tilespmem:$0x1FA90] =	vst v0;
	v0 =	vld [tilespmem:s11+$0x760];
	_ =	sdelay $0x3  }
0x1eb: {  	[tilespmem:s0+$0x3330] =	vst v39  }
0x1ec: {  	[tilespmem:$0x1FAA0] =	vst v0;
	v0 =	vld [tilespmem:s11+$0x770];
	_ =	sdelay $0x3  }
0x1ed: {  	[tilespmem:s0+$0x3340] =	vst v9  }
0x1ee: {  	[tilespmem:$0x1FAB0] =	vst v0;
	v0 =	vld [tilespmem:s11+$0x780];
	_ =	sdelay $0x3  }
0x1ef: {  	[tilespmem:s0+$0x3350] =	vst v33  }
0x1f0: {  	[tilespmem:$0x1FAC0] =	vst v0;
	v0 =	vld [tilespmem:s11+$0x790];
	_ =	sdelay $0x3  }
0x1f1: {  	[tilespmem:s0+$0x3360] =	vst v10  }
0x1f2: {  	[tilespmem:$0x1FAD0] =	vst v0;
	v0 =	vld [tilespmem:s11+$0x7A0];
	_ =	sdelay $0x3  }
0x1f3: {  	[tilespmem:s0+$0x3370] =	vst v28  }
0x1f4: {  	[tilespmem:$0x1FAE0] =	vst v0;
	v0 =	vld [tilespmem:s11+$0x7B0];
	_ =	sdelay $0x3  }
0x1f5: {  	[tilespmem:s0+$0x3380] =	vst v11  }
0x1f6: {  	[tilespmem:$0x1FAF0] =	vst v0;
	v0 =	vld [tilespmem:s11+$0x7C0];
	_ =	sdelay $0x3  }
0x1f7: {  	[tilespmem:s0+$0x3390] =	vst v24  }
0x1f8: {  	[tilespmem:$0x1FB00] =	vst v0;
	v0 =	vld [tilespmem:s11+$0x7D0];
	_ =	sdelay $0x3  }
0x1f9: {  	[tilespmem:s0+$0x33A0] =	vst v12  }
0x1fa: {  	[tilespmem:$0x1FB10] =	vst v0;
	v0 =	vld [tilespmem:s11+$0x7E0];
	_ =	sdelay $0x3  }
0x1fb: {  	[tilespmem:s0+$0x33B0] =	vst v43  }
0x1fc: {  	[tilespmem:$0x1FB20] =	vst v0;
	v0 =	vld [tilespmem:s11+$0x7F0];
	_ =	sdelay $0x3  }
0x1fd: {  	[tilespmem:s0+$0x33C0] =	vst v13  }
0x1fe: {  	[tilespmem:$0x1F8C0] =	vst v0;
	v0 =	vld [tilespmem:s11+$0x800];
	_ =	sdelay $0x3  }
0x1ff: {  	[tilespmem:s0+$0x33D0] =	vst v44  }
0x200: {  	[tilespmem:$0x1F8E0] =	vst v0;
	v0 =	vld [tilespmem:s11+$0x810];
	_ =	sdelay $0x3  }
0x201: {  	[tilespmem:s0+$0x33E0] =	vst v14  }
0x202: {  	[tilespmem:$0x1F8D0] =	vst v0;
	v0 =	vld [tilespmem:s11+$0x820];
	_ =	sdelay $0x3  }
0x203: {  	[tilespmem:s0+$0x33F0] =	vst v47  }
0x204: {  	[tilespmem:$0x1F930] =	vst v0;
	v0 =	vld [tilespmem:s11+$0x830];
	_ =	sdelay $0x3  }
0x205: {  	[tilespmem:s0+$0x3400] =	vst v1  }
0x206: {  	[tilespmem:$0x1F8F0] =	vst v0;
	v0 =	vld [tilespmem:s11+$0x840];
	_ =	sdelay $0x3  }
0x207: {  	[tilespmem:s0+$0x3410] =	vst v54  }
0x208: {  	[tilespmem:$0x1FB30] =	vst v0;
	v0 =	vld [tilespmem:s11+$0x850];
	_ =	sdelay $0x3  }
0x209: {  	[tilespmem:s0+$0x3420] =	vst v45  }
0x20a: {  	[tilespmem:$0x1F910] =	vst v0;
	v0 =	vld [tilespmem:s11+$0x860];
	_ =	sdelay $0x3  }
0x20b: {  	[tilespmem:s0+$0x3430] =	vst v55  }
0x20c: {  	[tilespmem:$0x1FB40] =	vst v0;
	v0 =	vld [tilespmem:s11+$0x870];
	_ =	sdelay $0x3  }
0x20d: {  	[tilespmem:s0+$0x3440] =	vst v46  }
0x20e: {  	[tilespmem:$0x1F900] =	vst v0;
	v0 =	vld [tilespmem:s11+$0x880];
	_ =	sdelay $0x3  }
0x20f: {  	[tilespmem:s0+$0x3450] =	vst v56  }
0x210: {  	[tilespmem:$0x1FB50] =	vst v0;
	v0 =	vld [tilespmem:s11+$0x890];
	_ =	sdelay $0x3  }
0x211: {  	[tilespmem:s0+$0x3460] =	vst v48  }
0x212: {  	[tilespmem:$0x1F920] =	vst v0;
	v0 =	vld [tilespmem:s11+$0x8A0];
	_ =	sdelay $0x3  }
0x213: {  	[tilespmem:s0+$0x3470] =	vst v57  }
0x214: {  	[tilespmem:$0x1FB60] =	vst v0;
	v0 =	vld [tilespmem:s11+$0x8B0];
	_ =	sdelay $0x3  }
0x215: {  	[tilespmem:s0+$0x3480] =	vst v49  }
0x216: {  	[tilespmem:$0x1FB70] =	vst v0;
	v0 =	vld [tilespmem:s11+$0x8C0];
	_ =	sdelay $0x3  }
0x217: {  	[tilespmem:s0+$0x3490] =	vst v58  }
0x218: {  	[tilespmem:$0x1FB80] =	vst v0;
	v0 =	vld [tilespmem:s11+$0x8D0];
	_ =	sdelay $0x3  }
0x219: {  	[tilespmem:s0+$0x34A0] =	vst v50  }
0x21a: {  	[tilespmem:$0x1FB90] =	vst v0;
	v0 =	vld [tilespmem:s11+$0x8E0];
	_ =	sdelay $0x3  }
0x21b: {  	[tilespmem:s0+$0x34B0] =	vst v59  }
0x21c: {  	[tilespmem:$0x1FBA0] =	vst v0;
	v0 =	vld [tilespmem:s11+$0x8F0];
	_ =	sdelay $0x3  }
0x21d: {  	[tilespmem:s0+$0x34C0] =	vst v51  }
0x21e: {  	[tilespmem:$0x1FBB0] =	vst v0;
	v0 =	vld [tilespmem:s11+$0x900];
	_ =	sdelay $0x3  }
0x21f: {  	[tilespmem:s0+$0x34D0] =	vst v60  }
0x220: {  	[tilespmem:$0x1FBC0] =	vst v0;
	v0 =	vld [tilespmem:s11+$0x910];
	_ =	sdelay $0x3  }
0x221: {  	[tilespmem:s0+$0x34E0] =	vst v52  }
0x222: {  	[tilespmem:$0x1FBD0] =	vst v0;
	v0 =	vld [tilespmem:s11+$0x920];
	_ =	sdelay $0x3  }
0x223: {  	[tilespmem:s0+$0x34F0] =	vst v25  }
0x224: {  	[tilespmem:$0x1FBE0] =	vst v0;
	v0 =	vld [tilespmem:s11+$0x930];
	_ =	sdelay $0x3  }
0x225: {  	[tilespmem:s0+$0x3500] =	vst v53  }
0x226: {  	[tilespmem:$0x1FBF0] =	vst v0;
	v0 =	vld [tilespmem:s11+$0x940];
	_ =	sdelay $0x3  }
0x227: {  	[tilespmem:s0+$0x3510] =	vst v26  }
0x228: {  	[tilespmem:$0x1FC00] =	vst v0;
	v0 =	vld [tilespmem:s11+$0x950];
	_ =	sdelay $0x3  }
0x229: {  	[tilespmem:s0+$0x3520] =	vst v61  }
0x22a: {  	[tilespmem:$0x1FC10] =	vst v0;
	v0 =	vld [tilespmem:s11+$0x960];
	_ =	sdelay $0x3  }
0x22b: {  	[tilespmem:s0+$0x3530] =	vst v29  }
0x22c: {  	[tilespmem:$0x1FC20] =	vst v0;
	v0 =	vld [tilespmem:s11+$0x970];
	_ =	sdelay $0x3  }
0x22d: {  	[tilespmem:s0+$0x3540] =	vst v20  }
0x22e: {  	[tilespmem:$0x1FC30] =	vst v0;
	v0 =	vld [tilespmem:s11+$0x980];
	_ =	sdelay $0x3  }
0x22f: {  	[tilespmem:s0+$0x3550] =	vst v30  }
0x230: {  	[tilespmem:$0x1FC40] =	vst v0;
	v0 =	vld [tilespmem:s11+$0x990];
	_ =	sdelay $0x3  }
0x231: {  	[tilespmem:s0+$0x3560] =	vst v62  }
0x232: {  	[tilespmem:$0x1FC50] =	vst v0;
	v0 =	vld [tilespmem:s11+$0x9A0];
	_ =	sdelay $0x3  }
0x233: {  	[tilespmem:s0+$0x3570] =	vst v31  }
0x234: {  	[tilespmem:$0x1FC60] =	vst v0;
	v0 =	vld [tilespmem:s11+$0x9B0];
	_ =	sdelay $0x3  }
0x235: {  	[tilespmem:s0+$0x3580] =	vst v40  }
0x236: {  	[tilespmem:$0x1FC70] =	vst v0;
	v0 =	vld [tilespmem:s11+$0x9C0];
	_ =	sdelay $0x3  }
0x237: {  	[tilespmem:s0+$0x3590] =	vst v27  }
0x238: {  	[tilespmem:$0x1FC80] =	vst v0;
	v0 =	vld [tilespmem:s11+$0x9D0];
	_ =	sdelay $0x3  }
0x239: {  	[tilespmem:s0+$0x35A0] =	vst v21  }
0x23a: {  	[tilespmem:$0x1FC90] =	vst v0;
	v0 =	vld [tilespmem:s11+$0x9E0];
	_ =	sdelay $0x3  }
0x23b: {  	[tilespmem:s0+$0x35B0] =	vst v23  }
0x23c: {  	[tilespmem:$0x1FCA0] =	vst v0;
	v0 =	vld [tilespmem:s11+$0x9F0];
	_ =	sdelay $0x3  }
0x23d: {  	[tilespmem:s0+$0x35C0] =	vst v22  }
0x23e: {  	[tilespmem:$0x1FCB0] =	vst v0;
	v0 =	vld [tilespmem:s11+$0xA00];
	_ =	sdelay $0x3  }
0x23f: {  	[tilespmem:s0+$0x35D0] =	vst v16  }
0x240: {  	[tilespmem:$0x1FCC0] =	vst v0  }
0x241: {  	v0 =	vld [tilespmem:s11+$0xA10];
	[tilespmem:s0+$0x35E0] =	vst v15;
	s0 =	smov.u32 s11  }
0x242: {  	v1 =	vld [tilespmem:s0+$0xA90];
	_ =	sdelay $0x4  }
0x243: {  	[tilespmem:$0x1FD20] =	vst v1;
	v1 =	vld [tilespmem:s0+$0xAB0];
	_ =	sdelay $0x4  }
0x244: {  	[tilespmem:$0x1FD30] =	vst v1;
	v1 =	vld [tilespmem:s0+$0xAD0];
	_ =	sdelay $0x4  }
0x245: {  	[tilespmem:$0x1FD40] =	vst v1;
	v1 =	vld [tilespmem:s0+$0xAF0];
	_ =	sdelay $0x4  }
0x246: {  	[tilespmem:$0x1FD50] =	vst v1;
	v1 =	vld [tilespmem:s0+$0xB10];
	_ =	sdelay $0x4  }
0x247: {  	[tilespmem:$0x1FD60] =	vst v1;
	v1 =	vld [tilespmem:s0+$0xB30];
	_ =	sdelay $0x4  }
0x248: {  	[tilespmem:$0x1FD70] =	vst v1;
	v1 =	vld [tilespmem:s0+$0xB50];
	_ =	sdelay $0x4  }
0x249: {  	[tilespmem:$0x1FD80] =	vst v1;
	v1 =	vld [tilespmem:s0+$0xB70]  }
0x24a: {  	v62 =	vld [tilespmem:s0+$0xA40]  }
0x24b: {  	v60 =	vld [tilespmem:s0+$0xA60]  }
0x24c: {  	v63 =	vld [tilespmem:s0+$0xAA0]  }
0x24d: {  	v55 =	vld [tilespmem:s0+$0xAC0]  }
0x24e: {  	[tilespmem:$0x1FD90] =	vst v1;
	v1 =	vld [tilespmem:s0+$0xB90]  }
0x24f: {  	v17 =	vld [tilespmem:s0+$0xAE0]  }
0x250: {  	v43 =	vld [tilespmem:s0+$0xB00]  }
0x251: {  	v61 =	vld [tilespmem:s0+$0xB20]  }
0x252: {  	v28 =	vld [tilespmem:s0+$0xB40]  }
0x253: {  	[tilespmem:$0x1FDA0] =	vst v1;
	v1 =	vld [tilespmem:s0+$0xBB0]  }
0x254: {  	v46 =	vld [tilespmem:s0+$0xB60]  }
0x255: {  	v20 =	vld [tilespmem:s0+$0xB80]  }
0x256: {  	v21 =	vld [tilespmem:s0+$0xBA0]  }
0x257: {  	v19 =	vld [tilespmem:s0+$0xBC0]  }
0x258: {  	[tilespmem:$0x1FDB0] =	vst v1;
	v1 =	vld [tilespmem:s0+$0xBD0]  }
0x259: {  	v22 =	vld [tilespmem:s0+$0xBE0]  }
0x25a: {  	v18 =	vld [tilespmem:s0+$0xC40]  }
0x25b: {  	v23 =	vld [tilespmem:s0+$0xC60]  }
0x25c: {  	v16 =	vld [tilespmem:s0+$0xC80]  }
0x25d: {  	[tilespmem:$0x1FDC0] =	vst v1;
	v1 =	vld [tilespmem:s0+$0xBF0]  }
0x25e: {  	v24 =	vld [tilespmem:s0+$0xCA0]  }
0x25f: {  	v15 =	vld [tilespmem:s0+$0xCC0]  }
0x260: {  	v25 =	vld [tilespmem:s0+$0xCE0]  }
0x261: {  	v14 =	vld [tilespmem:s0+$0xD00]  }
0x262: {  	[tilespmem:$0x1FDD0] =	vst v1;
	v1 =	vld [tilespmem:s0+$0xC00]  }
0x263: {  	v26 =	vld [tilespmem:s0+$0xD20]  }
0x264: {  	v13 =	vld [tilespmem:s0+$0xD40]  }
0x265: {  	v27 =	vld [tilespmem:s0+$0xD60]  }
0x266: {  	v12 =	vld [tilespmem:s0+$0xD80]  }
0x267: {  	[tilespmem:$0x1FDE0] =	vst v1;
	v1 =	vld [tilespmem:s0+$0xC10]  }
0x268: {  	v29 =	vld [tilespmem:s0+$0xDA0]  }
0x269: {  	v11 =	vld [tilespmem:s0+$0xDC0]  }
0x26a: {  	v30 =	vld [tilespmem:s0+$0xDE0]  }
0x26b: {  	v31 =	vld [tilespmem:s0+$0x35E0]  }
0x26c: {  	[tilespmem:$0x1FDF0] =	vst v1;
	v1 =	vld [tilespmem:s0+$0xC20]  }
0x26d: {  	v33 =	vld [tilespmem:s0+$0x35C0]  }
0x26e: {  	v32 =	vld [tilespmem:s0+$0x35A0]  }
0x26f: {  	v34 =	vld [tilespmem:s0+$0x3580]  }
0x270: {  	v35 =	vld [tilespmem:s0+$0x3560]  }
0x271: {  	[tilespmem:$0x1FE00] =	vst v1;
	v1 =	vld [tilespmem:s0+$0xC30]  }
0x272: {  	v36 =	vld [tilespmem:s0+$0x3540]  }
0x273: {  	v37 =	vld [tilespmem:s0+$0x3520]  }
0x274: {  	v38 =	vld [tilespmem:s0+$0x3500]  }
0x275: {  	v39 =	vld [tilespmem:s0+$0x34E0]  }
0x276: {  	[tilespmem:$0x1FE10] =	vst v1;
	v1 =	vld [tilespmem:s0+$0xC50]  }
0x277: {  	v40 =	vld [tilespmem:s0+$0x34C0]  }
0x278: {  	[tilespmem:$0x1F980] =	vst v41;
	v41 =	vld [tilespmem:s0+$0x34A0]  }
0x279: {  	[tilespmem:$0x1F990] =	vst v42;
	v42 =	vld [tilespmem:s0+$0x3480]  }
0x27a: {  	v44 =	vld [tilespmem:s0+$0x3460]  }
0x27b: {  	[tilespmem:$0x1FE20] =	vst v1;
	v1 =	vld [tilespmem:s0+$0xC70]  }
0x27c: {  	v45 =	vld [tilespmem:s0+$0x3440]  }
0x27d: {  	v47 =	vld [tilespmem:s0+$0x33E0]  }
0x27e: {  	v48 =	vld [tilespmem:s0+$0x33C0]  }
0x27f: {  	v49 =	vld [tilespmem:s0+$0x33A0]  }
0x280: {  	[tilespmem:$0x1FE30] =	vst v1;
	v1 =	vld [tilespmem:s0+$0xC90]  }
0x281: {  	v50 =	vld [tilespmem:s0+$0x3380]  }
0x282: {  	v51 =	vld [tilespmem:s0+$0x3360]  }
0x283: {  	v52 =	vld [tilespmem:s0+$0x3340]  }
0x284: {  	v53 =	vld [tilespmem:s0+$0x3320]  }
0x285: {  	[tilespmem:$0x1FE40] =	vst v1;
	v1 =	vld [tilespmem:s0+$0xCB0]  }
0x286: {  	v54 =	vld [tilespmem:s0+$0x3300]  }
0x287: {  	v56 =	vld [tilespmem:s0+$0x32E0]  }
0x288: {  	v57 =	vld [tilespmem:s0+$0x32C0]  }
0x289: {  	v58 =	vld [tilespmem:s0+$0x32A0]  }
0x28a: {  	[tilespmem:$0x1FE50] =	vst v1;
	v1 =	vld [tilespmem:s0+$0xCD0]  }
0x28b: {  	v59 =	vld [tilespmem:s0+$0x3280]  }
0x28c: {  	v2 =	vld [tilespmem:s0+$0x3240]  }
0x28d: {  	v3 =	vld [tilespmem:s0+$0x31E0]  }
0x28e: {  	v4 =	vld [tilespmem:s0+$0x31C0]  }
0x28f: {  	[tilespmem:$0x1FE60] =	vst v1;
	v1 =	vld [tilespmem:s0+$0xCF0]  }
0x290: {  	v5 =	vld [tilespmem:s0+$0x31A0]  }
0x291: {  	v6 =	vld [tilespmem:s0+$0x3180]  }
0x292: {  	v7 =	vld [tilespmem:s0+$0x3160]  }
0x293: {  	v8 =	vld [tilespmem:s0+$0x3140]  }
0x294: {  	[tilespmem:$0x1FE70] =	vst v1;
	v1 =	vld [tilespmem:s0+$0xD10]  }
0x295: {  	v9 =	vld [tilespmem:s0+$0x3120]  }
0x296: {  	v10 =	vld [tilespmem:s0+$0x3100]  }
0x297: {  	[tilespmem:$0x1FCD0] =	vst v0;
	v0 =	vld [tilespmem:s0+$0xA20]  }
0x298: {  	v38 =	vsub.f32 v38, v14;
	v14 =	vld [tilespmem:s0+$0x3080]  }
0x299: {  	[tilespmem:$0x1FE80] =	vst v1;
	v1 =	vld [tilespmem:s0+$0xD30]  }
0x29a: {  	v40 =	vsub.f32 v40, v15;
	v15 =	vld [tilespmem:s0+$0x3060]  }
0x29b: {  	v42 =	vsub.f32 v42, v16;
	v16 =	vld [tilespmem:s0+$0x3040]  }
0x29c: {  	v45 =	vsub.f32 v45, v18;
	v18 =	vld [tilespmem:s0+$0x2FE0]  }
0x29d: {  	v48 =	vsub.f32 v48, v19;
	v19 =	vld [tilespmem:s0+$0x2FC0]  }
0x29e: {  	[tilespmem:$0x1FE90] =	vst v1;
	v1 =	vld [tilespmem:s0+$0xD50]  }
0x29f: {  	v20 =	vsub.f32 v50, v20;
	v50 =	vld [tilespmem:$0x1F8B0]  }
0x2a0: {  	v49 =	vsub.f32 v49, v21;
	v21 =	vsub.f32 v52, v28;
	v52 =	vld [tilespmem:$0x1F8C0]  }
0x2a1: {  	v47 =	vsub.f32 v47, v22;
	v22 =	vld [tilespmem:s0+$0x2F60]  }
0x2a2: {  	[tilespmem:$0x1FCE0] =	vst v0;
	v0 =	vld [tilespmem:s0+$0xA30]  }
0x2a3: {  	[tilespmem:$0x1FEA0] =	vst v1;
	v1 =	vld [tilespmem:s0+$0xD70]  }
0x2a4: {  	v41 =	vsub.f32 v41, v24;
	v24 =	vsub.f32 v57, v55;
	v57 =	vld [tilespmem:$0x1F900]  }
0x2a5: {  	v28 =	vsub.f32 v56, v17;
	v56 =	vld [tilespmem:$0x1F910]  }
0x2a6: {  	v17 =	vld [tilespmem:s0+$0x2F40]  }
0x2a7: {  	v11 =	vsub.f32 v33, v11;
	[tilespmem:$0x1FCF0] =	vst v0;
	v0 =	vld [tilespmem:s0+$0xA50]  }
0x2a8: {  	[tilespmem:$0x1FEB0] =	vst v1;
	v1 =	vld [tilespmem:s0+$0xD90]  }
0x2a9: {  	v33 =	vsub.f32 v58, v63;
	v58 =	vld [tilespmem:$0x1F930];
	[tilespmem:$0x1FEF0] =	vst v11  }
0x2aa: {  	[tilespmem:$0x1FF60] =	vst v20;
	v20 =	vld [tilespmem:s0+$0x2FA0]  }
0x2ab: {  	[tilespmem:$0x1FF90] =	vst v21;
	v21 =	vsub.f32 v51, v46;
	v51 =	vld [tilespmem:$0x1F8D0]  }
0x2ac: {  	v12 =	vsub.f32 v34, v12;
	[tilespmem:$0x1FD00] =	vst v0;
	v0 =	vld [tilespmem:s0+$0xA70]  }
0x2ad: {  	v13 =	vsub.f32 v36, v13;
	[tilespmem:$0x1FEC0] =	vst v1;
	v1 =	vld [tilespmem:s0+$0xDB0]  }
0x2ae: {  	v11 =	vsub.f32 v31, v30;
	[tilespmem:$0x1FF10] =	vst v12;
	v46 =	vsub.f32 v54, v43;
	v54 =	vld [tilespmem:$0x1F8E0]  }
0x2af: {  	[tilespmem:$0x1FF30] =	vst v13;
	v43 =	vsub.f32 v53, v61;
	v53 =	vld [tilespmem:$0x1F8F0]  }
0x2b0: {  	[tilespmem:$0x1FF00] =	vst v11;
	v11 =	vld [tilespmem:s0+$0x30E0]  }
0x2b1: {  	v12 =	vsub.f32 v32, v29;
	[tilespmem:$0x1FD10] =	vst v0;
	v0 =	vld [tilespmem:s0+$0xA80]  }
0x2b2: {  	p0 =	sne.s32 s4, $0x4;
	v13 =	vsub.f32 v35, v27;
	[tilespmem:$0x1FED0] =	vst v1;
	v1 =	vld [tilespmem:s0+$0xDD0]  }
.Ltmp1:
0x2b3: {  	[tilespmem:$0x1FF20] =	vst v12;
	v12 =	vld [tilespmem:s0+$0x30C0];
	(pc) =	sbr.rel @p0 .LBB2_5-.Ltmp1, $4  }
0x2b4: {  	[tilespmem:$0x1FF40] =	vst v13;
	v13 =	vld [tilespmem:s0+$0x30A0]  }
0x2b5: {  	[tilespmem:$0x1FFB0] =	vst v21;
	v21 =	vld [tilespmem:s0+$0x2F80]  }
0x2b6: {  	v37 =	vsub.f32 v37, v26;
	v0 =	vsub.f32 v59, v0;
	v59 =	vld [tilespmem:$0x1F920]  }
0x2b7: {  	s11 =	sshll.u32 s4, $0x4;
	s4 =	sadd.s32 $0x1, s4;
	v39 =	vsub.f32 v39, v25;
	v44 =	vsub.f32 v44, v23;
	[tilespmem:$0x1FEE0] =	vst v1;
	v1 =	vld [tilespmem:s0+$0x3260]  }
0x2b8: {  	v61 =	vld [tilespmem:s0+$0x2DF0]  }
0x2b9: {  	v25 =	vld [tilespmem:s0+$0x2E00]  }
0x2ba: {  	v26 =	vld [tilespmem:s0+$0x2E10]  }
0x2bb: {  	s4 =	sand.u32 $0x3FFFFFF0, s11;
	v32 =	vld [tilespmem:$0x1F940]  }
0x2bc: {  	v23 =	vld [tilespmem:s4+$0xA0]  }
0x2bd: {  	v27 =	vld [tilespmem:s0+$0x2E20]  }
0x2be: {  	v30 =	vld [tilespmem:s0+$0x2E40]  }
0x2bf: {  	v34 =	vld [tilespmem:$0x1F950]  }
0x2c0: {  	v35 =	vld [tilespmem:$0x1F960]  }
0x2c1: {  	v25 =	vsub.f32 v25, v32;
	v32 =	vld [tilespmem:s0+$0x2E50];
	(erf) = vrcp.f32 v23  }
0x2c2: {  	v23 =	vsub.f32 v61, v50;
	v61 =	vld [tilespmem:$0x1F990]  }
0x2c3: {  	v50 =	vld [tilespmem:$0x1F980]  }
0x2c4: {  	v29 =	vld [tilespmem:s0+$0x2E30]  }
0x2c5: {  	v26 =	vsub.f32 v26, v34;
	v34 =	vld [tilespmem:s0+$0x2E60]  }
0x2c6: {  	v27 =	vsub.f32 v27, v35;
	v35 =	vld [tilespmem:s0+$0x2E70]  }
0x2c7: {  	v32 =	vsub.f32 v32, v61;
	v61 =	vld [tilespmem:$0x1F9B0]  }
0x2c8: {  	v30 =	vsub.f32 v30, v50;
	v50 =	vld [tilespmem:$0x1F9A0]  }
0x2c9: {  	v36 =	vld [tilespmem:$0x1F970]  }
0x2ca: {  	v2 =	vsub.f32 v2, v62;
	v62 =	vld [tilespmem:s0+$0x32D0];
	v55 =	vpop (erf)  }
0x2cb: {  	v1 =	vsub.f32 v1, v60;
	v60 =	vld [tilespmem:$0x1FD10];
	v31 =	vbroadcast v55, $0x0  }
0x2cc: {  	v35 =	vsub.f32 v35, v61;
	v61 =	vld [tilespmem:$0x1F9D0]  }
0x2cd: {  	v34 =	vsub.f32 v34, v50;
	v50 =	vld [tilespmem:$0x1F9E0];
	v25 =	vmul.f32 v25, v31  }
0x2ce: {  	v29 =	vsub.f32 v29, v36;
	v63 =	vmul.f32 v26, v31;
	v26 =	vld [tilespmem:s0+$0x2E80]  }
0x2cf: {  	v23 =	vmul.f32 v23, v31;
	[tilespmem:s0+$0x2E00] =	vst v25;
	v25 =	vmul.f32 v27, v31;
	v27 =	vld [tilespmem:s0+$0x2E90]  }
0x2d0: {  	[tilespmem:s0+$0x2E10] =	vst v63;
	v63 =	vmul.f32 v29, v31;
	v29 =	vld [tilespmem:s0+$0x2EA0]  }
0x2d1: {  	[tilespmem:s0+$0x2DF0] =	vst v23;
	v23 =	vmul.f32 v32, v31;
	v32 =	vld [tilespmem:s0+$0x2EC0]  }
0x2d2: {  	[tilespmem:s0+$0x2E20] =	vst v25;
	v25 =	vmul.f32 v30, v31;
	v30 =	vld [tilespmem:s0+$0x2EB0]  }
0x2d3: {  	[tilespmem:s0+$0x2E30] =	vst v63;
	v63 =	vld [tilespmem:$0x1F9C0]  }
0x2d4: {  	v27 =	vsub.f32 v27, v61;
	v61 =	vld [tilespmem:$0x1F9F0]  }
0x2d5: {  	v29 =	vsub.f32 v29, v50;
	v50 =	vld [tilespmem:$0x1FA00]  }
0x2d6: {  	v31 =	vmul.f32 v34, v31;
	v34 =	vld [tilespmem:s0+$0x2EE0]  }
0x2d7: {  	[tilespmem:s0+$0x2E40] =	vst v25;
	v25 =	vld [tilespmem:s0+$0x2ED0]  }
0x2d8: {  	v36 =	vbroadcast v55, $0x1;
	[tilespmem:s0+$0x2E60] =	vst v31;
	v31 =	vld [tilespmem:s0+$0x2EF0]  }
0x2d9: {  	v26 =	vsub.f32 v26, v63;
	v30 =	vsub.f32 v30, v61;
	v61 =	vld [tilespmem:$0x1FA10]  }
0x2da: {  	v63 =	vmul.f32 v35, v36;
	v32 =	vsub.f32 v32, v50;
	v50 =	vld [tilespmem:$0x1FA20]  }
0x2db: {  	v35 =	vld [tilespmem:$0x1FA60];
	v26 =	vmul.f32 v26, v36  }
0x2dc: {  	[tilespmem:s0+$0x2E70] =	vst v63;
	v63 =	vmul.f32 v27, v36;
	v27 =	vld [tilespmem:s0+$0x2F00]  }
0x2dd: {  	[tilespmem:s0+$0x2E80] =	vst v26;
	v26 =	vmul.f32 v29, v36;
	v29 =	vld [tilespmem:s0+$0x2F10]  }
0x2de: {  	v25 =	vsub.f32 v25, v61;
	v61 =	vld [tilespmem:$0x1FA30]  }
0x2df: {  	v34 =	vsub.f32 v34, v50;
	v50 =	vld [tilespmem:$0x1FA40]  }
0x2e0: {  	[tilespmem:s0+$0x2E90] =	vst v63;
	v63 =	vmul.f32 v30, v36;
	v30 =	vld [tilespmem:s0+$0x2F20]  }
0x2e1: {  	[tilespmem:s0+$0x2EA0] =	vst v26;
	v26 =	vmul.f32 v32, v36;
	v32 =	vld [tilespmem:s0+$0x2F30]  }
0x2e2: {  	[tilespmem:s0+$0x2EB0] =	vst v63;
	v63 =	vmul.f32 v25, v36;
	v34 =	vmul.f32 v34, v36;
	v36 =	vld [tilespmem:$0x1FA70]  }
0x2e3: {  	[tilespmem:s0+$0x2EC0] =	vst v26;
	v26 =	vld [tilespmem:s0+$0x2F50]  }
0x2e4: {  	v25 =	vbroadcast v55, $0x2;
	[tilespmem:s0+$0x2EE0] =	vst v34;
	v34 =	vld [tilespmem:$0x1FA90];
	v31 =	vsub.f32 v31, v61;
	v27 =	vsub.f32 v27, v50  }
0x2e5: {  	v61 =	vld [tilespmem:$0x1FA50]  }
0x2e6: {  	[tilespmem:s0+$0x2ED0] =	vst v63;
	v63 =	vmul.f32 v31, v25;
	v27 =	vmul.f32 v27, v25;
	v31 =	vld [tilespmem:s0+$0x2F70]  }
0x2e7: {  	v30 =	vsub.f32 v30, v35;
	v32 =	vsub.f32 v32, v36;
	v36 =	vld [tilespmem:$0x1FAA0]  }
0x2e8: {  	[tilespmem:s0+$0x2F00] =	vst v27;
	v27 =	vld [tilespmem:s0+$0x2FB0]  }
0x2e9: {  	[tilespmem:s0+$0x2EF0] =	vst v63;
	v63 =	vmul.f32 v30, v25;
	v35 =	vmul.f32 v32, v25;
	v32 =	vld [tilespmem:$0x1FAD0]  }
0x2ea: {  	v29 =	vsub.f32 v29, v61;
	v61 =	vld [tilespmem:$0x1FA80]  }
0x2eb: {  	[tilespmem:s0+$0x2F20] =	vst v63;
	v63 =	vld [tilespmem:$0x1FAC0]  }
0x2ec: {  	[tilespmem:s0+$0x2F30] =	vst v35;
	v35 =	vld [tilespmem:$0x1FAE0];
	v22 =	vsub.f32 v22, v36  }
0x2ed: {  	v50 =	vmul.f32 v29, v25;
	v29 =	vld [tilespmem:s0+$0x2F90]  }
0x2ee: {  	v36 =	vld [tilespmem:$0x1FAF0];
	v22 =	vmul.f32 v22, v25  }
0x2ef: {  	v26 =	vsub.f32 v26, v34;
	[tilespmem:s0+$0x2F10] =	vst v50;
	v50 =	vld [tilespmem:$0x1FAB0]  }
0x2f0: {  	[tilespmem:s0+$0x2F60] =	vst v22;
	v22 =	vld [tilespmem:s0+$0x2FF0]  }
0x2f1: {  	v17 =	vsub.f32 v17, v61;
	v61 =	vmul.f32 v26, v25;
	v21 =	vsub.f32 v21, v63;
	v63 =	vld [tilespmem:s0+$0x3010]  }
0x2f2: {  	v20 =	vsub.f32 v20, v35;
	v35 =	vld [tilespmem:s0+$0x3020]  }
0x2f3: {  	[tilespmem:s0+$0x2F50] =	vst v61;
	v61 =	vld [tilespmem:$0x1FB00]  }
0x2f4: {  	v17 =	vmul.f32 v17, v25;
	v25 =	vsub.f32 v29, v32;
	v32 =	vld [tilespmem:$0x1FB10]  }
0x2f5: {  	v27 =	vsub.f32 v27, v36;
	v36 =	vld [tilespmem:$0x1FB20]  }
0x2f6: {  	v26 =	vbroadcast v55, $0x3;
	v29 =	vld [tilespmem:s0+$0x3070]  }
0x2f7: {  	[tilespmem:s0+$0x2F40] =	vst v17;
	v17 =	vld [tilespmem:s0+$0x2FD0]  }
0x2f8: {  	v30 =	vsub.f32 v31, v50;
	v50 =	vmul.f32 v25, v26;
	v25 =	vld [tilespmem:s0+$0x3000]  }
0x2f9: {  	v31 =	vld [tilespmem:$0x1FB30]  }
0x2fa: {  	[tilespmem:s0+$0x2F90] =	vst v50;
	v50 =	vld [tilespmem:s0+$0x3030]  }
0x2fb: {  	v22 =	vsub.f32 v22, v52;
	v52 =	vld [tilespmem:s0+$0x3050]  }
0x2fc: {  	[tilespmem:s0+$0x2E50] =	vst v23;
	v23 =	vbroadcast v55, $0x4;
	v34 =	vmul.f32 v30, v26;
	v18 =	vsub.f32 v18, v36;
	v36 =	vld [tilespmem:$0x1FB40]  }
0x2fd: {  	v21 =	vmul.f32 v21, v26;
	v19 =	vsub.f32 v19, v61;
	v61 =	vsub.f32 v35, v58;
	v58 =	vld [tilespmem:$0x1FB60]  }
0x2fe: {  	[tilespmem:s0+$0x2F70] =	vst v34;
	v34 =	vmul.f32 v27, v26;
	v27 =	vld [tilespmem:$0x1FB90]  }
0x2ff: {  	[tilespmem:s0+$0x2F80] =	vst v21;
	v21 =	vsub.f32 v63, v51;
	v17 =	vsub.f32 v17, v32;
	v32 =	vmul.f32 v61, v23;
	v61 =	vld [tilespmem:$0x1FB70]  }
0x300: {  	v16 =	vsub.f32 v16, v31;
	v31 =	vld [tilespmem:s0+$0x3130]  }
0x301: {  	v30 =	vmul.f32 v21, v23;
	v25 =	vsub.f32 v25, v54;
	v54 =	vmul.f32 v22, v23;
	v22 =	vld [tilespmem:$0x1FC70]  }
0x302: {  	v20 =	vmul.f32 v20, v26;
	[tilespmem:s0+$0x2FB0] =	vst v34;
	v34 =	vld [tilespmem:s0+$0x3090]  }
0x303: {  	[tilespmem:s0+$0x3010] =	vst v30;
	v30 =	vld [tilespmem:$0x1FBA0]  }
0x304: {  	[tilespmem:s0+$0x2FA0] =	vst v20;
	v19 =	vmul.f32 v19, v26;
	v20 =	vsub.f32 v50, v53;
	v50 =	vld [tilespmem:s0+$0x30B0]  }
0x305: {  	[tilespmem:s0+$0x2FF0] =	vst v54;
	v54 =	vld [tilespmem:$0x1FB50]  }
0x306: {  	[tilespmem:s0+$0x2FC0] =	vst v19;
	v19 =	vsub.f32 v52, v56;
	v56 =	vld [tilespmem:s0+$0x30D0]  }
0x307: {  	v63 =	vmul.f32 v25, v23;
	v25 =	vld [tilespmem:$0x1FB80]  }
0x308: {  	v18 =	vmul.f32 v18, v26;
	v17 =	vmul.f32 v17, v26;
	v26 =	vld [tilespmem:s0+$0x3110]  }
0x309: {  	[tilespmem:s0+$0x3020] =	vst v32;
	v32 =	vld [tilespmem:$0x1FBB0]  }
0x30a: {  	v51 =	vsub.f32 v29, v57;
	v53 =	vbroadcast v55, $0x5;
	v15 =	vsub.f32 v15, v36;
	v36 =	vld [tilespmem:s0+$0x3150]  }
0x30b: {  	v13 =	vsub.f32 v13, v58;
	v58 =	vld [tilespmem:$0x1FC20]  }
0x30c: {  	v57 =	vmul.f32 v51, v53;
	v51 =	vld [tilespmem:$0x1FBE0]  }
0x30d: {  	v52 =	vmul.f32 v19, v23;
	v19 =	vld [tilespmem:$0x1FC50]  }
0x30e: {  	v35 =	vmul.f32 v20, v23;
	v20 =	vld [tilespmem:$0x1FC60]  }
0x30f: {  	[tilespmem:s0+$0x2FD0] =	vst v17;
	v17 =	vld [tilespmem:$0x1FD40]  }
0x310: {  	v16 =	vmul.f32 v16, v23;
	v15 =	vmul.f32 v15, v23;
	v23 =	vld [tilespmem:s0+$0x3200]  }
0x311: {  	v21 =	vsub.f32 v34, v59;
	v59 =	vld [tilespmem:s0+$0x30F0]  }
0x312: {  	[tilespmem:s0+$0x3030] =	vst v35;
	v35 =	vld [tilespmem:$0x1FBC0]  }
0x313: {  	[tilespmem:s0+$0x3050] =	vst v52;
	v52 =	vld [tilespmem:s0+$0x3170]  }
0x314: {  	[tilespmem:s0+$0x3070] =	vst v57;
	v57 =	vld [tilespmem:$0x1FC10]  }
0x315: {  	v11 =	vsub.f32 v11, v30;
	v30 =	vld [tilespmem:$0x1FCA0]  }
0x316: {  	[tilespmem:s0+$0x2FE0] =	vst v18;
	v18 =	vsub.f32 v50, v61;
	v50 =	vld [tilespmem:$0x1FBD0]  }
0x317: {  	v14 =	vsub.f32 v14, v54;
	v54 =	vld [tilespmem:$0x1FC00]  }
0x318: {  	[tilespmem:s0+$0x3040] =	vst v16;
	v16 =	vsub.f32 v56, v27;
	v56 =	vld [tilespmem:s0+$0x3190]  }
0x319: {  	v61 =	vld [tilespmem:$0x1FC30]  }
0x31a: {  	v12 =	vsub.f32 v12, v25;
	v25 =	vld [tilespmem:$0x1FC80]  }
0x31b: {  	v13 =	vmul.f32 v13, v53;
	v27 =	vld [tilespmem:$0x1FC90]  }
0x31c: {  	[tilespmem:s0+$0x3000] =	vst v63;
	v63 =	vmul.f32 v21, v53;
	v11 =	vmul.f32 v11, v53;
	v21 =	vld [tilespmem:s0+$0x31F0]  }
0x31d: {  	[tilespmem:s0+$0x3060] =	vst v15;
	v7 =	vsub.f32 v7, v58;
	v58 =	vld [tilespmem:$0x1FD00];
	v14 =	vmul.f32 v14, v53;
	v29 =	vmul.f32 v18, v53  }
0x31e: {  	[tilespmem:s0+$0x30A0] =	vst v13;
	v12 =	vmul.f32 v12, v53;
	v16 =	vmul.f32 v16, v53;
	v53 =	vld [tilespmem:$0x1FBF0]  }
0x31f: {  	v18 =	vld [tilespmem:s0+$0x31D0];
	[tilespmem:s0+$0x3090] =	vst v63  }
0x320: {  	v9 =	vsub.f32 v9, v51;
	v51 =	vld [tilespmem:$0x1FCE0];
	[tilespmem:s0+$0x30E0] =	vst v11  }
0x321: {  	v34 =	vbroadcast v55, $0x6;
	v5 =	vsub.f32 v5, v20;
	v20 =	vld [tilespmem:$0x1FD50];
	[tilespmem:s0+$0x3080] =	vst v14  }
0x322: {  	v15 =	vsub.f32 v59, v32;
	[tilespmem:s0+$0x30B0] =	vst v29;
	v59 =	vld [tilespmem:s0+$0x31B0]  }
0x323: {  	v63 =	vbroadcast v55, $0x7;
	v7 =	vmul.f32 v7, v34;
	[tilespmem:s0+$0x30D0] =	vst v16;
	v16 =	vld [tilespmem:$0x1FC40]  }
0x324: {  	[tilespmem:s0+$0x30C0] =	vst v12;
	v9 =	vmul.f32 v9, v34;
	v29 =	vld [tilespmem:s0+$0x3220]  }
0x325: {  	v10 =	vsub.f32 v10, v35;
	v32 =	vld [tilespmem:$0x1FCB0];
	[tilespmem:s0+$0x3160] =	vst v7;
	v5 =	vmul.f32 v5, v63  }
0x326: {  	v12 =	vsub.f32 v36, v57;
	v35 =	vld [tilespmem:$0x1FCC0];
	v15 =	vmul.f32 v15, v34;
	[tilespmem:s0+$0x3120] =	vst v9  }
0x327: {  	v3 =	vsub.f32 v3, v30;
	v36 =	vld [tilespmem:s0+$0x3250];
	v10 =	vmul.f32 v10, v34;
	[tilespmem:s0+$0x31A0] =	vst v5  }
0x328: {  	v57 =	vld [tilespmem:s0+$0x3290];
	v14 =	vsub.f32 v26, v50;
	v12 =	vmul.f32 v12, v34;
	[tilespmem:s0+$0x30F0] =	vst v15  }
0x329: {  	v8 =	vsub.f32 v8, v54;
	v26 =	vld [tilespmem:s0+$0x3210];
	v3 =	vmul.f32 v3, v63;
	[tilespmem:s0+$0x3100] =	vst v10  }
0x32a: {  	v11 =	vsub.f32 v52, v61;
	v50 =	vld [tilespmem:$0x1FCD0];
	v14 =	vmul.f32 v14, v34;
	[tilespmem:s0+$0x3150] =	vst v12  }
0x32b: {  	v4 =	vsub.f32 v4, v25;
	v54 =	vld [tilespmem:$0x1FCF0];
	v8 =	vmul.f32 v8, v34;
	[tilespmem:s0+$0x31E0] =	vst v3  }
0x32c: {  	v61 =	vbroadcast v55, $0x9;
	v13 =	vsub.f32 v31, v53;
	v11 =	vmul.f32 v11, v63;
	v31 =	vld [tilespmem:s0+$0x3230];
	[tilespmem:s0+$0x3110] =	vst v14  }
0x32d: {  	v4 =	vmul.f32 v4, v63;
	v53 =	vld [tilespmem:s0+$0x3270];
	[tilespmem:s0+$0x3140] =	vst v8  }
0x32e: {  	v0 =	vmul.f32 v0, v61;
	v12 =	vld [tilespmem:s0+$0x32F0];
	[tilespmem:s0+$0x3170] =	vst v11  }
0x32f: {  	v10 =	vsub.f32 v56, v19;
	v15 =	vld [tilespmem:s0+$0x3310];
	v19 =	vmul.f32 v24, v61;
	[tilespmem:s0+$0x31C0] =	vst v4  }
0x330: {  	v24 =	vld [tilespmem:s0+$0x3370];
	v13 =	vmul.f32 v13, v34;
	[tilespmem:s0+$0x3280] =	vst v0  }
0x331: {  	v6 =	vsub.f32 v6, v16;
	v9 =	vsub.f32 v59, v22;
	v59 =	vld [tilespmem:s0+$0x32B0];
	v16 =	vmul.f32 v33, v61;
	[tilespmem:s0+$0x32C0] =	vst v19  }
0x332: {  	v8 =	vsub.f32 v18, v27;
	v18 =	vld [tilespmem:s0+$0x3330];
	v10 =	vmul.f32 v10, v63;
	[tilespmem:s0+$0x3130] =	vst v13  }
0x333: {  	v7 =	vsub.f32 v21, v32;
	v22 =	vld [tilespmem:s0+$0x3350];
	v6 =	vmul.f32 v6, v63;
	[tilespmem:s0+$0x32A0] =	vst v16  }
0x334: {  	v34 =	vbroadcast v55, $0x8;
	v11 =	vsub.f32 v23, v35;
	v23 =	vld [tilespmem:$0x1FD60];
	v9 =	vmul.f32 v9, v63;
	[tilespmem:s0+$0x3190] =	vst v10  }
0x335: {  	v27 =	vld [tilespmem:s0+$0x3390];
	v8 =	vmul.f32 v8, v63;
	[tilespmem:s0+$0x3180] =	vst v6  }
0x336: {  	v32 =	vld [tilespmem:$0x1FF90];
	v7 =	vmul.f32 v7, v34;
	[tilespmem:s0+$0x31B0] =	vst v9  }
0x337: {  	v4 =	vsub.f32 v36, v58;
	v33 =	vld [tilespmem:$0x1FD90];
	v52 =	vmul.f32 v11, v34;
	[tilespmem:s0+$0x31D0] =	vst v8  }
0x338: {  	v35 =	vld [tilespmem:$0x1FFB0];
	v2 =	vmul.f32 v2, v34;
	[tilespmem:s0+$0x31F0] =	vst v7  }
0x339: {  	v21 =	vbroadcast v55, $0xA;
	v36 =	vld [tilespmem:s0+$0x33D0];
	v4 =	vmul.f32 v4, v34;
	[tilespmem:s0+$0x3200] =	vst v52  }
0x33a: {  	v58 =	vld [tilespmem:s0+$0x3430];
	v1 =	vmul.f32 v1, v34;
	v5 =	vsub.f32 v31, v54;
	[tilespmem:s0+$0x3240] =	vst v2  }
0x33b: {  	v63 =	vld [tilespmem:$0x1FD20];
	v25 =	vmul.f32 v46, v21;
	v6 =	vsub.f32 v26, v50;
	[tilespmem:s0+$0x3250] =	vst v4  }
0x33c: {  	v13 =	vld [tilespmem:$0x1FD30];
	v8 =	vsub.f32 v29, v51;
	[tilespmem:s0+$0x3260] =	vst v1;
	v5 =	vmul.f32 v5, v34  }
0x33d: {  	v46 =	vld [tilespmem:s0+$0x33F0];
	v2 =	vsub.f32 v62, v17;
	[tilespmem:s0+$0x3300] =	vst v25;
	v6 =	vmul.f32 v6, v34  }
0x33e: {  	v31 =	vld [tilespmem:s0+$0x33B0];
	v1 =	vsub.f32 v12, v20;
	v56 =	vmul.f32 v8, v34;
	[tilespmem:s0+$0x3230] =	vst v5  }
0x33f: {  	v26 =	vld [tilespmem:$0x1FD70];
	v2 =	vmul.f32 v2, v61;
	[tilespmem:s0+$0x3210] =	vst v6  }
0x340: {  	v29 =	vld [tilespmem:$0x1FD80];
	v0 =	vsub.f32 v15, v23;
	v1 =	vmul.f32 v1, v21;
	[tilespmem:s0+$0x3220] =	vst v56  }
0x341: {  	v50 =	vld [tilespmem:$0x1FF60];
	v5 =	vmul.f32 v28, v61;
	[tilespmem:s0+$0x32D0] =	vst v2  }
0x342: {  	v51 =	vld [tilespmem:$0x1FDB0];
	v34 =	vbroadcast v55, $0xB;
	v0 =	vmul.f32 v0, v21;
	[tilespmem:s0+$0x32F0] =	vst v1  }
0x343: {  	v52 =	vld [tilespmem:s0+$0x3400];
	v28 =	vmul.f32 v43, v21;
	[tilespmem:s0+$0x32E0] =	vst v5  }
0x344: {  	v62 =	vld [tilespmem:$0x1FDE0];
	v7 =	vsub.f32 v57, v63;
	v54 =	vmul.f32 v49, v34;
	[tilespmem:s0+$0x3310] =	vst v0  }
0x345: {  	v12 =	vld [tilespmem:$0x1FDF0];
	v3 =	vsub.f32 v59, v13;
	v59 =	vmul.f32 v48, v34;
	[tilespmem:s0+$0x3320] =	vst v28  }
0x346: {  	v17 =	vld [tilespmem:s0+$0x3490];
	v14 =	vmul.f32 v7, v61;
	[tilespmem:s0+$0x33A0] =	vst v54  }
0x347: {  	v20 =	vld [tilespmem:s0+$0x34B0];
	v3 =	vmul.f32 v3, v61;
	[tilespmem:s0+$0x33C0] =	vst v59  }
0x348: {  	v25 =	vld [tilespmem:$0x1FE40];
	v6 =	vsub.f32 v53, v60;
	v5 =	vmul.f32 v32, v21;
	[tilespmem:s0+$0x3290] =	vst v14  }
0x349: {  	v15 =	vld [tilespmem:$0x1FE10];
	v2 =	vsub.f32 v24, v33;
	v0 =	vmul.f32 v47, v34;
	[tilespmem:s0+$0x32B0] =	vst v3  }
0x34a: {  	v43 =	vld [tilespmem:$0x1FDA0];
	v4 =	vsub.f32 v18, v26;
	v11 =	vmul.f32 v6, v61;
	[tilespmem:s0+$0x3340] =	vst v5  }
0x34b: {  	v57 =	vld [tilespmem:s0+$0x3420];
	v2 =	vmul.f32 v2, v34;
	[tilespmem:s0+$0x33E0] =	vst v0  }
0x34c: {  	v23 =	vbroadcast v55, $0xD;
	v63 =	vld [tilespmem:s0+$0x3450];
	v30 =	vmul.f32 v4, v21;
	[tilespmem:s0+$0x3270] =	vst v11  }
0x34d: {  	v13 =	vld [tilespmem:$0x1FE00];
	v3 =	vmul.f32 v35, v21;
	[tilespmem:s0+$0x3370] =	vst v2  }
0x34e: {  	v53 =	vld [tilespmem:s0+$0x3410];
	v6 =	vsub.f32 v22, v29;
	v4 =	vsub.f32 v31, v51;
	v31 =	vmul.f32 v41, v23;
	[tilespmem:s0+$0x3330] =	vst v30  }
0x34f: {  	v56 =	vld [tilespmem:$0x1FDC0];
	v61 =	vbroadcast v55, $0xC;
	v35 =	vmul.f32 v40, v23;
	[tilespmem:s0+$0x3360] =	vst v3  }
0x350: {  	v60 =	vld [tilespmem:$0x1FDD0];
	v6 =	vmul.f32 v6, v21;
	[tilespmem:s0+$0x34A0] =	vst v31  }
0x351: {  	v24 =	vld [tilespmem:s0+$0x34D0];
	v21 =	vmul.f32 v45, v61;
	[tilespmem:s0+$0x34C0] =	vst v35  }
0x352: {  	v48 =	vld [tilespmem:$0x1FEA0];
	v40 =	vbroadcast v55, $0xE;
	v1 =	vsub.f32 v27, v43;
	v27 =	vmul.f32 v42, v23;
	[tilespmem:s0+$0x3350] =	vst v6  }
0x353: {  	v49 =	vld [tilespmem:s0+$0x35B0];
	v4 =	vmul.f32 v4, v34;
	[tilespmem:s0+$0x3440] =	vst v21  }
0x354: {  	v18 =	vld [tilespmem:$0x1FE20];
	v47 =	vmul.f32 v37, v40;
	[tilespmem:s0+$0x3480] =	vst v27  }
0x355: {  	v26 =	vld [tilespmem:s0+$0x34F0];
	v2 =	vsub.f32 v52, v62;
	v6 =	vmul.f32 v50, v34;
	[tilespmem:s0+$0x33B0] =	vst v4  }
0x356: {  	v28 =	vld [tilespmem:$0x1FE50];
	v5 =	vsub.f32 v36, v56;
	v1 =	vmul.f32 v1, v34;
	[tilespmem:s0+$0x3520] =	vst v47  }
0x357: {  	v22 =	vld [tilespmem:$0x1FE30];
	v3 =	vsub.f32 v46, v60;
	v2 =	vmul.f32 v2, v61;
	[tilespmem:s0+$0x3380] =	vst v6  }
0x358: {  	v14 =	vld [tilespmem:s0+$0x3470];
	v5 =	vmul.f32 v5, v34;
	[tilespmem:s0+$0x3390] =	vst v1  }
0x359: {  	v32 =	vld [tilespmem:$0x1FE60];
	v3 =	vmul.f32 v3, v61;
	[tilespmem:s0+$0x3400] =	vst v2  }
0x35a: {  	v41 =	vld [tilespmem:s0+$0x3550];
	v4 =	vmul.f32 v44, v61;
	[tilespmem:s0+$0x33D0] =	vst v5  }
0x35b: {  	v42 =	vld [tilespmem:$0x1FE80];
	v44 =	vmul.f32 v38, v40;
	v6 =	vsub.f32 v53, v12;
	[tilespmem:s0+$0x33F0] =	vst v3  }
0x35c: {  	v36 =	vld [tilespmem:$0x1FE70];
	v1 =	vsub.f32 v57, v13;
	[tilespmem:s0+$0x3460] =	vst v4;
	v3 =	vmul.f32 v39, v23  }
0x35d: {  	v30 =	vld [tilespmem:s0+$0x3510];
	v0 =	vsub.f32 v14, v22;
	[tilespmem:s0+$0x3500] =	vst v44;
	v16 =	vmul.f32 v6, v61  }
0x35e: {  	v51 =	vld [tilespmem:$0x1FEB0];
	v2 =	vsub.f32 v17, v25;
	v1 =	vmul.f32 v1, v61;
	[tilespmem:s0+$0x34E0] =	vst v3  }
0x35f: {  	v43 =	vld [tilespmem:s0+$0x3570];
	v5 =	vsub.f32 v58, v15;
	v0 =	vmul.f32 v0, v23;
	[tilespmem:s0+$0x3410] =	vst v16  }
0x360: {  	v45 =	vld [tilespmem:$0x1FE90];
	v6 =	vsub.f32 v63, v18;
	v29 =	vmul.f32 v2, v23;
	[tilespmem:s0+$0x3420] =	vst v1  }
0x361: {  	v53 =	vld [tilespmem:$0x1FF40];
	v4 =	vsub.f32 v26, v36;
	v19 =	vmul.f32 v5, v61;
	[tilespmem:s0+$0x3470] =	vst v0  }
0x362: {  	v52 =	vbroadcast v55, $0xF;
	v55 =	vld [tilespmem:$0x1FEC0];
	v2 =	vsub.f32 v30, v42;
	v6 =	vmul.f32 v6, v61;
	[tilespmem:s0+$0x3490] =	vst v29  }
0x363: {  	v50 =	vld [tilespmem:$0x1FF30];
	v5 =	vsub.f32 v24, v32;
	v4 =	vmul.f32 v4, v40;
	[tilespmem:s0+$0x3430] =	vst v19  }
0x364: {  	v34 =	vld [tilespmem:s0+$0x3530];
	v2 =	vmul.f32 v2, v40;
	[tilespmem:s0+$0x3450] =	vst v6  }
0x365: {  	v56 =	vld [tilespmem:$0x1FF10];
	v3 =	vsub.f32 v43, v51;
	v5 =	vmul.f32 v5, v23;
	[tilespmem:s0+$0x34F0] =	vst v4  }
0x366: {  	v46 =	vld [tilespmem:s0+$0x3590];
	v1 =	vsub.f32 v20, v28;
	v0 =	vmul.f32 v53, v40;
	[tilespmem:s0+$0x3510] =	vst v2  }
0x367: {  	v57 =	vld [tilespmem:$0x1FED0];
	v3 =	vmul.f32 v3, v52;
	[tilespmem:s0+$0x34D0] =	vst v5  }
0x368: {  	v54 =	vld [tilespmem:s0+$0x35D0];
	v33 =	vmul.f32 v1, v23;
	[tilespmem:s0+$0x3560] =	vst v0  }
0x369: {  	v60 =	vld [tilespmem:$0x1FEE0];
	v1 =	vsub.f32 v34, v45;
	v5 =	vmul.f32 v50, v40;
	[tilespmem:s0+$0x3570] =	vst v3  }
0x36a: {  	v59 =	vld [tilespmem:$0x1FF20];
	v6 =	vsub.f32 v41, v48;
	v0 =	vmul.f32 v56, v52;
	[tilespmem:s0+$0x34B0] =	vst v33  }
0x36b: {  	v4 =	vsub.f32 v46, v55;
	v1 =	vmul.f32 v1, v40;
	[tilespmem:s0+$0x3540] =	vst v5  }
0x36c: {  	v63 =	vld [tilespmem:$0x1FF00];
	v2 =	vsub.f32 v49, v57;
	v6 =	vmul.f32 v6, v40;
	[tilespmem:s0+$0x3580] =	vst v0  }
0x36d: {  	v61 =	vld [tilespmem:$0x1FEF0];
	v58 =	vmul.f32 v4, v52;
	[tilespmem:s0+$0x3530] =	vst v1  }
0x36e: {  	v4 =	vsub.f32 v54, v60;
	v2 =	vmul.f32 v2, v52;
	[tilespmem:s0+$0x3550] =	vst v6  }
0x36f: {  	v0 =	vmul.f32 v59, v52;
	[tilespmem:s0+$0x3590] =	vst v58  }
0x370: {  	[tilespmem:s0+$0x35B0] =	vst v2;
	v62 =	vmul.f32 v4, v52  }
0x371: {  	v1 =	vmul.f32 v63, v52;
	[tilespmem:s0+$0x35A0] =	vst v0  }
0x372: {  	s11 =	smul.u32 $0x500, s31;
	v0 =	vmul.f32 v61, v52;
	[tilespmem:s0+$0x35D0] =	vst v62  }
0x373: {  	[tilespmem:s0+$0x35E0] =	vst v1  }
0x374: {  	s31 =	sadd.s32 s3, s11;
	[tilespmem:s0+$0x35C0] =	vst v0  }
0x375: {  	[hbm4b:s31+s7] =	stream.linear.scatter [tilespmem:s25], [sflag:$0x2], $0x2800, $0x38;
	[tilespmem:$0x1B970] =	vst v63  }
0x376: {  	_ =	swait.ge [sflag:s19], $0x2800  }
0x377: {  	[sflag:s19] =	ssyncset.done $0x0  }
0x378: {  	[sflag:s19] =	ssyncadd.s32 $0xFFFFD800  }
0x379: {  	[spmem:s5] =	stream.indirect.scatter.add.f32 [tilespmem:s25], [sflag:$0x2], $0x80, s21, s21, $0xb8;
	[tilespmem:$0x1B970] =	vst v63  }
0x37a: {  	s30 =	sadd.s32 $0x1, s30;
	_ =	swait.ge [sflag:s19], $0x2800  }
0x37b: {  	p0 =	sne.s32 s30, $0x7D;
	[sflag:s19] =	ssyncset.done $0x0  }
.Ltmp2:
0x37c: {  	[sflag:s19] =	ssyncadd.s32 $0xFFFFD800;
	(pc) =	sbr.rel @p0 .LBB2_4-.Ltmp2, $4  }
0x37d: {  	[spmem:s6] =	stream.indirect.scatter.add.f32 [tilespmem:s26], [sflag:$0x2], $0x10, s21, s21, $0xb8;
	[tilespmem:$0x1B970] =	vst v63  }
0x37e: {  	_ =	swait.ge [sflag:s19], $0x500  }
0x37f: {  	[sflag:s19] =	ssyncset.done $0x0  }
0x380: {  	[sflag:s19] =	ssyncadd.s32 $0xFFFFFB00  }
0x381: {  	[bflag:$0x0] =	sbarrier.arrive $0xFFFF  }
0x382: {  	[hbm:s15], [sflag:s14] =	dma.local [spmem:s18], $0x2780  }
0x383: {  	s28 =	sadd.s32 $0x1, s28;
	_ =	swait.ge [sflag:s19], $0x2780  }
0x384: {  	p0 =	sne.s32 s28, s17;
	[sflag:s19] =	ssyncset.done $0x0  }
.Ltmp3:
0x385: {  	[sflag:s19] =	ssyncadd.s32 $0xFFFFD880;
	(pc) =	sbr.rel @p0 .LBB2_1-.Ltmp3, $4  }
0x386: {  	[hbm:s16], [sflag:s14] =	dma.local [spmem:s20], $0x4F0  }
0x387: {  	_ =	swait.ge [sflag:s19], $0x4F0  }
0x388: {  	[sflag:s19] =	ssyncset.done $0x0  }
0x389: {  	v0 =	vimm.f32 $1.000000000e+00;
	[sflag:s19] =	ssyncadd.s32 $0xFFFFFB10  }
0x38a: {  	_ =	sfence.sel $0x180000  }
0x38b: {  	[bflag:$0x0] =	sbarrier.arrive $0xFFFF  }
0x38c: {  	_ =	strace $0x90000047  }
0x38d: {  	s0 =	stileid.u32;
	[bflag:$0x2] =	sbarrier.arrive $0xFFFF  }
0x38e: {  	p0 =	sne.s32 s0, $0x0;
	s0 =	rddreg [dreg:$0x6]  }
0x38f: {  	s0 =	sadd.s32 @!p0 $0x100000, s0  }
0x390: {  	[sflag:s0] =	ssyncadd.tile.s32 @!p0 $0x1;
	_ =	shalt  }
.Lfunc_end2:
_tile_overlayer_lowered:
.L_overlay_start_2:
0x391: {  	(tag) =	ssettag $0x2  }
0x392: {  	s0 =	rddreg [dreg:$0x0];
	s2 =	stileid.u32  }
0x393: {  	s1 =	rddreg [dreg:$0x1];
	p0 =	sne.s32 s2, $0x0  }
0x394: {  	s3 =	rddreg [dreg:$0x2];
	[bflag:$0x3] =	sbarrier.arrive $0xFFFF;
	s2 =	simm.s32 @!p0 $0x1C02  }
0x395: {  	[timem:s3], [sflag:s2] =	dma.local @!p0 [hbm:s0], s1  }
0x396: {  	s0 =	simm.s32 @!p0 $0x2  }
0x397: {  	_ =	swait.ge @!p0 [sflag:s0], s1  }
0x398: {  	s1 =	ssub.s32 @!p0 $0x0, s1;
	[sflag:s0] =	ssyncset.done @!p0 $0x0  }
0x399: {  	[sflag:s0] =	ssyncadd.s32 @!p0 s1  }
0x39a: {  	[bflag:$0x3] =	sbarrier.arrive $0xFFFF  }
0x39b: {  	_ =	shalt  }

</sc_bundles>
